<compile_context>
chip_gen: v7x
topology: tpu7x:2x2x1
jax: 0.10.2.dev20260603
libtpu: 0.0.44.dev20260713+nightly
codegen_flags: <defaults>
</compile_context>

<pallas_src>
import functools
import jax
import jax.numpy as jnp
from jax import lax
from jax.experimental import pallas as pl
from jax.experimental.pallas import tpu as pltpu

N_NODE = 50000
IN_CH = 128
HID = 128
HEADS = 8
DH = 16
NEG = 0.2
BLK = 2000


def _k0_body(x_ref, w_ref, b_ref, a_ref, h_ref, alphat_ref, amax_ref):
    step = pl.program_id(0)
    h = jnp.dot(x_ref[...], w_ref[...], preferred_element_type=jnp.float32)
    h = h + b_ref[...]
    h_ref[...] = h
    at = jnp.dot(h, a_ref[...], preferred_element_type=jnp.float32)
    alphat_ref[...] = at
    m = jnp.broadcast_to(at.max(axis=0)[:, None], (2 * HEADS, 128))

    @pl.when(step == 0)
    def _():
        amax_ref[...] = m

    @pl.when(step != 0)
    def _():
        amax_ref[...] = jnp.maximum(amax_ref[...], m)


def _k0(x, W, b, A):
    return pl.pallas_call(
        _k0_body,
        grid=(N_NODE // BLK,),
        in_specs=[
            pl.BlockSpec((BLK, IN_CH), lambda i: (i, 0)),
            pl.BlockSpec((IN_CH, HID), lambda i: (0, 0)),
            pl.BlockSpec((1, HID), lambda i: (0, 0)),
            pl.BlockSpec((IN_CH, 2 * HEADS), lambda i: (0, 0)),
        ],
        out_specs=[
            pl.BlockSpec((BLK, HID), lambda i: (i, 0)),
            pl.BlockSpec((BLK, 2 * HEADS), lambda i: (i, 0)),
            pl.BlockSpec((2 * HEADS, 128), lambda i: (0, 0)),
        ],
        out_shape=[
            jax.ShapeDtypeStruct((N_NODE, HID), jnp.float32),
            jax.ShapeDtypeStruct((N_NODE, 2 * HEADS), jnp.float32),
            jax.ShapeDtypeStruct((2 * HEADS, 128), jnp.float32),
        ],
    )(x, W, b.reshape(1, HID), A)


def _conv(h_src, alpha_src, alpha_dst, C, ei, n_dst):
    src, dst = ei[0], ei[1]
    a = alpha_src[src] + alpha_dst[dst]
    a = jnp.maximum(a, NEG * a)
    ex = jnp.exp(a - C[None])
    denom = jax.ops.segment_sum(ex, dst, num_segments=n_dst)
    w = ex * (1.0 / (denom + 1e-16))[dst]
    msg = (h_src[src].reshape(-1, HEADS, DH) * w[:, :, None]).reshape(-1, HID)
    out = jax.ops.segment_sum(msg, dst, num_segments=n_dst)
    return jax.nn.relu(out)


def kernel(x_author, x_paper, edge_index_writes, edge_index_rev,
           W_proj_author, b_proj_author, W_proj_paper, b_proj_paper,
           att_src_writes, att_dst_writes, att_src_rev, att_dst_rev,
           q_sem, W_k_sem, b_k_sem):
    f = jnp.arange(IN_CH)
    onehot = (f[:, None] // DH == jnp.arange(HEADS)[None, :]).astype(jnp.float32)

    def amat(att1, att2):
        return jnp.concatenate(
            [onehot * att1.reshape(-1)[:, None], onehot * att2.reshape(-1)[:, None]],
            axis=1)

    h_author, at_a, am_a = _k0(x_author, W_proj_author, b_proj_author,
                               amat(att_src_writes, att_dst_rev))
    h_paper, at_p, am_p = _k0(x_paper, W_proj_paper, b_proj_paper,
                              amat(att_dst_writes, att_src_rev))

    def shift(ms, md):
        m = ms.max(-1) + md.max(-1)
        return jnp.maximum(m, NEG * m)

    C_w = shift(am_a[:HEADS], am_p[:HEADS])
    C_r = shift(am_p[HEADS:], am_a[HEADS:])

    out_paper = _conv(h_author, at_a[:, :HEADS], at_p[:, :HEADS], C_w,
                      edge_index_writes, N_NODE)
    out_author = _conv(h_paper, at_p[:, HEADS:], at_a[:, HEADS:], C_r,
                       edge_index_rev, N_NODE)
    return (out_author, out_paper)

# --- scband reference (transcript-rebuilt; emitter-appended) ---
"""Pipeline reference for scband-han-encoder-32186484916767 (READ-ONLY COPY).

The authoritative reference and input builder live on the scoring server;
editing this copy changes nothing except your own understanding.
"""

import jax, jax.numpy as jnp
import numpy as np

N_AUTHOR = 50000
N_PAPER = 50000
E_WRITES = 600000
E_REV = 600000
IN_CH = 128
HID = 128
HEADS = 8
DH = HID // HEADS
NEG_SLOPE = 0.2


def setup_inputs(seed: int = 0):
    key = jax.random.key(seed)
    ks = jax.random.split(key, 20)
    inp = {}
    inp["x_author"] = jax.random.normal(ks[0], (N_AUTHOR, IN_CH), dtype=jnp.float32)
    inp["x_paper"] = jax.random.normal(ks[1], (N_PAPER, IN_CH), dtype=jnp.float32)
    src_w = jax.random.randint(ks[2], (E_WRITES,), 0, N_AUTHOR)
    dst_w = jax.random.randint(ks[3], (E_WRITES,), 0, N_PAPER)
    inp["edge_index_writes"] = jnp.stack([src_w, dst_w]).astype(jnp.int32)
    src_r = jax.random.randint(ks[4], (E_REV,), 0, N_PAPER)
    dst_r = jax.random.randint(ks[5], (E_REV,), 0, N_AUTHOR)
    inp["edge_index_rev"] = jnp.stack([src_r, dst_r]).astype(jnp.int32)
    s = 0.05
    inp["W_proj_author"] = jax.random.normal(ks[6], (IN_CH, HID), dtype=jnp.float32) * s
    inp["b_proj_author"] = jnp.zeros((HID,), dtype=jnp.float32)
    inp["W_proj_paper"] = jax.random.normal(ks[7], (IN_CH, HID), dtype=jnp.float32) * s
    inp["b_proj_paper"] = jnp.zeros((HID,), dtype=jnp.float32)
    inp["att_src_writes"] = jax.random.normal(ks[8], (HEADS, DH), dtype=jnp.float32) * s
    inp["att_dst_writes"] = jax.random.normal(ks[9], (HEADS, DH), dtype=jnp.float32) * s
    inp["att_src_rev"] = jax.random.normal(ks[10], (HEADS, DH), dtype=jnp.float32) * s
    inp["att_dst_rev"] = jax.random.normal(ks[11], (HEADS, DH), dtype=jnp.float32) * s
    inp["q_sem"] = jax.random.normal(ks[12], (HID,), dtype=jnp.float32) * s
    inp["W_k_sem"] = jax.random.normal(ks[13], (HID, HID), dtype=jnp.float32) * s
    inp["b_k_sem"] = jnp.zeros((HID,), dtype=jnp.float32)
    return inp


def _segment_softmax(alpha, seg, num_segments):
    amax = jax.ops.segment_max(alpha, seg, num_segments=num_segments)
    amax = jnp.where(jnp.isfinite(amax), amax, 0.0)
    ex = jnp.exp(alpha - amax[seg])
    denom = jax.ops.segment_sum(ex, seg, num_segments=num_segments)
    return ex / (denom[seg] + 1e-16)


def _edge_conv(h_src, h_dst, a_src, a_dst, edge_index, n_dst):
    # GAT-style attention per edge type (HANConv node-level attention)
    alpha_src = (h_src * a_src[None]).sum(-1)  # [N_src, H]
    alpha_dst = (h_dst * a_dst[None]).sum(-1)  # [N_dst, H]
    src, dst = edge_index[0], edge_index[1]
    alpha = alpha_src[src] + alpha_dst[dst]  # [E, H]
    alpha = jax.nn.leaky_relu(alpha, NEG_SLOPE)
    w = _segment_softmax(alpha, dst, n_dst)  # [E, H]  (dropout p=0.4 disabled: eval mode)
    msg = (h_src[src] * w[:, :, None]).reshape(-1, HEADS * DH)  # [E, HID]
    out = jax.ops.segment_sum(msg, dst, num_segments=n_dst)  # [N_dst, HID]
    return jax.nn.relu(out)


def _group(outs, q, Wk, bk):
    # HANConv semantic-level attention over edge types targeting a node type
    out = jnp.stack(outs)  # [M, N, HID]
    score = (q[None] * jnp.tanh(out @ Wk + bk[None, None]).mean(1)).sum(-1)  # [M]
    attn = jax.nn.softmax(score, axis=0)
    return (attn[:, None, None] * out).sum(0)


def _forward(x_author, x_paper, W_pa, b_pa, W_pp, b_pp, asw, adw, asr, adr, q, Wk, bk, ei_w, ei_r):
    h_author = (x_author @ W_pa + b_pa).reshape(-1, HEADS, DH)
    h_paper = (x_paper @ W_pp + b_pp).reshape(-1, HEADS, DH)
    out_paper = _edge_conv(h_author, h_paper, asw, adw, ei_w, N_PAPER)   # author--writes-->paper
    out_author = _edge_conv(h_paper, h_author, asr, adr, ei_r, N_AUTHOR)  # paper--rev_writes-->author
    return (_group([out_author], q, Wk, bk), _group([out_paper], q, Wk, bk))


def reference(x_author, x_paper, edge_index_writes, edge_index_rev, W_proj_author, b_proj_author, W_proj_paper, b_proj_paper, att_src_writes, att_dst_writes, att_src_rev, att_dst_rev, q_sem, W_k_sem, b_k_sem):
    return _forward(x_author, x_paper, W_proj_author, b_proj_author, W_proj_paper, b_proj_paper, att_src_writes, att_dst_writes, att_src_rev, att_dst_rev, q_sem, W_k_sem, b_k_sem, edge_index_writes, edge_index_rev)

if __name__ == "__main__":
    import jax
    _d = setup_inputs()
    print(jax.jit(kernel)(*tuple(_d.values())))

</pallas_src>

<mosaic_0001>
module attributes {stable_mosaic.version = 14 : i64} {
  func.func @_k0_body(%arg0: i32, %arg1: memref<2000x128xf32, #tpu.memory_space<vmem>>, %arg2: memref<128x128xf32, #tpu.memory_space<vmem>>, %arg3: memref<1x128xf32, #tpu.memory_space<vmem>>, %arg4: memref<128x16xf32, #tpu.memory_space<vmem>>, %arg5: memref<2000x128xf32, #tpu.memory_space<vmem>>, %arg6: memref<2000x16xf32, #tpu.memory_space<vmem>>, %arg7: memref<16x128xf32, #tpu.memory_space<vmem>>) attributes {dimension_semantics = [#tpu.dimension_semantics<arbitrary>], iteration_bounds = array<i64: 25>, scalar_prefetch = 0 : i64, scratch_operands = 0 : i64, tpu.core_type = #tpu.core_type<tc>, window_params = [{transform_indices = @transform_0, window_bounds = array<i64: 2000, 128>}, {pipeline_mode = #tpu.pipeline_mode<synchronous>, transform_indices = @transform_1, window_bounds = array<i64: 128, 128>}, {pipeline_mode = #tpu.pipeline_mode<synchronous>, transform_indices = @transform_2, window_bounds = array<i64: 1, 128>}, {pipeline_mode = #tpu.pipeline_mode<synchronous>, transform_indices = @transform_3, window_bounds = array<i64: 128, 16>}, {transform_indices = @transform_4, window_bounds = array<i64: 2000, 128>}, {transform_indices = @transform_5, window_bounds = array<i64: 2000, 16>}, {pipeline_mode = #tpu.pipeline_mode<synchronous>, transform_indices = @transform_6, window_bounds = array<i64: 16, 128>}]} {
    %get3A = arith.constant 0 : index
    %get3A_0 = arith.constant 0 : index
    %get3A_1 = vector.load %arg1[%get3A, %get3A_0] : memref<2000x128xf32, #tpu.memory_space<vmem>>, vector<2000x128xf32>
    %get3A_2 = arith.constant 0 : index
    %get3A_3 = arith.constant 0 : index
    %get3A_4 = vector.load %arg2[%get3A_2, %get3A_3] : memref<128x128xf32, #tpu.memory_space<vmem>>, vector<128x128xf32>
    %dot_general3A = arith.constant dense<0.000000e+00> : vector<2000x128xf32>
    %dot_general3A_5 = tpu.matmul %get3A_1, %get3A_4, %dot_general3A {dimension_numbers = #tpu.dot_dimension_numbers<[1], [0], [0], [1], [0, 0, 1, 1], [], []>, transpose_lhs_hint = false} : vector<2000x128xf32>, vector<128x128xf32>, vector<2000x128xf32> -> vector<2000x128xf32>
    %get3A_6 = arith.constant 0 : index
    %get3A_7 = arith.constant 0 : index
    %get3A_8 = vector.load %arg3[%get3A_6, %get3A_7] : memref<1x128xf32, #tpu.memory_space<vmem>>, vector<1x128xf32>
    %add3A = vector.broadcast %get3A_8 : vector<1x128xf32> to vector<2000x128xf32>
    %add3A_9 = arith.addf %dot_general3A_5, %add3A : vector<2000x128xf32>
    %swap3A = arith.constant 0 : index
    %swap3A_10 = arith.constant 0 : index
    %swap3A_11 = vector.load %arg5[%swap3A, %swap3A_10] : memref<2000x128xf32, #tpu.memory_space<vmem>>, vector<2000x128xf32>
    tpu.vector_store %arg5[%swap3A, %swap3A_10], %add3A_9 {strides = array<i32>} : memref<2000x128xf32, #tpu.memory_space<vmem>>, vector<2000x128xf32>,
    %get3A_12 = arith.constant 0 : index
    %get3A_13 = arith.constant 0 : index
    %get3A_14 = vector.load %arg4[%get3A_12, %get3A_13] : memref<128x16xf32, #tpu.memory_space<vmem>>, vector<128x16xf32>
    %dot_general3A_15 = arith.constant dense<0.000000e+00> : vector<2000x16xf32>
    %dot_general3A_16 = tpu.matmul %add3A_9, %get3A_14, %dot_general3A_15 {dimension_numbers = #tpu.dot_dimension_numbers<[1], [0], [0], [1], [0, 0, 1, 1], [], []>, transpose_lhs_hint = false} : vector<2000x128xf32>, vector<128x16xf32>, vector<2000x16xf32> -> vector<2000x16xf32>
    %swap3A_17 = arith.constant 0 : index
    %swap3A_18 = arith.constant 0 : index
    %swap3A_19 = vector.load %arg6[%swap3A_17, %swap3A_18] : memref<2000x16xf32, #tpu.memory_space<vmem>>, vector<2000x16xf32>
    tpu.vector_store %arg6[%swap3A_17, %swap3A_18], %dot_general3A_16 {strides = array<i32>} : memref<2000x16xf32, #tpu.memory_space<vmem>>, vector<2000x16xf32>,
    %reduce_max3A = arith.constant dense<0xFF800000> : vector<16xf32>
    %reduce_max3A_20 = vector.multi_reduction <maximumf>, %dot_general3A_16, %reduce_max3A [0] : vector<2000x16xf32> to vector<16xf32>
    %broadcast_in_dim3A = vector.shape_cast %reduce_max3A_20 : vector<16xf32> to vector<16x1xf32>
    %broadcast_in_dim3A_21 = vector.shape_cast %broadcast_in_dim3A : vector<16x1xf32> to vector<16x1xf32>
    %broadcast_in_dim3A_22 = vector.broadcast %broadcast_in_dim3A_21 : vector<16x1xf32> to vector<16x128xf32>
    %eq3A = arith.constant 0 : i32
    %eq3A_23 = arith.cmpi eq, %arg0, %eq3A : i32
    %convert_element_type3A = arith.extui %eq3A_23 : i1 to i32
    %cond3A = arith.constant 0 : i32
    %cond3A_24 = arith.cmpi ne, %convert_element_type3A, %cond3A : i32
    scf.if %cond3A_24 {
      %swap3A_29 = arith.constant 0 : index
      %swap3A_30 = arith.constant 0 : index
      %swap3A_31 = vector.load %arg7[%swap3A_29, %swap3A_30] : memref<16x128xf32, #tpu.memory_space<vmem>>, vector<16x128xf32>
      tpu.vector_store %arg7[%swap3A_29, %swap3A_30], %broadcast_in_dim3A_22 {strides = array<i32>} : memref<16x128xf32, #tpu.memory_space<vmem>>, vector<16x128xf32>,
    } else {
    }
    %ne3A = arith.constant 0 : i32
    %ne3A_25 = arith.cmpi ne, %arg0, %ne3A : i32
    %convert_element_type3A_26 = arith.extui %ne3A_25 : i1 to i32
    %cond3A_27 = arith.constant 0 : i32
    %cond3A_28 = arith.cmpi ne, %convert_element_type3A_26, %cond3A_27 : i32
    scf.if %cond3A_28 {
      %get3A_29 = arith.constant 0 : index
      %get3A_30 = arith.constant 0 : index
      %get3A_31 = vector.load %arg7[%get3A_29, %get3A_30] : memref<16x128xf32, #tpu.memory_space<vmem>>, vector<16x128xf32>
      %max3A = arith.maximumf %get3A_31, %broadcast_in_dim3A_22 : vector<16x128xf32>
      %swap3A_32 = arith.constant 0 : index
      %swap3A_33 = arith.constant 0 : index
      %swap3A_34 = vector.load %arg7[%swap3A_32, %swap3A_33] : memref<16x128xf32, #tpu.memory_space<vmem>>, vector<16x128xf32>
      tpu.vector_store %arg7[%swap3A_32, %swap3A_33], %max3A {strides = array<i32>} : memref<16x128xf32, #tpu.memory_space<vmem>>, vector<16x128xf32>,
    } else {
    }
    return
  }
  func.func @transform_0(%arg0: i32) -> (i32, i32) {
    %c0_i32 = arith.constant 0 : i32
    %c0_i32_0 = arith.constant 0 : i32
    return %arg0, %c0_i32 : i32, i32
  }
  func.func @transform_1(%arg0: i32) -> (i32, i32) {
    %c0_i32 = arith.constant 0 : i32
    %c0_i32_0 = arith.constant 0 : i32
    %c0_i32_1 = arith.constant 0 : i32
    return %c0_i32, %c0_i32_0 : i32, i32
  }
  func.func @transform_2(%arg0: i32) -> (i32, i32) {
    %c0_i32 = arith.constant 0 : i32
    %c0_i32_0 = arith.constant 0 : i32
    %c0_i32_1 = arith.constant 0 : i32
    return %c0_i32, %c0_i32_0 : i32, i32
  }
  func.func @transform_3(%arg0: i32) -> (i32, i32) {
    %c0_i32 = arith.constant 0 : i32
    %c0_i32_0 = arith.constant 0 : i32
    %c0_i32_1 = arith.constant 0 : i32
    return %c0_i32, %c0_i32_0 : i32, i32
  }
  func.func @transform_4(%arg0: i32) -> (i32, i32) {
    %c0_i32 = arith.constant 0 : i32
    %c0_i32_0 = arith.constant 0 : i32
    return %arg0, %c0_i32 : i32, i32
  }
  func.func @transform_5(%arg0: i32) -> (i32, i32) {
    %c0_i32 = arith.constant 0 : i32
    %c0_i32_0 = arith.constant 0 : i32
    return %arg0, %c0_i32 : i32, i32
  }
  func.func @transform_6(%arg0: i32) -> (i32, i32) {
    %c0_i32 = arith.constant 0 : i32
    %c0_i32_0 = arith.constant 0 : i32
    %c0_i32_1 = arith.constant 0 : i32
    return %c0_i32, %c0_i32_0 : i32, i32
  }
}

</mosaic_0001>

<sc_bundles>
// kernel: scatter_offload_async_start.1
scs
__scs_entry_jumppad:
0x0: {  	(pc) =	sbr.rel $0x88, $3  }
0x1: {  	(tag) =	ssettag $0x0;
	lr =	simm.s32 $0x1  }
0x2: {  	[smem:$0x3F95] =	sst lr;
	_ =	strace $0xD0000000  }
0x3: {  	_ = 	snop  }
0x4: {  	_ = 	snop  }
0x5: {  	_ = 	snop  }
0x6: {  	_ = 	snop  }
0x7: {  	_ = 	snop  }
__scs_overlays_trampoline_lowered:
0x8: {  	[smem:$0x3FA4] =	sst s0  }
0x9: {  	[smem:$0x3FA5] =	sst s1  }
0xa: {  	[smem:$0x3FA6] =	sst s2  }
0xb: {  	[smem:$0x3FA7] =	sst s3  }
0xc: {  	[smem:$0x3FA8] =	sst s4  }
0xd: {  	[smem:$0x3FA9] =	sst s5  }
0xe: {  	[smem:$0x3FAA] =	sst s6  }
0xf: {  	[smem:$0x3FAB] =	sst s7  }
0x10: {  	[smem:$0x3FAC] =	sst s8  }
0x11: {  	[smem:$0x3FAD] =	sst s9;
	s0 =	simm.s32 @!p0 $0x0  }
0x12: {  	s1 =	sld [smem:$0x3F93];
	s0 =	simm.s32 @p0 $0x1  }
0x13: {  	[smem:$0x3FAE] =	sst s0;
	s0 =	simm.s32 @!p1 $0x0  }
0x14: {  	s2 =	sld [smem:$0x3F92];
	s0 =	simm.s32 @p1 $0x1  }
0x15: {  	[smem:$0x3FAF] =	sst s0;
	s0 =	simm.s32 @!p2 $0x0  }
0x16: {  	s3 =	sld [smem:$0x3FDB];
	s0 =	simm.s32 @p2 $0x1  }
0x17: {  	s4 =	simm.s32 $0x1BF5;
	[smem:$0x3FB1] =	sst s0  }
0x18: {  	s0 =	sld [smem:$0x3F94];
	_ =	swait.ge [sflag:s4], $0x0  }
0x19: {  	s7 =	sld [smem:$0x3F95]  }
0x1a: {  	s8 =	sadd.s32 $0xFFFFE003, lr  }
0x1b: {  	s9 =	sadd.s32 $0xFFFFFEF7, lr;
	s5 =	simm.s32 $0xFFFFFFFF;
	p2 =	slt.u32 s8, $0xFFFFF086  }
0x1c: {  	p1 =	slt.u32 s9, $0xF7A;
	s5 =	simm.s32 @!p2 $0x0  }
0x1d: {  	s5 =	simm.s32 @p1 $0x1;
	p0 =	seq.s32 s7, s2  }
0x1e: {  	s7 =	smul.u32 @!p0 $0xF7A, s2;
	p2 =	seq.s32 @!p0 s5, $0x0  }
0x1f: {  	s9 =	smul.u32 $0xF7A, s1;
	s8 =	simm.s32 @!p0 $0x1BF5;
	p2 =	por !p2, p0  }
0x20: {  	[sflag:s8] =	ssyncset.s32 @!p0 $0xFFFFF086;
	s6 =	sadd.s32 @!p0 s3, s7;
	s7 =	simm.s32 @!p0 $0x108  }
0x21: {  	s3 =	sadd.s32 s3, s9;
	s6 =	sadd.s32 @!p0 $0x88, s6;
	s7 =	simm.s32 @p2 $0x1082  }
0x22: {  	[simem:s7], [sflag:s8] =	dma.local @!p0 [hbm:s6], $0xF7A  }
0x23: {  	s9 =	sor.u32 $0xD0000000, s2;
	s6 =	simm.s32 $0x108;
	_ =	swait.ge @!p0 [sflag:s8], $0x0  }
0x24: {  	s3 =	sadd.s32 $0x88, s3;
	s6 =	simm.s32 @!p1 $0x1082;
	[sflag:s4] =	ssyncset.s32 $0xFFFFF086  }
0x25: {  	[simem:s6], [sflag:s4] =	dma.local [hbm:s3], $0xF7A  }
0x26: {  	[smem:$0x3F95] =	sst s1;
	(tag) =	ssettag s2;
	_ =	strace s9  }
0x27: {  	s1 =	sld [smem:$0x3FA5]  }
0x28: {  	s2 =	sld [smem:$0x3FA6]  }
0x29: {  	s4 =	sld [smem:$0x3FA8]  }
0x2a: {  	p0 =	seq.s32 s5, $0x0;
	s5 =	sld [smem:$0x3FA9]  }
0x2b: {  	s6 =	sld [smem:$0x3FAA]  }
0x2c: {  	s7 =	sld [smem:$0x3FAB]  }
0x2d: {  	s3 =	simm.s32 $0x108;
	s8 =	sld [smem:$0x3FAC]  }
0x2e: {  	s3 =	simm.s32 @!p0 $0x1082;
	s9 =	sld [smem:$0x3FAD]  }
0x2f: {  	lr =	sadd.s32 s0, s3;
	s0 =	sld [smem:$0x3FA4]  }
0x30: {  	s3 =	sld [smem:$0x3FA7]  }
0x31: {  	[smem:$0x3FB0] =	sst s10  }
0x32: {  	s10 =	sld [smem:$0x3FAE];
	_ =	sdelay $0x3  }
0x33: {  	p0 =	seq.s32 s10, $0x1;
	s10 =	sld [smem:$0x3FB0];
	_ =	sdelay $0x3  }
0x34: {  	[smem:$0x3FB0] =	sst s10  }
0x35: {  	s10 =	sld [smem:$0x3FAF];
	_ =	sdelay $0x3  }
0x36: {  	p1 =	seq.s32 s10, $0x1;
	s10 =	sld [smem:$0x3FB0];
	_ =	sdelay $0x3  }
0x37: {  	[smem:$0x3FB0] =	sst s10  }
0x38: {  	s10 =	sld [smem:$0x3FB1]  }
0x39: {  	_ = 	snop;
	(pc) =	sbr.ind lr, $3  }
0x3a: {  	_ = 	snop  }
0x3b: {  	_ = 	snop  }
0x3c: {  	p2 =	seq.s32 s10, $0x1;
	s10 =	sld [smem:$0x3FB0]  }
0x3d: {  	_ =	shalt  }
0x3e: {  	_ =	shalt  }
0x3f: {  	_ =	shalt  }
0x40: {  	_ =	shalt  }
0x41: {  	_ =	shalt  }
0x42: {  	_ =	shalt  }
0x43: {  	_ =	shalt  }
0x44: {  	_ =	shalt  }
0x45: {  	_ =	shalt  }
0x46: {  	_ =	shalt  }
0x47: {  	_ =	shalt  }
0x48: {  	_ =	shalt  }
0x49: {  	_ =	shalt  }
0x4a: {  	_ =	shalt  }
0x4b: {  	_ =	shalt  }
0x4c: {  	_ =	shalt  }
0x4d: {  	_ =	shalt  }
0x4e: {  	_ =	shalt  }
0x4f: {  	_ =	shalt  }
0x50: {  	_ =	shalt  }
0x51: {  	_ =	shalt  }
0x52: {  	_ =	shalt  }
0x53: {  	_ =	shalt  }
0x54: {  	_ =	shalt  }
0x55: {  	_ =	shalt  }
0x56: {  	_ =	shalt  }
0x57: {  	_ =	shalt  }
0x58: {  	_ =	shalt  }
0x59: {  	_ =	shalt  }
0x5a: {  	_ =	shalt  }
0x5b: {  	_ =	shalt  }
0x5c: {  	_ =	shalt  }
0x5d: {  	_ =	shalt  }
0x5e: {  	_ =	shalt  }
0x5f: {  	_ =	shalt  }
0x60: {  	_ =	shalt  }
0x61: {  	_ =	shalt  }
0x62: {  	_ =	shalt  }
0x63: {  	_ =	shalt  }
0x64: {  	_ =	shalt  }
0x65: {  	_ =	shalt  }
0x66: {  	_ =	shalt  }
0x67: {  	_ =	shalt  }
0x68: {  	_ =	shalt  }
0x69: {  	_ =	shalt  }
0x6a: {  	_ =	shalt  }
0x6b: {  	_ =	shalt  }
0x6c: {  	_ =	shalt  }
0x6d: {  	_ =	shalt  }
0x6e: {  	_ =	shalt  }
0x6f: {  	_ =	shalt  }
0x70: {  	_ =	shalt  }
0x71: {  	_ =	shalt  }
0x72: {  	_ =	shalt  }
0x73: {  	_ =	shalt  }
0x74: {  	_ =	shalt  }
0x75: {  	_ =	shalt  }
0x76: {  	_ =	shalt  }
0x77: {  	_ =	shalt  }
0x78: {  	_ =	shalt  }
0x79: {  	_ =	shalt  }
0x7a: {  	_ =	shalt  }
0x7b: {  	_ =	shalt  }
0x7c: {  	_ =	shalt  }
0x7d: {  	_ =	shalt  }
0x7e: {  	_ =	shalt  }
0x7f: {  	_ =	shalt  }
0x80: {  	_ =	shalt  }
0x81: {  	_ =	shalt  }
0x82: {  	_ =	shalt  }
0x83: {  	_ =	shalt  }
0x84: {  	_ =	shalt  }
0x85: {  	_ =	shalt  }
0x86: {  	_ =	shalt  }
0x87: {  	_ =	shalt  }
.Lfunc_end0:
.L_simem_size_0:
called_computation.1_lowered:
.L_overlay_start_0:
0x88: {  	s2 =	sld [smem:$0x3FD9]  }
0x89: {  	s3 =	sld [smem:$0x3FFE];
	_ =	sdelay $0x1  }
0x8a: {  	s1 =	srdreg.scid  }
0x8b: {  	s0 =	sand.u32 $0x1, s1  }
0x8c: {  	s10 =	sshll.u32 s0, $0xA;
	s2 =	sadd.s32 s3, s2  }
0x8d: {  	s2 =	sadd.s32 s2, s10  }
0x8e: {  	[smem:$0x3FBC] =	sst s2  }
0x8f: {  	_ = 	snop  }
0x90: {  	s2 =	sld [smem:$0x3FD0];
	_ =	sdelay $0x2  }
0x91: {  	s11 =	simm.s32 $0xD;
	s4 =	simm.s32 $0x10  }
0x92: {  	[smem:s4], [sflag:s11] =	dma.local [hbm:s2], $0x1  }
0x93: {  	_ =	swait.eq [sflag:s11], $0x1  }
0x94: {  	[sflag:s11] =	ssyncset.done $0x0  }
0x95: {  	[sflag:s11] =	ssyncadd.s32 $0xFFFFFFFF  }
0x96: {  	s12 =	sld [smem:$0x10];
	(tm) =	ssettm $0x1  }
0x97: {  	s13 =	sld [smem:$0x3FFB];
	_ =	sdelay $0x3  }
0x98: {  	_ =	strace s13  }
0x99: {  	s2 =	sld [smem:$0x3FFC];
	_ =	sdelay $0x3  }
0x9a: {  	_ =	strace s2  }
0x9b: {  	s2 =	sld [smem:$0x3FFD];
	_ =	sdelay $0x3  }
0x9c: {  	_ =	strace s2  }
0x9d: {  	_ =	strace $0x8FFFFFFF  }
0x9e: {  	s14 =	sld [smem:$0x3FDB];
	_ =	sdelay $0x1  }
0x9f: {  	s15 =	simm.s32 $_scs_section_size  }
0xa0: {  	s5 =	simm.s32 $_size__tile_overlayer_lowered;
	s6 =	simm.s32 $_tile_overlayer_lowered  }
0xa1: {  	s19 =	simm.s32 $0x1BFF;
	s17 =	sshll.u32 s6, $0x1;
	s7 =	sadd.s32 s15, s14  }
0xa2: {  	s20 =	simm.s32 $0x0;
	s16 =	sshll.u32 s5, $0x1;
	s18 =	sadd.s32 s17, s7  }
0xa3: {  	[timem:s20], [sflag:s19] =	dma.local [hbm:s18], s16  }
0xa4: {  	_ =	swait.ge [sflag:s19], s16  }
0xa5: {  	s3 =	ssub.s32 $0x0, s16;
	[sflag:s19] =	ssyncset.done $0x0  }
0xa6: {  	[sflag:s19] =	ssyncadd.s32 s3;
	_ =	sdelay $0x1  }
0xa7: {  	s21 =	simm.s32 $0x1B8B  }
0xa8: {  	_ =	swait.ge [sflag:s21], $0x1  }
0xa9: {  	[sflag:s21] =	ssyncset.done $0x0  }
0xaa: {  	[sflag:s21] =	ssyncadd.s32 $0xFFFFFFFF  }
0xab: {  	s3 =	sld [smem:$0x0]  }
0xac: {  	s5 =	sand.u32 $0xFFFFFFFE, s1  }
0xad: {  	p0 =	sne.s32 s1, s5  }
0xae: {  	s5 =	sshll.u32 @p0 s5, $0xE  }
0xaf: {  	s6 =	sadd.s32 @p0 $0x11B8D, s5;
	s8 =	sshll.u32 @p0 s3, $0x11  }
0xb0: {  	s6 =	sor.u32 @p0 s8, s6  }
0xb1: {  	[sflag:s6] =	ssyncadd.remote.s32 @p0 $0x1;
	_ =	sdelay $0x1  }
0xb2: {  	s6 =	simm.s32 @p0 $0x1B8D  }
0xb3: {  	_ =	swait.eq @p0 [sflag:s6], $0x1  }
0xb4: {  	[sflag:s6] =	ssyncadd.s32 @p0 $0xFFFFFFFF  }
0xb5: {  	s8 =	sshll.u32 @!p0 s1, $0xE  }
0xb6: {  	s8 =	sor.u32 @!p0 $0x4000, s8;
	s6 =	simm.s32 @!p0 $0x1B8D  }
0xb7: {  	s10 =	sshll.u32 @!p0 s3, $0x11;
	s9 =	sadd.s32 @!p0 $0x11B8D, s8;
	_ =	swait.eq @!p0 [sflag:s6], $0x1  }
0xb8: {  	[sflag:s6] =	ssyncadd.s32 @!p0 $0xFFFFFFFF;
	s6 =	sor.u32 @!p0 s10, s9  }
0xb9: {  	s23 =	simm.s32 $0x1B8E;
	s22 =	sld [smem:$0x3FFE];
	[sflag:s6] =	ssyncadd.remote.s32 @!p0 $0x1  }
0xba: {  	s24 =	simm.s32 $execute0_lowered;
	[smem:$0x3FD2] =	sst s23  }
0xbb: {  	s9 =	sshll.u32 s24, $0x1;
	_ =	strace $0x80000058;
	[dreg:$0x1] =	wrdreg $0xFFFFFFFF  }
0xbc: {  	s25 =	simm.s32 $_size_execute0_lowered;
	s9 =	sadd.s32 s7, s9;
	[dreg:$0x0] =	wrdreg $0x0  }
0xbd: {  	s10 =	sshll.u32 s25, $0x1;
	[dreg:$0x2] =	wrdreg s9  }
0xbe: {  	[dreg:$0x3] =	wrdreg s10  }
0xbf: {  	[dreg:$0x4] =	wrdreg $0xC0  }
0xc0: {  	s26 =	simm.s32 $execute1_lowered;
	_ =	task [dreg:s20], $0x5FFFF  }
0xc1: {  	s9 =	sshll.u32 s26, $0x1;
	[dreg:$0x1] =	wrdreg $0xFFFFFFFF  }
0xc2: {  	s7 =	sadd.s32 s7, s9;
	[dreg:$0x0] =	wrdreg $0x60  }
0xc3: {  	[dreg:$0x2] =	wrdreg s7  }
0xc4: {  	[dreg:$0x3] =	wrdreg s12  }
0xc5: {  	[dreg:$0x4] =	wrdreg s22  }
0xc6: {  	[dreg:$0x5] =	wrdreg $0x9  }
0xc7: {  	_ =	task.clear_ibuf [dreg:s20], $0x6FFFF;
	_ =	strace $0x90000058  }
0xc8: {  	s28 =	simm.s32 $0x9;
	_ =	strace $0x8000005A  }
0xc9: {  	_ =	swait.ge [sflag:s28], $0x1  }
0xca: {  	[sflag:s28] =	ssyncadd.s32 $0xFFFFFFFF  }
0xcb: {  	_ =	strace $0x9000005A  }
0xcc: {  	s4 =	sld [smem:$0x0];
	_ =	sdelay $0x3  }
0xcd: {  	s5 =	sadd.s32 @p0 $0x11BF3, s5;
	s7 =	sshll.u32 @p0 s4, $0x11  }
0xce: {  	s5 =	sor.u32 @p0 s7, s5  }
0xcf: {  	[sflag:s5] =	ssyncadd.remote.s32 @p0 $0x1;
	_ =	sdelay $0x1  }
0xd0: {  	s5 =	simm.s32 @p0 $0x1BF3  }
0xd1: {  	_ =	swait.eq @p0 [sflag:s5], $0x1  }
0xd2: {  	[sflag:s5] =	ssyncadd.s32 @p0 $0xFFFFFFFF;
	_ =	sdelay $0x1  }
0xd3: {  	s5 =	simm.s32 @!p0 $0x1BF3  }
0xd4: {  	s4 =	sshll.u32 @!p0 s4, $0x11;
	s7 =	sadd.s32 @!p0 $0x11BF3, s8;
	_ =	swait.eq @!p0 [sflag:s5], $0x1  }
0xd5: {  	s4 =	sor.u32 @!p0 s4, s7;
	[sflag:s5] =	ssyncadd.s32 @!p0 $0xFFFFFFFF  }
0xd6: {  	[sflag:s4] =	ssyncadd.remote.s32 @!p0 $0x1  }
0xd7: {  	_ =	strace $0x8000005B;
	[dreg:$0x1] =	wrdreg $0xFFFFFFFF  }
0xd8: {  	[dreg:$0x0] =	wrdreg $0x2030  }
0xd9: {  	[dreg:$0x2] =	wrdreg s22  }
0xda: {  	[dreg:$0x3] =	wrdreg s1  }
0xdb: {  	[dreg:$0x4] =	wrdreg s3  }
0xdc: {  	[dreg:$0x5] =	wrdreg $0xA  }
0xdd: {  	_ =	task.clear_ibuf [dreg:s20], $0x6FFFF;
	_ =	strace $0x9000005B  }
0xde: {  	s29 =	simm.s32 $0xA;
	_ =	strace $0x8000005D  }
0xdf: {  	_ =	swait.ge [sflag:s29], $0x1  }
0xe0: {  	[sflag:s29] =	ssyncadd.s32 $0xFFFFFFFF  }
0xe1: {  	_ =	strace $0x9000005D  }
0xe2: {  	_ =	sfence  }
0xe3: {  	s30 =	sld [smem:$0x0];
	_ =	sdelay $0x2  }
0xe4: {  	s31 =	sshll.u32 s1, $0xD;
	s1 =	sshrl.u32 s1, $0x2  }
0xe5: {  	s4 =	sand.u32 $0x4000, s31;
	s1 =	sadd.s32 s1, s30  }
0xe6: {  	s0 =	sor.u32 s4, s0;
	s1 =	sshll.u32 s1, $0x11  }
0xe7: {  	s0 =	sor.u32 s1, s0  }
0xe8: {  	s0 =	sadd.s32 $0x8F2B, s0  }
0xe9: {  	[sflag:s0] =	ssyncadd.remote.s32 $0x1  }
0xea: {  	_ =	sfence.sel $0xFFFF  }
0xeb: {  	[dreg:$0x0] =	wrdreg $0xFFFFFFFF;
	(pc) =	sbr.abs _section_cstart, $3  }
0xec: {  	[dreg:$0x1] =	wrdreg $0xFFFFFFFF  }
0xed: {  	_ =	task.clear_ibuf [dreg:s20], $0x2FFFF;
	_ =	strace $0x9FFFFFFF  }
0xee: {  	(tm) =	ssettm $0x7FFFFFFF  }
0xef: {  	_ =	shalt  }
tec
execute0_lowered:
.L_overlay_start_1:
0x0: {  	(tag) =	ssettag $0x1  }
0x1: {  	s3 =	rddreg [dreg:$0x0]  }
0x2: {  	s2 =	rddreg [dreg:$0x1]  }
0x3: {  	s4 =	rddreg [dreg:$0x2]  }
0x4: {  	s0 =	rddreg [dreg:$0x3]  }
0x5: {  	s5 =	stileid.u32;
	[bflag:$0x3] =	sbarrier.arrive $0xFFFF;
	s1 =	simm.s32 $_size_execute1_lowered  }
0x6: {  	s29 =	srdreg.scid;
	s31 =	simm.s32 $0x2;
	p0 =	sne.s32 s5, $0x0  }
0x7: {  	s1 =	sshll.u32 s1, $0x1;
	s6 =	simm.s32 @!p0 $0x1C3F;
	s7 =	simm.s32 @!p0 $0x4060  }
0x8: {  	[timem:s7], [sflag:s6] =	dma.local @!p0 [hbm:s3], s1  }
0x9: {  	s8 =	simm.s32 $0x0;
	s12 =	simm.s32 $0x0;
	s3 =	sshll.u32 s29, $0x7  }
.Ltmp0:
0xa: {  	s5 =	sshll.u32 s5, $0x8;
	s3 =	sand.u32 $0x80, s3;
	(pc) =	sbr.rel .LBB2_1-.Ltmp0, $4  }
0xb: {  	s10 =	simm.s32 $0x0;
	s11 =	simm.s32 $0x0;
	s3 =	sor.u32 s5, s3  }
0xc: {  	_ =	strace $0x80000059;
	s5 =	simm.s32 $0x1;
	s30 =	ssub.s32 $0xC300, s3  }
0xd: {  	s4 =	sadd.s32 $0x117600, s4;
	[sflag:s5] =	ssyncpa.u1 $0x0;
	s6 =	sshrl.u32 s30, $0xC  }
0xe: {  	s9 =	smov.u32 s3;
	[sflag:s31] =	ssyncpa.u1 $0x0;
	s7 =	sadd.s32 $0x2, s6  }
.LBB2_4:
0xf: {  	_ = 	snop  }
.LBB2_7:
0x10: {  	_ =	sdelay $0x3  }
0x11: {  	[tilespmem:v0+s16+$0x0 ss:$0x1] =	vst.idx.msk @p1 $0xffff, v2  }
0x12: {  	v56 =	vld.idx.msk [tilespmem:v1+s15+$0x0 ss:$0x1], $0xffff;
	s24 =	sor.u32 $0x70, s15;
	[tilespmem:v0+s17+$0x0 ss:$0x1] =	vst.idx.msk @p1 $0xffff, v4  }
0x13: {  	s25 =	sor.u32 $0x10, s15;
	[tilespmem:v0+s18+$0x0 ss:$0x1] =	vst.idx.msk @p1 $0xffff, v3;
	v57 =	vld.idx.msk [tilespmem:v1+s24+$0x0 ss:$0x1], $0xffff  }
0x14: {  	s26 =	sor.u32 $0x20, s15;
	[tilespmem:v0+s19+$0x0 ss:$0x1] =	vst.idx.msk @p1 $0xffff, v5;
	v58 =	vld.idx.msk [tilespmem:v1+s25+$0x0 ss:$0x1], $0xffff  }
0x15: {  	s28 =	sor.u32 $0x30, s15;
	[tilespmem:v0+s20+$0x0 ss:$0x1] =	vst.idx.msk @p1 $0xffff, v6;
	v59 =	vld.idx.msk [tilespmem:v1+s26+$0x0 ss:$0x1], $0xffff  }
0x16: {  	s29 =	sor.u32 $0x40, s15;
	[tilespmem:v0+s21+$0x0 ss:$0x1] =	vst.idx.msk @p1 $0xffff, v7;
	v60 =	vld.idx.msk [tilespmem:v1+s28+$0x0 ss:$0x1], $0xffff  }
0x17: {  	s30 =	sor.u32 $0x50, s15;
	v61 =	vld.idx.msk [tilespmem:v1+s29+$0x0 ss:$0x1], $0xffff;
	[tilespmem:v0+s15+$0x0 ss:$0x1] =	vst.idx.msk $0xffff, v56  }
0x18: {  	s31 =	sor.u32 $0x60, s15;
	v62 =	vld.idx.msk [tilespmem:v1+s30+$0x0 ss:$0x1], $0xffff;
	[tilespmem:v0+s24+$0x0 ss:$0x1] =	vst.idx.msk $0xffff, v57  }
0x19: {  	v63 =	vld.idx.msk [tilespmem:v1+s31+$0x0 ss:$0x1], $0xffff;
	[tilespmem:v0+s25+$0x0 ss:$0x1] =	vst.idx.msk $0xffff, v58  }
0x1a: {  	[tilespmem:v0+s26+$0x0 ss:$0x1] =	vst.idx.msk $0xffff, v59  }
0x1b: {  	[tilespmem:v0+s28+$0x0 ss:$0x1] =	vst.idx.msk $0xffff, v60  }
0x1c: {  	[tilespmem:v0+s29+$0x0 ss:$0x1] =	vst.idx.msk $0xffff, v61  }
0x1d: {  	[tilespmem:v0+s30+$0x0 ss:$0x1] =	vst.idx.msk $0xffff, v62  }
0x1e: {  	[tilespmem:v0+s31+$0x0 ss:$0x1] =	vst.idx.msk $0xffff, v63  }
.LBB2_8:
0x1f: {  	s15 =	sand.u32 $0x1FFFFFF, s10  }
0x20: {  	s16 =	smulhi.u32 $0x14F8B59, s15;
	_ =	sdelay $0x1  }
0x21: {  	s16 =	sshrl.u32 s16, $0x8  }
0x22: {  	s16 =	smul.u32 $0xC350, s16;
	_ =	sdelay $0x1  }
0x23: {  	s15 =	ssub.s32 s15, s16  }
0x24: {  	s15 =	sshll.u32 s15, $0x4  }
0x25: {  	s15 =	sadd.s32 s4, s15  }
0x26: {  	[hbm4b:s15+s8] =	stream.linear.scatter [tilespmem:s14], [sflag:$0x2], s13, $0x38;
	[tilespmem:$0x10000] =	vst v63  }
.LBB2_9:
0x27: {  	p1 =	slt.u32 s11, $0x2  }
0x28: {  	p2 =	sgt.s32 @!p1 s12, $0xC2D0  }
0x29: {  	s13 =	smov.u32 s12;
	s14 =	sshra.s32 @!p1 s12, $0x1F;
	p2 =	por !p2, p1  }
0x2a: {  	s12 =	sand.u32 @!p1 s14, s12;
	s13 =	simm.s32 @p2 $0xC2D0  }
0x2b: {  	s12 =	ssub.s32 @!p1 s13, s12  }
0x2c: {  	s12 =	sadd.s32 @!p1 $0xFFFF3D30, s12  }
0x2d: {  	s13 =	sshll.u32 @!p1 s12, $0x9  }
0x2e: {  	p2 =	sgt.s32 @!p1 s12, $0x7F;
	s12 =	ssub.s32 @!p1 $0x10000, s13  }
0x2f: {  	s14 =	sadd.s32 $0x1000, s9;
	p2 =	por !p2, p1;
	s12 =	sshrl.u32 @!p1 s12, $0x2  }
0x30: {  	s12 =	simm.s32 @!p2 $0x0;
	p2 =	sgt.s32 s14, $0xC34F  }
0x31: {  	s14 =	smov.u32 @p2 s3;
	p2 =	sne.s32 s11, s7  }
.Ltmp1:
0x32: {  	_ = 	snop;
	(pc) =	sbr.rel @!p2 .LBB2_10-.Ltmp1, $4  }
0x33: {  	s13 =	simm.s32 @!p1 $0x2  }
0x34: {  	_ =	swait.ge @!p1 [sflag:s13], s12;
	s15 =	ssub.s32 @!p1 $0x0, s12  }
0x35: {  	s12 =	smov.u32 s10;
	s11 =	sadd.s32 $0x1, s11;
	[sflag:s13] =	ssyncset.done @!p1 $0x0  }
0x36: {  	s10 =	smov.u32 s9;
	s9 =	smov.u32 s14;
	[sflag:s13] =	ssyncadd.s32 @!p1 s15  }
.LBB2_1:
0x37: {  	p1 =	sgt.u32 s11, s6  }
0x38: {  	s13 =	sand.u32 @!p1 $0x1FFFFFF, s9  }
0x39: {  	p2 =	sgt.s32 @!p1 s9, $0xC2D0;
	s14 =	smulhi.u32 @!p1 $0x14F8B59, s13  }
0x3a: {  	s15 =	smov.u32 s9;
	s16 =	sshra.s32 @!p1 s9, $0x1F;
	p2 =	por !p2, p1  }
0x3b: {  	s16 =	sand.u32 @!p1 s16, s9;
	s15 =	simm.s32 @p2 $0xC2D0;
	s14 =	sshrl.u32 @!p1 s14, $0x8  }
0x3c: {  	s15 =	ssub.s32 @!p1 s15, s16;
	s14 =	smul.u32 @!p1 $0xC350, s14  }
0x3d: {  	s16 =	sxor.u32 @!p1 $0xFFFFFFFF, s11;
	s15 =	sadd.s32 @!p1 $0xFFFF3D30, s15  }
0x3e: {  	s16 =	sshll.u32 @!p1 s16, $0xE;
	s13 =	ssub.s32 @!p1 s13, s14;
	s14 =	sshll.u32 @!p1 s15, $0x9  }
0x3f: {  	s16 =	sand.u32 @!p1 $0x4000, s16;
	p2 =	sgt.s32 @!p1 s15, $0x7F;
	s14 =	ssub.s32 @!p1 $0x10000, s14  }
0x40: {  	p2 =	por !p2, p1;
	s13 =	sshll.u32 @!p1 s13, $0x4;
	s14 =	sshrl.u32 @!p1 s14, $0x2  }
0x41: {  	s15 =	simm.s32 @!p1 $0x0;
	s13 =	sadd.s32 @!p1 s2, s13;
	s14 =	simm.s32 @!p2 $0x0  }
0x42: {  	[tilespmem:s16], [sflag:$0x1] =	stream.linear.gather @!p1 [hbm4b:s13+s15], s14, $0x38;
	[tilespmem:$0x10000] =	vst v63  }
0x43: {  	p1 =	seq.s32 s11, $0x0  }
0x44: {  	p2 =	sge.u32 @!p1 s11, s7  }
0x45: {  	p1 =	por p1, p2  }
.Ltmp2:
0x46: {  	_ = 	snop;
	(pc) =	sbr.rel @p1 .LBB2_9-.Ltmp2, $1  }
0x47: {  	_ =	sdelay $0x3  }
0x48: {  	p1 =	sgt.s32 s10, $0xC2D0;
	s13 =	smov.u32 s10;
	s14 =	sshra.s32 s10, $0x1F  }
0x49: {  	s13 =	simm.s32 @!p1 $0xC2D0;
	s14 =	sand.u32 s14, s10  }
0x4a: {  	s13 =	ssub.s32 s13, s14  }
0x4b: {  	s13 =	sadd.s32 $0xFFFF3D30, s13  }
0x4c: {  	s31 =	sshll.u32 s13, $0x9  }
0x4d: {  	s14 =	ssub.s32 $0x10000, s31  }
0x4e: {  	p1 =	sgt.s32 s13, $0x7F;
	s13 =	sshrl.u32 s14, $0x2;
	s14 =	sadd.s32 $0x80, s10  }
0x4f: {  	s13 =	simm.s32 @p1 $0x0;
	p1 =	slt.s32 s14, $0xC350  }
0x50: {  	s14 =	simm.s32 @!p1 $0xC350  }
0x51: {  	s16 =	ssub.s32 s14, s10  }
0x52: {  	p1 =	slt.s32 s16, $0x1  }
.Ltmp3:
0x53: {  	_ = 	snop;
	(pc) =	sbr.rel @p1 .LBB2_8-.Ltmp3, $4  }
0x54: {  	_ = 	snop  }
0x55: {  	s15 =	sshll.u32 s11, $0xE;
	_ =	swait.ge [sflag:s5], s13  }
0x56: {  	s15 =	sand.u32 $0x4000, s15;
	s17 =	ssub.s32 $0x0, s13;
	[sflag:s5] =	ssyncset.done $0x0  }
0x57: {  	s14 =	sor.u32 $0x8000, s15;
	[sflag:s5] =	ssyncadd.s32 s17  }
0x58: {  	p2 =	sne.s32 s16, $0x1  }
.Ltmp4:
0x59: {  	v1 =	vmov s15;
	v0 =	vmov s14;
	(pc) =	sbr.rel @!p2 .LBB2_4-.Ltmp4, $3  }
0x5a: {  	_ =	sdelay $0x1  }
0x5b: {  	s17 =	simm.s32 $0x0  }
0x5c: {  	s23 =	sadd.s32 $0xFFFFFFFF, s16;
	p1 =	por $0x0, $0x0;
	s15 =	sand.u32 $0x3F80, s17  }
0x5d: {  	_ =	sdelay $0x3  }
0x5e: {  	v6 =	vld.idx.msk [tilespmem:v1+s15+$0x0 ss:$0x1], $0xffff;
	s24 =	sor.u32 $0x70, s15  }
0x5f: {  	s16 =	sor.u32 $0x10, s15;
	v8 =	vld.idx.msk [tilespmem:v1+s24+$0x0 ss:$0x1], $0xffff  }
0x60: {  	s17 =	sor.u32 $0x20, s15;
	p2 =	sne.s32 s23, $0x1;
	v2 =	vld.idx.msk [tilespmem:v1+s16+$0x0 ss:$0x1], $0xffff  }
.Ltmp5:
0x61: {  	s18 =	sor.u32 $0x30, s15;
	v4 =	vld.idx.msk [tilespmem:v1+s17+$0x0 ss:$0x1], $0xffff;
	(pc) =	sbr.rel @!p2 .LBB2_7-.Ltmp5, $4  }
0x62: {  	s19 =	sor.u32 $0x40, s15;
	v3 =	vld.idx.msk [tilespmem:v1+s18+$0x0 ss:$0x1], $0xffff  }
0x63: {  	s21 =	sor.u32 $0x60, s15;
	v5 =	vld.idx.msk [tilespmem:v1+s19+$0x0 ss:$0x1], $0xffff  }
0x64: {  	s20 =	sor.u32 $0x50, s15;
	s22 =	simm.s32 $0x80;
	v7 =	vld.idx.msk [tilespmem:v1+s21+$0x0 ss:$0x1], $0xffff;
	[tilespmem:v0+s15+$0x0 ss:$0x1] =	vst.idx.msk $0xffff, v6  }
0x65: {  	s23 =	sadd.s32 $0xFFFFFFFF, s23;
	p1 =	por $0x1, $0x1;
	v6 =	vld.idx.msk [tilespmem:v1+s20+$0x0 ss:$0x1], $0xffff;
	s15 =	sand.u32 $0x3F80, s22;
	[tilespmem:v0+s24+$0x0 ss:$0x1] =	vst.idx.msk $0xffff, v8  }
.LBB2_6:
0x66: {  	p2 =	sne.s32 s23, $0x1;
	v8 =	vld.idx.msk [tilespmem:v1+s15+$0x0 ss:$0x1], $0xffff;
	s24 =	sor.u32 $0x70, s15;
	[tilespmem:v0+s16+$0x0 ss:$0x1] =	vst.idx.msk $0xffff, v2;
	s16 =	sor.u32 $0x10, s15  }
0x67: {  	s25 =	sor.u32 $0x30, s15;
	s26 =	sor.u32 $0x40, s15;
	v9 =	vld.idx.msk [tilespmem:v1+s24+$0x0 ss:$0x1], $0xffff;
	[tilespmem:v0+s17+$0x0 ss:$0x1] =	vst.idx.msk $0xffff, v4;
	s17 =	sor.u32 $0x20, s15  }
0x68: {  	s28 =	sor.u32 $0x50, s15;
	s29 =	sor.u32 $0x60, s15;
	v2 =	vld.idx.msk [tilespmem:v1+s16+$0x0 ss:$0x1], $0xffff;
	[tilespmem:v0+s18+$0x0 ss:$0x1] =	vst.idx.msk $0xffff, v3;
	s18 =	smov.u32 s25  }
.Ltmp6:
0x69: {  	v4 =	vld.idx.msk [tilespmem:v1+s17+$0x0 ss:$0x1], $0xffff;
	[tilespmem:v0+s19+$0x0 ss:$0x1] =	vst.idx.msk $0xffff, v5;
	s19 =	smov.u32 s26;
	(pc) =	sbr.rel @p2 .LBB2_6-.Ltmp6, $4  }
0x6a: {  	v3 =	vld.idx.msk [tilespmem:v1+s18+$0x0 ss:$0x1], $0xffff;
	[tilespmem:v0+s20+$0x0 ss:$0x1] =	vst.idx.msk $0xffff, v6;
	s20 =	smov.u32 s28  }
0x6b: {  	v5 =	vld.idx.msk [tilespmem:v1+s19+$0x0 ss:$0x1], $0xffff;
	[tilespmem:v0+s21+$0x0 ss:$0x1] =	vst.idx.msk $0xffff, v7;
	s21 =	smov.u32 s29  }
0x6c: {  	s22 =	sadd.s32 $0x80, s22;
	[tilespmem:v0+s15+$0x0 ss:$0x1] =	vst.idx.msk $0xffff, v8;
	v6 =	vld.idx.msk [tilespmem:v1+s20+$0x0 ss:$0x1], $0xffff  }
0x6d: {  	s23 =	sadd.s32 $0xFFFFFFFF, s23;
	s15 =	sand.u32 $0x3F80, s22;
	v7 =	vld.idx.msk [tilespmem:v1+s21+$0x0 ss:$0x1], $0xffff;
	[tilespmem:v0+s24+$0x0 ss:$0x1] =	vst.idx.msk $0xffff, v9  }
.Ltmp7:
0x6e: {  	_ = 	snop;
	(pc) =	sbr.rel .LBB2_7-.Ltmp7, $1  }
0x6f: {  	_ =	sdelay $0x3  }
.LBB2_10:
0x70: {  	_ =	sfence.sel $0x180000  }
0x71: {  	s2 =	simm.s32 $0x1;
	[bflag:$0x0] =	sbarrier.arrive $0xFFFF  }
0x72: {  	s31 =	simm.s32 $0x2;
	[sflag:s2] =	ssyncpa.u1 $0x1  }
0x73: {  	[sflag:s31] =	ssyncpa.u1 $0x1  }
0x74: {  	_ =	strace $0x90000059  }
0x75: {  	s0 =	sadd.s32 @!p0 $0x100000, s0;
	[bflag:$0x2] =	sbarrier.arrive $0xFFFF  }
0x76: {  	[sflag:s0] =	ssyncadd.tile.s32 @!p0 $0x1;
	s0 =	simm.s32 @!p0 $0x3F  }
0x77: {  	_ =	swait.ge @!p0 [sflag:s0], s1  }
0x78: {  	s1 =	ssub.s32 @!p0 $0x0, s1;
	[sflag:s0] =	ssyncset.done @!p0 $0x0  }
0x79: {  	[sflag:s0] =	ssyncadd.s32 @!p0 s1  }
0x7a: {  	[bflag:$0x3] =	sbarrier.arrive $0xFFFF  }
0x7b: {  	_ =	shalt  }
.Lfunc_end2:
execute1_lowered:
.L_overlay_start_2:
0x7c: {  	(tag) =	ssettag $0x2  }
0x7d: {  	s2 =	rddreg [dreg:$0x0]  }
0x7e: {  	s3 =	rddreg [dreg:$0x1];
	_ =	strace $0x8000005C;
	s0 =	simm.s32 $0x1  }
0x7f: {  	v0 =	vimm.s32 $0x0;
	[sflag:s0] =	ssyncpa.u1 $0x0;
	s0 =	simm.s32 $0x108  }
0x80: {  	[tilespmem:s0+$0x70] =	vst v0  }
0x81: {  	[tilespmem:s0+$0x60] =	vst v0  }
0x82: {  	[tilespmem:s0+$0x50] =	vst v0  }
0x83: {  	[tilespmem:s0+$0x40] =	vst v0  }
0x84: {  	s1 =	sadd.s32 $0x117600, s2;
	[tilespmem:s0+$0x30] =	vst v0  }
0x85: {  	s15 =	sadd.s32 $0x16A00, s2;
	s6 =	sadd.s32 $0x28D0C00, s2;
	[tilespmem:s0+$0x20] =	vst v0  }
0x86: {  	s14 =	sadd.s32 $0x105000, s2;
	s5 =	sand.u32 $0x1, s3;
	s3 =	simm.s32 $0x40;
	[tilespmem:s0+$0x10] =	vst v0  }
.LBB3_1:
0x87: {  	s3 =	sadd.s32 $0x40, s3;
	[tilespmem:s0+$0x0] =	vst v0;
	s0 =	sadd.s32 $0x80, s0  }
0x88: {  	p0 =	slt.u32 s3, $0x3C40;
	[tilespmem:s0+$0x70] =	vst v0  }
0x89: {  	[tilespmem:s0+$0x60] =	vst v0  }
.Ltmp8:
0x8a: {  	[tilespmem:s0+$0x50] =	vst v0;
	(pc) =	sbr.rel @p0 .LBB3_1-.Ltmp8, $4  }
0x8b: {  	[tilespmem:s0+$0x40] =	vst v0  }
0x8c: {  	[tilespmem:s0+$0x30] =	vst v0  }
0x8d: {  	[tilespmem:s0+$0x20] =	vst v0  }
0x8e: {  	[tilespmem:s0+$0x10] =	vst v0  }
0x8f: {  	s9 =	stileid.u32  }
0x90: {  	s2 =	smul.u32 $0x4E, s9  }
0x91: {  	s3 =	smin.u32 s9, $0x2  }
0x92: {  	s2 =	sadd.s32 s3, s2  }
0x93: {  	p0 =	slt.u32 s9, $0x2;
	s7 =	smul.u32 $0xF0, s2;
	s2 =	simm.s32 $0x4A10  }
0x94: {  	s2 =	simm.s32 @!p0 $0x4920  }
0x95: {  	s2 =	sadd.s32 s2, s7  }
0x96: {  	s8 =	smin.u32 s2, $0x493E0  }
0x97: {  	s2 =	ssub.s32 s8, s7  }
0x98: {  	p0 =	sgt.s32 s2, $0x0  }
0x99: {  	s29 =	simm.s32 $0x2;
	s10 =	simm.s32 $0x9;
	s2 =	simm.s32 @!p0 $0x0  }
0x9a: {  	s4 =	simm.s32 $0xA;
	s11 =	simm.s32 $0xB;
	s28 =	smulhi.u32 $0x88888889, s2  }
0x9b: {  	[dreg:$0x4] =	wrdreg s5;
	s31 =	smul.u32 $0x927C, s5;
	s12 =	simm.s32 $0x1  }
0x9c: {  	s22 =	simm.s32 $0x0;
	s18 =	simm.s32 $0xC;
	s30 =	sshrl.u32 s28, $0x7  }
0x9d: {  	s20 =	simm.s32 $0x0;
	s21 =	simm.s32 $0x0;
	s3 =	smul.u32 $0xF0, s30  }
.Ltmp9:
0x9e: {  	[tilespmem:s0+$0x0] =	vst v0;
	v0 =	vimm.s32 $0xFFFFFFFF;
	[sflag:s29] =	ssyncpa.u1 $0x0;
	s16 =	sshll.u32 s9, $0x8;
	(pc) =	sbr.rel .LBB3_3-.Ltmp9, $4  }
0x9f: {  	[tilespmem:$0xF208] =	vst v0;
	[sflag:s10] =	ssyncpa.u1 $0x0;
	p0 =	sne.s32 s2, s3;
	s2 =	simm.s32 $0x1  }
0xa0: {  	s14 =	sadd.s32 s31, s14;
	[sflag:s4] =	ssyncpa.u1 $0x0;
	s2 =	simm.s32 @!p0 $0x0  }
0xa1: {  	s15 =	sadd.s32 s31, s15;
	[sflag:s11] =	ssyncpa.u1 $0x0;
	s13 =	sadd.s32 s2, s30  }
0xa2: {  	v0 =	vlaneseq.u32;
	s19 =	smov.u32 s7;
	p0 =	por $0x0, $0x0;
	s17 =	sadd.s32 $0x1, s13  }
.LBB3_18:
0xa3: {  	s0 =	sshrl.u32 s31, $0x2  }
.LBB3_20:
0xa4: {  	_ =	swait.ge [sflag:s18], s0  }
0xa5: {  	s31 =	ssub.s32 $0x0, s0;
	v1 =	vmov s24;
	vm0 =	veq.s32 v0, $0x0;
	[sflag:s18] =	ssyncset.done $0x0  }
0xa6: {  	vm15 =	veq.s32 v0, $0x2;
	v1 =	vsel vm0, s30, v1;
	[sflag:s18] =	ssyncadd.s32 s31  }
0xa7: {  	v1 =	vsel vm15, s22, v1;
	[sflag:s18] =	ssyncpa.u1 $0x1  }
0xa8: {  	[tilespmem:$0xF208] =	vst v1  }
.LBB3_21:
0xa9: {  	s0 =	sadd.s32 $0xF0, s19  }
0xaa: {  	s2 =	smov.u32 s7;
	p1 =	slt.s32 s0, s8  }
0xab: {  	s2 =	smov.u32 @p1 s0;
	p1 =	sne.s32 s21, s17  }
.Ltmp10:
0xac: {  	_ = 	snop;
	(pc) =	sbr.rel @!p1 .LBB3_22-.Ltmp10, $3  }
0xad: {  	_ =	sdelay $0x1  }
0xae: {  	s22 =	smov.u32 s20;
	s31 =	sadd.s32 $0x1, s21;
	s20 =	smov.u32 s19  }
0xaf: {  	p0 =	por !p0, !p0;
	s21 =	smov.u32 s31;
	s19 =	smov.u32 s2  }
.LBB3_3:
0xb0: {  	p1 =	sge.u32 s21, s13  }
0xb1: {  	s0 =	smulhi.u32 @!p1 $0xAAAAAAAB, s21  }
0xb2: {  	s2 =	smov.u32 s19;
	p2 =	sgt.s32 @!p1 s19, $0x492F0  }
0xb3: {  	s3 =	sshra.s32 @!p1 s19, $0x1F;
	p2 =	por !p2, p1;
	s0 =	sshrl.u32 @!p1 s0, $0x1  }
0xb4: {  	s3 =	sand.u32 @!p1 s3, s19;
	s2 =	simm.s32 @p2 $0x492F0;
	s0 =	smul.u32 @!p1 $0x3, s0  }
0xb5: {  	s2 =	ssub.s32 @!p1 s2, s3  }
0xb6: {  	s2 =	sadd.s32 @!p1 $0xFFFB6D10, s2;
	s0 =	ssub.s32 @!p1 s21, s0  }
0xb7: {  	s3 =	sshll.u32 @!p1 s2, $0x2;
	p2 =	sgt.s32 @!p1 s2, $0xEF;
	s0 =	smul.u32 @!p1 $0x3C0, s0  }
0xb8: {  	s4 =	sand.u32 @!p1 $0x7, s19;
	s2 =	ssub.s32 @!p1 $0x3C0, s3;
	p2 =	por !p2, p1  }
0xb9: {  	s3 =	sshrl.u32 @!p1 s19, $0x3;
	s2 =	sshrl.u32 @!p1 s2, $0x2;
	s0 =	sshrl.u32 @!p1 s0, $0x2  }
0xba: {  	s3 =	sadd.s32 @!p1 s3, s14;
	s2 =	simm.s32 @!p2 $0x0;
	s0 =	sadd.s32 @!p1 $0x10248, s0  }
0xbb: {  	[tilespmem:s0], [sflag:$0xA] =	stream.linear.gather @!p1 [hbm4b:s3+s4], s2, $0x38;
	[tilespmem:$0x1F6F8] =	vst v63  }
0xbc: {  	s0 =	sadd.s32 $0xFFFFFFFF, s21  }
0xbd: {  	p1 =	sge.u32 s0, s13  }
0xbe: {  	p2 =	sgt.s32 @!p1 s20, $0x492F0  }
0xbf: {  	s2 =	smov.u32 s20;
	s3 =	sshra.s32 @!p1 s20, $0x1F;
	p2 =	por !p2, p1  }
0xc0: {  	s3 =	sand.u32 @!p1 s3, s20;
	s2 =	simm.s32 @p2 $0x492F0  }
0xc1: {  	s2 =	ssub.s32 @!p1 s2, s3  }
0xc2: {  	s2 =	sadd.s32 @!p1 $0xFFFB6D10, s2  }
0xc3: {  	s4 =	smulhi.u32 @!p1 $0xAAAAAAAB, s0;
	s5 =	sand.u32 @!p1 $0x1, s0;
	s3 =	sshll.u32 @!p1 s2, $0x2  }
0xc4: {  	s24 =	smul.u32 @!p1 $0x3C0, s5;
	p2 =	sgt.s32 @!p1 s2, $0xEF;
	s2 =	ssub.s32 @!p1 $0x3C0, s3  }
0xc5: {  	p2 =	por !p2, p1;
	s3 =	sshrl.u32 @!p1 s4, $0x1;
	s2 =	sshrl.u32 @!p1 s2, $0x2  }
0xc6: {  	s4 =	simm.s32 @!p1 $0xA;
	s3 =	smul.u32 @!p1 $0x3, s3;
	s2 =	simm.s32 @!p2 $0x0  }
0xc7: {  	s5 =	smul.u32 @!p1 $0x1E000, s5;
	_ =	swait.ge @!p1 [sflag:s4], s2;
	s23 =	ssub.s32 @!p1 $0x0, s2  }
0xc8: {  	s0 =	ssub.s32 @!p1 s0, s3;
	s3 =	sshrl.u32 @!p1 s20, $0x3;
	[sflag:s4] =	ssyncset.done @!p1 $0x0  }
0xc9: {  	s3 =	sadd.s32 @!p1 s3, s15;
	[sflag:s4] =	ssyncadd.s32 @!p1 s23;
	s4 =	sshrl.u32 @!p1 s24, $0x2  }
0xca: {  	s0 =	smul.u32 @!p1 $0x3C0, s0;
	s23 =	sand.u32 @!p1 $0x7, s20;
	s4 =	sadd.s32 @!p1 $0x10518, s4  }
0xcb: {  	[tilespmem:s4], [sflag:$0xB] =	stream.linear.gather @!p1 [hbm4b:s3+s23], s2, $0x38;
	[tilespmem:$0x1F6F8] =	vst v63  }
0xcc: {  	s0 =	sshrl.u32 @!p1 s0, $0x2;
	s2 =	sshrl.u32 @!p1 s5, $0x2  }
0xcd: {  	s0 =	sadd.s32 @!p1 $0x10248, s0;
	s3 =	simm.s32 @!p1 $0xF0;
	s2 =	sor.u32 @!p1 $0x106F8, s2  }
0xce: {  	[tilespmem:s2], [sflag:$0x9] =	stream.indirect.gather @!p1 [hbm4b:s6+s3], $0x80, s0, s3, $0xb8;
	[tilespmem:$0x1F6F8] =	vst v63  }
0xcf: {  	p1 =	slt.u32 s21, $0x2  }
.Ltmp11:
0xd0: {  	_ = 	snop;
	(pc) =	sbr.rel @p1 .LBB3_21-.Ltmp11, $1  }
0xd1: {  	_ =	sdelay $0x3  }
0xd2: {  	p1 =	sgt.s32 s22, $0x492F0;
	s0 =	smov.u32 s22;
	s2 =	sshra.s32 s22, $0x1F  }
0xd3: {  	s0 =	simm.s32 @!p1 $0x492F0;
	s2 =	sand.u32 s2, s22  }
0xd4: {  	s0 =	ssub.s32 s0, s2  }
0xd5: {  	s0 =	sadd.s32 $0xFFFB6D10, s0  }
0xd6: {  	s29 =	sshll.u32 s0, $0x2  }
0xd7: {  	_ =	swait.ge [sflag:s10], $0x7800;
	s2 =	ssub.s32 $0x3C0, s29  }
0xd8: {  	[sflag:s10] =	ssyncset.done $0x0;
	p1 =	sgt.s32 s0, $0xEF;
	s0 =	sshrl.u32 s2, $0x2  }
0xd9: {  	[sflag:s10] =	ssyncadd.s32 $0xFFFF8800;
	s0 =	simm.s32 @p1 $0x0  }
0xda: {  	_ =	swait.ge [sflag:s11], s0  }
0xdb: {  	s0 =	ssub.s32 $0x0, s0;
	[sflag:s11] =	ssyncset.done $0x0  }
0xdc: {  	[sflag:s11] =	ssyncadd.s32 s0  }
0xdd: {  	v1 =	vld [tilespmem:$0xF208];
	_ =	sdelay $0x4  }
0xde: {  	(v2sf) =	vpush v1, $0x0  }
0xdf: {  	(v2sf) =	vpush v1, $0x1  }
0xe0: {  	(v2sf) =	vpush v1, $0x2;
	_ =	sdelay $0x3  }
0xe1: {  	s0 =	sadd.s32 $0xF0, s22  }
0xe2: {  	s2 =	ssub.s32 $0x927C0, s22;
	p1 =	slt.s32 s8, s0  }
0xe3: {  	s0 =	smov.u32 @p1 s8;
	p1 =	sgt.s32 s2, $0x0  }
0xe4: {  	s26 =	ssub.s32 s0, s22;
	s2 =	simm.s32 @!p1 $0x0  }
0xe5: {  	p1 =	slt.s32 s2, s26  }
0xe6: {  	s26 =	smov.u32 @p1 s2  }
0xe7: {  	s25 =	simm.s32 $0x1;
	p1 =	slt.s32 s26, $0x1  }
.Ltmp12:
0xe8: {  	s25 =	simm.s32 @!p0 $0x0;
	(pc) =	sbr.rel @p1 .LBB3_8-.Ltmp12, $4  }
0xe9: {  	s31 =	smul.u32 $0x3C0, s25  }
0xea: {  	s28 =	spop (v2sf)  }
0xeb: {  	s0 =	sshrl.u32 s31, $0x2;
	s30 =	spop (v2sf)  }
0xec: {  	s23 =	sadd.s32 $0x10518, s0;
	s22 =	spop (v2sf)  }
0xed: {  	s0 =	smin.u32 s26, $0x10  }
0xee: {  	v1 =	vmov s0  }
0xef: {  	p2 =	sgt.s32 s26, $0x10;
	vm1 =	vgt.u32 v1, v0  }
.Ltmp13:
0xf0: {  	_ = 	snop;
	(pc) =	sbr.rel @!p2 .LBB3_7-.Ltmp13, $2  }
0xf1: {  	_ =	sdelay $0x2  }
0xf2: {  	s4 =	simm.s32 $0x10;
	s24 =	sadd.s32 $0xFFFFFFF0, s26;
	s0 =	smov.u32 s23;
	vm0 =	vmmov vm1  }
.LBB3_6:
0xf3: {  	s2 =	smin.u32 s24, $0x10;
	s4 =	sadd.s32 $0x10, s4;
	v1 =	vld.msk [tilespmem:s0+$0x0 ss:$0x1], vm1  }
0xf4: {  	v2 =	vmov s2;
	p2 =	slt.s32 s4, s26  }
0xf5: {  	vm1 =	vgt.u32 v2, v0  }
.Ltmp14:
0xf6: {  	(pc) =	sbr.rel @p2 .LBB3_6-.Ltmp14, $3  }
0xf7: {  	_ =	sdelay $0x1  }
0xf8: {  	v1 =	vshll.u32 v1, $0x4  }
0xf9: {  	s24 =	sadd.s32 $0xFFFFFFF0, s24;
	[tilespmem:s0+$0x0] =	vst.msk vm0, v1;
	s0 =	sadd.s32 $0x10, s0;
	vm0 =	vmmov vm1  }
.LBB3_7:
0xfa: {  	_ =	sdelay $0x4  }
0xfb: {  	v1 =	vld.msk [tilespmem:s0+$0x0 ss:$0x1], vm1;
	_ =	sdelay $0x4  }
0xfc: {  	v1 =	vshll.u32 v1, $0x4  }
0xfd: {  	[tilespmem:s0+$0x0] =	vst.msk vm0, v1  }
.LBB3_8:
0xfe: {  	s0 =	sand.u32 $0x1, s21  }
0xff: {  	s0 =	smul.u32 $0xF0, s0  }
0x100: {  	p2 =	sne.s32 s30, $0xFFFFFFFF  }
0x101: {  	v1 =	vld.msk @!p2 [tilespmem:s0+$0x10518], $0x1;
	_ =	sdelay $0x4  }
0x102: {  	(v2sf) =	vpush @!p2 v1, $0x0;
	_ =	sdelay $0xc  }
.Ltmp15:
0x103: {  	_ = 	snop;
	(pc) =	sbr.rel @p1 .LBB3_19-.Ltmp15, $4  }
0x104: {  	_ = 	snop  }
0x105: {  	s29 =	spop @!p2 (v2sf)  }
0x106: {  	s22 =	simm.s32 @!p2 $0x0;
	s24 =	smov.u32 s29  }
0x107: {  	[sflag:s18] =	ssyncpa.u1 $0x0;
	s29 =	smov.u32 @p2 s28;
	s24 =	smov.u32 @p2 s30  }
0x108: {  	v1 =	vld.msk [tilespmem:s23+$0x0], $0x1;
	_ =	sdelay $0x4  }
0x109: {  	(v2sf) =	vpush v1, $0x0;
	_ =	sdelay $0xe  }
0x10a: {  	s2 =	smul.u32 $0x1E000, s25;
	s0 =	spop (v2sf)  }
0x10b: {  	s26 =	ssub.s32 $0x0, s26;
	p1 =	seq.s32 s29, s0  }
0x10c: {  	s30 =	sadd.s32 $0x1, s26;
	s2 =	sshrl.u32 s2, $0x2;
	p2 =	sgt.s32 @!p1 s29, $0x0  }
0x10d: {  	s25 =	sor.u32 $0x10738, s2;
	s2 =	smov.u32 s29;
	p2 =	por !p2, p1  }
0x10e: {  	s2 =	simm.s32 @p2 $0x0;
	p2 =	seq.s32 s30, $0x0  }
.Ltmp16:
0x10f: {  	_ = 	snop;
	(pc) =	sbr.rel @p2 .LBB3_11-.Ltmp16, $4  }
0x110: {  	_ = 	snop  }
0x111: {  	s28 =	simm.s32 $0x0;
	s31 =	sadd.s32 $0x1, s23;
	s2 =	smin.u32 @!p1 s2, $0xC34F0  }
0x112: {  	s4 =	simm.s32 @!p1 $0x1;
	s5 =	simm.s32 @!p1 $0x7988;
	s3 =	sand.u32 @!p1 $0xFFFF8, s2  }
0x113: {  	s4 =	smov.u32 @p1 s28;
	s2 =	sand.u32 @!p1 $0x7, s2;
	s3 =	sadd.s32 @!p1 s1, s3  }
.LBB3_10:
0x114: {  	s9 =	smov.u32 s4  }
0x115: {  	[tilespmem:s5], [sflag:$0x2] =	stream.linear.gather @!p1 [hbm4b:s3+s2], $0x80, $0x38;
	[tilespmem:$0x1F6F8] =	vst v63  }
0x116: {  	s30 =	sadd.s32 $0x1, s30;
	s2 =	smov.u32 s0;
	v1 =	vld.msk [tilespmem:s31+$0x0], $0x1  }
0x117: {  	p2 =	seq.s32 s30, $0x0;
	_ =	sdelay $0x3  }
0x118: {  	(v2sf) =	vpush v1, $0x0;
	_ =	sdelay $0xe  }
0x119: {  	s0 =	spop (v2sf)  }
0x11a: {  	p1 =	seq.s32 s2, s0  }
0x11b: {  	p3 =	sgt.s32 @!p1 s2, $0x0;
	s3 =	sshll.u32 @!p1 s4, $0x9;
	s4 =	sadd.s32 @!p1 $0x1, s4  }
.Ltmp17:
0x11c: {  	p3 =	por !p3, p1;
	s3 =	sshra.s32 @!p1 s3, $0x2;
	(pc) =	sbr.rel @!p2 .LBB3_10-.Ltmp17, $4  }
0x11d: {  	s4 =	smov.u32 @p1 s9;
	s2 =	simm.s32 @p3 $0x0;
	s5 =	sadd.s32 @!p1 $0x7988, s3  }
0x11e: {  	s2 =	smin.u32 @!p1 s2, $0xC34F0  }
0x11f: {  	s3 =	sand.u32 @!p1 $0xFFFF8, s2;
	s2 =	sand.u32 @!p1 $0x7, s2  }
0x120: {  	s31 =	sadd.s32 $0x1, s31;
	s3 =	sadd.s32 @!p1 s1, s3  }
.LBB3_11:
0x121: {  	[tilespmem:s5], [sflag:$0x2] =	stream.linear.gather @!p1 [hbm4b:s3+s2], $0x80, $0x38;
	[tilespmem:$0x1F6F8] =	vst v63  }
.Ltmp18:
0x122: {  	s0 =	sshll.u32 s4, $0x7;
	(pc) =	sbr.rel .LBB3_12-.Ltmp18, $4  }
0x123: {  	s30 =	simm.s32 $0x2;
	s0 =	sand.u32 $0x3FFFFF80, s0  }
0x124: {  	_ =	swait.ge [sflag:s30], s0  }
0x125: {  	s0 =	ssub.s32 $0x0, s0;
	[sflag:s30] =	ssyncset.done $0x0  }
0x126: {  	s31 =	simm.s32 $0x0;
	[sflag:s30] =	ssyncadd.s32 s0  }
.LBB3_13:
0x127: {  	v1 =	vld [tilespmem:s25+$0xFFFFFFC0];
	_ =	sdelay $0x3  }
0x128: {  	s0 =	sshra.s32 s0, $0x2  }
0x129: {  	[tilespmem:s0+$0x108] =	vst.add.f32.msk $0xffff, v1  }
0x12a: {  	v1 =	vld [tilespmem:s25+$0xFFFFFFD0];
	_ =	sdelay $0x4  }
0x12b: {  	[tilespmem:s0+$0x118] =	vst.add.f32.msk $0xffff, v1  }
0x12c: {  	v1 =	vld [tilespmem:s25+$0xFFFFFFE0];
	_ =	sdelay $0x4  }
0x12d: {  	[tilespmem:s0+$0x128] =	vst.add.f32.msk $0xffff, v1  }
0x12e: {  	v1 =	vld [tilespmem:s25+$0xFFFFFFF0];
	_ =	sdelay $0x4  }
0x12f: {  	[tilespmem:s0+$0x138] =	vst.add.f32.msk $0xffff, v1  }
0x130: {  	v1 =	vld [tilespmem:s25+$0x0];
	_ =	sdelay $0x4  }
0x131: {  	[tilespmem:s0+$0x148] =	vst.add.f32.msk $0xffff, v1  }
0x132: {  	v1 =	vld [tilespmem:s25+$0x10];
	_ =	sdelay $0x4  }
0x133: {  	[tilespmem:s0+$0x158] =	vst.add.f32.msk $0xffff, v1  }
0x134: {  	v1 =	vld [tilespmem:s25+$0x20];
	_ =	sdelay $0x4  }
0x135: {  	[tilespmem:s0+$0x168] =	vst.add.f32.msk $0xffff, v1  }
0x136: {  	v1 =	vld [tilespmem:s25+$0x30];
	_ =	sdelay $0x4  }
0x137: {  	[tilespmem:s0+$0x178] =	vst.add.f32.msk $0xffff, v1  }
.LBB3_17:
0x138: {  	s26 =	sadd.s32 $0x1, s26  }
0x139: {  	p1 =	seq.s32 s26, $0x0  }
.Ltmp19:
0x13a: {  	_ = 	snop;
	(pc) =	sbr.rel @p1 .LBB3_18-.Ltmp19, $2  }
0x13b: {  	_ =	sdelay $0x2  }
0x13c: {  	s23 =	sadd.s32 $0x1, s23;
	s25 =	sadd.s32 $0x80, s25;
	s29 =	smov.u32 s30  }
.LBB3_12:
0x13d: {  	v1 =	vld.msk [tilespmem:s23+$0x0], $0x1;
	_ =	sdelay $0x4  }
0x13e: {  	(v2sf) =	vpush v1, $0x0;
	_ =	sdelay $0xe  }
0x13f: {  	s30 =	spop (v2sf)  }
0x140: {  	p1 =	sne.s32 s29, s30  }
.Ltmp20:
0x141: {  	_ = 	snop;
	(pc) =	sbr.rel @!p1 .LBB3_13-.Ltmp20, $2  }
0x142: {  	_ =	sdelay $0x2  }
0x143: {  	s0 =	sshll.u32 s22, $0x9  }
0x144: {  	p1 =	seq.s32 s29, s24  }
.Ltmp21:
0x145: {  	_ = 	snop;
	(pc) =	sbr.rel @!p1 .LBB3_15-.Ltmp21, $1  }
0x146: {  	_ =	sdelay $0x3  }
0x147: {  	s0 =	sshra.s32 s0, $0x2  }
.Ltmp22:
0x148: {  	s0 =	sadd.s32 $0x108, s0;
	(pc) =	sbr.rel .LBB3_16-.Ltmp22, $4  }
0x149: {  	[spmem:s16] =	stream.linear.scatter [tilespmem:s0], [sflag:$0x1], $0x80, $0x38;
	[tilespmem:$0x1F6F8] =	vst v63  }
0x14a: {  	_ =	swait.ge [sflag:s12], $0x80  }
0x14b: {  	[sflag:s12] =	ssyncset.done $0x0  }
0x14c: {  	[sflag:s12] =	ssyncadd.s32 $0xFFFFFF80  }
.LBB3_15:
0x14d: {  	s2 =	sshll.u32 s28, $0x9  }
0x14e: {  	s2 =	sshra.s32 s2, $0x2  }
0x14f: {  	v1 =	vld [tilespmem:s2+$0x7988];
	_ =	sdelay $0x3  }
0x150: {  	s0 =	sshra.s32 s0, $0x2  }
0x151: {  	[tilespmem:s0+$0x108] =	vst.add.f32.msk $0xffff, v1  }
0x152: {  	v1 =	vld [tilespmem:s2+$0x7998];
	_ =	sdelay $0x4  }
0x153: {  	[tilespmem:s0+$0x118] =	vst.add.f32.msk $0xffff, v1  }
0x154: {  	v1 =	vld [tilespmem:s2+$0x79A8];
	_ =	sdelay $0x4  }
0x155: {  	[tilespmem:s0+$0x128] =	vst.add.f32.msk $0xffff, v1  }
0x156: {  	v1 =	vld [tilespmem:s2+$0x79B8];
	_ =	sdelay $0x4  }
0x157: {  	[tilespmem:s0+$0x138] =	vst.add.f32.msk $0xffff, v1  }
0x158: {  	v1 =	vld [tilespmem:s2+$0x79C8];
	_ =	sdelay $0x4  }
0x159: {  	[tilespmem:s0+$0x148] =	vst.add.f32.msk $0xffff, v1  }
0x15a: {  	v1 =	vld [tilespmem:s2+$0x79D8];
	_ =	sdelay $0x4  }
0x15b: {  	[tilespmem:s0+$0x158] =	vst.add.f32.msk $0xffff, v1  }
0x15c: {  	v1 =	vld [tilespmem:s2+$0x79E8];
	_ =	sdelay $0x4  }
0x15d: {  	[tilespmem:s0+$0x168] =	vst.add.f32.msk $0xffff, v1  }
0x15e: {  	v1 =	vld [tilespmem:s2+$0x79F8];
	_ =	sdelay $0x2  }
0x15f: {  	p1 =	sgt.u32 s29, $0xC34F0  }
0x160: {  	s2 =	sand.u32 @!p1 $0xFFFF8, s29  }
0x161: {  	s3 =	sadd.s32 $0x108, s0;
	[tilespmem:s0+$0x178] =	vst.add.f32.msk $0xffff, v1;
	s0 =	sadd.s32 @!p1 s1, s2;
	s2 =	sand.u32 @!p1 $0x7, s29  }
0x162: {  	[hbm4b:s0+s2] =	stream.linear.scatter @!p1 [tilespmem:s3], [sflag:$0xC], $0x80, $0x38;
	[tilespmem:$0x1F6F8] =	vst v63  }
0x163: {  	s0 =	simm.s32 $0x0  }
0x164: {  	s0 =	simm.s32 @!p1 $0x200  }
0x165: {  	s31 =	sadd.s32 s0, s31  }
.LBB3_16:
0x166: {  	s0 =	sadd.s32 $0x1, s22  }
0x167: {  	s2 =	smulhi.u32 $0x88888889, s0;
	_ =	sdelay $0x1  }
0x168: {  	v1 =	vld [tilespmem:s25+$0xFFFFFFC0];
	s2 =	sshrl.u32 s2, $0x7  }
0x169: {  	s2 =	smul.u32 $0xF0, s2;
	_ =	sdelay $0x1  }
0x16a: {  	s22 =	ssub.s32 s0, s2  }
0x16b: {  	s0 =	sshll.u32 s22, $0x7  }
0x16c: {  	[tilespmem:s0+$0x108] =	vst v1  }
0x16d: {  	v1 =	vld [tilespmem:s25+$0xFFFFFFD0];
	_ =	sdelay $0x4  }
0x16e: {  	[tilespmem:s0+$0x118] =	vst v1  }
0x16f: {  	v1 =	vld [tilespmem:s25+$0xFFFFFFE0];
	_ =	sdelay $0x4  }
0x170: {  	[tilespmem:s0+$0x128] =	vst v1  }
0x171: {  	v1 =	vld [tilespmem:s25+$0xFFFFFFF0];
	_ =	sdelay $0x4  }
0x172: {  	[tilespmem:s0+$0x138] =	vst v1  }
0x173: {  	v1 =	vld [tilespmem:s25+$0x0];
	_ =	sdelay $0x4  }
0x174: {  	[tilespmem:s0+$0x148] =	vst v1  }
0x175: {  	v1 =	vld [tilespmem:s25+$0x10];
	_ =	sdelay $0x4  }
0x176: {  	[tilespmem:s0+$0x158] =	vst v1  }
0x177: {  	v1 =	vld [tilespmem:s25+$0x20];
	_ =	sdelay $0x4  }
0x178: {  	[tilespmem:s0+$0x168] =	vst v1  }
0x179: {  	v1 =	vld [tilespmem:s25+$0x30]  }
.Ltmp23:
0x17a: {  	_ = 	snop;
	(pc) =	sbr.rel .LBB3_17-.Ltmp23, $2  }
0x17b: {  	_ =	sdelay $0x2  }
0x17c: {  	s28 =	sadd.s32 $0x1, s28;
	[tilespmem:s0+$0x178] =	vst v1  }
.LBB3_19:
.Ltmp24:
0x17d: {  	(pc) =	sbr.rel .LBB3_20-.Ltmp24, $4  }
0x17e: {  	_ = 	snop  }
0x17f: {  	s0 =	simm.s32 $0x2  }
0x180: {  	_ =	swait.ge [sflag:s0], $0x0  }
0x181: {  	s30 =	smov.u32 s29;
	[sflag:s0] =	ssyncset.done $0x0;
	s0 =	simm.s32 $0x0  }
.LBB3_22:
0x182: {  	_ =	sfence.sel $0x180000  }
0x183: {  	s0 =	simm.s32 $0x9;
	[bflag:$0x0] =	sbarrier.arrive $0xFFFF  }
0x184: {  	s24 =	simm.s32 $0xA;
	[sflag:s0] =	ssyncpa.u1 $0x1  }
0x185: {  	s25 =	simm.s32 $0xB;
	[sflag:s24] =	ssyncpa.u1 $0x1  }
0x186: {  	s26 =	simm.s32 $0x2;
	[sflag:s25] =	ssyncpa.u1 $0x1  }
0x187: {  	[sflag:s26] =	ssyncpa.u1 $0x1  }
0x188: {  	v0 =	vld [tilespmem:$0xF208];
	_ =	sdelay $0x4  }
0x189: {  	(v2sf) =	vpush v0, $0x0  }
0x18a: {  	(v2sf) =	vpush v0, $0x1;
	_ =	sdelay $0x1  }
0x18b: {  	(v2sf) =	vpush v0, $0x2;
	_ =	sdelay $0xb  }
0x18c: {  	s0 =	spop (v2sf)  }
0x18d: {  	s2 =	spop (v2sf)  }
0x18e: {  	s3 =	smov.u32 s0;
	p0 =	sne.s32 s0, s2  }
0x18f: {  	s4 =	spop (v2sf);
	s3 =	simm.s32 @!p0 $0xFFFFFFFF  }
0x190: {  	v2 =	vimm.s32 $0x1;
	v3 =	vlaneseq.u32;
	p0 =	seq.s32 s4, $0xFFFFFFFF;
	v1 =	vmov s3  }
0x191: {  	s16 =	stileid.u32;
	v0 =	vperm.xlane v0, v2;
	p1 =	sne.s32 @!p0 s0, s2;
	v1 =	vperm.xlane v1, v3  }
0x192: {  	vm0 =	vcmask $0x3F04;
	s6 =	simm.s32 $0xF208;
	s0 =	simm.s32 @!p0 $0x1;
	p1 =	por !p1, p0  }
0x193: {  	s3 =	sshll.u32 s16, $0x1;
	s2 =	sshll.u32 @!p0 s4, $0x9;
	s0 =	simm.s32 @p1 $0x0;
	v0 =	vsel vm0, v1, v0  }
0x194: {  	s5 =	sor.u32 $0x1000, s3;
	s2 =	sshra.s32 @!p0 s2, $0x2;
	s0 =	sor.u32 @!p0 s0, s3;
	[tilespmem:$0xF208] =	vst v0  }
0x195: {  	[spmem:s5] =	stream.linear.scatter [tilespmem:s6], [sflag:$0x1], $0x2, $0x38;
	[tilespmem:$0x1F6F8] =	vst v63  }
0x196: {  	s2 =	sadd.s32 @!p0 $0x108, s2;
	s0 =	sshll.u32 @!p0 s0, $0x7  }
0x197: {  	[spmem:s0] =	stream.linear.scatter @!p0 [tilespmem:s2], [sflag:$0x1], $0x80, $0x38;
	[tilespmem:$0x1F6F8] =	vst v63  }
0x198: {  	s0 =	simm.s32 @!p0 $0x82  }
0x199: {  	s28 =	simm.s32 $0x1;
	s0 =	simm.s32 @p0 $0x2  }
0x19a: {  	_ =	swait.ge [sflag:s28], s0  }
0x19b: {  	s0 =	ssub.s32 $0x0, s0;
	[sflag:s28] =	ssyncset.done $0x0  }
0x19c: {  	p0 =	sne.s32 s16, $0x0;
	[sflag:s28] =	ssyncadd.s32 s0  }
.Ltmp25:
0x19d: {  	_ =	sfence.stream.spmem;
	(pc) =	sbr.rel @p0 .LBB3_39-.Ltmp25, $4  }
0x19e: {  	s29 =	simm.s32 $0x3;
	[bflag:$0x0] =	sbarrier.arrive $0xFFFF  }
0x19f: {  	s30 =	simm.s32 $0x4;
	[sflag:s29] =	ssyncpa.u1 $0x1  }
0x1a0: {  	s31 =	simm.s32 $0x3C;
	[sflag:s30] =	ssyncpa.u1 $0x1  }
0x1a1: {  	s15 =	rddreg [dreg:$0x4];
	[sflag:s31] =	ssyncpa.u1 $0x1  }
0x1a2: {  	_ =	sfence.stream.spmem;
	s0 =	simm.s32 $0x5  }
0x1a3: {  	s2 =	simm.s32 $0x1000;
	s3 =	simm.s32 $0xF218;
	[sflag:s0] =	ssyncpa.u1 $0x0  }
0x1a4: {  	[tilespmem:s3], [sflag:$0x5] =	stream.linear.gather [spmem:s2], $0x20, $0x38;
	[tilespmem:$0x1F6F8] =	vst v63  }
0x1a5: {  	s26 =	simm.s32 $0x0;
	s28 =	simm.s32 $0xF238  }
0x1a6: {  	[tilespmem:s28], [sflag:$0x5] =	stream.linear.gather [spmem:s26], $0x1000, $0x38;
	[tilespmem:$0x1F6F8] =	vst v63  }
0x1a7: {  	_ =	swait.ge [sflag:s0], $0x1020  }
0x1a8: {  	[sflag:s0] =	ssyncset.done $0x0  }
0x1a9: {  	s29 =	simm.s32 $0x0;
	[sflag:s0] =	ssyncadd.s32 $0xFFFFEFE0  }
0x1aa: {  	v0 =	vld.msk [tilespmem:s29+$0xF218], $0x1;
	_ =	sdelay $0x1  }
0x1ab: {  	s30 =	simm.s32 $0x1  }
0x1ac: {  	v1 =	vld.msk [tilespmem:s30+$0xF218], $0x1;
	_ =	sdelay $0x1  }
0x1ad: {  	(v2sf) =	vpush v0, $0x0;
	_ =	sdelay $0x2  }
0x1ae: {  	(v2sf) =	vpush v1, $0x0;
	_ =	sdelay $0x2  }
0x1af: {  	s31 =	simm.s32 $0x2  }
0x1b0: {  	v0 =	vld.msk [tilespmem:s31+$0xF218], $0x1;
	_ =	sdelay $0x2  }
0x1b1: {  	s4 =	simm.s32 $0xFFFFFFFF;
	s5 =	simm.s32 $0xFFFFFFFF;
	s0 =	simm.s32 $0xC  }
.LBB3_24:
0x1b2: {  	s2 =	smov.u32 s5;
	s3 =	smov.u32 s4  }
0x1b3: {  	s4 =	sshra.s32 s0, $0x2;
	p1 =	sne.s32 s0, $0x7C;
	s0 =	sadd.s32 $0x4, s0;
	(v2sf) =	vpush v0, $0x0  }
0x1b4: {  	v0 =	vld.msk [tilespmem:s4+$0xF218], $0x1  }
.Ltmp26:
0x1b5: {  	(pc) =	sbr.rel @p1 .LBB3_24-.Ltmp26, $4  }
0x1b6: {  	s5 =	spop (v2sf)  }
0x1b7: {  	p2 =	sne.s32 s3, $0xFFFFFFFF;
	s4 =	smov.u32 s5  }
0x1b8: {  	p3 =	seq.s32 s5, $0xFFFFFFFF;
	s4 =	smov.u32 @p2 s3  }
0x1b9: {  	s5 =	smov.u32 @p3 s2;
	s4 =	smov.u32 @p3 s3  }
0x1ba: {  	(v2sf) =	vpush v0, $0x0;
	_ =	sdelay $0x8  }
0x1bb: {  	s0 =	spop (v2sf)  }
0x1bc: {  	p1 =	sne.s32 s4, $0xFFFFFFFF;
	s2 =	smov.u32 s0  }
0x1bd: {  	s9 =	simm.s32 $0x6;
	p2 =	seq.s32 s0, $0xFFFFFFFF;
	s2 =	smov.u32 @p1 s4  }
0x1be: {  	s6 =	simm.s32 $0x0;
	s2 =	smov.u32 @p2 s4;
	s3 =	spop (v2sf)  }
0x1bf: {  	s0 =	smov.u32 @p2 s5;
	p1 =	sne.s32 s2, $0xFFFFFFFF;
	s4 =	smov.u32 s3  }
.Ltmp27:
0x1c0: {  	p2 =	seq.s32 s3, $0xFFFFFFFF;
	s4 =	smov.u32 @p1 s2;
	(pc) =	sbr.rel .LBB3_26-.Ltmp27, $4  }
0x1c1: {  	s10 =	simm.s32 $0xF188;
	s4 =	smov.u32 @p2 s2;
	s7 =	spop (v2sf)  }
0x1c2: {  	s11 =	simm.s32 $0x0;
	p1 =	sne.s32 s4, $0xFFFFFFFF;
	s8 =	smov.u32 s7  }
0x1c3: {  	s3 =	smov.u32 @p2 s0;
	p2 =	seq.s32 s7, $0xFFFFFFFF;
	s8 =	smov.u32 @p1 s4  }
0x1c4: {  	[sflag:s9] =	ssyncpa.u1 $0x0;
	s7 =	smov.u32 @p2 s3;
	s8 =	smov.u32 @p2 s4  }
.LBB3_32:
0x1c5: {  	p1 =	sgt.u32 s12, $0xC34F0  }
0x1c6: {  	p2 =	seq.s32 @!p1 s12, s8  }
0x1c7: {  	p1 =	por p1, p2  }
0x1c8: {  	p2 =	sne.s32 @!p1 s12, s7  }
0x1c9: {  	p1 =	por p1, !p2  }
0x1ca: {  	s0 =	sshll.u32 @p1 s11, $0x9  }
0x1cb: {  	s0 =	sand.u32 @!p1 $0xFFFF8, s12  }
0x1cc: {  	s2 =	sand.u32 @!p1 $0x7, s12;
	s0 =	sadd.s32 @!p1 s1, s0  }
0x1cd: {  	[tilespmem:s10], [sflag:$0x6] =	stream.linear.gather @!p1 [hbm4b:s0+s2], $0x80, $0x38;
	[tilespmem:$0x1F6F8] =	vst v63  }
0x1ce: {  	_ =	swait.ge @!p1 [sflag:s9], $0x80  }
0x1cf: {  	[sflag:s9] =	ssyncset.done @!p1 $0x0  }
0x1d0: {  	[sflag:s9] =	ssyncadd.s32 @!p1 $0xFFFFFF80  }
0x1d1: {  	v1 =	vld @!p1 [tilespmem:$0xF188];
	_ =	sdelay $0x2  }
0x1d2: {  	s0 =	sshll.u32 @!p1 s11, $0x9  }
0x1d3: {  	s2 =	sshrl.u32 @!p1 s0, $0x2  }
0x1d4: {  	[tilespmem:s2+$0xF238] =	vst.add.f32.msk @!p1 $0xffff, v1  }
0x1d5: {  	v1 =	vld @!p1 [tilespmem:$0xF198];
	_ =	sdelay $0x4  }
0x1d6: {  	[tilespmem:s2+$0xF248] =	vst.add.f32.msk @!p1 $0xffff, v1  }
0x1d7: {  	v1 =	vld @!p1 [tilespmem:$0xF1A8];
	_ =	sdelay $0x4  }
0x1d8: {  	[tilespmem:s2+$0xF258] =	vst.add.f32.msk @!p1 $0xffff, v1  }
0x1d9: {  	v1 =	vld @!p1 [tilespmem:$0xF1B8];
	_ =	sdelay $0x4  }
0x1da: {  	[tilespmem:s2+$0xF268] =	vst.add.f32.msk @!p1 $0xffff, v1  }
0x1db: {  	v1 =	vld @!p1 [tilespmem:$0xF1C8];
	_ =	sdelay $0x4  }
0x1dc: {  	[tilespmem:s2+$0xF278] =	vst.add.f32.msk @!p1 $0xffff, v1  }
0x1dd: {  	v1 =	vld @!p1 [tilespmem:$0xF1D8];
	_ =	sdelay $0x4  }
0x1de: {  	[tilespmem:s2+$0xF288] =	vst.add.f32.msk @!p1 $0xffff, v1  }
0x1df: {  	v1 =	vld @!p1 [tilespmem:$0xF1E8];
	_ =	sdelay $0x4  }
0x1e0: {  	[tilespmem:s2+$0xF298] =	vst.add.f32.msk @!p1 $0xffff, v1  }
0x1e1: {  	v1 =	vld @!p1 [tilespmem:$0xF1F8];
	_ =	sdelay $0x4  }
0x1e2: {  	[tilespmem:s2+$0xF2A8] =	vst.add.f32.msk @!p1 $0xffff, v1  }
0x1e3: {  	s0 =	sshrl.u32 s0, $0x2;
	[tilespmem:s6+$0xF218] =	vst.msk $0x1, v0  }
0x1e4: {  	v0 =	vld [tilespmem:s0+$0xF238];
	_ =	sdelay $0x2  }
0x1e5: {  	s31 =	sshll.u32 s6, $0x9  }
0x1e6: {  	s2 =	sshra.s32 s31, $0x2  }
0x1e7: {  	[tilespmem:s2+$0xF238] =	vst v0  }
0x1e8: {  	v0 =	vld [tilespmem:s0+$0xF248];
	_ =	sdelay $0x4  }
0x1e9: {  	[tilespmem:s2+$0xF248] =	vst v0  }
0x1ea: {  	v0 =	vld [tilespmem:s0+$0xF258];
	_ =	sdelay $0x4  }
0x1eb: {  	[tilespmem:s2+$0xF258] =	vst v0  }
0x1ec: {  	v0 =	vld [tilespmem:s0+$0xF268];
	_ =	sdelay $0x4  }
0x1ed: {  	[tilespmem:s2+$0xF268] =	vst v0  }
0x1ee: {  	v0 =	vld [tilespmem:s0+$0xF278];
	_ =	sdelay $0x4  }
0x1ef: {  	[tilespmem:s2+$0xF278] =	vst v0  }
0x1f0: {  	v0 =	vld [tilespmem:s0+$0xF288];
	_ =	sdelay $0x4  }
0x1f1: {  	[tilespmem:s2+$0xF288] =	vst v0  }
0x1f2: {  	v0 =	vld [tilespmem:s0+$0xF298];
	_ =	sdelay $0x4  }
0x1f3: {  	[tilespmem:s2+$0xF298] =	vst v0  }
0x1f4: {  	v0 =	vld [tilespmem:s0+$0xF2A8];
	_ =	sdelay $0x4  }
0x1f5: {  	s6 =	sadd.s32 $0x1, s6;
	[tilespmem:s2+$0xF2A8] =	vst v0  }
.LBB3_33:
0x1f6: {  	s11 =	sadd.s32 $0x1, s11  }
0x1f7: {  	p1 =	sne.s32 s11, $0x20  }
.Ltmp28:
0x1f8: {  	_ = 	snop;
	(pc) =	sbr.rel @!p1 .LBB3_34-.Ltmp28, $1  }
0x1f9: {  	_ =	sdelay $0x3  }
.LBB3_26:
0x1fa: {  	v0 =	vld.msk [tilespmem:s11+$0xF218], $0x1;
	_ =	sdelay $0x4  }
0x1fb: {  	(v2sf) =	vpush v0, $0x0;
	_ =	sdelay $0xe  }
0x1fc: {  	s12 =	spop (v2sf)  }
0x1fd: {  	p1 =	seq.s32 s12, $0xFFFFFFFF  }
.Ltmp29:
0x1fe: {  	_ = 	snop;
	(pc) =	sbr.rel @p1 .LBB3_33-.Ltmp29, $1  }
0x1ff: {  	_ =	sdelay $0x3  }
0x200: {  	p1 =	slt.s32 s6, $0x1  }
.Ltmp30:
0x201: {  	_ = 	snop;
	(pc) =	sbr.rel @p1 .LBB3_32-.Ltmp30, $1  }
0x202: {  	_ =	sdelay $0x3  }
0x203: {  	s13 =	simm.s32 $0xF218;
	p1 =	por $0x0, $0x0  }
0x204: {  	v1 =	vld.msk @!p1 [tilespmem:s13+$0x0], $0x1;
	_ =	sdelay $0x4  }
0x205: {  	(v2sf) =	vpush @!p1 v1, $0x0;
	_ =	sdelay $0xd  }
0x206: {  	p3 =	sne.s32 s6, $0x1  }
.Ltmp31:
0x207: {  	s0 =	spop @!p1 (v2sf);
	(pc) =	sbr.rel @!p3 .LBB3_30-.Ltmp31, $4  }
0x208: {  	p2 =	seq.s32 @!p1 s12, s0  }
0x209: {  	s14 =	simm.s32 $0x0;
	p2 =	por !p2, p1  }
0x20a: {  	s2 =	simm.s32 $0xFFFFFFFF;
	s14 =	simm.s32 @p2 $0xFFFFFFFF  }
0x20b: {  	s0 =	simm.s32 $0x1;
	s14 =	smov.u32 @p1 s2  }
.LBB3_29:
0x20c: {  	s2 =	smov.u32 s14;
	p1 =	sne.s32 s14, $0xFFFFFFFF  }
0x20d: {  	s13 =	sadd.s32 $0x1, s13;
	s14 =	smov.u32 s0;
	s0 =	sadd.s32 $0x1, s0  }
0x20e: {  	p2 =	sne.s32 s6, s0;
	v1 =	vld.msk @!p1 [tilespmem:s13+$0x0], $0x1;
	_ =	sdelay $0x4  }
0x20f: {  	(v2sf) =	vpush @!p1 v1, $0x0;
	_ =	sdelay $0xe  }
.Ltmp32:
0x210: {  	s3 =	spop @!p1 (v2sf);
	(pc) =	sbr.rel @p2 .LBB3_29-.Ltmp32, $4  }
0x211: {  	p3 =	seq.s32 @!p1 s12, s3  }
0x212: {  	p3 =	por !p3, p1  }
0x213: {  	s14 =	simm.s32 @p3 $0xFFFFFFFF  }
0x214: {  	s14 =	smov.u32 @p1 s2  }
.LBB3_30:
0x215: {  	p1 =	seq.s32 s14, $0xFFFFFFFF  }
.Ltmp33:
0x216: {  	_ = 	snop;
	(pc) =	sbr.rel @p1 .LBB3_32-.Ltmp33, $1  }
0x217: {  	_ =	sdelay $0x3  }
0x218: {  	s0 =	sshll.u32 s11, $0x7  }
0x219: {  	s0 =	sand.u32 $0x3FFFFF80, s0  }
0x21a: {  	v0 =	vld [tilespmem:s0+$0xF238];
	_ =	sdelay $0x2  }
0x21b: {  	s2 =	sshll.u32 s14, $0x9  }
0x21c: {  	s2 =	sshra.s32 s2, $0x2  }
0x21d: {  	[tilespmem:s2+$0xF238] =	vst.add.f32.msk $0xffff, v0  }
0x21e: {  	v0 =	vld [tilespmem:s0+$0xF248];
	_ =	sdelay $0x4  }
0x21f: {  	[tilespmem:s2+$0xF248] =	vst.add.f32.msk $0xffff, v0  }
0x220: {  	v0 =	vld [tilespmem:s0+$0xF258];
	_ =	sdelay $0x4  }
0x221: {  	[tilespmem:s2+$0xF258] =	vst.add.f32.msk $0xffff, v0  }
0x222: {  	v0 =	vld [tilespmem:s0+$0xF268];
	_ =	sdelay $0x4  }
0x223: {  	[tilespmem:s2+$0xF268] =	vst.add.f32.msk $0xffff, v0  }
0x224: {  	v0 =	vld [tilespmem:s0+$0xF278];
	_ =	sdelay $0x4  }
0x225: {  	[tilespmem:s2+$0xF278] =	vst.add.f32.msk $0xffff, v0  }
0x226: {  	v0 =	vld [tilespmem:s0+$0xF288];
	_ =	sdelay $0x4  }
0x227: {  	[tilespmem:s2+$0xF288] =	vst.add.f32.msk $0xffff, v0  }
0x228: {  	v0 =	vld [tilespmem:s0+$0xF298];
	_ =	sdelay $0x4  }
0x229: {  	[tilespmem:s2+$0xF298] =	vst.add.f32.msk $0xffff, v0  }
0x22a: {  	v0 =	vld [tilespmem:s0+$0xF2A8]  }
.Ltmp34:
0x22b: {  	_ = 	snop;
	(pc) =	sbr.rel .LBB3_33-.Ltmp34, $2  }
0x22c: {  	_ =	sdelay $0x2  }
0x22d: {  	[tilespmem:s2+$0xF2A8] =	vst.add.f32.msk $0xffff, v0  }
.LBB3_34:
0x22e: {  	s0 =	simm.s32 $0x6;
	p1 =	seq.s32 s6, $0x0  }
0x22f: {  	[sflag:s0] =	ssyncpa.u1 $0x1;
	v0 =	vimm.s32 @p1 $0xFFFFFFFF  }
0x230: {  	s9 =	sadd.s32 $0xFFFFFFFF, s6;
	[tilespmem:$0x10238] =	vst @p1 v0  }
0x231: {  	v0 =	vld.msk @!p1 [tilespmem:s9+$0xF218], $0x1;
	_ =	sdelay $0x1  }
0x232: {  	v1 =	vld.msk @!p1 [tilespmem:$0xF218], $0x1;
	_ =	sdelay $0x2  }
0x233: {  	p2 =	seq.s32 @!p1 s9, $0x0;
	v0 =	vbroadcast @!p1 v0, $0x0  }
0x234: {  	vm0 =	vmmov @!p1 $0x1;
	p2 =	por !p2, p1  }
0x235: {  	v1 =	vnsel @!p1 vm0, $0xFFFFFFFF, v1;
	vm0 =	vcmask @!p1 $0x308;
	v0 =	vpsel !p2, $0xFFFFFFFF, v0  }
0x236: {  	p2 =	sne.s32 @!p1 s8, s7;
	v0 =	vsel @!p1 vm0, v1, v0  }
0x237: {  	s0 =	simm.s32 @!p1 $0xF238;
	s2 =	simm.s32 @!p1 $0x0;
	p3 =	por !p2, p1;
	[tilespmem:$0x10238] =	vst @!p1 v0  }
0x238: {  	[spmem:s2] =	stream.linear.scatter @!p1 [tilespmem:s0], [sflag:$0x1], $0x80, $0x38;
	[tilespmem:$0x1F6F8] =	vst v63  }
0x239: {  	s0 =	sshll.u32 @!p3 s9, $0x9  }
0x23a: {  	s0 =	sshra.s32 @!p3 s0, $0x2  }
0x23b: {  	s2 =	simm.s32 @!p3 $0x80;
	s0 =	sadd.s32 @!p3 $0xF238, s0  }
0x23c: {  	[spmem:s2] =	stream.linear.scatter @!p3 [tilespmem:s0], [sflag:$0x1], $0x80, $0x38;
	[tilespmem:$0x1F6F8] =	vst v63  }
0x23d: {  	s0 =	simm.s32 @!p3 $0x1  }
0x23e: {  	_ =	swait.ge @!p3 [sflag:s0], $0x100  }
0x23f: {  	p1 =	por p2, p1;
	[sflag:s0] =	ssyncset.done @!p3 $0x0  }
0x240: {  	[sflag:s0] =	ssyncadd.s32 @!p3 $0xFFFFFF00;
	s0 =	simm.s32 @!p1 $0x1  }
0x241: {  	_ =	swait.ge @!p1 [sflag:s0], $0x80  }
0x242: {  	s29 =	simm.s32 $0x10238;
	[sflag:s0] =	ssyncset.done @!p1 $0x0  }
0x243: {  	s30 =	simm.s32 $0x1000;
	s31 =	simm.s32 $0x1;
	[sflag:s0] =	ssyncadd.s32 @!p1 $0xFFFFFF80  }
0x244: {  	[spmem:s30] =	stream.linear.scatter [tilespmem:s29], [sflag:$0x1], $0x10, $0x38;
	[tilespmem:$0x1F6F8] =	vst v63  }
0x245: {  	_ =	swait.ge [sflag:s31], $0x10  }
0x246: {  	[sflag:s31] =	ssyncset.done $0x0  }
0x247: {  	p1 =	seq.s32 s15, $0x0;
	s8 =	rddreg [dreg:$0x1];
	[sflag:s31] =	ssyncadd.s32 $0xFFFFFFF0  }
0x248: {  	s2 =	sshll.u32 @p1 s8, $0xE;
	s7 =	rddreg [dreg:$0x2]  }
0x249: {  	s0 =	sadd.s32 @p1 $0x15C3C, s2;
	s2 =	sshll.u32 @p1 s7, $0x11  }
0x24a: {  	_ =	sfence.stream.spmem;
	s0 =	sor.u32 @p1 s2, s0  }
0x24b: {  	[sflag:s0] =	ssyncadd.remote.s32 @p1 $0x1;
	s0 =	simm.s32 @p1 $0x4  }
0x24c: {  	s3 =	simm.s32 @!p1 $0x3C;
	s2 =	sand.u32 $0xFFFFFFFE, s8;
	_ =	swait.ge @p1 [sflag:s0], $0x22  }
0x24d: {  	s4 =	simm.s32 @!p1 $0x0;
	s2 =	sadd.s32 @!p1 $0x4, s2;
	[sflag:s0] =	ssyncset.done @p1 $0x0  }
0x24e: {  	s5 =	simm.s32 @!p1 $0x100;
	[sflag:s0] =	ssyncadd.s32 @p1 $0xFFFFFFDE;
	s0 =	sshll.u32 @!p1 s2, $0x1A  }
0x24f: {  	s2 =	sshll.u32 @!p1 s2, $0xD;
	s0 =	sor.u32 @!p1 s0, s7;
	_ =	swait.eq @!p1 [sflag:s3], $0x1  }
0x250: {  	s2 =	sor.u32 @!p1 $0x1C04, s2;
	s3 =	simm.s32 @!p1 $0x1C03;
	s0 =	sor.u32 @!p1 $0x80004000, s0  }
0x251: {  	[spmem:s5], [sflag:s2] =	dma.general @!p1 [spmem:s4], [sflag:s3], length:$0x20, [dreg:$0x0], stride_count:$0x0, ici_dest:s0, dma_misc:DstOpCode:WRITE  }
0x252: {  	p2 =	slt.s32 s9, $0x2;
	s4 =	simm.s32 @!p1 $0x200;
	s5 =	simm.s32 @!p1 $0x202  }
0x253: {  	[spmem:s5], [sflag:s2] =	dma.general @!p1 [spmem:s4], [sflag:s3], length:$0x2, [dreg:$0x0], stride_count:$0x0, ici_dest:s0, dma_misc:DstOpCode:WRITE  }
.Ltmp35:
0x254: {  	s0 =	simm.s32 @!p1 $0x3;
	(pc) =	sbr.rel @p2 .LBB3_38-.Ltmp35, $4  }
0x255: {  	s2 =	sshll.u32 @!p1 s8, $0xE;
	_ =	swait.ge @!p1 [sflag:s0], $0x22  }
0x256: {  	s3 =	sshll.u32 @!p1 s7, $0x11;
	s2 =	sadd.s32 @!p1 $0x11C3C, s2;
	[sflag:s0] =	ssyncset.done @!p1 $0x0  }
0x257: {  	[sflag:s0] =	ssyncadd.s32 @!p1 $0xFFFFFFDE;
	s0 =	sor.u32 @!p1 s3, s2  }
0x258: {  	[sflag:s0] =	ssyncadd.remote.s32 @!p1 $0xFFFFFFFF;
	s0 =	simm.s32 $0x0  }
0x259: {  	s0 =	simm.s32 $0xF219  }
0x25a: {  	v0 =	vld.msk [tilespmem:s0+$0x0], $0x1;
	_ =	sdelay $0x4  }
0x25b: {  	(v2sf) =	vpush v0, $0x0;
	_ =	sdelay $0xb  }
0x25c: {  	s31 =	sadd.s32 $0xFFFFFFFE, s6  }
0x25d: {  	s0 =	sadd.s32 $0xFFFFFFFF, s31  }
0x25e: {  	p2 =	sne.s32 s0, $0x0  }
.Ltmp36:
0x25f: {  	s2 =	spop (v2sf);
	(pc) =	sbr.rel @!p2 .LBB3_37-.Ltmp36, $4  }
0x260: {  	s4 =	simm.s32 $0xF2B8;
	s7 =	simm.s32 $0x0;
	p1 =	sgt.u32 s2, $0xC34F0  }
0x261: {  	s5 =	simm.s32 $0x0;
	s6 =	simm.s32 $0xF21A;
	s3 =	sand.u32 @!p1 $0xFFFF8, s2  }
0x262: {  	s2 =	sand.u32 @!p1 $0x7, s2;
	s7 =	simm.s32 @!p1 $0x200;
	s3 =	sadd.s32 @!p1 s1, s3  }
0x263: {  	[hbm4b:s3+s2] =	stream.linear.scatter @!p1 [tilespmem:s4], [sflag:$0x5], $0x80, $0x38;
	[tilespmem:$0x1F6F8] =	vst v63  }
.LBB3_36:
0x264: {  	v0 =	vld.msk [tilespmem:s6+$0x0], $0x1;
	s0 =	sadd.s32 $0xFFFFFFFF, s0;
	s5 =	sadd.s32 s5, s7  }
0x265: {  	p1 =	sne.s32 s0, $0x0;
	_ =	sdelay $0x3  }
0x266: {  	(v2sf) =	vpush v0, $0x0;
	_ =	sdelay $0xe  }
.Ltmp37:
0x267: {  	s2 =	spop (v2sf);
	(pc) =	sbr.rel @p1 .LBB3_36-.Ltmp37, $4  }
0x268: {  	s7 =	simm.s32 $0x0;
	p2 =	sgt.u32 s2, $0xC34F0  }
0x269: {  	s4 =	sadd.s32 $0x80, s4;
	s7 =	simm.s32 @!p2 $0x200;
	s3 =	sand.u32 @!p2 $0xFFFF8, s2  }
0x26a: {  	s6 =	sadd.s32 $0x1, s6;
	s2 =	sand.u32 @!p2 $0x7, s2;
	s3 =	sadd.s32 @!p2 s1, s3  }
0x26b: {  	[hbm4b:s3+s2] =	stream.linear.scatter @!p2 [tilespmem:s4], [sflag:$0x5], $0x80, $0x38;
	[tilespmem:$0x1F6F8] =	vst v63  }
.LBB3_37:
0x26c: {  	s0 =	sadd.s32 s5, s7  }
0x26d: {  	s0 =	sshrl.u32 s0, $0x2  }
.LBB3_38:
0x26e: {  	s2 =	simm.s32 $0x5  }
0x26f: {  	_ =	swait.ge [sflag:s2], s0  }
0x270: {  	s31 =	ssub.s32 $0x0, s0;
	[sflag:s2] =	ssyncset.done $0x0  }
0x271: {  	[sflag:s2] =	ssyncadd.s32 s31  }
0x272: {  	[sflag:s2] =	ssyncpa.u1 $0x1  }
.LBB3_39:
0x273: {  	s0 =	sor.u32 s15, s16  }
0x274: {  	p1 =	sne.s32 s0, $0x0  }
.Ltmp38:
0x275: {  	_ = 	snop;
	(pc) =	sbr.rel @p1 .LBB3_54-.Ltmp38, $3  }
0x276: {  	_ =	sdelay $0x1  }
0x277: {  	[bflag:$0x0] =	sbarrier.arrive $0xFFFF  }
0x278: {  	_ =	sfence  }
0x279: {  	s0 =	simm.s32 $0x7  }
0x27a: {  	s2 =	simm.s32 $0x1000;
	s3 =	simm.s32 $0xF218;
	[sflag:s0] =	ssyncpa.u1 $0x0  }
0x27b: {  	[tilespmem:s3], [sflag:$0x7] =	stream.linear.gather [spmem:s2], $0x20, $0x38;
	[tilespmem:$0x1F6F8] =	vst v63  }
0x27c: {  	s30 =	simm.s32 $0xF238;
	s2 =	simm.s32 $0x0  }
0x27d: {  	[tilespmem:s30], [sflag:$0x7] =	stream.linear.gather [spmem:s2], $0x1000, $0x38;
	[tilespmem:$0x1F6F8] =	vst v63  }
.Ltmp39:
0x27e: {  	_ = 	snop;
	(pc) =	sbr.rel .LBB3_41-.Ltmp39, $4  }
0x27f: {  	_ =	swait.ge [sflag:s0], $0x1020  }
0x280: {  	[sflag:s0] =	ssyncset.done $0x0  }
0x281: {  	s31 =	simm.s32 $0x8;
	[sflag:s0] =	ssyncadd.s32 $0xFFFFEFE0  }
0x282: {  	s3 =	simm.s32 $0x0;
	[sflag:s31] =	ssyncpa.u1 $0x0  }
.LBB3_47:
0x283: {  	p1 =	slt.u32 s4, $0xC34F1  }
0x284: {  	s0 =	sand.u32 @p1 $0xFFFF8, s4  }
0x285: {  	s4 =	sand.u32 @p1 $0x7, s4;
	s5 =	simm.s32 @p1 $0xF188;
	s0 =	sadd.s32 @p1 s1, s0  }
0x286: {  	[tilespmem:s5], [sflag:$0x8] =	stream.linear.gather @p1 [hbm4b:s0+s4], $0x80, $0x38;
	[tilespmem:$0x1F6F8] =	vst v63  }
0x287: {  	s0 =	simm.s32 @p1 $0x8  }
0x288: {  	_ =	swait.ge @p1 [sflag:s0], $0x80  }
0x289: {  	[sflag:s0] =	ssyncset.done @p1 $0x0  }
0x28a: {  	[sflag:s0] =	ssyncadd.s32 @p1 $0xFFFFFF80  }
0x28b: {  	v1 =	vld @p1 [tilespmem:$0xF188];
	_ =	sdelay $0x2  }
0x28c: {  	s0 =	sshll.u32 @p1 s3, $0x9  }
0x28d: {  	s4 =	sshrl.u32 @p1 s0, $0x2  }
0x28e: {  	[tilespmem:s4+$0xF238] =	vst.add.f32.msk @p1 $0xffff, v1  }
0x28f: {  	v1 =	vld @p1 [tilespmem:$0xF198];
	_ =	sdelay $0x4  }
0x290: {  	[tilespmem:s4+$0xF248] =	vst.add.f32.msk @p1 $0xffff, v1  }
0x291: {  	v1 =	vld @p1 [tilespmem:$0xF1A8];
	_ =	sdelay $0x4  }
0x292: {  	[tilespmem:s4+$0xF258] =	vst.add.f32.msk @p1 $0xffff, v1  }
0x293: {  	v1 =	vld @p1 [tilespmem:$0xF1B8];
	_ =	sdelay $0x4  }
0x294: {  	[tilespmem:s4+$0xF268] =	vst.add.f32.msk @p1 $0xffff, v1  }
0x295: {  	v1 =	vld @p1 [tilespmem:$0xF1C8];
	_ =	sdelay $0x4  }
0x296: {  	[tilespmem:s4+$0xF278] =	vst.add.f32.msk @p1 $0xffff, v1  }
0x297: {  	v1 =	vld @p1 [tilespmem:$0xF1D8];
	_ =	sdelay $0x4  }
0x298: {  	[tilespmem:s4+$0xF288] =	vst.add.f32.msk @p1 $0xffff, v1  }
0x299: {  	v1 =	vld @p1 [tilespmem:$0xF1E8];
	_ =	sdelay $0x4  }
0x29a: {  	[tilespmem:s4+$0xF298] =	vst.add.f32.msk @p1 $0xffff, v1  }
0x29b: {  	v1 =	vld @p1 [tilespmem:$0xF1F8];
	_ =	sdelay $0x3  }
0x29c: {  	s5 =	sshll.u32 @!p1 s3, $0x9  }
0x29d: {  	s5 =	smov.u32 @p1 s0;
	[tilespmem:s4+$0xF2A8] =	vst.add.f32.msk @p1 $0xffff, v1  }
0x29e: {  	s0 =	sshrl.u32 s5, $0x2;
	[tilespmem:s2+$0xF218] =	vst.msk $0x1, v0  }
0x29f: {  	v0 =	vld [tilespmem:s0+$0xF238];
	_ =	sdelay $0x2  }
0x2a0: {  	s31 =	sshll.u32 s2, $0x9  }
0x2a1: {  	s4 =	sshra.s32 s31, $0x2  }
0x2a2: {  	[tilespmem:s4+$0xF238] =	vst v0  }
0x2a3: {  	v0 =	vld [tilespmem:s0+$0xF248];
	_ =	sdelay $0x4  }
0x2a4: {  	[tilespmem:s4+$0xF248] =	vst v0  }
0x2a5: {  	v0 =	vld [tilespmem:s0+$0xF258];
	_ =	sdelay $0x4  }
0x2a6: {  	[tilespmem:s4+$0xF258] =	vst v0  }
0x2a7: {  	v0 =	vld [tilespmem:s0+$0xF268];
	_ =	sdelay $0x4  }
0x2a8: {  	[tilespmem:s4+$0xF268] =	vst v0  }
0x2a9: {  	v0 =	vld [tilespmem:s0+$0xF278];
	_ =	sdelay $0x4  }
0x2aa: {  	[tilespmem:s4+$0xF278] =	vst v0  }
0x2ab: {  	v0 =	vld [tilespmem:s0+$0xF288];
	_ =	sdelay $0x4  }
0x2ac: {  	[tilespmem:s4+$0xF288] =	vst v0  }
0x2ad: {  	v0 =	vld [tilespmem:s0+$0xF298];
	_ =	sdelay $0x4  }
0x2ae: {  	[tilespmem:s4+$0xF298] =	vst v0  }
0x2af: {  	v0 =	vld [tilespmem:s0+$0xF2A8];
	_ =	sdelay $0x4  }
0x2b0: {  	s2 =	sadd.s32 $0x1, s2;
	[tilespmem:s4+$0xF2A8] =	vst v0  }
.LBB3_48:
0x2b1: {  	s3 =	sadd.s32 $0x1, s3  }
0x2b2: {  	p1 =	sne.s32 s3, $0x20  }
.Ltmp40:
0x2b3: {  	_ = 	snop;
	(pc) =	sbr.rel @!p1 .LBB3_49-.Ltmp40, $1  }
0x2b4: {  	_ =	sdelay $0x3  }
.LBB3_41:
0x2b5: {  	v0 =	vld.msk [tilespmem:s3+$0xF218], $0x1;
	_ =	sdelay $0x4  }
0x2b6: {  	(v2sf) =	vpush v0, $0x0;
	_ =	sdelay $0xe  }
0x2b7: {  	s4 =	spop (v2sf)  }
0x2b8: {  	p1 =	seq.s32 s4, $0xFFFFFFFF  }
.Ltmp41:
0x2b9: {  	_ = 	snop;
	(pc) =	sbr.rel @p1 .LBB3_48-.Ltmp41, $1  }
0x2ba: {  	_ =	sdelay $0x3  }
0x2bb: {  	p1 =	slt.s32 s2, $0x1  }
.Ltmp42:
0x2bc: {  	_ = 	snop;
	(pc) =	sbr.rel @p1 .LBB3_47-.Ltmp42, $1  }
0x2bd: {  	_ =	sdelay $0x3  }
0x2be: {  	s5 =	simm.s32 $0xF218;
	p1 =	por $0x0, $0x0  }
0x2bf: {  	v1 =	vld.msk @!p1 [tilespmem:s5+$0x0], $0x1;
	_ =	sdelay $0x4  }
0x2c0: {  	(v2sf) =	vpush @!p1 v1, $0x0;
	_ =	sdelay $0xd  }
0x2c1: {  	p3 =	sne.s32 s2, $0x1  }
.Ltmp43:
0x2c2: {  	s0 =	spop @!p1 (v2sf);
	(pc) =	sbr.rel @!p3 .LBB3_45-.Ltmp43, $4  }
0x2c3: {  	p2 =	seq.s32 @!p1 s4, s0  }
0x2c4: {  	s6 =	simm.s32 $0x0;
	p2 =	por !p2, p1  }
0x2c5: {  	s7 =	simm.s32 $0xFFFFFFFF;
	s6 =	simm.s32 @p2 $0xFFFFFFFF  }
0x2c6: {  	s0 =	simm.s32 $0x1;
	s6 =	smov.u32 @p1 s7  }
.LBB3_44:
0x2c7: {  	s7 =	smov.u32 s6;
	p1 =	sne.s32 s6, $0xFFFFFFFF  }
0x2c8: {  	s5 =	sadd.s32 $0x1, s5;
	s6 =	smov.u32 s0;
	s0 =	sadd.s32 $0x1, s0  }
0x2c9: {  	p2 =	sne.s32 s2, s0;
	v1 =	vld.msk @!p1 [tilespmem:s5+$0x0], $0x1;
	_ =	sdelay $0x4  }
0x2ca: {  	(v2sf) =	vpush @!p1 v1, $0x0;
	_ =	sdelay $0xe  }
.Ltmp44:
0x2cb: {  	s8 =	spop @!p1 (v2sf);
	(pc) =	sbr.rel @p2 .LBB3_44-.Ltmp44, $4  }
0x2cc: {  	p3 =	seq.s32 @!p1 s4, s8  }
0x2cd: {  	p3 =	por !p3, p1  }
0x2ce: {  	s6 =	simm.s32 @p3 $0xFFFFFFFF  }
0x2cf: {  	s6 =	smov.u32 @p1 s7  }
.LBB3_45:
0x2d0: {  	p1 =	seq.s32 s6, $0xFFFFFFFF  }
.Ltmp45:
0x2d1: {  	_ = 	snop;
	(pc) =	sbr.rel @p1 .LBB3_47-.Ltmp45, $1  }
0x2d2: {  	_ =	sdelay $0x3  }
0x2d3: {  	s0 =	sshll.u32 s3, $0x7  }
0x2d4: {  	s0 =	sand.u32 $0x3FFFFF80, s0  }
0x2d5: {  	v0 =	vld [tilespmem:s0+$0xF238];
	_ =	sdelay $0x2  }
0x2d6: {  	s4 =	sshll.u32 s6, $0x9  }
0x2d7: {  	s4 =	sshra.s32 s4, $0x2  }
0x2d8: {  	[tilespmem:s4+$0xF238] =	vst.add.f32.msk $0xffff, v0  }
0x2d9: {  	v0 =	vld [tilespmem:s0+$0xF248];
	_ =	sdelay $0x4  }
0x2da: {  	[tilespmem:s4+$0xF248] =	vst.add.f32.msk $0xffff, v0  }
0x2db: {  	v0 =	vld [tilespmem:s0+$0xF258];
	_ =	sdelay $0x4  }
0x2dc: {  	[tilespmem:s4+$0xF258] =	vst.add.f32.msk $0xffff, v0  }
0x2dd: {  	v0 =	vld [tilespmem:s0+$0xF268];
	_ =	sdelay $0x4  }
0x2de: {  	[tilespmem:s4+$0xF268] =	vst.add.f32.msk $0xffff, v0  }
0x2df: {  	v0 =	vld [tilespmem:s0+$0xF278];
	_ =	sdelay $0x4  }
0x2e0: {  	[tilespmem:s4+$0xF278] =	vst.add.f32.msk $0xffff, v0  }
0x2e1: {  	v0 =	vld [tilespmem:s0+$0xF288];
	_ =	sdelay $0x4  }
0x2e2: {  	[tilespmem:s4+$0xF288] =	vst.add.f32.msk $0xffff, v0  }
0x2e3: {  	v0 =	vld [tilespmem:s0+$0xF298];
	_ =	sdelay $0x4  }
0x2e4: {  	[tilespmem:s4+$0xF298] =	vst.add.f32.msk $0xffff, v0  }
0x2e5: {  	v0 =	vld [tilespmem:s0+$0xF2A8]  }
.Ltmp46:
0x2e6: {  	_ = 	snop;
	(pc) =	sbr.rel .LBB3_48-.Ltmp46, $2  }
0x2e7: {  	_ =	sdelay $0x2  }
0x2e8: {  	[tilespmem:s4+$0xF2A8] =	vst.add.f32.msk $0xffff, v0  }
.LBB3_49:
0x2e9: {  	p1 =	slt.s32 s2, $0x1  }
.Ltmp47:
0x2ea: {  	_ = 	snop;
	(pc) =	sbr.rel @p1 .LBB3_53-.Ltmp47, $3  }
0x2eb: {  	_ =	sdelay $0x1  }
0x2ec: {  	s0 =	simm.s32 $0x8  }
0x2ed: {  	s3 =	simm.s32 $0x0;
	[sflag:s0] =	ssyncpa.u1 $0x1  }
0x2ee: {  	s0 =	simm.s32 $0xF218  }
0x2ef: {  	v0 =	vld.msk [tilespmem:s0+$0x0], $0x1;
	_ =	sdelay $0x4  }
0x2f0: {  	(v2sf) =	vpush v0, $0x0;
	_ =	sdelay $0xe  }
0x2f1: {  	s0 =	sadd.s32 $0xFFFFFFFF, s2;
	s5 =	spop (v2sf)  }
0x2f2: {  	p2 =	sne.s32 s0, $0x0;
	p1 =	sgt.u32 s5, $0xC34F0  }
.Ltmp48:
0x2f3: {  	s6 =	sand.u32 @!p1 $0xFFFF8, s5;
	(pc) =	sbr.rel @!p2 .LBB3_52-.Ltmp48, $4  }
0x2f4: {  	s4 =	simm.s32 $0xF238;
	s5 =	sand.u32 @!p1 $0x7, s5;
	s2 =	sadd.s32 @!p1 s1, s6  }
0x2f5: {  	[hbm4b:s2+s5] =	stream.linear.scatter @!p1 [tilespmem:s4], [sflag:$0x7], $0x80, $0x38;
	[tilespmem:$0x1F6F8] =	vst v63  }
0x2f6: {  	s5 =	simm.s32 $0x0  }
0x2f7: {  	s2 =	simm.s32 $0xF219;
	s5 =	simm.s32 @!p1 $0x200  }
.LBB3_51:
0x2f8: {  	v0 =	vld.msk [tilespmem:s2+$0x0], $0x1;
	s0 =	sadd.s32 $0xFFFFFFFF, s0;
	s3 =	sadd.s32 s3, s5  }
0x2f9: {  	p1 =	sne.s32 s0, $0x0;
	_ =	sdelay $0x3  }
0x2fa: {  	(v2sf) =	vpush v0, $0x0;
	_ =	sdelay $0xe  }
.Ltmp49:
0x2fb: {  	s6 =	spop (v2sf);
	(pc) =	sbr.rel @p1 .LBB3_51-.Ltmp49, $4  }
0x2fc: {  	s5 =	simm.s32 $0x0;
	p2 =	sgt.u32 s6, $0xC34F0  }
0x2fd: {  	s4 =	sadd.s32 $0x80, s4;
	s5 =	simm.s32 @!p2 $0x200;
	s7 =	sand.u32 @!p2 $0xFFFF8, s6  }
0x2fe: {  	s2 =	sadd.s32 $0x1, s2;
	s6 =	sand.u32 @!p2 $0x7, s6;
	s7 =	sadd.s32 @!p2 s1, s7  }
0x2ff: {  	[hbm4b:s7+s6] =	stream.linear.scatter @!p2 [tilespmem:s4], [sflag:$0x7], $0x80, $0x38;
	[tilespmem:$0x1F6F8] =	vst v63  }
.LBB3_52:
0x300: {  	s0 =	sadd.s32 s3, s5  }
0x301: {  	s3 =	sshrl.u32 s0, $0x2  }
.LBB3_53:
0x302: {  	s0 =	simm.s32 $0x7  }
0x303: {  	_ =	swait.ge [sflag:s0], s3  }
0x304: {  	s1 =	ssub.s32 $0x0, s3;
	[sflag:s0] =	ssyncset.done $0x0  }
0x305: {  	[sflag:s0] =	ssyncadd.s32 s1  }
0x306: {  	[sflag:s0] =	ssyncpa.u1 $0x1  }
.LBB3_54:
0x307: {  	_ =	sfence;
	s0 =	simm.s32 $0x1  }
0x308: {  	[sflag:s0] =	ssyncpa.u1 $0x1  }
0x309: {  	_ =	strace $0x9000005C  }
0x30a: {  	[bflag:$0x2] =	sbarrier.arrive $0xFFFF  }
0x30b: {  	s0 =	rddreg [dreg:$0x3]  }
0x30c: {  	s0 =	sadd.s32 @!p0 $0x100000, s0  }
0x30d: {  	[sflag:s0] =	ssyncadd.tile.s32 @!p0 $0x1;
	_ =	shalt  }
.Lfunc_end3:
_tile_overlayer_lowered:
.L_overlay_start_3:
0x30e: {  	(tag) =	ssettag $0x3  }
0x30f: {  	s0 =	rddreg [dreg:$0x0];
	s2 =	stileid.u32  }
0x310: {  	s1 =	rddreg [dreg:$0x1];
	p0 =	sne.s32 s2, $0x0  }
0x311: {  	s3 =	rddreg [dreg:$0x2];
	[bflag:$0x3] =	sbarrier.arrive $0xFFFF;
	s2 =	simm.s32 @!p0 $0x1C01  }
0x312: {  	[timem:s3], [sflag:s2] =	dma.local @!p0 [hbm:s0], s1  }
0x313: {  	s0 =	simm.s32 @!p0 $0x1  }
0x314: {  	_ =	swait.ge @!p0 [sflag:s0], s1  }
0x315: {  	s1 =	ssub.s32 @!p0 $0x0, s1;
	[sflag:s0] =	ssyncset.done @!p0 $0x0  }
0x316: {  	[sflag:s0] =	ssyncadd.s32 @!p0 s1  }
0x317: {  	[bflag:$0x3] =	sbarrier.arrive $0xFFFF  }
0x318: {  	_ =	shalt  }

// kernel: scatter_offload_async_start.2
scs
__scs_entry_jumppad:
0x0: {  	(pc) =	sbr.rel $0x88, $3  }
0x1: {  	(tag) =	ssettag $0x0;
	lr =	simm.s32 $0x1  }
0x2: {  	[smem:$0x3F95] =	sst lr;
	_ =	strace $0xD0000000  }
0x3: {  	_ = 	snop  }
0x4: {  	_ = 	snop  }
0x5: {  	_ = 	snop  }
0x6: {  	_ = 	snop  }
0x7: {  	_ = 	snop  }
__scs_overlays_trampoline_lowered:
0x8: {  	[smem:$0x3FA4] =	sst s0  }
0x9: {  	[smem:$0x3FA5] =	sst s1  }
0xa: {  	[smem:$0x3FA6] =	sst s2  }
0xb: {  	[smem:$0x3FA7] =	sst s3  }
0xc: {  	[smem:$0x3FA8] =	sst s4  }
0xd: {  	[smem:$0x3FA9] =	sst s5  }
0xe: {  	[smem:$0x3FAA] =	sst s6  }
0xf: {  	[smem:$0x3FAB] =	sst s7  }
0x10: {  	[smem:$0x3FAC] =	sst s8  }
0x11: {  	[smem:$0x3FAD] =	sst s9;
	s0 =	simm.s32 @!p0 $0x0  }
0x12: {  	s1 =	sld [smem:$0x3F93];
	s0 =	simm.s32 @p0 $0x1  }
0x13: {  	[smem:$0x3FAE] =	sst s0;
	s0 =	simm.s32 @!p1 $0x0  }
0x14: {  	s2 =	sld [smem:$0x3F92];
	s0 =	simm.s32 @p1 $0x1  }
0x15: {  	[smem:$0x3FAF] =	sst s0;
	s0 =	simm.s32 @!p2 $0x0  }
0x16: {  	s3 =	sld [smem:$0x3FDB];
	s0 =	simm.s32 @p2 $0x1  }
0x17: {  	s4 =	simm.s32 $0x1BF5;
	[smem:$0x3FB1] =	sst s0  }
0x18: {  	s0 =	sld [smem:$0x3F94];
	_ =	swait.ge [sflag:s4], $0x0  }
0x19: {  	s7 =	sld [smem:$0x3F95]  }
0x1a: {  	s8 =	sadd.s32 $0xFFFFE003, lr  }
0x1b: {  	s9 =	sadd.s32 $0xFFFFFEF7, lr;
	s5 =	simm.s32 $0xFFFFFFFF;
	p2 =	slt.u32 s8, $0xFFFFF086  }
0x1c: {  	p1 =	slt.u32 s9, $0xF7A;
	s5 =	simm.s32 @!p2 $0x0  }
0x1d: {  	s5 =	simm.s32 @p1 $0x1;
	p0 =	seq.s32 s7, s2  }
0x1e: {  	s7 =	smul.u32 @!p0 $0xF7A, s2;
	p2 =	seq.s32 @!p0 s5, $0x0  }
0x1f: {  	s9 =	smul.u32 $0xF7A, s1;
	s8 =	simm.s32 @!p0 $0x1BF5;
	p2 =	por !p2, p0  }
0x20: {  	[sflag:s8] =	ssyncset.s32 @!p0 $0xFFFFF086;
	s6 =	sadd.s32 @!p0 s3, s7;
	s7 =	simm.s32 @!p0 $0x108  }
0x21: {  	s3 =	sadd.s32 s3, s9;
	s6 =	sadd.s32 @!p0 $0x88, s6;
	s7 =	simm.s32 @p2 $0x1082  }
0x22: {  	[simem:s7], [sflag:s8] =	dma.local @!p0 [hbm:s6], $0xF7A  }
0x23: {  	s9 =	sor.u32 $0xD0000000, s2;
	s6 =	simm.s32 $0x108;
	_ =	swait.ge @!p0 [sflag:s8], $0x0  }
0x24: {  	s3 =	sadd.s32 $0x88, s3;
	s6 =	simm.s32 @!p1 $0x1082;
	[sflag:s4] =	ssyncset.s32 $0xFFFFF086  }
0x25: {  	[simem:s6], [sflag:s4] =	dma.local [hbm:s3], $0xF7A  }
0x26: {  	[smem:$0x3F95] =	sst s1;
	(tag) =	ssettag s2;
	_ =	strace s9  }
0x27: {  	s1 =	sld [smem:$0x3FA5]  }
0x28: {  	s2 =	sld [smem:$0x3FA6]  }
0x29: {  	s4 =	sld [smem:$0x3FA8]  }
0x2a: {  	p0 =	seq.s32 s5, $0x0;
	s5 =	sld [smem:$0x3FA9]  }
0x2b: {  	s6 =	sld [smem:$0x3FAA]  }
0x2c: {  	s7 =	sld [smem:$0x3FAB]  }
0x2d: {  	s3 =	simm.s32 $0x108;
	s8 =	sld [smem:$0x3FAC]  }
0x2e: {  	s3 =	simm.s32 @!p0 $0x1082;
	s9 =	sld [smem:$0x3FAD]  }
0x2f: {  	lr =	sadd.s32 s0, s3;
	s0 =	sld [smem:$0x3FA4]  }
0x30: {  	s3 =	sld [smem:$0x3FA7]  }
0x31: {  	[smem:$0x3FB0] =	sst s10  }
0x32: {  	s10 =	sld [smem:$0x3FAE];
	_ =	sdelay $0x3  }
0x33: {  	p0 =	seq.s32 s10, $0x1;
	s10 =	sld [smem:$0x3FB0];
	_ =	sdelay $0x3  }
0x34: {  	[smem:$0x3FB0] =	sst s10  }
0x35: {  	s10 =	sld [smem:$0x3FAF];
	_ =	sdelay $0x3  }
0x36: {  	p1 =	seq.s32 s10, $0x1;
	s10 =	sld [smem:$0x3FB0];
	_ =	sdelay $0x3  }
0x37: {  	[smem:$0x3FB0] =	sst s10  }
0x38: {  	s10 =	sld [smem:$0x3FB1]  }
0x39: {  	_ = 	snop;
	(pc) =	sbr.ind lr, $3  }
0x3a: {  	_ = 	snop  }
0x3b: {  	_ = 	snop  }
0x3c: {  	p2 =	seq.s32 s10, $0x1;
	s10 =	sld [smem:$0x3FB0]  }
0x3d: {  	_ =	shalt  }
0x3e: {  	_ =	shalt  }
0x3f: {  	_ =	shalt  }
0x40: {  	_ =	shalt  }
0x41: {  	_ =	shalt  }
0x42: {  	_ =	shalt  }
0x43: {  	_ =	shalt  }
0x44: {  	_ =	shalt  }
0x45: {  	_ =	shalt  }
0x46: {  	_ =	shalt  }
0x47: {  	_ =	shalt  }
0x48: {  	_ =	shalt  }
0x49: {  	_ =	shalt  }
0x4a: {  	_ =	shalt  }
0x4b: {  	_ =	shalt  }
0x4c: {  	_ =	shalt  }
0x4d: {  	_ =	shalt  }
0x4e: {  	_ =	shalt  }
0x4f: {  	_ =	shalt  }
0x50: {  	_ =	shalt  }
0x51: {  	_ =	shalt  }
0x52: {  	_ =	shalt  }
0x53: {  	_ =	shalt  }
0x54: {  	_ =	shalt  }
0x55: {  	_ =	shalt  }
0x56: {  	_ =	shalt  }
0x57: {  	_ =	shalt  }
0x58: {  	_ =	shalt  }
0x59: {  	_ =	shalt  }
0x5a: {  	_ =	shalt  }
0x5b: {  	_ =	shalt  }
0x5c: {  	_ =	shalt  }
0x5d: {  	_ =	shalt  }
0x5e: {  	_ =	shalt  }
0x5f: {  	_ =	shalt  }
0x60: {  	_ =	shalt  }
0x61: {  	_ =	shalt  }
0x62: {  	_ =	shalt  }
0x63: {  	_ =	shalt  }
0x64: {  	_ =	shalt  }
0x65: {  	_ =	shalt  }
0x66: {  	_ =	shalt  }
0x67: {  	_ =	shalt  }
0x68: {  	_ =	shalt  }
0x69: {  	_ =	shalt  }
0x6a: {  	_ =	shalt  }
0x6b: {  	_ =	shalt  }
0x6c: {  	_ =	shalt  }
0x6d: {  	_ =	shalt  }
0x6e: {  	_ =	shalt  }
0x6f: {  	_ =	shalt  }
0x70: {  	_ =	shalt  }
0x71: {  	_ =	shalt  }
0x72: {  	_ =	shalt  }
0x73: {  	_ =	shalt  }
0x74: {  	_ =	shalt  }
0x75: {  	_ =	shalt  }
0x76: {  	_ =	shalt  }
0x77: {  	_ =	shalt  }
0x78: {  	_ =	shalt  }
0x79: {  	_ =	shalt  }
0x7a: {  	_ =	shalt  }
0x7b: {  	_ =	shalt  }
0x7c: {  	_ =	shalt  }
0x7d: {  	_ =	shalt  }
0x7e: {  	_ =	shalt  }
0x7f: {  	_ =	shalt  }
0x80: {  	_ =	shalt  }
0x81: {  	_ =	shalt  }
0x82: {  	_ =	shalt  }
0x83: {  	_ =	shalt  }
0x84: {  	_ =	shalt  }
0x85: {  	_ =	shalt  }
0x86: {  	_ =	shalt  }
0x87: {  	_ =	shalt  }
.Lfunc_end0:
.L_simem_size_0:
called_computation.2_lowered:
.L_overlay_start_0:
0x88: {  	s2 =	sld [smem:$0x3FD9]  }
0x89: {  	s3 =	sld [smem:$0x3FFE];
	_ =	sdelay $0x1  }
0x8a: {  	s1 =	srdreg.scid  }
0x8b: {  	s0 =	sand.u32 $0x1, s1  }
0x8c: {  	s10 =	sshll.u32 s0, $0xA;
	s2 =	sadd.s32 s3, s2  }
0x8d: {  	s2 =	sadd.s32 s2, s10  }
0x8e: {  	[smem:$0x3FBC] =	sst s2  }
0x8f: {  	_ = 	snop  }
0x90: {  	s2 =	sld [smem:$0x3FD0];
	_ =	sdelay $0x2  }
0x91: {  	s11 =	simm.s32 $0xD;
	s4 =	simm.s32 $0x10  }
0x92: {  	[smem:s4], [sflag:s11] =	dma.local [hbm:s2], $0x1  }
0x93: {  	_ =	swait.eq [sflag:s11], $0x1  }
0x94: {  	[sflag:s11] =	ssyncset.done $0x0  }
0x95: {  	[sflag:s11] =	ssyncadd.s32 $0xFFFFFFFF  }
0x96: {  	s12 =	sld [smem:$0x10];
	(tm) =	ssettm $0x1  }
0x97: {  	s13 =	sld [smem:$0x3FFB];
	_ =	sdelay $0x3  }
0x98: {  	_ =	strace s13  }
0x99: {  	s2 =	sld [smem:$0x3FFC];
	_ =	sdelay $0x3  }
0x9a: {  	_ =	strace s2  }
0x9b: {  	s2 =	sld [smem:$0x3FFD];
	_ =	sdelay $0x3  }
0x9c: {  	_ =	strace s2  }
0x9d: {  	_ =	strace $0x8FFFFFFF  }
0x9e: {  	s14 =	sld [smem:$0x3FDB];
	_ =	sdelay $0x1  }
0x9f: {  	s15 =	simm.s32 $_scs_section_size  }
0xa0: {  	s5 =	simm.s32 $_size__tile_overlayer_lowered;
	s6 =	simm.s32 $_tile_overlayer_lowered  }
0xa1: {  	s19 =	simm.s32 $0x1BFF;
	s17 =	sshll.u32 s6, $0x1;
	s7 =	sadd.s32 s15, s14  }
0xa2: {  	s20 =	simm.s32 $0x0;
	s16 =	sshll.u32 s5, $0x1;
	s18 =	sadd.s32 s17, s7  }
0xa3: {  	[timem:s20], [sflag:s19] =	dma.local [hbm:s18], s16  }
0xa4: {  	_ =	swait.ge [sflag:s19], s16  }
0xa5: {  	s3 =	ssub.s32 $0x0, s16;
	[sflag:s19] =	ssyncset.done $0x0  }
0xa6: {  	[sflag:s19] =	ssyncadd.s32 s3;
	_ =	sdelay $0x1  }
0xa7: {  	s21 =	simm.s32 $0x1B8B  }
0xa8: {  	_ =	swait.ge [sflag:s21], $0x1  }
0xa9: {  	[sflag:s21] =	ssyncset.done $0x0  }
0xaa: {  	[sflag:s21] =	ssyncadd.s32 $0xFFFFFFFF  }
0xab: {  	s3 =	sld [smem:$0x0]  }
0xac: {  	s5 =	sand.u32 $0xFFFFFFFE, s1  }
0xad: {  	p0 =	sne.s32 s1, s5  }
0xae: {  	s5 =	sshll.u32 @p0 s5, $0xE  }
0xaf: {  	s6 =	sadd.s32 @p0 $0x11B8D, s5;
	s8 =	sshll.u32 @p0 s3, $0x11  }
0xb0: {  	s6 =	sor.u32 @p0 s8, s6  }
0xb1: {  	[sflag:s6] =	ssyncadd.remote.s32 @p0 $0x1;
	_ =	sdelay $0x1  }
0xb2: {  	s6 =	simm.s32 @p0 $0x1B8D  }
0xb3: {  	_ =	swait.eq @p0 [sflag:s6], $0x1  }
0xb4: {  	[sflag:s6] =	ssyncadd.s32 @p0 $0xFFFFFFFF  }
0xb5: {  	s8 =	sshll.u32 @!p0 s1, $0xE  }
0xb6: {  	s8 =	sor.u32 @!p0 $0x4000, s8;
	s6 =	simm.s32 @!p0 $0x1B8D  }
0xb7: {  	s10 =	sshll.u32 @!p0 s3, $0x11;
	s9 =	sadd.s32 @!p0 $0x11B8D, s8;
	_ =	swait.eq @!p0 [sflag:s6], $0x1  }
0xb8: {  	[sflag:s6] =	ssyncadd.s32 @!p0 $0xFFFFFFFF;
	s6 =	sor.u32 @!p0 s10, s9  }
0xb9: {  	s23 =	simm.s32 $0x1B8E;
	s22 =	sld [smem:$0x3FFE];
	[sflag:s6] =	ssyncadd.remote.s32 @!p0 $0x1  }
0xba: {  	s24 =	simm.s32 $execute0_lowered;
	[smem:$0x3FD2] =	sst s23  }
0xbb: {  	s9 =	sshll.u32 s24, $0x1;
	_ =	strace $0x8000004C;
	[dreg:$0x1] =	wrdreg $0xFFFFFFFF  }
0xbc: {  	s25 =	simm.s32 $_size_execute0_lowered;
	s9 =	sadd.s32 s7, s9;
	[dreg:$0x0] =	wrdreg $0x0  }
0xbd: {  	s10 =	sshll.u32 s25, $0x1;
	[dreg:$0x2] =	wrdreg s9  }
0xbe: {  	[dreg:$0x3] =	wrdreg s10  }
0xbf: {  	[dreg:$0x4] =	wrdreg $0xC0  }
0xc0: {  	s26 =	simm.s32 $execute1_lowered;
	_ =	task [dreg:s20], $0x5FFFF  }
0xc1: {  	s9 =	sshll.u32 s26, $0x1;
	[dreg:$0x1] =	wrdreg $0xFFFFFFFF  }
0xc2: {  	s7 =	sadd.s32 s7, s9;
	[dreg:$0x0] =	wrdreg $0x60  }
0xc3: {  	[dreg:$0x2] =	wrdreg s7  }
0xc4: {  	[dreg:$0x3] =	wrdreg s12  }
0xc5: {  	[dreg:$0x4] =	wrdreg s22  }
0xc6: {  	[dreg:$0x5] =	wrdreg $0x9  }
0xc7: {  	_ =	task.clear_ibuf [dreg:s20], $0x6FFFF;
	_ =	strace $0x9000004C  }
0xc8: {  	s28 =	simm.s32 $0x9;
	_ =	strace $0x8000004E  }
0xc9: {  	_ =	swait.ge [sflag:s28], $0x1  }
0xca: {  	[sflag:s28] =	ssyncadd.s32 $0xFFFFFFFF  }
0xcb: {  	_ =	strace $0x9000004E  }
0xcc: {  	s4 =	sld [smem:$0x0];
	_ =	sdelay $0x3  }
0xcd: {  	s5 =	sadd.s32 @p0 $0x11BF3, s5;
	s7 =	sshll.u32 @p0 s4, $0x11  }
0xce: {  	s5 =	sor.u32 @p0 s7, s5  }
0xcf: {  	[sflag:s5] =	ssyncadd.remote.s32 @p0 $0x1;
	_ =	sdelay $0x1  }
0xd0: {  	s5 =	simm.s32 @p0 $0x1BF3  }
0xd1: {  	_ =	swait.eq @p0 [sflag:s5], $0x1  }
0xd2: {  	[sflag:s5] =	ssyncadd.s32 @p0 $0xFFFFFFFF;
	_ =	sdelay $0x1  }
0xd3: {  	s5 =	simm.s32 @!p0 $0x1BF3  }
0xd4: {  	s4 =	sshll.u32 @!p0 s4, $0x11;
	s7 =	sadd.s32 @!p0 $0x11BF3, s8;
	_ =	swait.eq @!p0 [sflag:s5], $0x1  }
0xd5: {  	s4 =	sor.u32 @!p0 s4, s7;
	[sflag:s5] =	ssyncadd.s32 @!p0 $0xFFFFFFFF  }
0xd6: {  	[sflag:s4] =	ssyncadd.remote.s32 @!p0 $0x1  }
0xd7: {  	_ =	strace $0x8000004F;
	[dreg:$0x1] =	wrdreg $0xFFFFFFFF  }
0xd8: {  	[dreg:$0x0] =	wrdreg $0x2030  }
0xd9: {  	[dreg:$0x2] =	wrdreg s22  }
0xda: {  	[dreg:$0x3] =	wrdreg s1  }
0xdb: {  	[dreg:$0x4] =	wrdreg s3  }
0xdc: {  	[dreg:$0x5] =	wrdreg $0xA  }
0xdd: {  	_ =	task.clear_ibuf [dreg:s20], $0x6FFFF;
	_ =	strace $0x9000004F  }
0xde: {  	s29 =	simm.s32 $0xA;
	_ =	strace $0x80000051  }
0xdf: {  	_ =	swait.ge [sflag:s29], $0x1  }
0xe0: {  	[sflag:s29] =	ssyncadd.s32 $0xFFFFFFFF  }
0xe1: {  	_ =	strace $0x90000051  }
0xe2: {  	_ =	sfence  }
0xe3: {  	s30 =	sld [smem:$0x0];
	_ =	sdelay $0x2  }
0xe4: {  	s31 =	sshll.u32 s1, $0xD;
	s1 =	sshrl.u32 s1, $0x2  }
0xe5: {  	s4 =	sand.u32 $0x4000, s31;
	s1 =	sadd.s32 s1, s30  }
0xe6: {  	s0 =	sor.u32 s4, s0;
	s1 =	sshll.u32 s1, $0x11  }
0xe7: {  	s0 =	sor.u32 s1, s0  }
0xe8: {  	s0 =	sadd.s32 $0x8F2B, s0  }
0xe9: {  	[sflag:s0] =	ssyncadd.remote.s32 $0x1  }
0xea: {  	_ =	sfence.sel $0xFFFF  }
0xeb: {  	[dreg:$0x0] =	wrdreg $0xFFFFFFFF;
	(pc) =	sbr.abs _section_cstart, $3  }
0xec: {  	[dreg:$0x1] =	wrdreg $0xFFFFFFFF  }
0xed: {  	_ =	task.clear_ibuf [dreg:s20], $0x2FFFF;
	_ =	strace $0x9FFFFFFF  }
0xee: {  	(tm) =	ssettm $0x7FFFFFFF  }
0xef: {  	_ =	shalt  }
tec
execute0_lowered:
.L_overlay_start_1:
0x0: {  	(tag) =	ssettag $0x1  }
0x1: {  	s3 =	rddreg [dreg:$0x0]  }
0x2: {  	s2 =	rddreg [dreg:$0x1]  }
0x3: {  	s5 =	rddreg [dreg:$0x2]  }
0x4: {  	s0 =	rddreg [dreg:$0x3];
	s4 =	stileid.u32  }
0x5: {  	[bflag:$0x3] =	sbarrier.arrive $0xFFFF;
	s1 =	simm.s32 $_size_execute1_lowered;
	s29 =	srdreg.scid  }
0x6: {  	s30 =	simm.s32 $0x2;
	s13 =	simm.s32 $0x0;
	p0 =	sne.s32 s4, $0x0  }
0x7: {  	s1 =	sshll.u32 s1, $0x1;
	s6 =	simm.s32 @!p0 $0x1C3F;
	s7 =	simm.s32 @!p0 $0x4060  }
0x8: {  	[timem:s7], [sflag:s6] =	dma.local @!p0 [hbm:s3], s1  }
0x9: {  	s8 =	simm.s32 $0x20;
	s9 =	simm.s32 $0x80;
	s3 =	sshll.u32 s29, $0x9  }
.Ltmp0:
0xa: {  	s4 =	sshll.u32 s4, $0xA;
	s3 =	sand.u32 $0x200, s3;
	(pc) =	sbr.rel .LBB2_1-.Ltmp0, $4  }
0xb: {  	s11 =	simm.s32 $0x0;
	s12 =	simm.s32 $0x0;
	s3 =	sor.u32 s4, s3  }
0xc: {  	_ =	strace $0x8000004D;
	s4 =	simm.s32 $0x1;
	s31 =	ssub.s32 $0xC200, s3  }
0xd: {  	s5 =	sadd.s32 $0x28BC00, s5;
	[sflag:s4] =	ssyncpa.u1 $0x0;
	s6 =	sshrl.u32 s31, $0xE  }
0xe: {  	s10 =	smov.u32 s3;
	[sflag:s30] =	ssyncpa.u1 $0x0;
	s7 =	sadd.s32 $0x2, s6  }
.LBB2_5:
0xf: {  	_ =	sdelay $0x3  }
0x10: {  	[tilespmem:v1+s16+$0x0 ss:$0x1] =	vst.idx.msk $0xffff, v2  }
.LBB2_6:
0x11: {  	s16 =	sand.u32 $0x1FFFFFF, s11  }
0x12: {  	s17 =	smulhi.u32 $0x14F8B59, s16;
	_ =	sdelay $0x1  }
0x13: {  	s17 =	sshrl.u32 s17, $0x8  }
0x14: {  	s17 =	smul.u32 $0xC350, s17;
	_ =	sdelay $0x1  }
0x15: {  	s16 =	ssub.s32 s16, s17  }
0x16: {  	s16 =	sshll.u32 s16, $0x4  }
0x17: {  	s16 =	sadd.s32 s5, s16  }
0x18: {  	[hbm4b:s16+s8] =	stream.strided.scatter [tilespmem:s15], [sflag:$0x2], s14, s9, s8, $0x38;
	[tilespmem:$0x10000] =	vst v63  }
.LBB2_7:
0x19: {  	p1 =	slt.u32 s12, $0x2  }
0x1a: {  	p2 =	sgt.s32 @!p1 s13, $0xC150  }
0x1b: {  	s14 =	smov.u32 s13;
	s15 =	sshra.s32 @!p1 s13, $0x1F;
	p2 =	por !p2, p1  }
0x1c: {  	s13 =	sand.u32 @!p1 s15, s13;
	s14 =	simm.s32 @p2 $0xC150  }
0x1d: {  	s13 =	ssub.s32 @!p1 s14, s13  }
0x1e: {  	s13 =	sadd.s32 @!p1 $0xFFFF3EB0, s13  }
0x1f: {  	s14 =	sshll.u32 @!p1 s13, $0x7  }
0x20: {  	p2 =	sgt.s32 @!p1 s13, $0x1FF;
	s13 =	ssub.s32 @!p1 $0x10000, s14  }
0x21: {  	s15 =	sadd.s32 $0x4000, s10;
	p2 =	por !p2, p1;
	s13 =	sshrl.u32 @!p1 s13, $0x2  }
0x22: {  	s13 =	simm.s32 @!p2 $0x0;
	p2 =	sgt.s32 s15, $0xC34F  }
0x23: {  	s15 =	smov.u32 @p2 s3;
	p2 =	sne.s32 s12, s7  }
.Ltmp1:
0x24: {  	_ = 	snop;
	(pc) =	sbr.rel @!p2 .LBB2_8-.Ltmp1, $4  }
0x25: {  	s14 =	simm.s32 @!p1 $0x2  }
0x26: {  	_ =	swait.ge @!p1 [sflag:s14], s13;
	s16 =	ssub.s32 @!p1 $0x0, s13  }
0x27: {  	s13 =	smov.u32 s11;
	s12 =	sadd.s32 $0x1, s12;
	[sflag:s14] =	ssyncset.done @!p1 $0x0  }
0x28: {  	s11 =	smov.u32 s10;
	s10 =	smov.u32 s15;
	[sflag:s14] =	ssyncadd.s32 @!p1 s16  }
.LBB2_1:
0x29: {  	p1 =	sgt.u32 s12, s6  }
0x2a: {  	s15 =	smov.u32 s10;
	p2 =	sgt.s32 @!p1 s10, $0xC150  }
0x2b: {  	s14 =	sand.u32 @!p1 $0x1FFFFFF, s10;
	s16 =	sshra.s32 @!p1 s10, $0x1F;
	p2 =	por !p2, p1  }
0x2c: {  	s17 =	smulhi.u32 @!p1 $0x14F8B59, s14;
	s16 =	sand.u32 @!p1 s16, s10;
	s15 =	simm.s32 @p2 $0xC150  }
0x2d: {  	s15 =	ssub.s32 @!p1 s15, s16  }
0x2e: {  	s16 =	sshrl.u32 @!p1 s17, $0x8;
	s15 =	sadd.s32 @!p1 $0xFFFF3EB0, s15  }
0x2f: {  	s17 =	sxor.u32 @!p1 $0xFFFFFFFF, s12;
	s16 =	smul.u32 @!p1 $0xC350, s16;
	s18 =	sshll.u32 @!p1 s15, $0x7  }
0x30: {  	s17 =	sshll.u32 @!p1 s17, $0xE;
	p2 =	sgt.s32 @!p1 s15, $0x1FF;
	s15 =	ssub.s32 @!p1 $0x10000, s18  }
0x31: {  	s14 =	ssub.s32 @!p1 s14, s16;
	p2 =	por !p2, p1;
	s16 =	sand.u32 @!p1 $0x4000, s17  }
0x32: {  	s17 =	simm.s32 @!p1 $0x20;
	s15 =	sshrl.u32 @!p1 s15, $0x2;
	s14 =	sshll.u32 @!p1 s14, $0x4  }
0x33: {  	s18 =	simm.s32 @!p1 $0x80;
	s15 =	simm.s32 @!p2 $0x0;
	s14 =	sadd.s32 @!p1 s2, s14  }
0x34: {  	[tilespmem:s16], [sflag:$0x1] =	stream.strided.gather @!p1 [hbm4b:s14+s17], s15, s18, s17, $0x38;
	[tilespmem:$0x10000] =	vst v63  }
0x35: {  	p1 =	seq.s32 s12, $0x0  }
0x36: {  	p2 =	sge.u32 @!p1 s12, s7  }
0x37: {  	p1 =	por p1, p2  }
.Ltmp2:
0x38: {  	_ = 	snop;
	(pc) =	sbr.rel @p1 .LBB2_7-.Ltmp2, $1  }
0x39: {  	_ =	sdelay $0x3  }
0x3a: {  	p1 =	sgt.s32 s11, $0xC150;
	s14 =	smov.u32 s11;
	s15 =	sshra.s32 s11, $0x1F  }
0x3b: {  	s14 =	simm.s32 @!p1 $0xC150;
	s15 =	sand.u32 s15, s11  }
0x3c: {  	s14 =	ssub.s32 s14, s15  }
0x3d: {  	s14 =	sadd.s32 $0xFFFF3EB0, s14  }
0x3e: {  	s31 =	sshll.u32 s14, $0x7  }
0x3f: {  	s15 =	ssub.s32 $0x10000, s31  }
0x40: {  	p1 =	sgt.s32 s14, $0x1FF;
	s14 =	sshrl.u32 s15, $0x2;
	s15 =	sadd.s32 $0x200, s11  }
0x41: {  	s14 =	simm.s32 @p1 $0x0;
	p1 =	slt.s32 s15, $0xC350  }
0x42: {  	s15 =	simm.s32 @!p1 $0xC350  }
0x43: {  	s17 =	ssub.s32 s15, s11  }
0x44: {  	p1 =	slt.s32 s17, $0x1  }
.Ltmp3:
0x45: {  	_ = 	snop;
	(pc) =	sbr.rel @p1 .LBB2_6-.Ltmp3, $4  }
0x46: {  	_ = 	snop  }
0x47: {  	s16 =	sshll.u32 s12, $0xE;
	_ =	swait.ge [sflag:s4], s14  }
0x48: {  	s16 =	sand.u32 $0x4000, s16;
	s18 =	ssub.s32 $0x0, s14;
	[sflag:s4] =	ssyncset.done $0x0  }
0x49: {  	s15 =	sor.u32 $0x8000, s16;
	[sflag:s4] =	ssyncadd.s32 s18  }
0x4a: {  	v0 =	vmov s16;
	_ =	sdelay $0x2  }
0x4b: {  	s31 =	simm.s32 $0x0;
	p1 =	sne.s32 s17, $0x1  }
.Ltmp4:
0x4c: {  	s16 =	sand.u32 $0x3FE0, s31;
	(pc) =	sbr.rel @!p1 .LBB2_5-.Ltmp4, $2  }
0x4d: {  	v1 =	vmov s15;
	v2 =	vld.idx.msk [tilespmem:v0+s16+$0x0 ss:$0x1], $0xffff;
	_ =	sdelay $0x2  }
0x4e: {  	s17 =	sadd.s32 $0xFFFFFFFF, s17;
	s18 =	simm.s32 $0x20  }
.LBB2_4:
0x4f: {  	s19 =	sand.u32 $0x3FE0, s18;
	p1 =	sne.s32 s17, $0x1;
	s17 =	sadd.s32 $0xFFFFFFFF, s17  }
.Ltmp5:
0x50: {  	[tilespmem:v1+s16+$0x0 ss:$0x1] =	vst.idx.msk $0xffff, v2;
	v2 =	vld.idx.msk [tilespmem:v0+s19+$0x0 ss:$0x1], $0xffff;
	s16 =	smov.u32 s19;
	(pc) =	sbr.rel @p1 .LBB2_4-.Ltmp5, $2  }
0x51: {  	_ =	sdelay $0x2  }
0x52: {  	s18 =	sadd.s32 $0x20, s18  }
.Ltmp6:
0x53: {  	_ = 	snop;
	(pc) =	sbr.rel .LBB2_5-.Ltmp6, $1  }
0x54: {  	_ =	sdelay $0x3  }
.LBB2_8:
0x55: {  	_ =	sfence.sel $0x180000  }
0x56: {  	s2 =	simm.s32 $0x1;
	[bflag:$0x0] =	sbarrier.arrive $0xFFFF  }
0x57: {  	s31 =	simm.s32 $0x2;
	[sflag:s2] =	ssyncpa.u1 $0x1  }
0x58: {  	[sflag:s31] =	ssyncpa.u1 $0x1  }
0x59: {  	_ =	strace $0x9000004D  }
0x5a: {  	s0 =	sadd.s32 @!p0 $0x100000, s0;
	[bflag:$0x2] =	sbarrier.arrive $0xFFFF  }
0x5b: {  	[sflag:s0] =	ssyncadd.tile.s32 @!p0 $0x1;
	s0 =	simm.s32 @!p0 $0x3F  }
0x5c: {  	_ =	swait.ge @!p0 [sflag:s0], s1  }
0x5d: {  	s1 =	ssub.s32 @!p0 $0x0, s1;
	[sflag:s0] =	ssyncset.done @!p0 $0x0  }
0x5e: {  	[sflag:s0] =	ssyncadd.s32 @!p0 s1  }
0x5f: {  	[bflag:$0x3] =	sbarrier.arrive $0xFFFF  }
0x60: {  	_ =	shalt  }
.Lfunc_end2:
execute1_lowered:
.L_overlay_start_2:
0x61: {  	(tag) =	ssettag $0x2  }
0x62: {  	s11 =	rddreg [dreg:$0x0]  }
0x63: {  	s2 =	rddreg [dreg:$0x1];
	_ =	strace $0x80000050;
	s12 =	simm.s32 $0x1  }
0x64: {  	v0 =	vimm.s32 $0x0;
	[sflag:s12] =	ssyncpa.u1 $0x0  }
0x65: {  	[tilespmem:$0x28] =	vst v0  }
0x66: {  	[tilespmem:$0x38] =	vst v0  }
0x67: {  	[tilespmem:$0x48] =	vst v0  }
0x68: {  	[tilespmem:$0x58] =	vst v0  }
0x69: {  	[tilespmem:$0x68] =	vst v0  }
0x6a: {  	[tilespmem:$0x78] =	vst v0  }
0x6b: {  	[tilespmem:$0x88] =	vst v0  }
0x6c: {  	[tilespmem:$0x98] =	vst v0  }
0x6d: {  	[tilespmem:$0xA8] =	vst v0  }
0x6e: {  	[tilespmem:$0xB8] =	vst v0  }
0x6f: {  	[tilespmem:$0xC8] =	vst v0  }
0x70: {  	[tilespmem:$0xD8] =	vst v0  }
0x71: {  	[tilespmem:$0xE8] =	vst v0  }
0x72: {  	[tilespmem:$0xF8] =	vst v0  }
0x73: {  	[tilespmem:$0x108] =	vst v0  }
0x74: {  	[tilespmem:$0x118] =	vst v0  }
0x75: {  	[tilespmem:$0x128] =	vst v0  }
0x76: {  	[tilespmem:$0x138] =	vst v0  }
0x77: {  	[tilespmem:$0x148] =	vst v0  }
0x78: {  	[tilespmem:$0x158] =	vst v0  }
0x79: {  	[tilespmem:$0x168] =	vst v0  }
0x7a: {  	[tilespmem:$0x178] =	vst v0  }
0x7b: {  	[tilespmem:$0x188] =	vst v0  }
0x7c: {  	[tilespmem:$0x198] =	vst v0  }
0x7d: {  	[tilespmem:$0x1A8] =	vst v0  }
0x7e: {  	[tilespmem:$0x1B8] =	vst v0  }
0x7f: {  	[tilespmem:$0x1C8] =	vst v0  }
0x80: {  	[tilespmem:$0x1D8] =	vst v0  }
0x81: {  	[tilespmem:$0x1E8] =	vst v0  }
0x82: {  	[tilespmem:$0x1F8] =	vst v0  }
0x83: {  	[tilespmem:$0x208] =	vst v0  }
0x84: {  	[tilespmem:$0x218] =	vst v0  }
0x85: {  	[tilespmem:$0x228] =	vst v0  }
0x86: {  	[tilespmem:$0x238] =	vst v0  }
0x87: {  	[tilespmem:$0x248] =	vst v0  }
0x88: {  	[tilespmem:$0x258] =	vst v0  }
0x89: {  	[tilespmem:$0x268] =	vst v0  }
0x8a: {  	[tilespmem:$0x278] =	vst v0  }
0x8b: {  	[tilespmem:$0x288] =	vst v0  }
0x8c: {  	[tilespmem:$0x298] =	vst v0  }
0x8d: {  	[tilespmem:$0x2A8] =	vst v0  }
0x8e: {  	[tilespmem:$0x2B8] =	vst v0  }
0x8f: {  	[tilespmem:$0x2C8] =	vst v0  }
0x90: {  	[tilespmem:$0x2D8] =	vst v0  }
0x91: {  	[tilespmem:$0x2E8] =	vst v0  }
0x92: {  	[tilespmem:$0x2F8] =	vst v0  }
0x93: {  	[tilespmem:$0x308] =	vst v0  }
0x94: {  	[tilespmem:$0x318] =	vst v0  }
0x95: {  	[tilespmem:$0x328] =	vst v0  }
0x96: {  	[tilespmem:$0x338] =	vst v0  }
0x97: {  	[tilespmem:$0x348] =	vst v0  }
0x98: {  	[tilespmem:$0x358] =	vst v0  }
0x99: {  	[tilespmem:$0x368] =	vst v0  }
0x9a: {  	[tilespmem:$0x378] =	vst v0  }
0x9b: {  	[tilespmem:$0x388] =	vst v0  }
0x9c: {  	[tilespmem:$0x398] =	vst v0  }
0x9d: {  	[tilespmem:$0x3A8] =	vst v0  }
0x9e: {  	[tilespmem:$0x3B8] =	vst v0  }
0x9f: {  	[tilespmem:$0x3C8] =	vst v0  }
0xa0: {  	[tilespmem:$0x3D8] =	vst v0  }
0xa1: {  	[tilespmem:$0x3E8] =	vst v0  }
0xa2: {  	[tilespmem:$0x3F8] =	vst v0  }
0xa3: {  	[tilespmem:$0x408] =	vst v0  }
0xa4: {  	[tilespmem:$0x418] =	vst v0  }
0xa5: {  	[tilespmem:$0x428] =	vst v0  }
0xa6: {  	[tilespmem:$0x438] =	vst v0  }
0xa7: {  	[tilespmem:$0x448] =	vst v0  }
0xa8: {  	[tilespmem:$0x458] =	vst v0  }
0xa9: {  	[tilespmem:$0x468] =	vst v0  }
0xaa: {  	[tilespmem:$0x478] =	vst v0  }
0xab: {  	[tilespmem:$0x488] =	vst v0  }
0xac: {  	[tilespmem:$0x498] =	vst v0  }
0xad: {  	[tilespmem:$0x4A8] =	vst v0  }
0xae: {  	[tilespmem:$0x4B8] =	vst v0  }
0xaf: {  	[tilespmem:$0x4C8] =	vst v0  }
0xb0: {  	[tilespmem:$0x4D8] =	vst v0  }
0xb1: {  	[tilespmem:$0x4E8] =	vst v0  }
0xb2: {  	[tilespmem:$0x4F8] =	vst v0  }
0xb3: {  	[tilespmem:$0x508] =	vst v0  }
0xb4: {  	[tilespmem:$0x518] =	vst v0  }
0xb5: {  	[tilespmem:$0x528] =	vst v0  }
0xb6: {  	[tilespmem:$0x538] =	vst v0  }
0xb7: {  	[tilespmem:$0x548] =	vst v0  }
0xb8: {  	[tilespmem:$0x558] =	vst v0  }
0xb9: {  	[tilespmem:$0x568] =	vst v0  }
0xba: {  	[tilespmem:$0x578] =	vst v0  }
0xbb: {  	[tilespmem:$0x588] =	vst v0  }
0xbc: {  	[tilespmem:$0x598] =	vst v0  }
0xbd: {  	[tilespmem:$0x5A8] =	vst v0  }
0xbe: {  	[tilespmem:$0x5B8] =	vst v0  }
0xbf: {  	[tilespmem:$0x5C8] =	vst v0  }
0xc0: {  	[tilespmem:$0x5D8] =	vst v0  }
0xc1: {  	[tilespmem:$0x5E8] =	vst v0  }
0xc2: {  	[tilespmem:$0x5F8] =	vst v0  }
0xc3: {  	[tilespmem:$0x608] =	vst v0  }
0xc4: {  	[tilespmem:$0x618] =	vst v0  }
0xc5: {  	[tilespmem:$0x628] =	vst v0  }
0xc6: {  	[tilespmem:$0x638] =	vst v0  }
0xc7: {  	[tilespmem:$0x648] =	vst v0  }
0xc8: {  	[tilespmem:$0x658] =	vst v0  }
0xc9: {  	[tilespmem:$0x668] =	vst v0  }
0xca: {  	[tilespmem:$0x678] =	vst v0  }
0xcb: {  	[tilespmem:$0x688] =	vst v0  }
0xcc: {  	[tilespmem:$0x698] =	vst v0  }
0xcd: {  	[tilespmem:$0x6A8] =	vst v0  }
0xce: {  	[tilespmem:$0x6B8] =	vst v0  }
0xcf: {  	[tilespmem:$0x6C8] =	vst v0  }
0xd0: {  	[tilespmem:$0x6D8] =	vst v0  }
0xd1: {  	[tilespmem:$0x6E8] =	vst v0  }
0xd2: {  	[tilespmem:$0x6F8] =	vst v0  }
0xd3: {  	[tilespmem:$0x708] =	vst v0  }
0xd4: {  	[tilespmem:$0x718] =	vst v0  }
0xd5: {  	[tilespmem:$0x728] =	vst v0  }
0xd6: {  	[tilespmem:$0x738] =	vst v0  }
0xd7: {  	[tilespmem:$0x748] =	vst v0  }
0xd8: {  	[tilespmem:$0x758] =	vst v0  }
0xd9: {  	[tilespmem:$0x768] =	vst v0  }
0xda: {  	[tilespmem:$0x778] =	vst v0  }
0xdb: {  	[tilespmem:$0x788] =	vst v0  }
0xdc: {  	[tilespmem:$0x798] =	vst v0  }
0xdd: {  	[tilespmem:$0x7A8] =	vst v0  }
0xde: {  	[tilespmem:$0x7B8] =	vst v0  }
0xdf: {  	[tilespmem:$0x7C8] =	vst v0  }
0xe0: {  	[tilespmem:$0x7D8] =	vst v0  }
0xe1: {  	[tilespmem:$0x7E8] =	vst v0  }
0xe2: {  	[tilespmem:$0x7F8] =	vst v0  }
0xe3: {  	[tilespmem:$0x808] =	vst v0  }
0xe4: {  	[tilespmem:$0x818] =	vst v0  }
0xe5: {  	[tilespmem:$0x828] =	vst v0  }
0xe6: {  	[tilespmem:$0x838] =	vst v0  }
0xe7: {  	[tilespmem:$0x848] =	vst v0  }
0xe8: {  	[tilespmem:$0x858] =	vst v0  }
0xe9: {  	[tilespmem:$0x868] =	vst v0  }
0xea: {  	[tilespmem:$0x878] =	vst v0  }
0xeb: {  	[tilespmem:$0x888] =	vst v0  }
0xec: {  	[tilespmem:$0x898] =	vst v0  }
0xed: {  	[tilespmem:$0x8A8] =	vst v0  }
0xee: {  	[tilespmem:$0x8B8] =	vst v0  }
0xef: {  	[tilespmem:$0x8C8] =	vst v0  }
0xf0: {  	[tilespmem:$0x8D8] =	vst v0  }
0xf1: {  	[tilespmem:$0x8E8] =	vst v0  }
0xf2: {  	[tilespmem:$0x8F8] =	vst v0  }
0xf3: {  	[tilespmem:$0x908] =	vst v0  }
0xf4: {  	[tilespmem:$0x918] =	vst v0  }
0xf5: {  	[tilespmem:$0x928] =	vst v0  }
0xf6: {  	[tilespmem:$0x938] =	vst v0  }
0xf7: {  	[tilespmem:$0x948] =	vst v0  }
0xf8: {  	[tilespmem:$0x958] =	vst v0  }
0xf9: {  	[tilespmem:$0x968] =	vst v0  }
0xfa: {  	[tilespmem:$0x978] =	vst v0  }
0xfb: {  	[tilespmem:$0x988] =	vst v0  }
0xfc: {  	[tilespmem:$0x998] =	vst v0  }
0xfd: {  	[tilespmem:$0x9A8] =	vst v0  }
0xfe: {  	[tilespmem:$0x9B8] =	vst v0  }
0xff: {  	[tilespmem:$0x9C8] =	vst v0  }
0x100: {  	[tilespmem:$0x9D8] =	vst v0  }
0x101: {  	[tilespmem:$0x9E8] =	vst v0  }
0x102: {  	[tilespmem:$0x9F8] =	vst v0  }
0x103: {  	[tilespmem:$0xA08] =	vst v0  }
0x104: {  	[tilespmem:$0xA18] =	vst v0  }
0x105: {  	[tilespmem:$0xA28] =	vst v0  }
0x106: {  	[tilespmem:$0xA38] =	vst v0  }
0x107: {  	[tilespmem:$0xA48] =	vst v0  }
0x108: {  	[tilespmem:$0xA58] =	vst v0  }
0x109: {  	[tilespmem:$0xA68] =	vst v0  }
0x10a: {  	[tilespmem:$0xA78] =	vst v0  }
0x10b: {  	[tilespmem:$0xA88] =	vst v0  }
0x10c: {  	[tilespmem:$0xA98] =	vst v0  }
0x10d: {  	[tilespmem:$0xAA8] =	vst v0  }
0x10e: {  	[tilespmem:$0xAB8] =	vst v0  }
0x10f: {  	[tilespmem:$0xAC8] =	vst v0  }
0x110: {  	[tilespmem:$0xAD8] =	vst v0  }
0x111: {  	[tilespmem:$0xAE8] =	vst v0  }
0x112: {  	[tilespmem:$0xAF8] =	vst v0  }
0x113: {  	[tilespmem:$0xB08] =	vst v0  }
0x114: {  	[tilespmem:$0xB18] =	vst v0  }
0x115: {  	[tilespmem:$0xB28] =	vst v0  }
0x116: {  	[tilespmem:$0xB38] =	vst v0  }
0x117: {  	[tilespmem:$0xB48] =	vst v0  }
0x118: {  	[tilespmem:$0xB58] =	vst v0  }
0x119: {  	[tilespmem:$0xB68] =	vst v0  }
0x11a: {  	[tilespmem:$0xB78] =	vst v0  }
0x11b: {  	[tilespmem:$0xB88] =	vst v0  }
0x11c: {  	[tilespmem:$0xB98] =	vst v0  }
0x11d: {  	[tilespmem:$0xBA8] =	vst v0  }
0x11e: {  	[tilespmem:$0xBB8] =	vst v0  }
0x11f: {  	[tilespmem:$0xBC8] =	vst v0  }
0x120: {  	[tilespmem:$0xBD8] =	vst v0  }
0x121: {  	[tilespmem:$0xBE8] =	vst v0  }
0x122: {  	[tilespmem:$0xBF8] =	vst v0  }
0x123: {  	[tilespmem:$0xC08] =	vst v0  }
0x124: {  	[tilespmem:$0xC18] =	vst v0  }
0x125: {  	[tilespmem:$0xC28] =	vst v0  }
0x126: {  	[tilespmem:$0xC38] =	vst v0  }
0x127: {  	[tilespmem:$0xC48] =	vst v0  }
0x128: {  	[tilespmem:$0xC58] =	vst v0  }
0x129: {  	[tilespmem:$0xC68] =	vst v0  }
0x12a: {  	[tilespmem:$0xC78] =	vst v0  }
0x12b: {  	[tilespmem:$0xC88] =	vst v0  }
0x12c: {  	[tilespmem:$0xC98] =	vst v0  }
0x12d: {  	[tilespmem:$0xCA8] =	vst v0  }
0x12e: {  	[tilespmem:$0xCB8] =	vst v0  }
0x12f: {  	[tilespmem:$0xCC8] =	vst v0  }
0x130: {  	[tilespmem:$0xCD8] =	vst v0  }
0x131: {  	[tilespmem:$0xCE8] =	vst v0  }
0x132: {  	[tilespmem:$0xCF8] =	vst v0  }
0x133: {  	[tilespmem:$0xD08] =	vst v0  }
0x134: {  	[tilespmem:$0xD18] =	vst v0  }
0x135: {  	[tilespmem:$0xD28] =	vst v0  }
0x136: {  	[tilespmem:$0xD38] =	vst v0  }
0x137: {  	[tilespmem:$0xD48] =	vst v0  }
0x138: {  	[tilespmem:$0xD58] =	vst v0  }
0x139: {  	[tilespmem:$0xD68] =	vst v0  }
0x13a: {  	[tilespmem:$0xD78] =	vst v0  }
0x13b: {  	[tilespmem:$0xD88] =	vst v0  }
0x13c: {  	[tilespmem:$0xD98] =	vst v0  }
0x13d: {  	[tilespmem:$0xDA8] =	vst v0  }
0x13e: {  	[tilespmem:$0xDB8] =	vst v0  }
0x13f: {  	[tilespmem:$0xDC8] =	vst v0  }
0x140: {  	[tilespmem:$0xDD8] =	vst v0  }
0x141: {  	[tilespmem:$0xDE8] =	vst v0  }
0x142: {  	[tilespmem:$0xDF8] =	vst v0  }
0x143: {  	[tilespmem:$0xE08] =	vst v0  }
0x144: {  	[tilespmem:$0xE18] =	vst v0  }
0x145: {  	[tilespmem:$0xE28] =	vst v0  }
0x146: {  	[tilespmem:$0xE38] =	vst v0  }
0x147: {  	[tilespmem:$0xE48] =	vst v0  }
0x148: {  	[tilespmem:$0xE58] =	vst v0  }
0x149: {  	[tilespmem:$0xE68] =	vst v0  }
0x14a: {  	[tilespmem:$0xE78] =	vst v0  }
0x14b: {  	[tilespmem:$0xE88] =	vst v0  }
0x14c: {  	[tilespmem:$0xE98] =	vst v0  }
0x14d: {  	[tilespmem:$0xEA8] =	vst v0  }
0x14e: {  	[tilespmem:$0xEB8] =	vst v0  }
0x14f: {  	[tilespmem:$0xEC8] =	vst v0  }
0x150: {  	[tilespmem:$0xED8] =	vst v0  }
0x151: {  	[tilespmem:$0xEE8] =	vst v0  }
0x152: {  	[tilespmem:$0xEF8] =	vst v0  }
0x153: {  	[tilespmem:$0xF08] =	vst v0  }
0x154: {  	[tilespmem:$0xF18] =	vst v0  }
0x155: {  	[tilespmem:$0xF28] =	vst v0  }
0x156: {  	[tilespmem:$0xF38] =	vst v0  }
0x157: {  	[tilespmem:$0xF48] =	vst v0  }
0x158: {  	[tilespmem:$0xF58] =	vst v0  }
0x159: {  	[tilespmem:$0xF68] =	vst v0  }
0x15a: {  	[tilespmem:$0xF78] =	vst v0  }
0x15b: {  	[tilespmem:$0xF88] =	vst v0  }
0x15c: {  	[tilespmem:$0xF98] =	vst v0  }
0x15d: {  	[tilespmem:$0xFA8] =	vst v0  }
0x15e: {  	[tilespmem:$0xFB8] =	vst v0  }
0x15f: {  	[tilespmem:$0xFC8] =	vst v0  }
0x160: {  	[tilespmem:$0xFD8] =	vst v0  }
0x161: {  	[tilespmem:$0xFE8] =	vst v0  }
0x162: {  	[tilespmem:$0xFF8] =	vst v0  }
0x163: {  	[tilespmem:$0x1028] =	vst v0  }
0x164: {  	[tilespmem:$0x10E8] =	vst v0  }
0x165: {  	[tilespmem:$0x1068] =	vst v0  }
0x166: {  	[tilespmem:$0x1B28] =	vst v0  }
0x167: {  	[tilespmem:$0x1B18] =	vst v0  }
0x168: {  	[tilespmem:$0x1B08] =	vst v0  }
0x169: {  	[tilespmem:$0x1AF8] =	vst v0  }
0x16a: {  	[tilespmem:$0x1AE8] =	vst v0  }
0x16b: {  	[tilespmem:$0x1AD8] =	vst v0  }
0x16c: {  	[tilespmem:$0x1AC8] =	vst v0  }
0x16d: {  	[tilespmem:$0x1AB8] =	vst v0  }
0x16e: {  	[tilespmem:$0x1AA8] =	vst v0  }
0x16f: {  	[tilespmem:$0x1A98] =	vst v0  }
0x170: {  	[tilespmem:$0x1A88] =	vst v0  }
0x171: {  	[tilespmem:$0x1A78] =	vst v0  }
0x172: {  	[tilespmem:$0x1A68] =	vst v0  }
0x173: {  	[tilespmem:$0x1A58] =	vst v0  }
0x174: {  	[tilespmem:$0x1A48] =	vst v0  }
0x175: {  	[tilespmem:$0x1A38] =	vst v0  }
0x176: {  	[tilespmem:$0x1A28] =	vst v0  }
0x177: {  	[tilespmem:$0x1A18] =	vst v0  }
0x178: {  	[tilespmem:$0x1A08] =	vst v0  }
0x179: {  	[tilespmem:$0x19F8] =	vst v0  }
0x17a: {  	[tilespmem:$0x19E8] =	vst v0  }
0x17b: {  	[tilespmem:$0x19D8] =	vst v0  }
0x17c: {  	[tilespmem:$0x19C8] =	vst v0  }
0x17d: {  	[tilespmem:$0x19B8] =	vst v0  }
0x17e: {  	[tilespmem:$0x19A8] =	vst v0  }
0x17f: {  	[tilespmem:$0x1998] =	vst v0  }
0x180: {  	[tilespmem:$0x1988] =	vst v0  }
0x181: {  	[tilespmem:$0x1978] =	vst v0  }
0x182: {  	[tilespmem:$0x1968] =	vst v0  }
0x183: {  	[tilespmem:$0x1958] =	vst v0  }
0x184: {  	[tilespmem:$0x1948] =	vst v0  }
0x185: {  	[tilespmem:$0x1938] =	vst v0  }
0x186: {  	[tilespmem:$0x1928] =	vst v0  }
0x187: {  	[tilespmem:$0x1918] =	vst v0  }
0x188: {  	[tilespmem:$0x1908] =	vst v0  }
0x189: {  	[tilespmem:$0x18F8] =	vst v0  }
0x18a: {  	[tilespmem:$0x18E8] =	vst v0  }
0x18b: {  	[tilespmem:$0x18D8] =	vst v0  }
0x18c: {  	[tilespmem:$0x18C8] =	vst v0  }
0x18d: {  	[tilespmem:$0x18B8] =	vst v0  }
0x18e: {  	[tilespmem:$0x18A8] =	vst v0  }
0x18f: {  	[tilespmem:$0x1898] =	vst v0  }
0x190: {  	[tilespmem:$0x1888] =	vst v0  }
0x191: {  	[tilespmem:$0x1878] =	vst v0  }
0x192: {  	[tilespmem:$0x1868] =	vst v0  }
0x193: {  	[tilespmem:$0x1858] =	vst v0  }
0x194: {  	[tilespmem:$0x1848] =	vst v0  }
0x195: {  	[tilespmem:$0x1838] =	vst v0  }
0x196: {  	[tilespmem:$0x1828] =	vst v0  }
0x197: {  	[tilespmem:$0x1818] =	vst v0  }
0x198: {  	[tilespmem:$0x1808] =	vst v0  }
0x199: {  	[tilespmem:$0x17F8] =	vst v0  }
0x19a: {  	[tilespmem:$0x17E8] =	vst v0  }
0x19b: {  	[tilespmem:$0x17D8] =	vst v0  }
0x19c: {  	[tilespmem:$0x17C8] =	vst v0  }
0x19d: {  	[tilespmem:$0x17B8] =	vst v0  }
0x19e: {  	[tilespmem:$0x17A8] =	vst v0  }
0x19f: {  	[tilespmem:$0x1798] =	vst v0  }
0x1a0: {  	[tilespmem:$0x1788] =	vst v0  }
0x1a1: {  	[tilespmem:$0x1778] =	vst v0  }
0x1a2: {  	[tilespmem:$0x1768] =	vst v0  }
0x1a3: {  	[tilespmem:$0x1758] =	vst v0  }
0x1a4: {  	[tilespmem:$0x1748] =	vst v0  }
0x1a5: {  	[tilespmem:$0x1738] =	vst v0  }
0x1a6: {  	[tilespmem:$0x1728] =	vst v0  }
0x1a7: {  	[tilespmem:$0x1718] =	vst v0  }
0x1a8: {  	[tilespmem:$0x1708] =	vst v0  }
0x1a9: {  	[tilespmem:$0x16F8] =	vst v0  }
0x1aa: {  	[tilespmem:$0x16E8] =	vst v0  }
0x1ab: {  	[tilespmem:$0x16D8] =	vst v0  }
0x1ac: {  	[tilespmem:$0x16C8] =	vst v0  }
0x1ad: {  	[tilespmem:$0x16B8] =	vst v0  }
0x1ae: {  	[tilespmem:$0x16A8] =	vst v0  }
0x1af: {  	[tilespmem:$0x1698] =	vst v0  }
0x1b0: {  	[tilespmem:$0x1688] =	vst v0  }
0x1b1: {  	[tilespmem:$0x1678] =	vst v0  }
0x1b2: {  	[tilespmem:$0x1668] =	vst v0  }
0x1b3: {  	[tilespmem:$0x1658] =	vst v0  }
0x1b4: {  	[tilespmem:$0x1648] =	vst v0  }
0x1b5: {  	[tilespmem:$0x1638] =	vst v0  }
0x1b6: {  	[tilespmem:$0x1628] =	vst v0  }
0x1b7: {  	[tilespmem:$0x1618] =	vst v0  }
0x1b8: {  	[tilespmem:$0x1608] =	vst v0  }
0x1b9: {  	[tilespmem:$0x15F8] =	vst v0  }
0x1ba: {  	[tilespmem:$0x15E8] =	vst v0  }
0x1bb: {  	[tilespmem:$0x15D8] =	vst v0  }
0x1bc: {  	[tilespmem:$0x15C8] =	vst v0  }
0x1bd: {  	[tilespmem:$0x15B8] =	vst v0  }
0x1be: {  	[tilespmem:$0x15A8] =	vst v0  }
0x1bf: {  	[tilespmem:$0x1598] =	vst v0  }
0x1c0: {  	[tilespmem:$0x1588] =	vst v0  }
0x1c1: {  	[tilespmem:$0x1578] =	vst v0  }
0x1c2: {  	[tilespmem:$0x1568] =	vst v0  }
0x1c3: {  	[tilespmem:$0x1558] =	vst v0  }
0x1c4: {  	[tilespmem:$0x1548] =	vst v0  }
0x1c5: {  	[tilespmem:$0x1538] =	vst v0  }
0x1c6: {  	[tilespmem:$0x1528] =	vst v0  }
0x1c7: {  	[tilespmem:$0x1518] =	vst v0  }
0x1c8: {  	[tilespmem:$0x1508] =	vst v0  }
0x1c9: {  	[tilespmem:$0x14F8] =	vst v0  }
0x1ca: {  	[tilespmem:$0x14E8] =	vst v0  }
0x1cb: {  	[tilespmem:$0x14D8] =	vst v0  }
0x1cc: {  	[tilespmem:$0x14C8] =	vst v0  }
0x1cd: {  	[tilespmem:$0x14B8] =	vst v0  }
0x1ce: {  	[tilespmem:$0x14A8] =	vst v0  }
0x1cf: {  	[tilespmem:$0x1498] =	vst v0  }
0x1d0: {  	[tilespmem:$0x1488] =	vst v0  }
0x1d1: {  	[tilespmem:$0x1478] =	vst v0  }
0x1d2: {  	[tilespmem:$0x1468] =	vst v0  }
0x1d3: {  	[tilespmem:$0x1458] =	vst v0  }
0x1d4: {  	[tilespmem:$0x1448] =	vst v0  }
0x1d5: {  	[tilespmem:$0x1438] =	vst v0  }
0x1d6: {  	[tilespmem:$0x1428] =	vst v0  }
0x1d7: {  	[tilespmem:$0x1418] =	vst v0  }
0x1d8: {  	[tilespmem:$0x1408] =	vst v0  }
0x1d9: {  	[tilespmem:$0x13F8] =	vst v0  }
0x1da: {  	[tilespmem:$0x13E8] =	vst v0  }
0x1db: {  	[tilespmem:$0x13D8] =	vst v0  }
0x1dc: {  	[tilespmem:$0x13C8] =	vst v0  }
0x1dd: {  	[tilespmem:$0x13B8] =	vst v0  }
0x1de: {  	[tilespmem:$0x13A8] =	vst v0  }
0x1df: {  	[tilespmem:$0x1398] =	vst v0  }
0x1e0: {  	[tilespmem:$0x1388] =	vst v0  }
0x1e1: {  	[tilespmem:$0x1378] =	vst v0  }
0x1e2: {  	[tilespmem:$0x1368] =	vst v0  }
0x1e3: {  	[tilespmem:$0x1358] =	vst v0  }
0x1e4: {  	[tilespmem:$0x1348] =	vst v0  }
0x1e5: {  	[tilespmem:$0x1338] =	vst v0  }
0x1e6: {  	[tilespmem:$0x1328] =	vst v0  }
0x1e7: {  	[tilespmem:$0x1318] =	vst v0  }
0x1e8: {  	[tilespmem:$0x1308] =	vst v0  }
0x1e9: {  	[tilespmem:$0x12F8] =	vst v0  }
0x1ea: {  	[tilespmem:$0x12E8] =	vst v0  }
0x1eb: {  	[tilespmem:$0x12D8] =	vst v0  }
0x1ec: {  	[tilespmem:$0x12C8] =	vst v0  }
0x1ed: {  	[tilespmem:$0x12B8] =	vst v0  }
0x1ee: {  	[tilespmem:$0x12A8] =	vst v0  }
0x1ef: {  	[tilespmem:$0x1298] =	vst v0  }
0x1f0: {  	[tilespmem:$0x1288] =	vst v0  }
0x1f1: {  	[tilespmem:$0x1278] =	vst v0  }
0x1f2: {  	[tilespmem:$0x1268] =	vst v0  }
0x1f3: {  	[tilespmem:$0x1258] =	vst v0  }
0x1f4: {  	[tilespmem:$0x1248] =	vst v0  }
0x1f5: {  	[tilespmem:$0x1238] =	vst v0  }
0x1f6: {  	[tilespmem:$0x1228] =	vst v0  }
0x1f7: {  	[tilespmem:$0x1218] =	vst v0  }
0x1f8: {  	[tilespmem:$0x1208] =	vst v0  }
0x1f9: {  	[tilespmem:$0x11F8] =	vst v0  }
0x1fa: {  	[tilespmem:$0x11E8] =	vst v0  }
0x1fb: {  	[tilespmem:$0x11D8] =	vst v0  }
0x1fc: {  	[tilespmem:$0x11C8] =	vst v0  }
0x1fd: {  	[tilespmem:$0x11B8] =	vst v0  }
0x1fe: {  	[tilespmem:$0x11A8] =	vst v0  }
0x1ff: {  	[tilespmem:$0x1198] =	vst v0  }
0x200: {  	[tilespmem:$0x1188] =	vst v0  }
0x201: {  	[tilespmem:$0x1178] =	vst v0  }
0x202: {  	[tilespmem:$0x1168] =	vst v0  }
0x203: {  	[tilespmem:$0x1158] =	vst v0  }
0x204: {  	[tilespmem:$0x1148] =	vst v0  }
0x205: {  	[tilespmem:$0x1138] =	vst v0  }
0x206: {  	[tilespmem:$0x1128] =	vst v0  }
0x207: {  	[tilespmem:$0x1118] =	vst v0  }
0x208: {  	s4 =	stileid.u32;
	[tilespmem:$0x1108] =	vst v0  }
0x209: {  	s0 =	smul.u32 $0x2B, s4;
	[tilespmem:$0x10F8] =	vst v0  }
0x20a: {  	s1 =	smin.u32 s4, $0x7;
	[tilespmem:$0x10C8] =	vst v0  }
0x20b: {  	[tilespmem:$0x10D8] =	vst v0;
	s0 =	sadd.s32 s1, s0  }
0x20c: {  	p0 =	slt.u32 s4, $0x7;
	[tilespmem:$0x10B8] =	vst v0;
	s1 =	simm.s32 $0x4A40;
	s6 =	smul.u32 $0x1B0, s0  }
0x20d: {  	s1 =	simm.s32 @!p0 $0x4890;
	[tilespmem:$0x1038] =	vst v0  }
0x20e: {  	[tilespmem:$0x10A8] =	vst v0;
	s0 =	sadd.s32 s1, s6  }
0x20f: {  	s3 =	simm.s32 $0x2;
	s8 =	simm.s32 $0x9;
	[tilespmem:$0x1098] =	vst v0;
	s7 =	smin.u32 s0, $0x493E0  }
0x210: {  	s10 =	simm.s32 $0xA;
	s30 =	simm.s32 $0xB;
	[tilespmem:$0x1088] =	vst v0;
	s0 =	ssub.s32 s7, s6  }
0x211: {  	s16 =	simm.s32 $0x0;
	p4 =	por $0x0, $0x0;
	[tilespmem:$0x1078] =	vst v0;
	p0 =	sgt.s32 s0, $0x0  }
0x212: {  	s17 =	simm.s32 $0xC;
	s21 =	simm.s32 $0x0;
	[tilespmem:$0x1058] =	vst v0;
	s0 =	simm.s32 @!p0 $0x0  }
0x213: {  	s18 =	simm.s32 $0x0;
	s2 =	sand.u32 $0x1, s2;
	[tilespmem:$0x1048] =	vst v0;
	s29 =	smulhi.u32 $0x4BDA12F7, s0  }
0x214: {  	s20 =	simm.s32 $0x0;
	s31 =	sshll.u32 s4, $0x5;
	[tilespmem:$0x1018] =	vst v0;
	[dreg:$0x5] =	wrdreg s2  }
0x215: {  	s2 =	smul.u32 $0x927C, s2;
	[tilespmem:$0x1008] =	vst v0;
	[sflag:s3] =	ssyncpa.u1 $0x0;
	s1 =	sshrl.u32 s29, $0x7  }
0x216: {  	v0 =	vimm.s32 $0xFFFFFFFF;
	s3 =	sadd.s32 $0x28BC00, s11;
	[dreg:$0x4] =	wrdreg s31;
	s5 =	smul.u32 $0x1B0, s1  }
.Ltmp7:
0x217: {  	[tilespmem:$0x3648] =	vst v0;
	[sflag:s8] =	ssyncpa.u1 $0x0;
	s2 =	sadd.s32 s2, s11;
	(pc) =	sbr.rel .LBB3_1-.Ltmp7, $4  }
0x218: {  	[sflag:s10] =	ssyncpa.u1 $0x0;
	s11 =	sadd.s32 $0xD59400, s11;
	p0 =	sne.s32 s0, s5  }
0x219: {  	[sflag:s30] =	ssyncpa.u1 $0x0;
	s14 =	sadd.s32 $0x279600, s2;
	s12 =	simm.s32 @!p0 $0x0  }
0x21a: {  	s15 =	sadd.s32 $0x4DC00, s2;
	s19 =	smov.u32 s6;
	s12 =	sadd.s32 s12, s1  }
0x21b: {  	v0 =	vlaneseq.u32;
	[dreg:$0x6] =	wrdreg s6;
	p0 =	por $0x1, $0x1;
	s4 =	sadd.s32 $0x1, s12  }
.LBB3_18:
0x21c: {  	s0 =	simm.s32 $0x2  }
0x21d: {  	_ =	swait.ge [sflag:s0], $0x0  }
0x21e: {  	[sflag:s0] =	ssyncset.done $0x0;
	s0 =	simm.s32 $0x0  }
.LBB3_19:
0x21f: {  	_ =	swait.ge [sflag:s17], s0  }
0x220: {  	s31 =	ssub.s32 $0x0, s0;
	v1 =	vmov s23;
	vm0 =	veq.s32 v0, $0x0;
	[sflag:s17] =	ssyncset.done $0x0  }
0x221: {  	vm15 =	veq.s32 v0, $0x2;
	v1 =	vsel vm0, s28, v1;
	[sflag:s17] =	ssyncadd.s32 s31  }
0x222: {  	v1 =	vsel vm15, s21, v1;
	[sflag:s17] =	ssyncpa.u1 $0x1  }
0x223: {  	[tilespmem:$0x3648] =	vst v1  }
.LBB3_20:
0x224: {  	s0 =	sadd.s32 $0x1B0, s19  }
0x225: {  	s1 =	smov.u32 s6;
	p1 =	slt.s32 s0, s7  }
0x226: {  	s1 =	smov.u32 @p1 s0;
	p1 =	sne.s32 s20, s4  }
.Ltmp8:
0x227: {  	_ = 	snop;
	(pc) =	sbr.rel @!p1 .LBB3_21-.Ltmp8, $4  }
0x228: {  	_ = 	snop  }
0x229: {  	s21 =	smov.u32 s18  }
0x22a: {  	s31 =	sadd.s32 $0x1, s20;
	s18 =	smov.u32 s19;
	p0 =	por !p0, !p0  }
0x22b: {  	p4 =	por !p4, !p4;
	s20 =	smov.u32 s31;
	s19 =	smov.u32 s1  }
.LBB3_1:
0x22c: {  	p2 =	sge.u32 s20, s12  }
0x22d: {  	s0 =	smulhi.u32 @!p2 $0xAAAAAAAB, s20  }
0x22e: {  	s1 =	smov.u32 s19;
	p3 =	sgt.s32 @!p2 s19, $0x49230  }
0x22f: {  	s2 =	sshra.s32 @!p2 s19, $0x1F;
	p3 =	por !p3, p2;
	s0 =	sshrl.u32 @!p2 s0, $0x1  }
0x230: {  	s2 =	sand.u32 @!p2 s2, s19;
	s1 =	simm.s32 @p3 $0x49230;
	s0 =	smul.u32 @!p2 $0x3, s0  }
0x231: {  	s1 =	ssub.s32 @!p2 s1, s2  }
0x232: {  	s23 =	sadd.s32 $0xFFFFFFFF, s20;
	s1 =	sadd.s32 @!p2 $0xFFFB6DD0, s1;
	s0 =	ssub.s32 @!p2 s20, s0  }
0x233: {  	s2 =	sshll.u32 @!p2 s1, $0x2;
	p3 =	sgt.s32 @!p2 s1, $0x1AF;
	s0 =	smul.u32 @!p2 $0x6C0, s0  }
0x234: {  	s5 =	sand.u32 @!p2 $0x7, s19;
	s1 =	ssub.s32 @!p2 $0x6C0, s2;
	p3 =	por !p3, p2  }
0x235: {  	s2 =	sshrl.u32 @!p2 s19, $0x3;
	s1 =	sshrl.u32 @!p2 s1, $0x2;
	s0 =	sshrl.u32 @!p2 s0, $0x2  }
0x236: {  	s2 =	sadd.s32 @!p2 s2, s14;
	s1 =	simm.s32 @!p3 $0x0;
	s0 =	sadd.s32 @!p2 $0x3888, s0  }
0x237: {  	[tilespmem:s0], [sflag:$0xA] =	stream.linear.gather @!p2 [hbm4b:s2+s5], s1, $0x38;
	[tilespmem:$0x1F0F8] =	vst v63  }
0x238: {  	p2 =	sge.u32 s23, s12  }
0x239: {  	p3 =	sgt.s32 @!p2 s18, $0x49230  }
0x23a: {  	s0 =	smov.u32 s18;
	s1 =	sshra.s32 @!p2 s18, $0x1F;
	p3 =	por !p3, p2  }
0x23b: {  	s1 =	sand.u32 @!p2 s1, s18;
	s0 =	simm.s32 @p3 $0x49230  }
0x23c: {  	s0 =	ssub.s32 @!p2 s0, s1  }
0x23d: {  	s0 =	sadd.s32 @!p2 $0xFFFB6DD0, s0  }
0x23e: {  	s1 =	sshll.u32 @!p2 s0, $0x2  }
0x23f: {  	p3 =	sgt.s32 @!p2 s0, $0x1AF;
	s0 =	ssub.s32 @!p2 $0x6C0, s1  }
0x240: {  	s22 =	ssub.s32 @!p2 $0x493E0, s18;
	p3 =	por !p3, p2;
	s0 =	sshrl.u32 @!p2 s0, $0x2  }
0x241: {  	s1 =	sand.u32 @!p2 $0x1, s23;
	s0 =	simm.s32 @!p3 $0x0;
	p3 =	slt.s32 @!p2 s22, $0x1  }
0x242: {  	s2 =	simm.s32 @!p2 $0xA;
	s1 =	smul.u32 @!p2 $0x6C0, s1;
	p3 =	por p2, p3  }
.Ltmp9:
0x243: {  	_ =	swait.ge @!p2 [sflag:s2], s0;
	(pc) =	sbr.rel @p3 .LBB3_7-.Ltmp9, $4  }
0x244: {  	s5 =	ssub.s32 @!p2 $0x0, s0;
	[sflag:s2] =	ssyncset.done @!p2 $0x0  }
0x245: {  	s1 =	sshrl.u32 @!p2 s1, $0x2;
	[sflag:s2] =	ssyncadd.s32 @!p2 s5;
	s2 =	sshrl.u32 @!p2 s18, $0x3  }
0x246: {  	s1 =	sadd.s32 @!p2 $0x3D98, s1;
	s5 =	sand.u32 @!p2 $0x7, s18;
	s2 =	sadd.s32 @!p2 s2, s15  }
0x247: {  	[tilespmem:s1], [sflag:$0xB] =	stream.linear.gather @!p2 [hbm4b:s2+s5], s0, $0x38;
	[tilespmem:$0x1F0F8] =	vst v63  }
0x248: {  	s0 =	smulhi.u32 $0xAAAAAAAB, s23;
	_ =	sdelay $0x1  }
0x249: {  	s0 =	sshrl.u32 s0, $0x1  }
0x24a: {  	s0 =	smul.u32 $0x3, s0;
	_ =	sdelay $0x1  }
0x24b: {  	s0 =	ssub.s32 s23, s0  }
0x24c: {  	s1 =	simm.s32 $0x1;
	s0 =	smul.u32 $0x6C0, s0  }
.Ltmp10:
0x24d: {  	s1 =	simm.s32 @!p0 $0x0;
	(pc) =	sbr.rel .LBB3_4-.Ltmp10, $4  }
0x24e: {  	s1 =	smul.u32 $0x36000, s1  }
0x24f: {  	p3 =	slt.s32 @!p2 s22, $0x1B0;
	s0 =	sshrl.u32 s0, $0x2  }
0x250: {  	p2 =	por !p3, p2;
	s1 =	sshrl.u32 s1, $0x2;
	s0 =	sadd.s32 $0x3888, s0  }
0x251: {  	s24 =	simm.s32 $0x0;
	s22 =	simm.s32 @p2 $0x1B0;
	s23 =	sadd.s32 $0x40F8, s1;
	v1 =	vmov s0  }
.LBB3_3:
0x252: {  	p2 =	sge.s32 s24, s22  }
.Ltmp11:
0x253: {  	_ = 	snop;
	(pc) =	sbr.rel @p2 .LBB3_7-.Ltmp11, $2  }
0x254: {  	_ =	sdelay $0x2  }
0x255: {  	s23 =	sadd.s32 $0x800, s23  }
.LBB3_4:
0x256: {  	p2 =	sle.s32 s22, s24  }
.Ltmp12:
0x257: {  	_ = 	snop;
	(pc) =	sbr.rel @p2 .LBB3_3-.Ltmp12, $2  }
0x258: {  	_ =	sdelay $0x2  }
0x259: {  	s0 =	smov.u32 s24;
	s24 =	sadd.s32 $0x10, s24  }
0x25a: {  	s1 =	ssub.s32 s22, s0  }
0x25b: {  	p2 =	slt.s32 s1, $0x10  }
0x25c: {  	s1 =	simm.s32 @!p2 $0x10  }
0x25d: {  	v2 =	vmov s1  }
0x25e: {  	vm0 =	vgt.s32 v2, v0;
	_ =	sdelay $0x5  }
0x25f: {  	v2 =	vld.idx.msk [tilespmem:v1+s0+$0x0 ss:$0x1], vm0;
	_ =	sdelay $0x2  }
0x260: {  	p2 =	slt.s32 s24, s22;
	s1 =	smov.u32 s22  }
0x261: {  	s2 =	smov.u32 s23;
	s25 =	simm.s32 $0x0;
	s1 =	smov.u32 @p2 s24  }
.LBB3_6:
0x262: {  	(v2sf) =	vpush v2, s25;
	_ =	sdelay $0xc  }
0x263: {  	s25 =	sadd.s32 $0x1, s25  }
0x264: {  	s31 =	sadd.s32 s25, s0  }
0x265: {  	p2 =	slt.s32 s31, s1;
	s5 =	spop (v2sf)  }
.Ltmp13:
0x266: {  	s5 =	sshll.u32 s5, $0x4;
	(pc) =	sbr.rel @p2 .LBB3_6-.Ltmp13, $4  }
0x267: {  	s5 =	sand.u32 $0x1FFFFFF0, s5  }
0x268: {  	s5 =	sadd.s32 s11, s5  }
0x269: {  	[tilespmem:s2], [sflag:$0x9] =	stream.linear.gather [hbm4b:s5+s16], $0x8, $0x38;
	[tilespmem:$0x1F0F8] =	vst v63  }
0x26a: {  	s2 =	sadd.s32 $0x80, s2  }
.Ltmp14:
0x26b: {  	_ = 	snop;
	(pc) =	sbr.rel .LBB3_3-.Ltmp14, $1  }
0x26c: {  	_ =	sdelay $0x3  }
.LBB3_7:
0x26d: {  	p2 =	slt.u32 s20, $0x2  }
.Ltmp15:
0x26e: {  	_ = 	snop;
	(pc) =	sbr.rel @p2 .LBB3_20-.Ltmp15, $1  }
0x26f: {  	_ =	sdelay $0x3  }
0x270: {  	p2 =	sgt.s32 s21, $0x49230  }
0x271: {  	s0 =	smov.u32 s21;
	s1 =	sshra.s32 s21, $0x1F;
	s2 =	ssub.s32 $0x493E0, s21  }
0x272: {  	s0 =	simm.s32 @!p2 $0x49230;
	s1 =	sand.u32 s1, s21;
	p2 =	slt.s32 s2, $0x1B0  }
0x273: {  	s0 =	ssub.s32 s0, s1;
	s2 =	simm.s32 @!p2 $0x1B0  }
0x274: {  	s0 =	sadd.s32 $0xFFFB6DD0, s0;
	s24 =	sshll.u32 s2, $0x3  }
0x275: {  	s28 =	simm.s32 $0x9;
	s25 =	sshll.u32 s0, $0x2;
	s1 =	sand.u32 $0x3FFFFFF8, s24  }
0x276: {  	p2 =	sgt.s32 s0, $0x1AF;
	s26 =	ssub.s32 $0x6C0, s25;
	_ =	swait.ge [sflag:s28], s1  }
0x277: {  	s1 =	ssub.s32 $0x0, s1;
	[sflag:s28] =	ssyncset.done $0x0;
	s0 =	sshrl.u32 s26, $0x2  }
0x278: {  	s30 =	simm.s32 $0xB;
	[sflag:s28] =	ssyncadd.s32 s1;
	s0 =	simm.s32 @p2 $0x0  }
0x279: {  	_ =	swait.ge [sflag:s30], s0  }
0x27a: {  	s0 =	ssub.s32 $0x0, s0;
	[sflag:s30] =	ssyncset.done $0x0  }
0x27b: {  	[sflag:s30] =	ssyncadd.s32 s0  }
0x27c: {  	v1 =	vld [tilespmem:$0x3648];
	_ =	sdelay $0x4  }
0x27d: {  	(v2sf) =	vpush v1, $0x0  }
0x27e: {  	(v2sf) =	vpush v1, $0x1  }
0x27f: {  	(v2sf) =	vpush v1, $0x2;
	_ =	sdelay $0x3  }
0x280: {  	s0 =	sadd.s32 $0x1B0, s21  }
0x281: {  	s1 =	ssub.s32 $0x927C0, s21;
	p2 =	slt.s32 s7, s0  }
0x282: {  	s0 =	smov.u32 @p2 s7;
	p2 =	sgt.s32 s1, $0x0  }
0x283: {  	s25 =	ssub.s32 s0, s21;
	s1 =	simm.s32 @!p2 $0x0  }
0x284: {  	p2 =	slt.s32 s1, s25  }
0x285: {  	s25 =	smov.u32 @p2 s1  }
0x286: {  	s24 =	simm.s32 $0x1;
	p2 =	slt.s32 s25, $0x1  }
.Ltmp16:
0x287: {  	s24 =	simm.s32 @!p4 $0x0;
	(pc) =	sbr.rel @p2 .LBB3_12-.Ltmp16, $4  }
0x288: {  	s31 =	smul.u32 $0x6C0, s24  }
0x289: {  	s26 =	spop (v2sf)  }
0x28a: {  	s0 =	sshrl.u32 s31, $0x2;
	s29 =	spop (v2sf)  }
0x28b: {  	s22 =	sadd.s32 $0x3D98, s0;
	s21 =	spop (v2sf)  }
0x28c: {  	s0 =	smin.u32 s25, $0x10  }
0x28d: {  	v1 =	vmov s0  }
0x28e: {  	p3 =	sgt.s32 s25, $0x10;
	vm1 =	vgt.u32 v1, v0  }
.Ltmp17:
0x28f: {  	_ = 	snop;
	(pc) =	sbr.rel @!p3 .LBB3_11-.Ltmp17, $2  }
0x290: {  	_ =	sdelay $0x2  }
0x291: {  	s23 =	simm.s32 $0x10;
	s28 =	sadd.s32 $0xFFFFFFF0, s25;
	s0 =	smov.u32 s22;
	vm0 =	vmmov vm1  }
.LBB3_10:
0x292: {  	s1 =	smin.u32 s28, $0x10;
	s23 =	sadd.s32 $0x10, s23;
	v1 =	vld.msk [tilespmem:s0+$0x0 ss:$0x1], vm1  }
0x293: {  	v2 =	vmov s1;
	p3 =	slt.s32 s23, s25  }
0x294: {  	vm1 =	vgt.u32 v2, v0  }
.Ltmp18:
0x295: {  	(pc) =	sbr.rel @p3 .LBB3_10-.Ltmp18, $3  }
0x296: {  	_ =	sdelay $0x1  }
0x297: {  	v1 =	vshll.u32 v1, $0x4  }
0x298: {  	s28 =	sadd.s32 $0xFFFFFFF0, s28;
	[tilespmem:s0+$0x0] =	vst.msk vm0, v1;
	s0 =	sadd.s32 $0x10, s0;
	vm0 =	vmmov vm1  }
.LBB3_11:
0x299: {  	_ =	sdelay $0x4  }
0x29a: {  	v1 =	vld.msk [tilespmem:s0+$0x0 ss:$0x1], vm1;
	_ =	sdelay $0x4  }
0x29b: {  	v1 =	vshll.u32 v1, $0x4  }
0x29c: {  	[tilespmem:s0+$0x0] =	vst.msk vm0, v1  }
.LBB3_12:
0x29d: {  	s0 =	sand.u32 $0x1, s20  }
0x29e: {  	s0 =	smul.u32 $0x1B0, s0  }
0x29f: {  	p3 =	sne.s32 s29, $0xFFFFFFFF  }
0x2a0: {  	v1 =	vld.msk @!p3 [tilespmem:s0+$0x3D98], $0x1;
	_ =	sdelay $0x4  }
0x2a1: {  	(v2sf) =	vpush @!p3 v1, $0x0;
	_ =	sdelay $0xc  }
.Ltmp19:
0x2a2: {  	_ = 	snop;
	(pc) =	sbr.rel @p2 .LBB3_18-.Ltmp19, $4  }
0x2a3: {  	_ = 	snop  }
0x2a4: {  	s28 =	spop @!p3 (v2sf)  }
0x2a5: {  	s21 =	simm.s32 @!p3 $0x0;
	s23 =	smov.u32 s28  }
0x2a6: {  	[sflag:s17] =	ssyncpa.u1 $0x0;
	s28 =	smov.u32 @p3 s26;
	s23 =	smov.u32 @p3 s29  }
0x2a7: {  	v1 =	vld.msk [tilespmem:s22+$0x0], $0x1;
	_ =	sdelay $0x4  }
0x2a8: {  	(v2sf) =	vpush v1, $0x0;
	_ =	sdelay $0xe  }
0x2a9: {  	s0 =	simm.s32 @!p4 $0x0;
	s26 =	smul.u32 $0x36000, s24;
	s31 =	spop (v2sf)  }
0x2aa: {  	s29 =	ssub.s32 $0x0, s25;
	s0 =	simm.s32 @p4 $0x1;
	p2 =	seq.s32 s28, s31  }
0x2ab: {  	s1 =	smov.u32 s28;
	[smem:$0x7FD] =	sst s0;
	p3 =	sgt.s32 @!p2 s28, $0x0  }
0x2ac: {  	s0 =	sshrl.u32 s26, $0x2;
	s26 =	sadd.s32 $0x1, s29;
	p3 =	por !p3, p2  }
0x2ad: {  	s1 =	simm.s32 @p3 $0x0;
	p3 =	seq.s32 s26, $0x0  }
.Ltmp20:
0x2ae: {  	_ = 	snop;
	(pc) =	sbr.rel @p3 .LBB3_15-.Ltmp20, $4  }
0x2af: {  	s6 =	smov.u32 s4;
	s25 =	simm.s32 $0x0  }
0x2b0: {  	s24 =	sadd.s32 $0x40F8, s0;
	s0 =	simm.s32 @!p2 $0x1;
	s2 =	smin.u32 @!p2 s1, $0xC34FF  }
0x2b1: {  	s30 =	sadd.s32 $0x1, s22;
	s0 =	smov.u32 @p2 s25;
	s5 =	sand.u32 @!p2 $0xFFFF8, s2  }
0x2b2: {  	s1 =	simm.s32 @!p2 $0x1B38;
	s2 =	sand.u32 @!p2 $0x7, s2;
	s5 =	sadd.s32 @!p2 s3, s5  }
.LBB3_14:
0x2b3: {  	s4 =	smov.u32 s0  }
0x2b4: {  	[tilespmem:s1], [sflag:$0x2] =	stream.linear.gather @!p2 [hbm4b:s5+s2], $0x8, $0x38;
	[tilespmem:$0x1F0F8] =	vst v63  }
0x2b5: {  	s26 =	sadd.s32 $0x1, s26;
	s2 =	smov.u32 s31;
	v1 =	vld.msk [tilespmem:s30+$0x0], $0x1  }
0x2b6: {  	p3 =	seq.s32 s26, $0x0;
	_ =	sdelay $0x3  }
0x2b7: {  	(v2sf) =	vpush v1, $0x0;
	_ =	sdelay $0xe  }
0x2b8: {  	s31 =	spop (v2sf)  }
0x2b9: {  	p2 =	seq.s32 s2, s31  }
0x2ba: {  	p4 =	sgt.s32 @!p2 s2, $0x0;
	s1 =	sshll.u32 @!p2 s0, $0x6;
	s0 =	sadd.s32 @!p2 $0x1, s0  }
.Ltmp21:
0x2bb: {  	p4 =	por !p4, p2;
	s1 =	sshra.s32 @!p2 s1, $0x2;
	(pc) =	sbr.rel @!p3 .LBB3_14-.Ltmp21, $4  }
0x2bc: {  	s0 =	smov.u32 @p2 s4;
	s2 =	simm.s32 @p4 $0x0;
	s1 =	sadd.s32 @!p2 $0x1B38, s1  }
0x2bd: {  	s2 =	smin.u32 @!p2 s2, $0xC34FF  }
0x2be: {  	s4 =	sand.u32 @!p2 $0xFFFF8, s2;
	s2 =	sand.u32 @!p2 $0x7, s2  }
0x2bf: {  	s30 =	sadd.s32 $0x1, s30;
	s5 =	sadd.s32 @!p2 s3, s4  }
.LBB3_15:
0x2c0: {  	[tilespmem:s1], [sflag:$0x2] =	stream.linear.gather @!p2 [hbm4b:s5+s2], $0x8, $0x38;
	[tilespmem:$0x1F0F8] =	vst v63  }
0x2c1: {  	s0 =	sshll.u32 s0, $0x3  }
0x2c2: {  	s31 =	simm.s32 $0x2;
	s0 =	sand.u32 $0x3FFFFFF8, s0  }
0x2c3: {  	_ =	swait.ge [sflag:s31], s0  }
0x2c4: {  	s0 =	ssub.s32 $0x0, s0;
	[sflag:s31] =	ssyncset.done $0x0  }
0x2c5: {  	[sflag:s31] =	ssyncadd.s32 s0  }
0x2c6: {  	v1 =	vld.msk [tilespmem:s22+$0x0], $0x1;
	_ =	sdelay $0x4  }
0x2c7: {  	(v2sf) =	vpush v1, $0x0;
	_ =	sdelay $0xe  }
0x2c8: {  	s26 =	spop (v2sf)  }
0x2c9: {  	p2 =	sne.s32 s28, s26  }
0x2ca: {  	p4 =	sne.s32 @p2 s28, s23  }
0x2cb: {  	p3 =	por !p4, !p2  }
0x2cc: {  	s0 =	simm.s32 @!p3 $0x0  }
0x2cd: {  	v1 =	vld.msk @!p3 [tilespmem:s0+$0x1B38], $0xff  }
0x2ce: {  	p5 =	sgt.u32 @!p3 s28, $0xC34FF  }
0x2cf: {  	s1 =	sshll.u32 @!p3 s21, $0x6;
	p6 =	por @p2 p5, !p4  }
0x2d0: {  	s1 =	sshra.s32 @!p3 s1, $0x2;
	p1 =	por p6, !p2;
	p6 =	por p4, !p2  }
0x2d1: {  	s2 =	sadd.s32 @!p3 $0x28, s1;
	s4 =	sand.u32 @!p1 $0xFFFF8, s28;
	s5 =	sshll.u32 @!p6 s21, $0x6  }
0x2d2: {  	s28 =	sand.u32 @!p1 $0x7, s28;
	[tilespmem:s1+$0x28] =	vst.add.f32.msk @!p3 $0xff, v1;
	s1 =	sadd.s32 @!p1 s3, s4;
	s4 =	sshra.s32 @!p6 s5, $0x2  }
0x2d3: {  	[hbm4b:s1+s28] =	stream.linear.scatter @!p1 [tilespmem:s2], [sflag:$0xC], $0x8, $0x38;
	[tilespmem:$0x1F0F8] =	vst v63  }
0x2d4: {  	s0 =	rddreg [dreg:$0x4];
	s1 =	sadd.s32 @!p6 $0x28, s4;
	s2 =	simm.s32 @!p6 $0x1  }
0x2d5: {  	[spmem:s0] =	stream.linear.scatter @!p6 [tilespmem:s1], [sflag:$0x1], $0x8, $0x38;
	[tilespmem:$0x1F0F8] =	vst v63  }
0x2d6: {  	s0 =	sadd.s32 @p2 $0x1, s21;
	_ =	swait.ge @!p6 [sflag:s2], $0x8  }
0x2d7: {  	s1 =	sshrl.u32 @p2 s0, $0x4;
	[sflag:s2] =	ssyncset.done @!p6 $0x0  }
0x2d8: {  	s1 =	smulhi.u32 @p2 $0x97B425F, s1;
	[sflag:s2] =	ssyncadd.s32 @!p6 $0xFFFFFFF8  }
0x2d9: {  	s28 =	sadd.s32 $0x1, s29;
	v1 =	vld.msk @p2 [tilespmem:s24+$0x0], $0xff  }
0x2da: {  	p1 =	por @p2 !p5, !p4;
	p4 =	seq.s32 s28, $0x0;
	s1 =	smul.u32 @p2 $0x1B0, s1  }
.Ltmp22:
0x2db: {  	p1 =	por !p1, !p2;
	s2 =	simm.s32 @!p3 $0x0;
	(pc) =	sbr.rel @p4 .LBB3_17-.Ltmp22, $4  }
0x2dc: {  	s4 =	sshll.u32 @!p2 s21, $0x6;
	s2 =	simm.s32 @!p1 $0x20;
	s0 =	ssub.s32 @p2 s0, s1  }
0x2dd: {  	s29 =	simm.s32 $0x0;
	s2 =	sadd.s32 @!p3 $0x0, s2;
	s5 =	sshll.u32 @p2 s0, $0x4  }
0x2de: {  	s30 =	sshra.s32 @!p2 s4, $0x2;
	s1 =	simm.s32 @p2 $0x1;
	s2 =	smov.u32 @p3 s25;
	[tilespmem:s5+$0x28] =	vst.msk @p2 $0xff, v1  }
0x2df: {  	s21 =	smov.u32 @p2 s0;
	s29 =	smov.u32 @p2 s2;
	s25 =	smov.u32 @p2 s1;
	v1 =	vld.msk @!p2 [tilespmem:s24+$0x0], $0xff  }
.LBB3_16:
0x2e0: {  	_ =	sdelay $0x3  }
0x2e1: {  	s22 =	sadd.s32 $0x1, s22;
	[tilespmem:s30+$0x28] =	vst.add.f32.msk @!p2 $0xff, v1  }
0x2e2: {  	v1 =	vld.msk [tilespmem:s22+$0x0], $0x1;
	_ =	sdelay $0x4  }
0x2e3: {  	(v2sf) =	vpush v1, $0x0;
	_ =	sdelay $0xe  }
0x2e4: {  	s0 =	smov.u32 s26;
	s26 =	spop (v2sf)  }
0x2e5: {  	p2 =	sne.s32 s0, s26  }
0x2e6: {  	p5 =	sne.s32 @p2 s0, s23  }
0x2e7: {  	s4 =	sshll.u32 @!p2 s21, $0x6;
	p4 =	por !p5, !p2  }
0x2e8: {  	s30 =	sshra.s32 @!p2 s4, $0x2;
	s4 =	sshll.u32 @!p4 s25, $0x6  }
0x2e9: {  	s4 =	sshra.s32 @!p4 s4, $0x2  }
0x2ea: {  	p1 =	sgt.u32 @!p4 s0, $0xC34FF;
	v1 =	vld.msk @!p4 [tilespmem:s4+$0x1B38], $0xff  }
0x2eb: {  	s31 =	sshll.u32 @!p4 s21, $0x6;
	p6 =	por @p2 p1, !p5;
	p1 =	por @p2 !p1, !p5  }
0x2ec: {  	s8 =	simm.s32 @!p4 $0x0;
	s31 =	sshra.s32 @!p4 s31, $0x2;
	p1 =	por !p1, !p2  }
0x2ed: {  	p5 =	por p5, !p2;
	s8 =	simm.s32 @!p1 $0x20;
	p1 =	por p6, !p2  }
0x2ee: {  	s4 =	sadd.s32 @!p4 $0x28, s31;
	s13 =	sshll.u32 @!p5 s21, $0x6;
	s10 =	sand.u32 @!p1 $0xFFFF8, s0  }
0x2ef: {  	s13 =	sshra.s32 @!p5 s13, $0x2;
	s0 =	sand.u32 @!p1 $0x7, s0;
	s10 =	sadd.s32 @!p1 s3, s10;
	[tilespmem:s31+$0x28] =	vst.add.f32.msk @!p4 $0xff, v1  }
0x2f0: {  	[hbm4b:s10+s0] =	stream.linear.scatter @!p1 [tilespmem:s4], [sflag:$0xC], $0x8, $0x38;
	[tilespmem:$0x1F0F8] =	vst v63  }
0x2f1: {  	s1 =	rddreg [dreg:$0x4];
	s0 =	sadd.s32 @!p5 $0x28, s13;
	s4 =	simm.s32 @!p5 $0x1  }
0x2f2: {  	[spmem:s1] =	stream.linear.scatter @!p5 [tilespmem:s0], [sflag:$0x1], $0x8, $0x38;
	[tilespmem:$0x1F0F8] =	vst v63  }
0x2f3: {  	s2 =	sadd.s32 @p2 $0x1, s21;
	_ =	swait.ge @!p5 [sflag:s4], $0x8  }
0x2f4: {  	s5 =	sshrl.u32 @p2 s2, $0x4;
	[sflag:s4] =	ssyncset.done @!p5 $0x0  }
0x2f5: {  	s24 =	sadd.s32 $0x80, s24;
	s5 =	smulhi.u32 @p2 $0x97B425F, s5;
	[sflag:s4] =	ssyncadd.s32 @!p5 $0xFFFFFFF8  }
0x2f6: {  	s28 =	sadd.s32 $0x1, s28;
	v1 =	vld.msk @p2 [tilespmem:s24+$0x0], $0xff  }
0x2f7: {  	p3 =	seq.s32 s28, $0x0;
	s5 =	smul.u32 @p2 $0x1B0, s5  }
.Ltmp23:
0x2f8: {  	_ = 	snop;
	(pc) =	sbr.rel @!p3 .LBB3_16-.Ltmp23, $4  }
0x2f9: {  	s2 =	ssub.s32 @p2 s2, s5  }
0x2fa: {  	s8 =	sadd.s32 @!p4 s8, s29;
	s5 =	sshll.u32 @p2 s2, $0x4  }
0x2fb: {  	s9 =	sadd.s32 @p2 $0x1, s25;
	s8 =	smov.u32 @p4 s29;
	[tilespmem:s5+$0x28] =	vst.msk @p2 $0xff, v1  }
0x2fc: {  	s25 =	smov.u32 @p2 s9;
	s21 =	smov.u32 @p2 s2;
	s29 =	smov.u32 @p2 s8;
	v1 =	vld.msk @!p2 [tilespmem:s24+$0x0], $0xff  }
.LBB3_17:
.Ltmp24:
0x2fd: {  	_ = 	snop;
	(pc) =	sbr.rel .LBB3_19-.Ltmp24, $3  }
0x2fe: {  	s1 =	sld [smem:$0x7FD];
	_ =	sdelay $0x1  }
0x2ff: {  	s0 =	sshrl.u32 s29, $0x2;
	s28 =	smov.u32 s26  }
0x300: {  	s4 =	smov.u32 s6;
	s6 =	rddreg [dreg:$0x6];
	p4 =	seq.s32 s1, $0x1;
	[tilespmem:s30+$0x28] =	vst.add.f32.msk @!p2 $0xff, v1  }
.LBB3_21:
0x301: {  	_ =	sfence.sel $0x180000  }
0x302: {  	s0 =	simm.s32 $0x9;
	[bflag:$0x0] =	sbarrier.arrive $0xFFFF  }
0x303: {  	s24 =	simm.s32 $0xA;
	[sflag:s0] =	ssyncpa.u1 $0x1  }
0x304: {  	s25 =	simm.s32 $0xB;
	[sflag:s24] =	ssyncpa.u1 $0x1  }
0x305: {  	s26 =	simm.s32 $0x2;
	[sflag:s25] =	ssyncpa.u1 $0x1  }
0x306: {  	[sflag:s26] =	ssyncpa.u1 $0x1  }
0x307: {  	v0 =	vld [tilespmem:$0x3648];
	_ =	sdelay $0x4  }
0x308: {  	(v2sf) =	vpush v0, $0x0  }
0x309: {  	(v2sf) =	vpush v0, $0x1;
	_ =	sdelay $0x1  }
0x30a: {  	(v2sf) =	vpush v0, $0x2;
	_ =	sdelay $0xb  }
0x30b: {  	s0 =	spop (v2sf)  }
0x30c: {  	s1 =	spop (v2sf)  }
0x30d: {  	s2 =	smov.u32 s0;
	p0 =	sne.s32 s0, s1  }
0x30e: {  	s4 =	spop (v2sf);
	s2 =	simm.s32 @!p0 $0xFFFFFFFF  }
0x30f: {  	v2 =	vimm.s32 $0x1;
	v3 =	vlaneseq.u32;
	p0 =	seq.s32 s4, $0xFFFFFFFF;
	v1 =	vmov s2  }
0x310: {  	s16 =	stileid.u32;
	v0 =	vperm.xlane v0, v2;
	p1 =	sne.s32 @!p0 s0, s1;
	v1 =	vperm.xlane v1, v3  }
0x311: {  	vm0 =	vcmask $0x3F04;
	s6 =	simm.s32 $0x3648;
	s0 =	simm.s32 @!p0 $0x1;
	p1 =	por !p1, p0  }
0x312: {  	s2 =	sshll.u32 s16, $0x1;
	s1 =	sshll.u32 @!p0 s4, $0x6;
	s0 =	simm.s32 @p1 $0x0;
	v0 =	vsel vm0, v1, v0  }
0x313: {  	s5 =	sor.u32 $0x200, s2;
	s1 =	sshra.s32 @!p0 s1, $0x2;
	s0 =	sor.u32 @!p0 s0, s2;
	[tilespmem:$0x3648] =	vst v0  }
0x314: {  	[spmem:s5] =	stream.linear.scatter [tilespmem:s6], [sflag:$0x1], $0x2, $0x38;
	[tilespmem:$0x1F0F8] =	vst v63  }
0x315: {  	s1 =	sadd.s32 @!p0 $0x28, s1;
	s0 =	sshll.u32 @!p0 s0, $0x4  }
0x316: {  	[spmem:s0] =	stream.linear.scatter @!p0 [tilespmem:s1], [sflag:$0x1], $0x10, $0x38;
	[tilespmem:$0x1F0F8] =	vst v63  }
0x317: {  	s0 =	simm.s32 @!p0 $0x12  }
0x318: {  	s28 =	simm.s32 $0x1;
	s0 =	simm.s32 @p0 $0x2  }
0x319: {  	_ =	swait.ge [sflag:s28], s0  }
0x31a: {  	s0 =	ssub.s32 $0x0, s0;
	[sflag:s28] =	ssyncset.done $0x0  }
0x31b: {  	p0 =	sne.s32 s16, $0x0;
	[sflag:s28] =	ssyncadd.s32 s0  }
.Ltmp25:
0x31c: {  	_ =	sfence.stream.spmem;
	(pc) =	sbr.rel @p0 .LBB3_38-.Ltmp25, $4  }
0x31d: {  	s29 =	simm.s32 $0x3;
	[bflag:$0x0] =	sbarrier.arrive $0xFFFF  }
0x31e: {  	s30 =	simm.s32 $0x4;
	[sflag:s29] =	ssyncpa.u1 $0x1  }
0x31f: {  	s31 =	simm.s32 $0x3C;
	[sflag:s30] =	ssyncpa.u1 $0x1  }
0x320: {  	s17 =	rddreg [dreg:$0x5];
	[sflag:s31] =	ssyncpa.u1 $0x1  }
0x321: {  	_ =	sfence.stream.spmem;
	s0 =	simm.s32 $0x5  }
0x322: {  	s1 =	simm.s32 $0x200;
	s2 =	simm.s32 $0x3658;
	[sflag:s0] =	ssyncpa.u1 $0x0  }
0x323: {  	[tilespmem:s2], [sflag:$0x5] =	stream.linear.gather [spmem:s1], $0x20, $0x38;
	[tilespmem:$0x1F0F8] =	vst v63  }
0x324: {  	s26 =	simm.s32 $0x0;
	s28 =	simm.s32 $0x3678  }
0x325: {  	[tilespmem:s28], [sflag:$0x5] =	stream.linear.gather [spmem:s26], $0x200, $0x38;
	[tilespmem:$0x1F0F8] =	vst v63  }
0x326: {  	_ =	swait.ge [sflag:s0], $0x220  }
0x327: {  	[sflag:s0] =	ssyncset.done $0x0  }
0x328: {  	s29 =	simm.s32 $0x0;
	[sflag:s0] =	ssyncadd.s32 $0xFFFFFDE0  }
0x329: {  	v0 =	vld.msk [tilespmem:s29+$0x3658], $0x1;
	_ =	sdelay $0x1  }
0x32a: {  	s30 =	simm.s32 $0x1  }
0x32b: {  	v1 =	vld.msk [tilespmem:s30+$0x3658], $0x1;
	_ =	sdelay $0x1  }
0x32c: {  	(v2sf) =	vpush v0, $0x0;
	_ =	sdelay $0x2  }
0x32d: {  	(v2sf) =	vpush v1, $0x0;
	_ =	sdelay $0x2  }
0x32e: {  	s31 =	simm.s32 $0x2  }
0x32f: {  	v0 =	vld.msk [tilespmem:s31+$0x3658], $0x1;
	_ =	sdelay $0x2  }
0x330: {  	s6 =	simm.s32 $0xFFFFFFFF;
	s1 =	simm.s32 $0xFFFFFFFF;
	s0 =	simm.s32 $0xC  }
.LBB3_23:
0x331: {  	s2 =	smov.u32 s6;
	s4 =	smov.u32 s1  }
0x332: {  	s1 =	sshra.s32 s0, $0x2;
	p1 =	sne.s32 s0, $0x7C;
	s0 =	sadd.s32 $0x4, s0;
	(v2sf) =	vpush v0, $0x0  }
0x333: {  	v0 =	vld.msk [tilespmem:s1+$0x3658], $0x1  }
.Ltmp26:
0x334: {  	(pc) =	sbr.rel @p1 .LBB3_23-.Ltmp26, $4  }
0x335: {  	s6 =	spop (v2sf)  }
0x336: {  	p2 =	sne.s32 s4, $0xFFFFFFFF;
	s1 =	smov.u32 s6  }
0x337: {  	p3 =	seq.s32 s6, $0xFFFFFFFF;
	s1 =	smov.u32 @p2 s4  }
0x338: {  	s6 =	smov.u32 @p3 s2;
	s1 =	smov.u32 @p3 s4  }
0x339: {  	(v2sf) =	vpush v0, $0x0;
	_ =	sdelay $0x8  }
0x33a: {  	s0 =	spop (v2sf)  }
0x33b: {  	p1 =	sne.s32 s1, $0xFFFFFFFF;
	s2 =	smov.u32 s0  }
0x33c: {  	s9 =	simm.s32 $0x6;
	p2 =	seq.s32 s0, $0xFFFFFFFF;
	s2 =	smov.u32 @p1 s1  }
0x33d: {  	s10 =	simm.s32 $0x3638;
	s2 =	smov.u32 @p2 s1;
	s1 =	spop (v2sf)  }
0x33e: {  	s0 =	smov.u32 @p2 s6;
	p1 =	sne.s32 s2, $0xFFFFFFFF;
	s4 =	smov.u32 s1  }
.Ltmp27:
0x33f: {  	p2 =	seq.s32 s1, $0xFFFFFFFF;
	s4 =	smov.u32 @p1 s2;
	(pc) =	sbr.rel .LBB3_25-.Ltmp27, $4  }
0x340: {  	s11 =	simm.s32 $0x0;
	s4 =	smov.u32 @p2 s2;
	s7 =	spop (v2sf)  }
0x341: {  	[sflag:s9] =	ssyncpa.u1 $0x0;
	p1 =	sne.s32 s4, $0xFFFFFFFF;
	s8 =	smov.u32 s7  }
0x342: {  	s1 =	smov.u32 @p2 s0;
	p2 =	seq.s32 s7, $0xFFFFFFFF;
	s8 =	smov.u32 @p1 s4  }
0x343: {  	s6 =	simm.s32 $0x0;
	s7 =	smov.u32 @p2 s1;
	s8 =	smov.u32 @p2 s4  }
.LBB3_30:
0x344: {  	p1 =	sgt.u32 s12, $0xC34FF  }
0x345: {  	p2 =	seq.s32 @!p1 s12, s8  }
0x346: {  	p1 =	por p1, p2  }
0x347: {  	p2 =	sne.s32 @!p1 s12, s7  }
0x348: {  	p1 =	por p1, !p2  }
0x349: {  	s0 =	sshll.u32 @p1 s11, $0x6  }
0x34a: {  	s0 =	sand.u32 @!p1 $0xFFFF8, s12  }
0x34b: {  	s1 =	sand.u32 @!p1 $0x7, s12;
	s0 =	sadd.s32 @!p1 s3, s0  }
0x34c: {  	[tilespmem:s10], [sflag:$0x6] =	stream.linear.gather @!p1 [hbm4b:s0+s1], $0x8, $0x38;
	[tilespmem:$0x1F0F8] =	vst v63  }
0x34d: {  	_ =	swait.ge @!p1 [sflag:s9], $0x8  }
0x34e: {  	[sflag:s9] =	ssyncset.done @!p1 $0x0  }
0x34f: {  	[sflag:s9] =	ssyncadd.s32 @!p1 $0xFFFFFFF8  }
0x350: {  	v1 =	vld @!p1 [tilespmem:$0x3638];
	_ =	sdelay $0x2  }
0x351: {  	s0 =	sshll.u32 @!p1 s11, $0x6  }
0x352: {  	s1 =	sshrl.u32 @!p1 s0, $0x2  }
0x353: {  	[tilespmem:s1+$0x3678] =	vst.add.f32.msk @!p1 $0xffff, v1  }
0x354: {  	s0 =	sshrl.u32 s0, $0x2;
	[tilespmem:s6+$0x3658] =	vst.msk $0x1, v0  }
0x355: {  	v0 =	vld [tilespmem:s0+$0x3678];
	_ =	sdelay $0x2  }
0x356: {  	s31 =	sshll.u32 s6, $0x6  }
0x357: {  	s0 =	sshra.s32 s31, $0x2  }
0x358: {  	s6 =	sadd.s32 $0x1, s6;
	[tilespmem:s0+$0x3678] =	vst v0  }
.LBB3_32:
0x359: {  	s11 =	sadd.s32 $0x1, s11  }
0x35a: {  	p1 =	sne.s32 s11, $0x20  }
.Ltmp28:
0x35b: {  	_ = 	snop;
	(pc) =	sbr.rel @!p1 .LBB3_33-.Ltmp28, $1  }
0x35c: {  	_ =	sdelay $0x3  }
.LBB3_25:
0x35d: {  	v0 =	vld.msk [tilespmem:s11+$0x3658], $0x1;
	_ =	sdelay $0x4  }
0x35e: {  	(v2sf) =	vpush v0, $0x0;
	_ =	sdelay $0xe  }
0x35f: {  	s12 =	spop (v2sf)  }
0x360: {  	p1 =	seq.s32 s12, $0xFFFFFFFF  }
.Ltmp29:
0x361: {  	_ = 	snop;
	(pc) =	sbr.rel @p1 .LBB3_32-.Ltmp29, $1  }
0x362: {  	_ =	sdelay $0x3  }
0x363: {  	p1 =	slt.s32 s6, $0x1  }
.Ltmp30:
0x364: {  	_ = 	snop;
	(pc) =	sbr.rel @p1 .LBB3_30-.Ltmp30, $1  }
0x365: {  	_ =	sdelay $0x3  }
0x366: {  	s13 =	simm.s32 $0x3658;
	p1 =	por $0x0, $0x0  }
0x367: {  	v1 =	vld.msk @!p1 [tilespmem:s13+$0x0], $0x1;
	_ =	sdelay $0x4  }
0x368: {  	(v2sf) =	vpush @!p1 v1, $0x0;
	_ =	sdelay $0xd  }
0x369: {  	p3 =	sne.s32 s6, $0x1  }
.Ltmp31:
0x36a: {  	s0 =	spop @!p1 (v2sf);
	(pc) =	sbr.rel @!p3 .LBB3_29-.Ltmp31, $4  }
0x36b: {  	p2 =	seq.s32 @!p1 s12, s0  }
0x36c: {  	s14 =	simm.s32 $0x0;
	p2 =	por !p2, p1  }
0x36d: {  	s0 =	simm.s32 $0xFFFFFFFF;
	s14 =	simm.s32 @p2 $0xFFFFFFFF  }
0x36e: {  	s15 =	simm.s32 $0x1;
	s14 =	smov.u32 @p1 s0  }
.LBB3_28:
0x36f: {  	s0 =	smov.u32 s14;
	p1 =	sne.s32 s14, $0xFFFFFFFF  }
0x370: {  	s13 =	sadd.s32 $0x1, s13;
	s14 =	smov.u32 s15;
	s15 =	sadd.s32 $0x1, s15  }
0x371: {  	p2 =	sne.s32 s6, s15;
	v1 =	vld.msk @!p1 [tilespmem:s13+$0x0], $0x1;
	_ =	sdelay $0x4  }
0x372: {  	(v2sf) =	vpush @!p1 v1, $0x0;
	_ =	sdelay $0xe  }
.Ltmp32:
0x373: {  	s1 =	spop @!p1 (v2sf);
	(pc) =	sbr.rel @p2 .LBB3_28-.Ltmp32, $4  }
0x374: {  	p3 =	seq.s32 @!p1 s12, s1  }
0x375: {  	p3 =	por !p3, p1  }
0x376: {  	s14 =	simm.s32 @p3 $0xFFFFFFFF  }
0x377: {  	s14 =	smov.u32 @p1 s0  }
.LBB3_29:
0x378: {  	p1 =	sne.s32 s14, $0xFFFFFFFF  }
.Ltmp33:
0x379: {  	_ = 	snop;
	(pc) =	sbr.rel @!p1 .LBB3_30-.Ltmp33, $1  }
0x37a: {  	_ =	sdelay $0x3  }
0x37b: {  	s0 =	sshll.u32 s11, $0x4  }
0x37c: {  	s0 =	sand.u32 $0x3FFFFFF0, s0  }
0x37d: {  	v0 =	vld [tilespmem:s0+$0x3678]  }
.Ltmp34:
0x37e: {  	_ = 	snop;
	(pc) =	sbr.rel .LBB3_32-.Ltmp34, $4  }
0x37f: {  	_ = 	snop  }
0x380: {  	s31 =	sshll.u32 s14, $0x6  }
0x381: {  	s0 =	sshra.s32 s31, $0x2  }
0x382: {  	[tilespmem:s0+$0x3678] =	vst.add.f32.msk $0xffff, v0  }
.LBB3_33:
0x383: {  	s0 =	simm.s32 $0x6;
	p1 =	seq.s32 s6, $0x0  }
0x384: {  	[sflag:s0] =	ssyncpa.u1 $0x1;
	v0 =	vimm.s32 @p1 $0xFFFFFFFF  }
0x385: {  	s9 =	sadd.s32 $0xFFFFFFFF, s6;
	[tilespmem:$0x3878] =	vst @p1 v0  }
0x386: {  	v0 =	vld.msk @!p1 [tilespmem:s9+$0x3658], $0x1;
	_ =	sdelay $0x1  }
0x387: {  	v1 =	vld.msk @!p1 [tilespmem:$0x3658], $0x1;
	_ =	sdelay $0x2  }
0x388: {  	p2 =	seq.s32 @!p1 s9, $0x0;
	v0 =	vbroadcast @!p1 v0, $0x0  }
0x389: {  	vm0 =	vmmov @!p1 $0x1;
	p2 =	por !p2, p1  }
0x38a: {  	v1 =	vnsel @!p1 vm0, $0xFFFFFFFF, v1;
	vm0 =	vcmask @!p1 $0x308;
	v0 =	vpsel !p2, $0xFFFFFFFF, v0  }
0x38b: {  	p2 =	sne.s32 @!p1 s8, s7;
	v0 =	vsel @!p1 vm0, v1, v0  }
0x38c: {  	s0 =	simm.s32 @!p1 $0x3678;
	s1 =	simm.s32 @!p1 $0x0;
	p3 =	por !p2, p1;
	[tilespmem:$0x3878] =	vst @!p1 v0  }
0x38d: {  	[spmem:s1] =	stream.linear.scatter @!p1 [tilespmem:s0], [sflag:$0x1], $0x10, $0x38;
	[tilespmem:$0x1F0F8] =	vst v63  }
0x38e: {  	s0 =	sshll.u32 @!p3 s9, $0x6  }
0x38f: {  	s0 =	sshra.s32 @!p3 s0, $0x2  }
0x390: {  	s1 =	simm.s32 @!p3 $0x10;
	s0 =	sadd.s32 @!p3 $0x3678, s0  }
0x391: {  	[spmem:s1] =	stream.linear.scatter @!p3 [tilespmem:s0], [sflag:$0x1], $0x10, $0x38;
	[tilespmem:$0x1F0F8] =	vst v63  }
0x392: {  	s0 =	simm.s32 @!p3 $0x1  }
0x393: {  	_ =	swait.ge @!p3 [sflag:s0], $0x20  }
0x394: {  	p1 =	por p2, p1;
	[sflag:s0] =	ssyncset.done @!p3 $0x0  }
0x395: {  	[sflag:s0] =	ssyncadd.s32 @!p3 $0xFFFFFFE0;
	s0 =	simm.s32 @!p1 $0x1  }
0x396: {  	_ =	swait.ge @!p1 [sflag:s0], $0x10  }
0x397: {  	s29 =	simm.s32 $0x3878;
	[sflag:s0] =	ssyncset.done @!p1 $0x0  }
0x398: {  	s30 =	simm.s32 $0x200;
	s31 =	simm.s32 $0x1;
	[sflag:s0] =	ssyncadd.s32 @!p1 $0xFFFFFFF0  }
0x399: {  	[spmem:s30] =	stream.linear.scatter [tilespmem:s29], [sflag:$0x1], $0x10, $0x38;
	[tilespmem:$0x1F0F8] =	vst v63  }
0x39a: {  	_ =	swait.ge [sflag:s31], $0x10  }
0x39b: {  	[sflag:s31] =	ssyncset.done $0x0  }
0x39c: {  	p1 =	seq.s32 s17, $0x0;
	s8 =	rddreg [dreg:$0x1];
	[sflag:s31] =	ssyncadd.s32 $0xFFFFFFF0  }
0x39d: {  	s1 =	sshll.u32 @p1 s8, $0xE;
	s7 =	rddreg [dreg:$0x2]  }
0x39e: {  	s0 =	sadd.s32 @p1 $0x15C3C, s1;
	s1 =	sshll.u32 @p1 s7, $0x11  }
0x39f: {  	_ =	sfence.stream.spmem;
	s0 =	sor.u32 @p1 s1, s0  }
0x3a0: {  	[sflag:s0] =	ssyncadd.remote.s32 @p1 $0x1;
	s0 =	simm.s32 @p1 $0x4  }
0x3a1: {  	s2 =	simm.s32 @!p1 $0x3C;
	s1 =	sand.u32 $0xFFFFFFFE, s8;
	_ =	swait.ge @p1 [sflag:s0], $0x6  }
0x3a2: {  	s4 =	simm.s32 @!p1 $0x0;
	s1 =	sadd.s32 @!p1 $0x4, s1;
	[sflag:s0] =	ssyncset.done @p1 $0x0  }
0x3a3: {  	s5 =	simm.s32 @!p1 $0x20;
	[sflag:s0] =	ssyncadd.s32 @p1 $0xFFFFFFFA;
	s0 =	sshll.u32 @!p1 s1, $0x1A  }
0x3a4: {  	s1 =	sshll.u32 @!p1 s1, $0xD;
	s0 =	sor.u32 @!p1 s0, s7;
	_ =	swait.eq @!p1 [sflag:s2], $0x1  }
0x3a5: {  	s1 =	sor.u32 @!p1 $0x1C04, s1;
	s2 =	simm.s32 @!p1 $0x1C03;
	s0 =	sor.u32 @!p1 $0x80004000, s0  }
0x3a6: {  	[spmem:s5], [sflag:s1] =	dma.general @!p1 [spmem:s4], [sflag:s2], length:$0x4, [dreg:$0x0], stride_count:$0x0, ici_dest:s0, dma_misc:DstOpCode:WRITE  }
0x3a7: {  	p2 =	slt.s32 s9, $0x2;
	s4 =	simm.s32 @!p1 $0x40;
	s5 =	simm.s32 @!p1 $0x42  }
0x3a8: {  	[spmem:s5], [sflag:s1] =	dma.general @!p1 [spmem:s4], [sflag:s2], length:$0x2, [dreg:$0x0], stride_count:$0x0, ici_dest:s0, dma_misc:DstOpCode:WRITE  }
.Ltmp35:
0x3a9: {  	s0 =	simm.s32 @!p1 $0x3;
	(pc) =	sbr.rel @p2 .LBB3_37-.Ltmp35, $4  }
0x3aa: {  	s1 =	sshll.u32 @!p1 s8, $0xE;
	_ =	swait.ge @!p1 [sflag:s0], $0x6  }
0x3ab: {  	s2 =	sshll.u32 @!p1 s7, $0x11;
	s1 =	sadd.s32 @!p1 $0x11C3C, s1;
	[sflag:s0] =	ssyncset.done @!p1 $0x0  }
0x3ac: {  	[sflag:s0] =	ssyncadd.s32 @!p1 $0xFFFFFFFA;
	s0 =	sor.u32 @!p1 s2, s1  }
0x3ad: {  	[sflag:s0] =	ssyncadd.remote.s32 @!p1 $0xFFFFFFFF;
	s0 =	simm.s32 $0x0  }
0x3ae: {  	s0 =	simm.s32 $0x3659  }
0x3af: {  	v0 =	vld.msk [tilespmem:s0+$0x0], $0x1;
	_ =	sdelay $0x4  }
0x3b0: {  	(v2sf) =	vpush v0, $0x0;
	_ =	sdelay $0xd  }
0x3b1: {  	s2 =	sadd.s32 $0xFFFFFFFE, s6  }
0x3b2: {  	s2 =	sadd.s32 $0xFFFFFFFF, s2;
	s0 =	spop (v2sf)  }
0x3b3: {  	p2 =	sne.s32 s2, $0x0;
	p1 =	sgt.u32 s0, $0xC34FF  }
.Ltmp36:
0x3b4: {  	s4 =	sand.u32 @!p1 $0xFFFF8, s0;
	(pc) =	sbr.rel @!p2 .LBB3_36-.Ltmp36, $4  }
0x3b5: {  	s1 =	simm.s32 $0x3688;
	s0 =	sand.u32 @!p1 $0x7, s0;
	s4 =	sadd.s32 @!p1 s3, s4  }
0x3b6: {  	[hbm4b:s4+s0] =	stream.linear.scatter @!p1 [tilespmem:s1], [sflag:$0x5], $0x8, $0x38;
	[tilespmem:$0x1F0F8] =	vst v63  }
0x3b7: {  	s0 =	simm.s32 $0x0  }
0x3b8: {  	s6 =	simm.s32 $0x0;
	s7 =	simm.s32 $0x365A;
	s0 =	simm.s32 @!p1 $0x20  }
.LBB3_35:
0x3b9: {  	v0 =	vld.msk [tilespmem:s7+$0x0], $0x1;
	s2 =	sadd.s32 $0xFFFFFFFF, s2;
	s6 =	sadd.s32 s6, s0  }
0x3ba: {  	p1 =	sne.s32 s2, $0x0;
	_ =	sdelay $0x3  }
0x3bb: {  	(v2sf) =	vpush v0, $0x0;
	_ =	sdelay $0xe  }
.Ltmp37:
0x3bc: {  	s4 =	spop (v2sf);
	(pc) =	sbr.rel @p1 .LBB3_35-.Ltmp37, $4  }
0x3bd: {  	s0 =	simm.s32 $0x0;
	p2 =	sgt.u32 s4, $0xC34FF  }
0x3be: {  	s1 =	sadd.s32 $0x10, s1;
	s0 =	simm.s32 @!p2 $0x20;
	s5 =	sand.u32 @!p2 $0xFFFF8, s4  }
0x3bf: {  	s7 =	sadd.s32 $0x1, s7;
	s4 =	sand.u32 @!p2 $0x7, s4;
	s5 =	sadd.s32 @!p2 s3, s5  }
0x3c0: {  	[hbm4b:s5+s4] =	stream.linear.scatter @!p2 [tilespmem:s1], [sflag:$0x5], $0x8, $0x38;
	[tilespmem:$0x1F0F8] =	vst v63  }
.LBB3_36:
0x3c1: {  	s0 =	sadd.s32 s6, s0  }
0x3c2: {  	s0 =	sshrl.u32 s0, $0x2  }
.LBB3_37:
0x3c3: {  	s1 =	simm.s32 $0x5  }
0x3c4: {  	_ =	swait.ge [sflag:s1], s0  }
0x3c5: {  	s31 =	ssub.s32 $0x0, s0;
	[sflag:s1] =	ssyncset.done $0x0  }
0x3c6: {  	[sflag:s1] =	ssyncadd.s32 s31  }
0x3c7: {  	[sflag:s1] =	ssyncpa.u1 $0x1  }
.LBB3_38:
0x3c8: {  	s0 =	sor.u32 s17, s16  }
0x3c9: {  	p1 =	sne.s32 s0, $0x0  }
.Ltmp38:
0x3ca: {  	_ = 	snop;
	(pc) =	sbr.rel @p1 .LBB3_53-.Ltmp38, $3  }
0x3cb: {  	_ =	sdelay $0x1  }
0x3cc: {  	[bflag:$0x0] =	sbarrier.arrive $0xFFFF  }
0x3cd: {  	_ =	sfence  }
0x3ce: {  	s0 =	simm.s32 $0x7  }
0x3cf: {  	s1 =	simm.s32 $0x200;
	s2 =	simm.s32 $0x3658;
	[sflag:s0] =	ssyncpa.u1 $0x0  }
0x3d0: {  	[tilespmem:s2], [sflag:$0x7] =	stream.linear.gather [spmem:s1], $0x20, $0x38;
	[tilespmem:$0x1F0F8] =	vst v63  }
0x3d1: {  	s30 =	simm.s32 $0x3678;
	s1 =	simm.s32 $0x0  }
0x3d2: {  	[tilespmem:s30], [sflag:$0x7] =	stream.linear.gather [spmem:s1], $0x200, $0x38;
	[tilespmem:$0x1F0F8] =	vst v63  }
.Ltmp39:
0x3d3: {  	_ = 	snop;
	(pc) =	sbr.rel .LBB3_40-.Ltmp39, $4  }
0x3d4: {  	_ =	swait.ge [sflag:s0], $0x220  }
0x3d5: {  	[sflag:s0] =	ssyncset.done $0x0  }
0x3d6: {  	s31 =	simm.s32 $0x8;
	[sflag:s0] =	ssyncadd.s32 $0xFFFFFDE0  }
0x3d7: {  	s2 =	simm.s32 $0x0;
	[sflag:s31] =	ssyncpa.u1 $0x0  }
.LBB3_45:
0x3d8: {  	p1 =	slt.u32 s4, $0xC3500  }
0x3d9: {  	s0 =	sand.u32 @p1 $0xFFFF8, s4  }
0x3da: {  	s4 =	sand.u32 @p1 $0x7, s4;
	s5 =	simm.s32 @p1 $0x3638;
	s0 =	sadd.s32 @p1 s3, s0  }
0x3db: {  	[tilespmem:s5], [sflag:$0x8] =	stream.linear.gather @p1 [hbm4b:s0+s4], $0x8, $0x38;
	[tilespmem:$0x1F0F8] =	vst v63  }
0x3dc: {  	s0 =	simm.s32 @p1 $0x8  }
0x3dd: {  	_ =	swait.ge @p1 [sflag:s0], $0x8  }
0x3de: {  	[sflag:s0] =	ssyncset.done @p1 $0x0  }
0x3df: {  	[sflag:s0] =	ssyncadd.s32 @p1 $0xFFFFFFF8  }
0x3e0: {  	v1 =	vld @p1 [tilespmem:$0x3638];
	_ =	sdelay $0x2  }
0x3e1: {  	s0 =	sshll.u32 @p1 s2, $0x6  }
0x3e2: {  	s5 =	sshll.u32 @!p1 s2, $0x6;
	s4 =	sshrl.u32 @p1 s0, $0x2  }
0x3e3: {  	s5 =	smov.u32 @p1 s0;
	[tilespmem:s4+$0x3678] =	vst.add.f32.msk @p1 $0xffff, v1  }
0x3e4: {  	s0 =	sshrl.u32 s5, $0x2;
	[tilespmem:s1+$0x3658] =	vst.msk $0x1, v0  }
0x3e5: {  	v0 =	vld [tilespmem:s0+$0x3678];
	_ =	sdelay $0x2  }
0x3e6: {  	s31 =	sshll.u32 s1, $0x6  }
0x3e7: {  	s0 =	sshra.s32 s31, $0x2  }
0x3e8: {  	s1 =	sadd.s32 $0x1, s1;
	[tilespmem:s0+$0x3678] =	vst v0  }
.LBB3_47:
0x3e9: {  	s2 =	sadd.s32 $0x1, s2  }
0x3ea: {  	p1 =	sne.s32 s2, $0x20  }
.Ltmp40:
0x3eb: {  	_ = 	snop;
	(pc) =	sbr.rel @!p1 .LBB3_48-.Ltmp40, $1  }
0x3ec: {  	_ =	sdelay $0x3  }
.LBB3_40:
0x3ed: {  	v0 =	vld.msk [tilespmem:s2+$0x3658], $0x1;
	_ =	sdelay $0x4  }
0x3ee: {  	(v2sf) =	vpush v0, $0x0;
	_ =	sdelay $0xe  }
0x3ef: {  	s4 =	spop (v2sf)  }
0x3f0: {  	p1 =	seq.s32 s4, $0xFFFFFFFF  }
.Ltmp41:
0x3f1: {  	_ = 	snop;
	(pc) =	sbr.rel @p1 .LBB3_47-.Ltmp41, $1  }
0x3f2: {  	_ =	sdelay $0x3  }
0x3f3: {  	p1 =	slt.s32 s1, $0x1  }
.Ltmp42:
0x3f4: {  	_ = 	snop;
	(pc) =	sbr.rel @p1 .LBB3_45-.Ltmp42, $1  }
0x3f5: {  	_ =	sdelay $0x3  }
0x3f6: {  	s5 =	simm.s32 $0x3658;
	p1 =	por $0x0, $0x0  }
0x3f7: {  	v1 =	vld.msk @!p1 [tilespmem:s5+$0x0], $0x1;
	_ =	sdelay $0x4  }
0x3f8: {  	(v2sf) =	vpush @!p1 v1, $0x0;
	_ =	sdelay $0xd  }
0x3f9: {  	p3 =	sne.s32 s1, $0x1  }
.Ltmp43:
0x3fa: {  	s0 =	spop @!p1 (v2sf);
	(pc) =	sbr.rel @!p3 .LBB3_44-.Ltmp43, $4  }
0x3fb: {  	p2 =	seq.s32 @!p1 s4, s0  }
0x3fc: {  	s6 =	simm.s32 $0x0;
	p2 =	por !p2, p1  }
0x3fd: {  	s0 =	simm.s32 $0xFFFFFFFF;
	s6 =	simm.s32 @p2 $0xFFFFFFFF  }
0x3fe: {  	s7 =	simm.s32 $0x1;
	s6 =	smov.u32 @p1 s0  }
.LBB3_43:
0x3ff: {  	s0 =	smov.u32 s6;
	p1 =	sne.s32 s6, $0xFFFFFFFF  }
0x400: {  	s5 =	sadd.s32 $0x1, s5;
	s6 =	smov.u32 s7;
	s7 =	sadd.s32 $0x1, s7  }
0x401: {  	p2 =	sne.s32 s1, s7;
	v1 =	vld.msk @!p1 [tilespmem:s5+$0x0], $0x1;
	_ =	sdelay $0x4  }
0x402: {  	(v2sf) =	vpush @!p1 v1, $0x0;
	_ =	sdelay $0xe  }
.Ltmp44:
0x403: {  	s8 =	spop @!p1 (v2sf);
	(pc) =	sbr.rel @p2 .LBB3_43-.Ltmp44, $4  }
0x404: {  	p3 =	seq.s32 @!p1 s4, s8  }
0x405: {  	p3 =	por !p3, p1  }
0x406: {  	s6 =	simm.s32 @p3 $0xFFFFFFFF  }
0x407: {  	s6 =	smov.u32 @p1 s0  }
.LBB3_44:
0x408: {  	p1 =	sne.s32 s6, $0xFFFFFFFF  }
.Ltmp45:
0x409: {  	_ = 	snop;
	(pc) =	sbr.rel @!p1 .LBB3_45-.Ltmp45, $1  }
0x40a: {  	_ =	sdelay $0x3  }
0x40b: {  	s0 =	sshll.u32 s2, $0x4  }
0x40c: {  	s0 =	sand.u32 $0x3FFFFFF0, s0  }
0x40d: {  	v0 =	vld [tilespmem:s0+$0x3678]  }
.Ltmp46:
0x40e: {  	_ = 	snop;
	(pc) =	sbr.rel .LBB3_47-.Ltmp46, $4  }
0x40f: {  	_ = 	snop  }
0x410: {  	s31 =	sshll.u32 s6, $0x6  }
0x411: {  	s0 =	sshra.s32 s31, $0x2  }
0x412: {  	[tilespmem:s0+$0x3678] =	vst.add.f32.msk $0xffff, v0  }
.LBB3_48:
0x413: {  	p1 =	slt.s32 s1, $0x1  }
.Ltmp47:
0x414: {  	_ = 	snop;
	(pc) =	sbr.rel @p1 .LBB3_52-.Ltmp47, $3  }
0x415: {  	_ =	sdelay $0x1  }
0x416: {  	s0 =	simm.s32 $0x8  }
0x417: {  	s2 =	simm.s32 $0x0;
	[sflag:s0] =	ssyncpa.u1 $0x1  }
0x418: {  	s0 =	simm.s32 $0x3658  }
0x419: {  	v0 =	vld.msk [tilespmem:s0+$0x0], $0x1;
	_ =	sdelay $0x4  }
0x41a: {  	(v2sf) =	vpush v0, $0x0;
	_ =	sdelay $0xe  }
0x41b: {  	s1 =	sadd.s32 $0xFFFFFFFF, s1;
	s0 =	spop (v2sf)  }
0x41c: {  	p2 =	sne.s32 s1, $0x0;
	p1 =	sgt.u32 s0, $0xC34FF  }
.Ltmp48:
0x41d: {  	s5 =	sand.u32 @!p1 $0xFFFF8, s0;
	(pc) =	sbr.rel @!p2 .LBB3_51-.Ltmp48, $4  }
0x41e: {  	s4 =	simm.s32 $0x3678;
	s0 =	sand.u32 @!p1 $0x7, s0;
	s5 =	sadd.s32 @!p1 s3, s5  }
0x41f: {  	[hbm4b:s5+s0] =	stream.linear.scatter @!p1 [tilespmem:s4], [sflag:$0x7], $0x8, $0x38;
	[tilespmem:$0x1F0F8] =	vst v63  }
0x420: {  	s0 =	simm.s32 $0x0  }
0x421: {  	s5 =	simm.s32 $0x3659;
	s0 =	simm.s32 @!p1 $0x20  }
.LBB3_50:
0x422: {  	v0 =	vld.msk [tilespmem:s5+$0x0], $0x1;
	s1 =	sadd.s32 $0xFFFFFFFF, s1;
	s2 =	sadd.s32 s2, s0  }
0x423: {  	p1 =	sne.s32 s1, $0x0;
	_ =	sdelay $0x3  }
0x424: {  	(v2sf) =	vpush v0, $0x0;
	_ =	sdelay $0xe  }
.Ltmp49:
0x425: {  	s6 =	spop (v2sf);
	(pc) =	sbr.rel @p1 .LBB3_50-.Ltmp49, $4  }
0x426: {  	s0 =	simm.s32 $0x0;
	p2 =	sgt.u32 s6, $0xC34FF  }
0x427: {  	s4 =	sadd.s32 $0x10, s4;
	s0 =	simm.s32 @!p2 $0x20;
	s7 =	sand.u32 @!p2 $0xFFFF8, s6  }
0x428: {  	s5 =	sadd.s32 $0x1, s5;
	s6 =	sand.u32 @!p2 $0x7, s6;
	s7 =	sadd.s32 @!p2 s3, s7  }
0x429: {  	[hbm4b:s7+s6] =	stream.linear.scatter @!p2 [tilespmem:s4], [sflag:$0x7], $0x8, $0x38;
	[tilespmem:$0x1F0F8] =	vst v63  }
.LBB3_51:
0x42a: {  	s0 =	sadd.s32 s2, s0  }
0x42b: {  	s2 =	sshrl.u32 s0, $0x2  }
.LBB3_52:
0x42c: {  	s0 =	simm.s32 $0x7  }
0x42d: {  	_ =	swait.ge [sflag:s0], s2  }
0x42e: {  	s1 =	ssub.s32 $0x0, s2;
	[sflag:s0] =	ssyncset.done $0x0  }
0x42f: {  	[sflag:s0] =	ssyncadd.s32 s1  }
0x430: {  	[sflag:s0] =	ssyncpa.u1 $0x1  }
.LBB3_53:
0x431: {  	_ =	sfence;
	s0 =	simm.s32 $0x1  }
0x432: {  	[sflag:s0] =	ssyncpa.u1 $0x1  }
0x433: {  	_ =	strace $0x90000050  }
0x434: {  	[bflag:$0x2] =	sbarrier.arrive $0xFFFF  }
0x435: {  	s0 =	rddreg [dreg:$0x3]  }
0x436: {  	s0 =	sadd.s32 @!p0 $0x100000, s0  }
0x437: {  	[sflag:s0] =	ssyncadd.tile.s32 @!p0 $0x1;
	_ =	shalt  }
.Lfunc_end3:
_tile_overlayer_lowered:
.L_overlay_start_3:
0x438: {  	(tag) =	ssettag $0x3  }
0x439: {  	s0 =	rddreg [dreg:$0x0];
	s2 =	stileid.u32  }
0x43a: {  	s1 =	rddreg [dreg:$0x1];
	p0 =	sne.s32 s2, $0x0  }
0x43b: {  	s3 =	rddreg [dreg:$0x2];
	[bflag:$0x3] =	sbarrier.arrive $0xFFFF;
	s2 =	simm.s32 @!p0 $0x1C01  }
0x43c: {  	[timem:s3], [sflag:s2] =	dma.local @!p0 [hbm:s0], s1  }
0x43d: {  	s0 =	simm.s32 @!p0 $0x1  }
0x43e: {  	_ =	swait.ge @!p0 [sflag:s0], s1  }
0x43f: {  	s1 =	ssub.s32 @!p0 $0x0, s1;
	[sflag:s0] =	ssyncset.done @!p0 $0x0  }
0x440: {  	[sflag:s0] =	ssyncadd.s32 @!p0 s1  }
0x441: {  	[bflag:$0x3] =	sbarrier.arrive $0xFFFF  }
0x442: {  	_ =	shalt  }

// kernel: scatter_offload_async_start.3
scs
__scs_entry_jumppad:
0x0: {  	(pc) =	sbr.rel $0x88, $3  }
0x1: {  	(tag) =	ssettag $0x0;
	lr =	simm.s32 $0x1  }
0x2: {  	[smem:$0x3F95] =	sst lr;
	_ =	strace $0xD0000000  }
0x3: {  	_ = 	snop  }
0x4: {  	_ = 	snop  }
0x5: {  	_ = 	snop  }
0x6: {  	_ = 	snop  }
0x7: {  	_ = 	snop  }
__scs_overlays_trampoline_lowered:
0x8: {  	[smem:$0x3FA4] =	sst s0  }
0x9: {  	[smem:$0x3FA5] =	sst s1  }
0xa: {  	[smem:$0x3FA6] =	sst s2  }
0xb: {  	[smem:$0x3FA7] =	sst s3  }
0xc: {  	[smem:$0x3FA8] =	sst s4  }
0xd: {  	[smem:$0x3FA9] =	sst s5  }
0xe: {  	[smem:$0x3FAA] =	sst s6  }
0xf: {  	[smem:$0x3FAB] =	sst s7  }
0x10: {  	[smem:$0x3FAC] =	sst s8  }
0x11: {  	[smem:$0x3FAD] =	sst s9;
	s0 =	simm.s32 @!p0 $0x0  }
0x12: {  	s1 =	sld [smem:$0x3F93];
	s0 =	simm.s32 @p0 $0x1  }
0x13: {  	[smem:$0x3FAE] =	sst s0;
	s0 =	simm.s32 @!p1 $0x0  }
0x14: {  	s2 =	sld [smem:$0x3F92];
	s0 =	simm.s32 @p1 $0x1  }
0x15: {  	[smem:$0x3FAF] =	sst s0;
	s0 =	simm.s32 @!p2 $0x0  }
0x16: {  	s3 =	sld [smem:$0x3FDB];
	s0 =	simm.s32 @p2 $0x1  }
0x17: {  	s4 =	simm.s32 $0x1BF5;
	[smem:$0x3FB1] =	sst s0  }
0x18: {  	s0 =	sld [smem:$0x3F94];
	_ =	swait.ge [sflag:s4], $0x0  }
0x19: {  	s7 =	sld [smem:$0x3F95]  }
0x1a: {  	s8 =	sadd.s32 $0xFFFFE003, lr  }
0x1b: {  	s9 =	sadd.s32 $0xFFFFFEF7, lr;
	s5 =	simm.s32 $0xFFFFFFFF;
	p2 =	slt.u32 s8, $0xFFFFF086  }
0x1c: {  	p1 =	slt.u32 s9, $0xF7A;
	s5 =	simm.s32 @!p2 $0x0  }
0x1d: {  	s5 =	simm.s32 @p1 $0x1;
	p0 =	seq.s32 s7, s2  }
0x1e: {  	s7 =	smul.u32 @!p0 $0xF7A, s2;
	p2 =	seq.s32 @!p0 s5, $0x0  }
0x1f: {  	s9 =	smul.u32 $0xF7A, s1;
	s8 =	simm.s32 @!p0 $0x1BF5;
	p2 =	por !p2, p0  }
0x20: {  	[sflag:s8] =	ssyncset.s32 @!p0 $0xFFFFF086;
	s6 =	sadd.s32 @!p0 s3, s7;
	s7 =	simm.s32 @!p0 $0x108  }
0x21: {  	s3 =	sadd.s32 s3, s9;
	s6 =	sadd.s32 @!p0 $0x88, s6;
	s7 =	simm.s32 @p2 $0x1082  }
0x22: {  	[simem:s7], [sflag:s8] =	dma.local @!p0 [hbm:s6], $0xF7A  }
0x23: {  	s9 =	sor.u32 $0xD0000000, s2;
	s6 =	simm.s32 $0x108;
	_ =	swait.ge @!p0 [sflag:s8], $0x0  }
0x24: {  	s3 =	sadd.s32 $0x88, s3;
	s6 =	simm.s32 @!p1 $0x1082;
	[sflag:s4] =	ssyncset.s32 $0xFFFFF086  }
0x25: {  	[simem:s6], [sflag:s4] =	dma.local [hbm:s3], $0xF7A  }
0x26: {  	[smem:$0x3F95] =	sst s1;
	(tag) =	ssettag s2;
	_ =	strace s9  }
0x27: {  	s1 =	sld [smem:$0x3FA5]  }
0x28: {  	s2 =	sld [smem:$0x3FA6]  }
0x29: {  	s4 =	sld [smem:$0x3FA8]  }
0x2a: {  	p0 =	seq.s32 s5, $0x0;
	s5 =	sld [smem:$0x3FA9]  }
0x2b: {  	s6 =	sld [smem:$0x3FAA]  }
0x2c: {  	s7 =	sld [smem:$0x3FAB]  }
0x2d: {  	s3 =	simm.s32 $0x108;
	s8 =	sld [smem:$0x3FAC]  }
0x2e: {  	s3 =	simm.s32 @!p0 $0x1082;
	s9 =	sld [smem:$0x3FAD]  }
0x2f: {  	lr =	sadd.s32 s0, s3;
	s0 =	sld [smem:$0x3FA4]  }
0x30: {  	s3 =	sld [smem:$0x3FA7]  }
0x31: {  	[smem:$0x3FB0] =	sst s10  }
0x32: {  	s10 =	sld [smem:$0x3FAE];
	_ =	sdelay $0x3  }
0x33: {  	p0 =	seq.s32 s10, $0x1;
	s10 =	sld [smem:$0x3FB0];
	_ =	sdelay $0x3  }
0x34: {  	[smem:$0x3FB0] =	sst s10  }
0x35: {  	s10 =	sld [smem:$0x3FAF];
	_ =	sdelay $0x3  }
0x36: {  	p1 =	seq.s32 s10, $0x1;
	s10 =	sld [smem:$0x3FB0];
	_ =	sdelay $0x3  }
0x37: {  	[smem:$0x3FB0] =	sst s10  }
0x38: {  	s10 =	sld [smem:$0x3FB1]  }
0x39: {  	_ = 	snop;
	(pc) =	sbr.ind lr, $3  }
0x3a: {  	_ = 	snop  }
0x3b: {  	_ = 	snop  }
0x3c: {  	p2 =	seq.s32 s10, $0x1;
	s10 =	sld [smem:$0x3FB0]  }
0x3d: {  	_ =	shalt  }
0x3e: {  	_ =	shalt  }
0x3f: {  	_ =	shalt  }
0x40: {  	_ =	shalt  }
0x41: {  	_ =	shalt  }
0x42: {  	_ =	shalt  }
0x43: {  	_ =	shalt  }
0x44: {  	_ =	shalt  }
0x45: {  	_ =	shalt  }
0x46: {  	_ =	shalt  }
0x47: {  	_ =	shalt  }
0x48: {  	_ =	shalt  }
0x49: {  	_ =	shalt  }
0x4a: {  	_ =	shalt  }
0x4b: {  	_ =	shalt  }
0x4c: {  	_ =	shalt  }
0x4d: {  	_ =	shalt  }
0x4e: {  	_ =	shalt  }
0x4f: {  	_ =	shalt  }
0x50: {  	_ =	shalt  }
0x51: {  	_ =	shalt  }
0x52: {  	_ =	shalt  }
0x53: {  	_ =	shalt  }
0x54: {  	_ =	shalt  }
0x55: {  	_ =	shalt  }
0x56: {  	_ =	shalt  }
0x57: {  	_ =	shalt  }
0x58: {  	_ =	shalt  }
0x59: {  	_ =	shalt  }
0x5a: {  	_ =	shalt  }
0x5b: {  	_ =	shalt  }
0x5c: {  	_ =	shalt  }
0x5d: {  	_ =	shalt  }
0x5e: {  	_ =	shalt  }
0x5f: {  	_ =	shalt  }
0x60: {  	_ =	shalt  }
0x61: {  	_ =	shalt  }
0x62: {  	_ =	shalt  }
0x63: {  	_ =	shalt  }
0x64: {  	_ =	shalt  }
0x65: {  	_ =	shalt  }
0x66: {  	_ =	shalt  }
0x67: {  	_ =	shalt  }
0x68: {  	_ =	shalt  }
0x69: {  	_ =	shalt  }
0x6a: {  	_ =	shalt  }
0x6b: {  	_ =	shalt  }
0x6c: {  	_ =	shalt  }
0x6d: {  	_ =	shalt  }
0x6e: {  	_ =	shalt  }
0x6f: {  	_ =	shalt  }
0x70: {  	_ =	shalt  }
0x71: {  	_ =	shalt  }
0x72: {  	_ =	shalt  }
0x73: {  	_ =	shalt  }
0x74: {  	_ =	shalt  }
0x75: {  	_ =	shalt  }
0x76: {  	_ =	shalt  }
0x77: {  	_ =	shalt  }
0x78: {  	_ =	shalt  }
0x79: {  	_ =	shalt  }
0x7a: {  	_ =	shalt  }
0x7b: {  	_ =	shalt  }
0x7c: {  	_ =	shalt  }
0x7d: {  	_ =	shalt  }
0x7e: {  	_ =	shalt  }
0x7f: {  	_ =	shalt  }
0x80: {  	_ =	shalt  }
0x81: {  	_ =	shalt  }
0x82: {  	_ =	shalt  }
0x83: {  	_ =	shalt  }
0x84: {  	_ =	shalt  }
0x85: {  	_ =	shalt  }
0x86: {  	_ =	shalt  }
0x87: {  	_ =	shalt  }
.Lfunc_end0:
.L_simem_size_0:
called_computation.3_lowered:
.L_overlay_start_0:
0x88: {  	s2 =	sld [smem:$0x3FD9]  }
0x89: {  	s3 =	sld [smem:$0x3FFE];
	_ =	sdelay $0x1  }
0x8a: {  	s1 =	srdreg.scid  }
0x8b: {  	s0 =	sand.u32 $0x1, s1  }
0x8c: {  	s10 =	sshll.u32 s0, $0xA;
	s2 =	sadd.s32 s3, s2  }
0x8d: {  	s2 =	sadd.s32 s2, s10  }
0x8e: {  	[smem:$0x3FBC] =	sst s2  }
0x8f: {  	_ = 	snop  }
0x90: {  	s2 =	sld [smem:$0x3FD0];
	_ =	sdelay $0x2  }
0x91: {  	s11 =	simm.s32 $0xD;
	s4 =	simm.s32 $0x10  }
0x92: {  	[smem:s4], [sflag:s11] =	dma.local [hbm:s2], $0x1  }
0x93: {  	_ =	swait.eq [sflag:s11], $0x1  }
0x94: {  	[sflag:s11] =	ssyncset.done $0x0  }
0x95: {  	[sflag:s11] =	ssyncadd.s32 $0xFFFFFFFF  }
0x96: {  	s12 =	sld [smem:$0x10];
	(tm) =	ssettm $0x1  }
0x97: {  	s13 =	sld [smem:$0x3FFB];
	_ =	sdelay $0x3  }
0x98: {  	_ =	strace s13  }
0x99: {  	s2 =	sld [smem:$0x3FFC];
	_ =	sdelay $0x3  }
0x9a: {  	_ =	strace s2  }
0x9b: {  	s2 =	sld [smem:$0x3FFD];
	_ =	sdelay $0x3  }
0x9c: {  	_ =	strace s2  }
0x9d: {  	_ =	strace $0x8FFFFFFF  }
0x9e: {  	s14 =	sld [smem:$0x3FDB];
	_ =	sdelay $0x1  }
0x9f: {  	s15 =	simm.s32 $_scs_section_size  }
0xa0: {  	s5 =	simm.s32 $_size__tile_overlayer_lowered;
	s6 =	simm.s32 $_tile_overlayer_lowered  }
0xa1: {  	s19 =	simm.s32 $0x1BFF;
	s17 =	sshll.u32 s6, $0x1;
	s7 =	sadd.s32 s15, s14  }
0xa2: {  	s20 =	simm.s32 $0x0;
	s16 =	sshll.u32 s5, $0x1;
	s18 =	sadd.s32 s17, s7  }
0xa3: {  	[timem:s20], [sflag:s19] =	dma.local [hbm:s18], s16  }
0xa4: {  	_ =	swait.ge [sflag:s19], s16  }
0xa5: {  	s3 =	ssub.s32 $0x0, s16;
	[sflag:s19] =	ssyncset.done $0x0  }
0xa6: {  	[sflag:s19] =	ssyncadd.s32 s3;
	_ =	sdelay $0x1  }
0xa7: {  	s21 =	simm.s32 $0x1B8B  }
0xa8: {  	_ =	swait.ge [sflag:s21], $0x1  }
0xa9: {  	[sflag:s21] =	ssyncset.done $0x0  }
0xaa: {  	[sflag:s21] =	ssyncadd.s32 $0xFFFFFFFF  }
0xab: {  	s3 =	sld [smem:$0x0]  }
0xac: {  	s5 =	sand.u32 $0xFFFFFFFE, s1  }
0xad: {  	p0 =	sne.s32 s1, s5  }
0xae: {  	s5 =	sshll.u32 @p0 s5, $0xE  }
0xaf: {  	s6 =	sadd.s32 @p0 $0x11B8D, s5;
	s8 =	sshll.u32 @p0 s3, $0x11  }
0xb0: {  	s6 =	sor.u32 @p0 s8, s6  }
0xb1: {  	[sflag:s6] =	ssyncadd.remote.s32 @p0 $0x1;
	_ =	sdelay $0x1  }
0xb2: {  	s6 =	simm.s32 @p0 $0x1B8D  }
0xb3: {  	_ =	swait.eq @p0 [sflag:s6], $0x1  }
0xb4: {  	[sflag:s6] =	ssyncadd.s32 @p0 $0xFFFFFFFF  }
0xb5: {  	s8 =	sshll.u32 @!p0 s1, $0xE  }
0xb6: {  	s8 =	sor.u32 @!p0 $0x4000, s8;
	s6 =	simm.s32 @!p0 $0x1B8D  }
0xb7: {  	s10 =	sshll.u32 @!p0 s3, $0x11;
	s9 =	sadd.s32 @!p0 $0x11B8D, s8;
	_ =	swait.eq @!p0 [sflag:s6], $0x1  }
0xb8: {  	[sflag:s6] =	ssyncadd.s32 @!p0 $0xFFFFFFFF;
	s6 =	sor.u32 @!p0 s10, s9  }
0xb9: {  	s23 =	simm.s32 $0x1B8E;
	s22 =	sld [smem:$0x3FFE];
	[sflag:s6] =	ssyncadd.remote.s32 @!p0 $0x1  }
0xba: {  	s24 =	simm.s32 $execute0_lowered;
	[smem:$0x3FD2] =	sst s23  }
0xbb: {  	s9 =	sshll.u32 s24, $0x1;
	_ =	strace $0x8000005E;
	[dreg:$0x1] =	wrdreg $0xFFFFFFFF  }
0xbc: {  	s25 =	simm.s32 $_size_execute0_lowered;
	s9 =	sadd.s32 s7, s9;
	[dreg:$0x0] =	wrdreg $0x0  }
0xbd: {  	s10 =	sshll.u32 s25, $0x1;
	[dreg:$0x2] =	wrdreg s9  }
0xbe: {  	[dreg:$0x3] =	wrdreg s10  }
0xbf: {  	[dreg:$0x4] =	wrdreg $0xC0  }
0xc0: {  	s26 =	simm.s32 $execute1_lowered;
	_ =	task [dreg:s20], $0x5FFFF  }
0xc1: {  	s9 =	sshll.u32 s26, $0x1;
	[dreg:$0x1] =	wrdreg $0xFFFFFFFF  }
0xc2: {  	s7 =	sadd.s32 s7, s9;
	[dreg:$0x0] =	wrdreg $0x60  }
0xc3: {  	[dreg:$0x2] =	wrdreg s7  }
0xc4: {  	[dreg:$0x3] =	wrdreg s12  }
0xc5: {  	[dreg:$0x4] =	wrdreg s22  }
0xc6: {  	[dreg:$0x5] =	wrdreg $0xB  }
0xc7: {  	_ =	task.clear_ibuf [dreg:s20], $0x6FFFF;
	_ =	strace $0x9000005E  }
0xc8: {  	s28 =	simm.s32 $0xB;
	_ =	strace $0x80000060  }
0xc9: {  	_ =	swait.ge [sflag:s28], $0x1  }
0xca: {  	[sflag:s28] =	ssyncadd.s32 $0xFFFFFFFF  }
0xcb: {  	_ =	strace $0x90000060  }
0xcc: {  	s4 =	sld [smem:$0x0];
	_ =	sdelay $0x3  }
0xcd: {  	s5 =	sadd.s32 @p0 $0x11BF3, s5;
	s7 =	sshll.u32 @p0 s4, $0x11  }
0xce: {  	s5 =	sor.u32 @p0 s7, s5  }
0xcf: {  	[sflag:s5] =	ssyncadd.remote.s32 @p0 $0x1;
	_ =	sdelay $0x1  }
0xd0: {  	s5 =	simm.s32 @p0 $0x1BF3  }
0xd1: {  	_ =	swait.eq @p0 [sflag:s5], $0x1  }
0xd2: {  	[sflag:s5] =	ssyncadd.s32 @p0 $0xFFFFFFFF;
	_ =	sdelay $0x1  }
0xd3: {  	s5 =	simm.s32 @!p0 $0x1BF3  }
0xd4: {  	s4 =	sshll.u32 @!p0 s4, $0x11;
	s7 =	sadd.s32 @!p0 $0x11BF3, s8;
	_ =	swait.eq @!p0 [sflag:s5], $0x1  }
0xd5: {  	s4 =	sor.u32 @!p0 s4, s7;
	[sflag:s5] =	ssyncadd.s32 @!p0 $0xFFFFFFFF  }
0xd6: {  	[sflag:s4] =	ssyncadd.remote.s32 @!p0 $0x1  }
0xd7: {  	_ =	strace $0x80000061;
	[dreg:$0x1] =	wrdreg $0xFFFFFFFF  }
0xd8: {  	[dreg:$0x0] =	wrdreg $0x2030  }
0xd9: {  	[dreg:$0x2] =	wrdreg s22  }
0xda: {  	[dreg:$0x3] =	wrdreg s1  }
0xdb: {  	[dreg:$0x4] =	wrdreg s3  }
0xdc: {  	[dreg:$0x5] =	wrdreg $0xC  }
0xdd: {  	_ =	task.clear_ibuf [dreg:s20], $0x6FFFF;
	_ =	strace $0x90000061  }
0xde: {  	s29 =	simm.s32 $0xC;
	_ =	strace $0x80000063  }
0xdf: {  	_ =	swait.ge [sflag:s29], $0x1  }
0xe0: {  	[sflag:s29] =	ssyncadd.s32 $0xFFFFFFFF  }
0xe1: {  	_ =	strace $0x90000063  }
0xe2: {  	_ =	sfence  }
0xe3: {  	s30 =	sld [smem:$0x0];
	_ =	sdelay $0x2  }
0xe4: {  	s31 =	sshll.u32 s1, $0xD;
	s1 =	sshrl.u32 s1, $0x2  }
0xe5: {  	s4 =	sand.u32 $0x4000, s31;
	s1 =	sadd.s32 s1, s30  }
0xe6: {  	s0 =	sor.u32 s4, s0;
	s1 =	sshll.u32 s1, $0x11  }
0xe7: {  	s0 =	sor.u32 s1, s0  }
0xe8: {  	s0 =	sadd.s32 $0x8F2B, s0  }
0xe9: {  	[sflag:s0] =	ssyncadd.remote.s32 $0x1  }
0xea: {  	_ =	sfence.sel $0xFFFF  }
0xeb: {  	[dreg:$0x0] =	wrdreg $0xFFFFFFFF;
	(pc) =	sbr.abs _section_cstart, $3  }
0xec: {  	[dreg:$0x1] =	wrdreg $0xFFFFFFFF  }
0xed: {  	_ =	task.clear_ibuf [dreg:s20], $0x2FFFF;
	_ =	strace $0x9FFFFFFF  }
0xee: {  	(tm) =	ssettm $0x7FFFFFFF  }
0xef: {  	_ =	shalt  }
tec
execute0_lowered:
.L_overlay_start_1:
0x0: {  	(tag) =	ssettag $0x1  }
0x1: {  	s3 =	rddreg [dreg:$0x0]  }
0x2: {  	s2 =	rddreg [dreg:$0x1]  }
0x3: {  	s4 =	rddreg [dreg:$0x2]  }
0x4: {  	s0 =	rddreg [dreg:$0x3]  }
0x5: {  	s5 =	stileid.u32;
	[bflag:$0x3] =	sbarrier.arrive $0xFFFF;
	s1 =	simm.s32 $_size_execute1_lowered  }
0x6: {  	s29 =	srdreg.scid;
	s31 =	simm.s32 $0x2;
	p0 =	sne.s32 s5, $0x0  }
0x7: {  	s1 =	sshll.u32 s1, $0x1;
	s6 =	simm.s32 @!p0 $0x1C3F;
	s7 =	simm.s32 @!p0 $0x4060  }
0x8: {  	[timem:s7], [sflag:s6] =	dma.local @!p0 [hbm:s3], s1  }
0x9: {  	s8 =	simm.s32 $0x0;
	s12 =	simm.s32 $0x0;
	s3 =	sshll.u32 s29, $0x7  }
.Ltmp0:
0xa: {  	s5 =	sshll.u32 s5, $0x8;
	s3 =	sand.u32 $0x80, s3;
	(pc) =	sbr.rel .LBB2_1-.Ltmp0, $4  }
0xb: {  	s10 =	simm.s32 $0x0;
	s11 =	simm.s32 $0x0;
	s3 =	sor.u32 s5, s3  }
0xc: {  	_ =	strace $0x8000005F;
	s5 =	simm.s32 $0x1;
	s30 =	ssub.s32 $0xC300, s3  }
0xd: {  	s4 =	sadd.s32 $0xBB3800, s4;
	[sflag:s5] =	ssyncpa.u1 $0x0;
	s6 =	sshrl.u32 s30, $0xC  }
0xe: {  	s9 =	smov.u32 s3;
	[sflag:s31] =	ssyncpa.u1 $0x0;
	s7 =	sadd.s32 $0x2, s6  }
.LBB2_4:
0xf: {  	_ = 	snop  }
.LBB2_7:
0x10: {  	_ =	sdelay $0x3  }
0x11: {  	[tilespmem:v0+s16+$0x0 ss:$0x1] =	vst.idx.msk @p1 $0xffff, v2  }
0x12: {  	v56 =	vld.idx.msk [tilespmem:v1+s15+$0x0 ss:$0x1], $0xffff;
	s24 =	sor.u32 $0x70, s15;
	[tilespmem:v0+s17+$0x0 ss:$0x1] =	vst.idx.msk @p1 $0xffff, v4  }
0x13: {  	s25 =	sor.u32 $0x10, s15;
	[tilespmem:v0+s18+$0x0 ss:$0x1] =	vst.idx.msk @p1 $0xffff, v3;
	v57 =	vld.idx.msk [tilespmem:v1+s24+$0x0 ss:$0x1], $0xffff  }
0x14: {  	s26 =	sor.u32 $0x20, s15;
	[tilespmem:v0+s19+$0x0 ss:$0x1] =	vst.idx.msk @p1 $0xffff, v5;
	v58 =	vld.idx.msk [tilespmem:v1+s25+$0x0 ss:$0x1], $0xffff  }
0x15: {  	s28 =	sor.u32 $0x30, s15;
	[tilespmem:v0+s20+$0x0 ss:$0x1] =	vst.idx.msk @p1 $0xffff, v6;
	v59 =	vld.idx.msk [tilespmem:v1+s26+$0x0 ss:$0x1], $0xffff  }
0x16: {  	s29 =	sor.u32 $0x40, s15;
	[tilespmem:v0+s21+$0x0 ss:$0x1] =	vst.idx.msk @p1 $0xffff, v7;
	v60 =	vld.idx.msk [tilespmem:v1+s28+$0x0 ss:$0x1], $0xffff  }
0x17: {  	s30 =	sor.u32 $0x50, s15;
	v61 =	vld.idx.msk [tilespmem:v1+s29+$0x0 ss:$0x1], $0xffff;
	[tilespmem:v0+s15+$0x0 ss:$0x1] =	vst.idx.msk $0xffff, v56  }
0x18: {  	s31 =	sor.u32 $0x60, s15;
	v62 =	vld.idx.msk [tilespmem:v1+s30+$0x0 ss:$0x1], $0xffff;
	[tilespmem:v0+s24+$0x0 ss:$0x1] =	vst.idx.msk $0xffff, v57  }
0x19: {  	v63 =	vld.idx.msk [tilespmem:v1+s31+$0x0 ss:$0x1], $0xffff;
	[tilespmem:v0+s25+$0x0 ss:$0x1] =	vst.idx.msk $0xffff, v58  }
0x1a: {  	[tilespmem:v0+s26+$0x0 ss:$0x1] =	vst.idx.msk $0xffff, v59  }
0x1b: {  	[tilespmem:v0+s28+$0x0 ss:$0x1] =	vst.idx.msk $0xffff, v60  }
0x1c: {  	[tilespmem:v0+s29+$0x0 ss:$0x1] =	vst.idx.msk $0xffff, v61  }
0x1d: {  	[tilespmem:v0+s30+$0x0 ss:$0x1] =	vst.idx.msk $0xffff, v62  }
0x1e: {  	[tilespmem:v0+s31+$0x0 ss:$0x1] =	vst.idx.msk $0xffff, v63  }
.LBB2_8:
0x1f: {  	s15 =	sand.u32 $0x1FFFFFF, s10  }
0x20: {  	s16 =	smulhi.u32 $0x14F8B59, s15;
	_ =	sdelay $0x1  }
0x21: {  	s16 =	sshrl.u32 s16, $0x8  }
0x22: {  	s16 =	smul.u32 $0xC350, s16;
	_ =	sdelay $0x1  }
0x23: {  	s15 =	ssub.s32 s15, s16  }
0x24: {  	s15 =	sshll.u32 s15, $0x4  }
0x25: {  	s15 =	sadd.s32 s4, s15  }
0x26: {  	[hbm4b:s15+s8] =	stream.linear.scatter [tilespmem:s14], [sflag:$0x2], s13, $0x38;
	[tilespmem:$0x10000] =	vst v63  }
.LBB2_9:
0x27: {  	p1 =	slt.u32 s11, $0x2  }
0x28: {  	p2 =	sgt.s32 @!p1 s12, $0xC2D0  }
0x29: {  	s13 =	smov.u32 s12;
	s14 =	sshra.s32 @!p1 s12, $0x1F;
	p2 =	por !p2, p1  }
0x2a: {  	s12 =	sand.u32 @!p1 s14, s12;
	s13 =	simm.s32 @p2 $0xC2D0  }
0x2b: {  	s12 =	ssub.s32 @!p1 s13, s12  }
0x2c: {  	s12 =	sadd.s32 @!p1 $0xFFFF3D30, s12  }
0x2d: {  	s13 =	sshll.u32 @!p1 s12, $0x9  }
0x2e: {  	p2 =	sgt.s32 @!p1 s12, $0x7F;
	s12 =	ssub.s32 @!p1 $0x10000, s13  }
0x2f: {  	s14 =	sadd.s32 $0x1000, s9;
	p2 =	por !p2, p1;
	s12 =	sshrl.u32 @!p1 s12, $0x2  }
0x30: {  	s12 =	simm.s32 @!p2 $0x0;
	p2 =	sgt.s32 s14, $0xC34F  }
0x31: {  	s14 =	smov.u32 @p2 s3;
	p2 =	sne.s32 s11, s7  }
.Ltmp1:
0x32: {  	_ = 	snop;
	(pc) =	sbr.rel @!p2 .LBB2_10-.Ltmp1, $4  }
0x33: {  	s13 =	simm.s32 @!p1 $0x2  }
0x34: {  	_ =	swait.ge @!p1 [sflag:s13], s12;
	s15 =	ssub.s32 @!p1 $0x0, s12  }
0x35: {  	s12 =	smov.u32 s10;
	s11 =	sadd.s32 $0x1, s11;
	[sflag:s13] =	ssyncset.done @!p1 $0x0  }
0x36: {  	s10 =	smov.u32 s9;
	s9 =	smov.u32 s14;
	[sflag:s13] =	ssyncadd.s32 @!p1 s15  }
.LBB2_1:
0x37: {  	p1 =	sgt.u32 s11, s6  }
0x38: {  	s13 =	sand.u32 @!p1 $0x1FFFFFF, s9  }
0x39: {  	p2 =	sgt.s32 @!p1 s9, $0xC2D0;
	s14 =	smulhi.u32 @!p1 $0x14F8B59, s13  }
0x3a: {  	s15 =	smov.u32 s9;
	s16 =	sshra.s32 @!p1 s9, $0x1F;
	p2 =	por !p2, p1  }
0x3b: {  	s16 =	sand.u32 @!p1 s16, s9;
	s15 =	simm.s32 @p2 $0xC2D0;
	s14 =	sshrl.u32 @!p1 s14, $0x8  }
0x3c: {  	s15 =	ssub.s32 @!p1 s15, s16;
	s14 =	smul.u32 @!p1 $0xC350, s14  }
0x3d: {  	s16 =	sxor.u32 @!p1 $0xFFFFFFFF, s11;
	s15 =	sadd.s32 @!p1 $0xFFFF3D30, s15  }
0x3e: {  	s16 =	sshll.u32 @!p1 s16, $0xE;
	s13 =	ssub.s32 @!p1 s13, s14;
	s14 =	sshll.u32 @!p1 s15, $0x9  }
0x3f: {  	s16 =	sand.u32 @!p1 $0x4000, s16;
	p2 =	sgt.s32 @!p1 s15, $0x7F;
	s14 =	ssub.s32 @!p1 $0x10000, s14  }
0x40: {  	p2 =	por !p2, p1;
	s13 =	sshll.u32 @!p1 s13, $0x4;
	s14 =	sshrl.u32 @!p1 s14, $0x2  }
0x41: {  	s15 =	simm.s32 @!p1 $0x0;
	s13 =	sadd.s32 @!p1 s2, s13;
	s14 =	simm.s32 @!p2 $0x0  }
0x42: {  	[tilespmem:s16], [sflag:$0x1] =	stream.linear.gather @!p1 [hbm4b:s13+s15], s14, $0x38;
	[tilespmem:$0x10000] =	vst v63  }
0x43: {  	p1 =	seq.s32 s11, $0x0  }
0x44: {  	p2 =	sge.u32 @!p1 s11, s7  }
0x45: {  	p1 =	por p1, p2  }
.Ltmp2:
0x46: {  	_ = 	snop;
	(pc) =	sbr.rel @p1 .LBB2_9-.Ltmp2, $1  }
0x47: {  	_ =	sdelay $0x3  }
0x48: {  	p1 =	sgt.s32 s10, $0xC2D0;
	s13 =	smov.u32 s10;
	s14 =	sshra.s32 s10, $0x1F  }
0x49: {  	s13 =	simm.s32 @!p1 $0xC2D0;
	s14 =	sand.u32 s14, s10  }
0x4a: {  	s13 =	ssub.s32 s13, s14  }
0x4b: {  	s13 =	sadd.s32 $0xFFFF3D30, s13  }
0x4c: {  	s31 =	sshll.u32 s13, $0x9  }
0x4d: {  	s14 =	ssub.s32 $0x10000, s31  }
0x4e: {  	p1 =	sgt.s32 s13, $0x7F;
	s13 =	sshrl.u32 s14, $0x2;
	s14 =	sadd.s32 $0x80, s10  }
0x4f: {  	s13 =	simm.s32 @p1 $0x0;
	p1 =	slt.s32 s14, $0xC350  }
0x50: {  	s14 =	simm.s32 @!p1 $0xC350  }
0x51: {  	s16 =	ssub.s32 s14, s10  }
0x52: {  	p1 =	slt.s32 s16, $0x1  }
.Ltmp3:
0x53: {  	_ = 	snop;
	(pc) =	sbr.rel @p1 .LBB2_8-.Ltmp3, $4  }
0x54: {  	_ = 	snop  }
0x55: {  	s15 =	sshll.u32 s11, $0xE;
	_ =	swait.ge [sflag:s5], s13  }
0x56: {  	s15 =	sand.u32 $0x4000, s15;
	s17 =	ssub.s32 $0x0, s13;
	[sflag:s5] =	ssyncset.done $0x0  }
0x57: {  	s14 =	sor.u32 $0x8000, s15;
	[sflag:s5] =	ssyncadd.s32 s17  }
0x58: {  	p2 =	sne.s32 s16, $0x1  }
.Ltmp4:
0x59: {  	v1 =	vmov s15;
	v0 =	vmov s14;
	(pc) =	sbr.rel @!p2 .LBB2_4-.Ltmp4, $3  }
0x5a: {  	_ =	sdelay $0x1  }
0x5b: {  	s17 =	simm.s32 $0x0  }
0x5c: {  	s23 =	sadd.s32 $0xFFFFFFFF, s16;
	p1 =	por $0x0, $0x0;
	s15 =	sand.u32 $0x3F80, s17  }
0x5d: {  	_ =	sdelay $0x3  }
0x5e: {  	v6 =	vld.idx.msk [tilespmem:v1+s15+$0x0 ss:$0x1], $0xffff;
	s24 =	sor.u32 $0x70, s15  }
0x5f: {  	s16 =	sor.u32 $0x10, s15;
	v8 =	vld.idx.msk [tilespmem:v1+s24+$0x0 ss:$0x1], $0xffff  }
0x60: {  	s17 =	sor.u32 $0x20, s15;
	p2 =	sne.s32 s23, $0x1;
	v2 =	vld.idx.msk [tilespmem:v1+s16+$0x0 ss:$0x1], $0xffff  }
.Ltmp5:
0x61: {  	s18 =	sor.u32 $0x30, s15;
	v4 =	vld.idx.msk [tilespmem:v1+s17+$0x0 ss:$0x1], $0xffff;
	(pc) =	sbr.rel @!p2 .LBB2_7-.Ltmp5, $4  }
0x62: {  	s19 =	sor.u32 $0x40, s15;
	v3 =	vld.idx.msk [tilespmem:v1+s18+$0x0 ss:$0x1], $0xffff  }
0x63: {  	s21 =	sor.u32 $0x60, s15;
	v5 =	vld.idx.msk [tilespmem:v1+s19+$0x0 ss:$0x1], $0xffff  }
0x64: {  	s20 =	sor.u32 $0x50, s15;
	s22 =	simm.s32 $0x80;
	v7 =	vld.idx.msk [tilespmem:v1+s21+$0x0 ss:$0x1], $0xffff;
	[tilespmem:v0+s15+$0x0 ss:$0x1] =	vst.idx.msk $0xffff, v6  }
0x65: {  	s23 =	sadd.s32 $0xFFFFFFFF, s23;
	p1 =	por $0x1, $0x1;
	v6 =	vld.idx.msk [tilespmem:v1+s20+$0x0 ss:$0x1], $0xffff;
	s15 =	sand.u32 $0x3F80, s22;
	[tilespmem:v0+s24+$0x0 ss:$0x1] =	vst.idx.msk $0xffff, v8  }
.LBB2_6:
0x66: {  	p2 =	sne.s32 s23, $0x1;
	v8 =	vld.idx.msk [tilespmem:v1+s15+$0x0 ss:$0x1], $0xffff;
	s24 =	sor.u32 $0x70, s15;
	[tilespmem:v0+s16+$0x0 ss:$0x1] =	vst.idx.msk $0xffff, v2;
	s16 =	sor.u32 $0x10, s15  }
0x67: {  	s25 =	sor.u32 $0x30, s15;
	s26 =	sor.u32 $0x40, s15;
	v9 =	vld.idx.msk [tilespmem:v1+s24+$0x0 ss:$0x1], $0xffff;
	[tilespmem:v0+s17+$0x0 ss:$0x1] =	vst.idx.msk $0xffff, v4;
	s17 =	sor.u32 $0x20, s15  }
0x68: {  	s28 =	sor.u32 $0x50, s15;
	s29 =	sor.u32 $0x60, s15;
	v2 =	vld.idx.msk [tilespmem:v1+s16+$0x0 ss:$0x1], $0xffff;
	[tilespmem:v0+s18+$0x0 ss:$0x1] =	vst.idx.msk $0xffff, v3;
	s18 =	smov.u32 s25  }
.Ltmp6:
0x69: {  	v4 =	vld.idx.msk [tilespmem:v1+s17+$0x0 ss:$0x1], $0xffff;
	[tilespmem:v0+s19+$0x0 ss:$0x1] =	vst.idx.msk $0xffff, v5;
	s19 =	smov.u32 s26;
	(pc) =	sbr.rel @p2 .LBB2_6-.Ltmp6, $4  }
0x6a: {  	v3 =	vld.idx.msk [tilespmem:v1+s18+$0x0 ss:$0x1], $0xffff;
	[tilespmem:v0+s20+$0x0 ss:$0x1] =	vst.idx.msk $0xffff, v6;
	s20 =	smov.u32 s28  }
0x6b: {  	v5 =	vld.idx.msk [tilespmem:v1+s19+$0x0 ss:$0x1], $0xffff;
	[tilespmem:v0+s21+$0x0 ss:$0x1] =	vst.idx.msk $0xffff, v7;
	s21 =	smov.u32 s29  }
0x6c: {  	s22 =	sadd.s32 $0x80, s22;
	[tilespmem:v0+s15+$0x0 ss:$0x1] =	vst.idx.msk $0xffff, v8;
	v6 =	vld.idx.msk [tilespmem:v1+s20+$0x0 ss:$0x1], $0xffff  }
0x6d: {  	s23 =	sadd.s32 $0xFFFFFFFF, s23;
	s15 =	sand.u32 $0x3F80, s22;
	v7 =	vld.idx.msk [tilespmem:v1+s21+$0x0 ss:$0x1], $0xffff;
	[tilespmem:v0+s24+$0x0 ss:$0x1] =	vst.idx.msk $0xffff, v9  }
.Ltmp7:
0x6e: {  	_ = 	snop;
	(pc) =	sbr.rel .LBB2_7-.Ltmp7, $1  }
0x6f: {  	_ =	sdelay $0x3  }
.LBB2_10:
0x70: {  	_ =	sfence.sel $0x180000  }
0x71: {  	s2 =	simm.s32 $0x1;
	[bflag:$0x0] =	sbarrier.arrive $0xFFFF  }
0x72: {  	s31 =	simm.s32 $0x2;
	[sflag:s2] =	ssyncpa.u1 $0x1  }
0x73: {  	[sflag:s31] =	ssyncpa.u1 $0x1  }
0x74: {  	_ =	strace $0x9000005F  }
0x75: {  	s0 =	sadd.s32 @!p0 $0x100000, s0;
	[bflag:$0x2] =	sbarrier.arrive $0xFFFF  }
0x76: {  	[sflag:s0] =	ssyncadd.tile.s32 @!p0 $0x1;
	s0 =	simm.s32 @!p0 $0x3F  }
0x77: {  	_ =	swait.ge @!p0 [sflag:s0], s1  }
0x78: {  	s1 =	ssub.s32 @!p0 $0x0, s1;
	[sflag:s0] =	ssyncset.done @!p0 $0x0  }
0x79: {  	[sflag:s0] =	ssyncadd.s32 @!p0 s1  }
0x7a: {  	[bflag:$0x3] =	sbarrier.arrive $0xFFFF  }
0x7b: {  	_ =	shalt  }
.Lfunc_end2:
execute1_lowered:
.L_overlay_start_2:
0x7c: {  	(tag) =	ssettag $0x2  }
0x7d: {  	s2 =	rddreg [dreg:$0x0]  }
0x7e: {  	s3 =	rddreg [dreg:$0x1];
	_ =	strace $0x80000062;
	s0 =	simm.s32 $0x1  }
0x7f: {  	v0 =	vimm.s32 $0x0;
	[sflag:s0] =	ssyncpa.u1 $0x0;
	s0 =	simm.s32 $0x108  }
0x80: {  	[tilespmem:s0+$0x70] =	vst v0  }
0x81: {  	[tilespmem:s0+$0x60] =	vst v0  }
0x82: {  	[tilespmem:s0+$0x50] =	vst v0  }
0x83: {  	[tilespmem:s0+$0x40] =	vst v0  }
0x84: {  	s1 =	sadd.s32 $0xBB3800, s2;
	[tilespmem:s0+$0x30] =	vst v0  }
0x85: {  	s15 =	sadd.s32 $0x4DC00, s2;
	s6 =	sadd.s32 $0x28BC00, s2;
	[tilespmem:s0+$0x20] =	vst v0  }
0x86: {  	s14 =	sadd.s32 $0x279600, s2;
	s5 =	sand.u32 $0x1, s3;
	s3 =	simm.s32 $0x40;
	[tilespmem:s0+$0x10] =	vst v0  }
.LBB3_1:
0x87: {  	s3 =	sadd.s32 $0x40, s3;
	[tilespmem:s0+$0x0] =	vst v0;
	s0 =	sadd.s32 $0x80, s0  }
0x88: {  	p0 =	slt.u32 s3, $0x3C40;
	[tilespmem:s0+$0x70] =	vst v0  }
0x89: {  	[tilespmem:s0+$0x60] =	vst v0  }
.Ltmp8:
0x8a: {  	[tilespmem:s0+$0x50] =	vst v0;
	(pc) =	sbr.rel @p0 .LBB3_1-.Ltmp8, $4  }
0x8b: {  	[tilespmem:s0+$0x40] =	vst v0  }
0x8c: {  	[tilespmem:s0+$0x30] =	vst v0  }
0x8d: {  	[tilespmem:s0+$0x20] =	vst v0  }
0x8e: {  	[tilespmem:s0+$0x10] =	vst v0  }
0x8f: {  	s9 =	stileid.u32  }
0x90: {  	s2 =	smul.u32 $0x4E, s9  }
0x91: {  	s3 =	smin.u32 s9, $0x2  }
0x92: {  	s2 =	sadd.s32 s3, s2  }
0x93: {  	p0 =	slt.u32 s9, $0x2;
	s7 =	smul.u32 $0xF0, s2;
	s2 =	simm.s32 $0x4A10  }
0x94: {  	s2 =	simm.s32 @!p0 $0x4920  }
0x95: {  	s2 =	sadd.s32 s2, s7  }
0x96: {  	s8 =	smin.u32 s2, $0x493E0  }
0x97: {  	s2 =	ssub.s32 s8, s7  }
0x98: {  	p0 =	sgt.s32 s2, $0x0  }
0x99: {  	s29 =	simm.s32 $0x2;
	s10 =	simm.s32 $0x9;
	s2 =	simm.s32 @!p0 $0x0  }
0x9a: {  	s4 =	simm.s32 $0xA;
	s11 =	simm.s32 $0xB;
	s28 =	smulhi.u32 $0x88888889, s2  }
0x9b: {  	[dreg:$0x4] =	wrdreg s5;
	s31 =	smul.u32 $0x927C, s5;
	s12 =	simm.s32 $0x1  }
0x9c: {  	s22 =	simm.s32 $0x0;
	s18 =	simm.s32 $0xC;
	s30 =	sshrl.u32 s28, $0x7  }
0x9d: {  	s20 =	simm.s32 $0x0;
	s21 =	simm.s32 $0x0;
	s3 =	smul.u32 $0xF0, s30  }
.Ltmp9:
0x9e: {  	[tilespmem:s0+$0x0] =	vst v0;
	v0 =	vimm.s32 $0xFFFFFFFF;
	[sflag:s29] =	ssyncpa.u1 $0x0;
	s16 =	sshll.u32 s9, $0x8;
	(pc) =	sbr.rel .LBB3_3-.Ltmp9, $4  }
0x9f: {  	[tilespmem:$0xF208] =	vst v0;
	[sflag:s10] =	ssyncpa.u1 $0x0;
	p0 =	sne.s32 s2, s3;
	s2 =	simm.s32 $0x1  }
0xa0: {  	s14 =	sadd.s32 s31, s14;
	[sflag:s4] =	ssyncpa.u1 $0x0;
	s2 =	simm.s32 @!p0 $0x0  }
0xa1: {  	s15 =	sadd.s32 s31, s15;
	[sflag:s11] =	ssyncpa.u1 $0x0;
	s13 =	sadd.s32 s2, s30  }
0xa2: {  	v0 =	vlaneseq.u32;
	s19 =	smov.u32 s7;
	p0 =	por $0x0, $0x0;
	s17 =	sadd.s32 $0x1, s13  }
.LBB3_18:
0xa3: {  	s0 =	sshrl.u32 s31, $0x2  }
.LBB3_20:
0xa4: {  	_ =	swait.ge [sflag:s18], s0  }
0xa5: {  	s31 =	ssub.s32 $0x0, s0;
	v1 =	vmov s24;
	vm0 =	veq.s32 v0, $0x0;
	[sflag:s18] =	ssyncset.done $0x0  }
0xa6: {  	vm15 =	veq.s32 v0, $0x2;
	v1 =	vsel vm0, s30, v1;
	[sflag:s18] =	ssyncadd.s32 s31  }
0xa7: {  	v1 =	vsel vm15, s22, v1;
	[sflag:s18] =	ssyncpa.u1 $0x1  }
0xa8: {  	[tilespmem:$0xF208] =	vst v1  }
.LBB3_21:
0xa9: {  	s0 =	sadd.s32 $0xF0, s19  }
0xaa: {  	s2 =	smov.u32 s7;
	p1 =	slt.s32 s0, s8  }
0xab: {  	s2 =	smov.u32 @p1 s0;
	p1 =	sne.s32 s21, s17  }
.Ltmp10:
0xac: {  	_ = 	snop;
	(pc) =	sbr.rel @!p1 .LBB3_22-.Ltmp10, $3  }
0xad: {  	_ =	sdelay $0x1  }
0xae: {  	s22 =	smov.u32 s20;
	s31 =	sadd.s32 $0x1, s21;
	s20 =	smov.u32 s19  }
0xaf: {  	p0 =	por !p0, !p0;
	s21 =	smov.u32 s31;
	s19 =	smov.u32 s2  }
.LBB3_3:
0xb0: {  	p1 =	sge.u32 s21, s13  }
0xb1: {  	s0 =	smulhi.u32 @!p1 $0xAAAAAAAB, s21  }
0xb2: {  	s2 =	smov.u32 s19;
	p2 =	sgt.s32 @!p1 s19, $0x492F0  }
0xb3: {  	s3 =	sshra.s32 @!p1 s19, $0x1F;
	p2 =	por !p2, p1;
	s0 =	sshrl.u32 @!p1 s0, $0x1  }
0xb4: {  	s3 =	sand.u32 @!p1 s3, s19;
	s2 =	simm.s32 @p2 $0x492F0;
	s0 =	smul.u32 @!p1 $0x3, s0  }
0xb5: {  	s2 =	ssub.s32 @!p1 s2, s3  }
0xb6: {  	s2 =	sadd.s32 @!p1 $0xFFFB6D10, s2;
	s0 =	ssub.s32 @!p1 s21, s0  }
0xb7: {  	s3 =	sshll.u32 @!p1 s2, $0x2;
	p2 =	sgt.s32 @!p1 s2, $0xEF;
	s0 =	smul.u32 @!p1 $0x3C0, s0  }
0xb8: {  	s4 =	sand.u32 @!p1 $0x7, s19;
	s2 =	ssub.s32 @!p1 $0x3C0, s3;
	p2 =	por !p2, p1  }
0xb9: {  	s3 =	sshrl.u32 @!p1 s19, $0x3;
	s2 =	sshrl.u32 @!p1 s2, $0x2;
	s0 =	sshrl.u32 @!p1 s0, $0x2  }
0xba: {  	s3 =	sadd.s32 @!p1 s3, s14;
	s2 =	simm.s32 @!p2 $0x0;
	s0 =	sadd.s32 @!p1 $0x10248, s0  }
0xbb: {  	[tilespmem:s0], [sflag:$0xA] =	stream.linear.gather @!p1 [hbm4b:s3+s4], s2, $0x38;
	[tilespmem:$0x1F6F8] =	vst v63  }
0xbc: {  	s0 =	sadd.s32 $0xFFFFFFFF, s21  }
0xbd: {  	p1 =	sge.u32 s0, s13  }
0xbe: {  	p2 =	sgt.s32 @!p1 s20, $0x492F0  }
0xbf: {  	s2 =	smov.u32 s20;
	s3 =	sshra.s32 @!p1 s20, $0x1F;
	p2 =	por !p2, p1  }
0xc0: {  	s3 =	sand.u32 @!p1 s3, s20;
	s2 =	simm.s32 @p2 $0x492F0  }
0xc1: {  	s2 =	ssub.s32 @!p1 s2, s3  }
0xc2: {  	s2 =	sadd.s32 @!p1 $0xFFFB6D10, s2  }
0xc3: {  	s4 =	smulhi.u32 @!p1 $0xAAAAAAAB, s0;
	s5 =	sand.u32 @!p1 $0x1, s0;
	s3 =	sshll.u32 @!p1 s2, $0x2  }
0xc4: {  	s24 =	smul.u32 @!p1 $0x3C0, s5;
	p2 =	sgt.s32 @!p1 s2, $0xEF;
	s2 =	ssub.s32 @!p1 $0x3C0, s3  }
0xc5: {  	p2 =	por !p2, p1;
	s3 =	sshrl.u32 @!p1 s4, $0x1;
	s2 =	sshrl.u32 @!p1 s2, $0x2  }
0xc6: {  	s4 =	simm.s32 @!p1 $0xA;
	s3 =	smul.u32 @!p1 $0x3, s3;
	s2 =	simm.s32 @!p2 $0x0  }
0xc7: {  	s5 =	smul.u32 @!p1 $0x1E000, s5;
	_ =	swait.ge @!p1 [sflag:s4], s2;
	s23 =	ssub.s32 @!p1 $0x0, s2  }
0xc8: {  	s0 =	ssub.s32 @!p1 s0, s3;
	s3 =	sshrl.u32 @!p1 s20, $0x3;
	[sflag:s4] =	ssyncset.done @!p1 $0x0  }
0xc9: {  	s3 =	sadd.s32 @!p1 s3, s15;
	[sflag:s4] =	ssyncadd.s32 @!p1 s23;
	s4 =	sshrl.u32 @!p1 s24, $0x2  }
0xca: {  	s0 =	smul.u32 @!p1 $0x3C0, s0;
	s23 =	sand.u32 @!p1 $0x7, s20;
	s4 =	sadd.s32 @!p1 $0x10518, s4  }
0xcb: {  	[tilespmem:s4], [sflag:$0xB] =	stream.linear.gather @!p1 [hbm4b:s3+s23], s2, $0x38;
	[tilespmem:$0x1F6F8] =	vst v63  }
0xcc: {  	s0 =	sshrl.u32 @!p1 s0, $0x2;
	s2 =	sshrl.u32 @!p1 s5, $0x2  }
0xcd: {  	s0 =	sadd.s32 @!p1 $0x10248, s0;
	s3 =	simm.s32 @!p1 $0xF0;
	s2 =	sor.u32 @!p1 $0x106F8, s2  }
0xce: {  	[tilespmem:s2], [sflag:$0x9] =	stream.indirect.gather @!p1 [hbm4b:s6+s3], $0x80, s0, s3, $0xb8;
	[tilespmem:$0x1F6F8] =	vst v63  }
0xcf: {  	p1 =	slt.u32 s21, $0x2  }
.Ltmp11:
0xd0: {  	_ = 	snop;
	(pc) =	sbr.rel @p1 .LBB3_21-.Ltmp11, $1  }
0xd1: {  	_ =	sdelay $0x3  }
0xd2: {  	p1 =	sgt.s32 s22, $0x492F0;
	s0 =	smov.u32 s22;
	s2 =	sshra.s32 s22, $0x1F  }
0xd3: {  	s0 =	simm.s32 @!p1 $0x492F0;
	s2 =	sand.u32 s2, s22  }
0xd4: {  	s0 =	ssub.s32 s0, s2  }
0xd5: {  	s0 =	sadd.s32 $0xFFFB6D10, s0  }
0xd6: {  	s29 =	sshll.u32 s0, $0x2  }
0xd7: {  	_ =	swait.ge [sflag:s10], $0x7800;
	s2 =	ssub.s32 $0x3C0, s29  }
0xd8: {  	[sflag:s10] =	ssyncset.done $0x0;
	p1 =	sgt.s32 s0, $0xEF;
	s0 =	sshrl.u32 s2, $0x2  }
0xd9: {  	[sflag:s10] =	ssyncadd.s32 $0xFFFF8800;
	s0 =	simm.s32 @p1 $0x0  }
0xda: {  	_ =	swait.ge [sflag:s11], s0  }
0xdb: {  	s0 =	ssub.s32 $0x0, s0;
	[sflag:s11] =	ssyncset.done $0x0  }
0xdc: {  	[sflag:s11] =	ssyncadd.s32 s0  }
0xdd: {  	v1 =	vld [tilespmem:$0xF208];
	_ =	sdelay $0x4  }
0xde: {  	(v2sf) =	vpush v1, $0x0  }
0xdf: {  	(v2sf) =	vpush v1, $0x1  }
0xe0: {  	(v2sf) =	vpush v1, $0x2;
	_ =	sdelay $0x3  }
0xe1: {  	s0 =	sadd.s32 $0xF0, s22  }
0xe2: {  	s2 =	ssub.s32 $0x927C0, s22;
	p1 =	slt.s32 s8, s0  }
0xe3: {  	s0 =	smov.u32 @p1 s8;
	p1 =	sgt.s32 s2, $0x0  }
0xe4: {  	s26 =	ssub.s32 s0, s22;
	s2 =	simm.s32 @!p1 $0x0  }
0xe5: {  	p1 =	slt.s32 s2, s26  }
0xe6: {  	s26 =	smov.u32 @p1 s2  }
0xe7: {  	s25 =	simm.s32 $0x1;
	p1 =	slt.s32 s26, $0x1  }
.Ltmp12:
0xe8: {  	s25 =	simm.s32 @!p0 $0x0;
	(pc) =	sbr.rel @p1 .LBB3_8-.Ltmp12, $4  }
0xe9: {  	s31 =	smul.u32 $0x3C0, s25  }
0xea: {  	s28 =	spop (v2sf)  }
0xeb: {  	s0 =	sshrl.u32 s31, $0x2;
	s30 =	spop (v2sf)  }
0xec: {  	s23 =	sadd.s32 $0x10518, s0;
	s22 =	spop (v2sf)  }
0xed: {  	s0 =	smin.u32 s26, $0x10  }
0xee: {  	v1 =	vmov s0  }
0xef: {  	p2 =	sgt.s32 s26, $0x10;
	vm1 =	vgt.u32 v1, v0  }
.Ltmp13:
0xf0: {  	_ = 	snop;
	(pc) =	sbr.rel @!p2 .LBB3_7-.Ltmp13, $2  }
0xf1: {  	_ =	sdelay $0x2  }
0xf2: {  	s4 =	simm.s32 $0x10;
	s24 =	sadd.s32 $0xFFFFFFF0, s26;
	s0 =	smov.u32 s23;
	vm0 =	vmmov vm1  }
.LBB3_6:
0xf3: {  	s2 =	smin.u32 s24, $0x10;
	s4 =	sadd.s32 $0x10, s4;
	v1 =	vld.msk [tilespmem:s0+$0x0 ss:$0x1], vm1  }
0xf4: {  	v2 =	vmov s2;
	p2 =	slt.s32 s4, s26  }
0xf5: {  	vm1 =	vgt.u32 v2, v0  }
.Ltmp14:
0xf6: {  	(pc) =	sbr.rel @p2 .LBB3_6-.Ltmp14, $3  }
0xf7: {  	_ =	sdelay $0x1  }
0xf8: {  	v1 =	vshll.u32 v1, $0x4  }
0xf9: {  	s24 =	sadd.s32 $0xFFFFFFF0, s24;
	[tilespmem:s0+$0x0] =	vst.msk vm0, v1;
	s0 =	sadd.s32 $0x10, s0;
	vm0 =	vmmov vm1  }
.LBB3_7:
0xfa: {  	_ =	sdelay $0x4  }
0xfb: {  	v1 =	vld.msk [tilespmem:s0+$0x0 ss:$0x1], vm1;
	_ =	sdelay $0x4  }
0xfc: {  	v1 =	vshll.u32 v1, $0x4  }
0xfd: {  	[tilespmem:s0+$0x0] =	vst.msk vm0, v1  }
.LBB3_8:
0xfe: {  	s0 =	sand.u32 $0x1, s21  }
0xff: {  	s0 =	smul.u32 $0xF0, s0  }
0x100: {  	p2 =	sne.s32 s30, $0xFFFFFFFF  }
0x101: {  	v1 =	vld.msk @!p2 [tilespmem:s0+$0x10518], $0x1;
	_ =	sdelay $0x4  }
0x102: {  	(v2sf) =	vpush @!p2 v1, $0x0;
	_ =	sdelay $0xc  }
.Ltmp15:
0x103: {  	_ = 	snop;
	(pc) =	sbr.rel @p1 .LBB3_19-.Ltmp15, $4  }
0x104: {  	_ = 	snop  }
0x105: {  	s29 =	spop @!p2 (v2sf)  }
0x106: {  	s22 =	simm.s32 @!p2 $0x0;
	s24 =	smov.u32 s29  }
0x107: {  	[sflag:s18] =	ssyncpa.u1 $0x0;
	s29 =	smov.u32 @p2 s28;
	s24 =	smov.u32 @p2 s30  }
0x108: {  	v1 =	vld.msk [tilespmem:s23+$0x0], $0x1;
	_ =	sdelay $0x4  }
0x109: {  	(v2sf) =	vpush v1, $0x0;
	_ =	sdelay $0xe  }
0x10a: {  	s2 =	smul.u32 $0x1E000, s25;
	s0 =	spop (v2sf)  }
0x10b: {  	s26 =	ssub.s32 $0x0, s26;
	p1 =	seq.s32 s29, s0  }
0x10c: {  	s30 =	sadd.s32 $0x1, s26;
	s2 =	sshrl.u32 s2, $0x2;
	p2 =	sgt.s32 @!p1 s29, $0x0  }
0x10d: {  	s25 =	sor.u32 $0x10738, s2;
	s2 =	smov.u32 s29;
	p2 =	por !p2, p1  }
0x10e: {  	s2 =	simm.s32 @p2 $0x0;
	p2 =	seq.s32 s30, $0x0  }
.Ltmp16:
0x10f: {  	_ = 	snop;
	(pc) =	sbr.rel @p2 .LBB3_11-.Ltmp16, $4  }
0x110: {  	_ = 	snop  }
0x111: {  	s28 =	simm.s32 $0x0;
	s31 =	sadd.s32 $0x1, s23;
	s2 =	smin.u32 @!p1 s2, $0xC34F0  }
0x112: {  	s4 =	simm.s32 @!p1 $0x1;
	s5 =	simm.s32 @!p1 $0x7988;
	s3 =	sand.u32 @!p1 $0xFFFF8, s2  }
0x113: {  	s4 =	smov.u32 @p1 s28;
	s2 =	sand.u32 @!p1 $0x7, s2;
	s3 =	sadd.s32 @!p1 s1, s3  }
.LBB3_10:
0x114: {  	s9 =	smov.u32 s4  }
0x115: {  	[tilespmem:s5], [sflag:$0x2] =	stream.linear.gather @!p1 [hbm4b:s3+s2], $0x80, $0x38;
	[tilespmem:$0x1F6F8] =	vst v63  }
0x116: {  	s30 =	sadd.s32 $0x1, s30;
	s2 =	smov.u32 s0;
	v1 =	vld.msk [tilespmem:s31+$0x0], $0x1  }
0x117: {  	p2 =	seq.s32 s30, $0x0;
	_ =	sdelay $0x3  }
0x118: {  	(v2sf) =	vpush v1, $0x0;
	_ =	sdelay $0xe  }
0x119: {  	s0 =	spop (v2sf)  }
0x11a: {  	p1 =	seq.s32 s2, s0  }
0x11b: {  	p3 =	sgt.s32 @!p1 s2, $0x0;
	s3 =	sshll.u32 @!p1 s4, $0x9;
	s4 =	sadd.s32 @!p1 $0x1, s4  }
.Ltmp17:
0x11c: {  	p3 =	por !p3, p1;
	s3 =	sshra.s32 @!p1 s3, $0x2;
	(pc) =	sbr.rel @!p2 .LBB3_10-.Ltmp17, $4  }
0x11d: {  	s4 =	smov.u32 @p1 s9;
	s2 =	simm.s32 @p3 $0x0;
	s5 =	sadd.s32 @!p1 $0x7988, s3  }
0x11e: {  	s2 =	smin.u32 @!p1 s2, $0xC34F0  }
0x11f: {  	s3 =	sand.u32 @!p1 $0xFFFF8, s2;
	s2 =	sand.u32 @!p1 $0x7, s2  }
0x120: {  	s31 =	sadd.s32 $0x1, s31;
	s3 =	sadd.s32 @!p1 s1, s3  }
.LBB3_11:
0x121: {  	[tilespmem:s5], [sflag:$0x2] =	stream.linear.gather @!p1 [hbm4b:s3+s2], $0x80, $0x38;
	[tilespmem:$0x1F6F8] =	vst v63  }
.Ltmp18:
0x122: {  	s0 =	sshll.u32 s4, $0x7;
	(pc) =	sbr.rel .LBB3_12-.Ltmp18, $4  }
0x123: {  	s30 =	simm.s32 $0x2;
	s0 =	sand.u32 $0x3FFFFF80, s0  }
0x124: {  	_ =	swait.ge [sflag:s30], s0  }
0x125: {  	s0 =	ssub.s32 $0x0, s0;
	[sflag:s30] =	ssyncset.done $0x0  }
0x126: {  	s31 =	simm.s32 $0x0;
	[sflag:s30] =	ssyncadd.s32 s0  }
.LBB3_13:
0x127: {  	v1 =	vld [tilespmem:s25+$0xFFFFFFC0];
	_ =	sdelay $0x3  }
0x128: {  	s0 =	sshra.s32 s0, $0x2  }
0x129: {  	[tilespmem:s0+$0x108] =	vst.add.f32.msk $0xffff, v1  }
0x12a: {  	v1 =	vld [tilespmem:s25+$0xFFFFFFD0];
	_ =	sdelay $0x4  }
0x12b: {  	[tilespmem:s0+$0x118] =	vst.add.f32.msk $0xffff, v1  }
0x12c: {  	v1 =	vld [tilespmem:s25+$0xFFFFFFE0];
	_ =	sdelay $0x4  }
0x12d: {  	[tilespmem:s0+$0x128] =	vst.add.f32.msk $0xffff, v1  }
0x12e: {  	v1 =	vld [tilespmem:s25+$0xFFFFFFF0];
	_ =	sdelay $0x4  }
0x12f: {  	[tilespmem:s0+$0x138] =	vst.add.f32.msk $0xffff, v1  }
0x130: {  	v1 =	vld [tilespmem:s25+$0x0];
	_ =	sdelay $0x4  }
0x131: {  	[tilespmem:s0+$0x148] =	vst.add.f32.msk $0xffff, v1  }
0x132: {  	v1 =	vld [tilespmem:s25+$0x10];
	_ =	sdelay $0x4  }
0x133: {  	[tilespmem:s0+$0x158] =	vst.add.f32.msk $0xffff, v1  }
0x134: {  	v1 =	vld [tilespmem:s25+$0x20];
	_ =	sdelay $0x4  }
0x135: {  	[tilespmem:s0+$0x168] =	vst.add.f32.msk $0xffff, v1  }
0x136: {  	v1 =	vld [tilespmem:s25+$0x30];
	_ =	sdelay $0x4  }
0x137: {  	[tilespmem:s0+$0x178] =	vst.add.f32.msk $0xffff, v1  }
.LBB3_17:
0x138: {  	s26 =	sadd.s32 $0x1, s26  }
0x139: {  	p1 =	seq.s32 s26, $0x0  }
.Ltmp19:
0x13a: {  	_ = 	snop;
	(pc) =	sbr.rel @p1 .LBB3_18-.Ltmp19, $2  }
0x13b: {  	_ =	sdelay $0x2  }
0x13c: {  	s23 =	sadd.s32 $0x1, s23;
	s25 =	sadd.s32 $0x80, s25;
	s29 =	smov.u32 s30  }
.LBB3_12:
0x13d: {  	v1 =	vld.msk [tilespmem:s23+$0x0], $0x1;
	_ =	sdelay $0x4  }
0x13e: {  	(v2sf) =	vpush v1, $0x0;
	_ =	sdelay $0xe  }
0x13f: {  	s30 =	spop (v2sf)  }
0x140: {  	p1 =	sne.s32 s29, s30  }
.Ltmp20:
0x141: {  	_ = 	snop;
	(pc) =	sbr.rel @!p1 .LBB3_13-.Ltmp20, $2  }
0x142: {  	_ =	sdelay $0x2  }
0x143: {  	s0 =	sshll.u32 s22, $0x9  }
0x144: {  	p1 =	seq.s32 s29, s24  }
.Ltmp21:
0x145: {  	_ = 	snop;
	(pc) =	sbr.rel @!p1 .LBB3_15-.Ltmp21, $1  }
0x146: {  	_ =	sdelay $0x3  }
0x147: {  	s0 =	sshra.s32 s0, $0x2  }
.Ltmp22:
0x148: {  	s0 =	sadd.s32 $0x108, s0;
	(pc) =	sbr.rel .LBB3_16-.Ltmp22, $4  }
0x149: {  	[spmem:s16] =	stream.linear.scatter [tilespmem:s0], [sflag:$0x1], $0x80, $0x38;
	[tilespmem:$0x1F6F8] =	vst v63  }
0x14a: {  	_ =	swait.ge [sflag:s12], $0x80  }
0x14b: {  	[sflag:s12] =	ssyncset.done $0x0  }
0x14c: {  	[sflag:s12] =	ssyncadd.s32 $0xFFFFFF80  }
.LBB3_15:
0x14d: {  	s2 =	sshll.u32 s28, $0x9  }
0x14e: {  	s2 =	sshra.s32 s2, $0x2  }
0x14f: {  	v1 =	vld [tilespmem:s2+$0x7988];
	_ =	sdelay $0x3  }
0x150: {  	s0 =	sshra.s32 s0, $0x2  }
0x151: {  	[tilespmem:s0+$0x108] =	vst.add.f32.msk $0xffff, v1  }
0x152: {  	v1 =	vld [tilespmem:s2+$0x7998];
	_ =	sdelay $0x4  }
0x153: {  	[tilespmem:s0+$0x118] =	vst.add.f32.msk $0xffff, v1  }
0x154: {  	v1 =	vld [tilespmem:s2+$0x79A8];
	_ =	sdelay $0x4  }
0x155: {  	[tilespmem:s0+$0x128] =	vst.add.f32.msk $0xffff, v1  }
0x156: {  	v1 =	vld [tilespmem:s2+$0x79B8];
	_ =	sdelay $0x4  }
0x157: {  	[tilespmem:s0+$0x138] =	vst.add.f32.msk $0xffff, v1  }
0x158: {  	v1 =	vld [tilespmem:s2+$0x79C8];
	_ =	sdelay $0x4  }
0x159: {  	[tilespmem:s0+$0x148] =	vst.add.f32.msk $0xffff, v1  }
0x15a: {  	v1 =	vld [tilespmem:s2+$0x79D8];
	_ =	sdelay $0x4  }
0x15b: {  	[tilespmem:s0+$0x158] =	vst.add.f32.msk $0xffff, v1  }
0x15c: {  	v1 =	vld [tilespmem:s2+$0x79E8];
	_ =	sdelay $0x4  }
0x15d: {  	[tilespmem:s0+$0x168] =	vst.add.f32.msk $0xffff, v1  }
0x15e: {  	v1 =	vld [tilespmem:s2+$0x79F8];
	_ =	sdelay $0x2  }
0x15f: {  	p1 =	sgt.u32 s29, $0xC34F0  }
0x160: {  	s2 =	sand.u32 @!p1 $0xFFFF8, s29  }
0x161: {  	s3 =	sadd.s32 $0x108, s0;
	[tilespmem:s0+$0x178] =	vst.add.f32.msk $0xffff, v1;
	s0 =	sadd.s32 @!p1 s1, s2;
	s2 =	sand.u32 @!p1 $0x7, s29  }
0x162: {  	[hbm4b:s0+s2] =	stream.linear.scatter @!p1 [tilespmem:s3], [sflag:$0xC], $0x80, $0x38;
	[tilespmem:$0x1F6F8] =	vst v63  }
0x163: {  	s0 =	simm.s32 $0x0  }
0x164: {  	s0 =	simm.s32 @!p1 $0x200  }
0x165: {  	s31 =	sadd.s32 s0, s31  }
.LBB3_16:
0x166: {  	s0 =	sadd.s32 $0x1, s22  }
0x167: {  	s2 =	smulhi.u32 $0x88888889, s0;
	_ =	sdelay $0x1  }
0x168: {  	v1 =	vld [tilespmem:s25+$0xFFFFFFC0];
	s2 =	sshrl.u32 s2, $0x7  }
0x169: {  	s2 =	smul.u32 $0xF0, s2;
	_ =	sdelay $0x1  }
0x16a: {  	s22 =	ssub.s32 s0, s2  }
0x16b: {  	s0 =	sshll.u32 s22, $0x7  }
0x16c: {  	[tilespmem:s0+$0x108] =	vst v1  }
0x16d: {  	v1 =	vld [tilespmem:s25+$0xFFFFFFD0];
	_ =	sdelay $0x4  }
0x16e: {  	[tilespmem:s0+$0x118] =	vst v1  }
0x16f: {  	v1 =	vld [tilespmem:s25+$0xFFFFFFE0];
	_ =	sdelay $0x4  }
0x170: {  	[tilespmem:s0+$0x128] =	vst v1  }
0x171: {  	v1 =	vld [tilespmem:s25+$0xFFFFFFF0];
	_ =	sdelay $0x4  }
0x172: {  	[tilespmem:s0+$0x138] =	vst v1  }
0x173: {  	v1 =	vld [tilespmem:s25+$0x0];
	_ =	sdelay $0x4  }
0x174: {  	[tilespmem:s0+$0x148] =	vst v1  }
0x175: {  	v1 =	vld [tilespmem:s25+$0x10];
	_ =	sdelay $0x4  }
0x176: {  	[tilespmem:s0+$0x158] =	vst v1  }
0x177: {  	v1 =	vld [tilespmem:s25+$0x20];
	_ =	sdelay $0x4  }
0x178: {  	[tilespmem:s0+$0x168] =	vst v1  }
0x179: {  	v1 =	vld [tilespmem:s25+$0x30]  }
.Ltmp23:
0x17a: {  	_ = 	snop;
	(pc) =	sbr.rel .LBB3_17-.Ltmp23, $2  }
0x17b: {  	_ =	sdelay $0x2  }
0x17c: {  	s28 =	sadd.s32 $0x1, s28;
	[tilespmem:s0+$0x178] =	vst v1  }
.LBB3_19:
.Ltmp24:
0x17d: {  	(pc) =	sbr.rel .LBB3_20-.Ltmp24, $4  }
0x17e: {  	_ = 	snop  }
0x17f: {  	s0 =	simm.s32 $0x2  }
0x180: {  	_ =	swait.ge [sflag:s0], $0x0  }
0x181: {  	s30 =	smov.u32 s29;
	[sflag:s0] =	ssyncset.done $0x0;
	s0 =	simm.s32 $0x0  }
.LBB3_22:
0x182: {  	_ =	sfence.sel $0x180000  }
0x183: {  	s0 =	simm.s32 $0x9;
	[bflag:$0x0] =	sbarrier.arrive $0xFFFF  }
0x184: {  	s24 =	simm.s32 $0xA;
	[sflag:s0] =	ssyncpa.u1 $0x1  }
0x185: {  	s25 =	simm.s32 $0xB;
	[sflag:s24] =	ssyncpa.u1 $0x1  }
0x186: {  	s26 =	simm.s32 $0x2;
	[sflag:s25] =	ssyncpa.u1 $0x1  }
0x187: {  	[sflag:s26] =	ssyncpa.u1 $0x1  }
0x188: {  	v0 =	vld [tilespmem:$0xF208];
	_ =	sdelay $0x4  }
0x189: {  	(v2sf) =	vpush v0, $0x0  }
0x18a: {  	(v2sf) =	vpush v0, $0x1;
	_ =	sdelay $0x1  }
0x18b: {  	(v2sf) =	vpush v0, $0x2;
	_ =	sdelay $0xb  }
0x18c: {  	s0 =	spop (v2sf)  }
0x18d: {  	s2 =	spop (v2sf)  }
0x18e: {  	s3 =	smov.u32 s0;
	p0 =	sne.s32 s0, s2  }
0x18f: {  	s4 =	spop (v2sf);
	s3 =	simm.s32 @!p0 $0xFFFFFFFF  }
0x190: {  	v2 =	vimm.s32 $0x1;
	v3 =	vlaneseq.u32;
	p0 =	seq.s32 s4, $0xFFFFFFFF;
	v1 =	vmov s3  }
0x191: {  	s16 =	stileid.u32;
	v0 =	vperm.xlane v0, v2;
	p1 =	sne.s32 @!p0 s0, s2;
	v1 =	vperm.xlane v1, v3  }
0x192: {  	vm0 =	vcmask $0x3F04;
	s6 =	simm.s32 $0xF208;
	s0 =	simm.s32 @!p0 $0x1;
	p1 =	por !p1, p0  }
0x193: {  	s3 =	sshll.u32 s16, $0x1;
	s2 =	sshll.u32 @!p0 s4, $0x9;
	s0 =	simm.s32 @p1 $0x0;
	v0 =	vsel vm0, v1, v0  }
0x194: {  	s5 =	sor.u32 $0x1000, s3;
	s2 =	sshra.s32 @!p0 s2, $0x2;
	s0 =	sor.u32 @!p0 s0, s3;
	[tilespmem:$0xF208] =	vst v0  }
0x195: {  	[spmem:s5] =	stream.linear.scatter [tilespmem:s6], [sflag:$0x1], $0x2, $0x38;
	[tilespmem:$0x1F6F8] =	vst v63  }
0x196: {  	s2 =	sadd.s32 @!p0 $0x108, s2;
	s0 =	sshll.u32 @!p0 s0, $0x7  }
0x197: {  	[spmem:s0] =	stream.linear.scatter @!p0 [tilespmem:s2], [sflag:$0x1], $0x80, $0x38;
	[tilespmem:$0x1F6F8] =	vst v63  }
0x198: {  	s0 =	simm.s32 @!p0 $0x82  }
0x199: {  	s28 =	simm.s32 $0x1;
	s0 =	simm.s32 @p0 $0x2  }
0x19a: {  	_ =	swait.ge [sflag:s28], s0  }
0x19b: {  	s0 =	ssub.s32 $0x0, s0;
	[sflag:s28] =	ssyncset.done $0x0  }
0x19c: {  	p0 =	sne.s32 s16, $0x0;
	[sflag:s28] =	ssyncadd.s32 s0  }
.Ltmp25:
0x19d: {  	_ =	sfence.stream.spmem;
	(pc) =	sbr.rel @p0 .LBB3_39-.Ltmp25, $4  }
0x19e: {  	s29 =	simm.s32 $0x3;
	[bflag:$0x0] =	sbarrier.arrive $0xFFFF  }
0x19f: {  	s30 =	simm.s32 $0x4;
	[sflag:s29] =	ssyncpa.u1 $0x1  }
0x1a0: {  	s31 =	simm.s32 $0x3C;
	[sflag:s30] =	ssyncpa.u1 $0x1  }
0x1a1: {  	s15 =	rddreg [dreg:$0x4];
	[sflag:s31] =	ssyncpa.u1 $0x1  }
0x1a2: {  	_ =	sfence.stream.spmem;
	s0 =	simm.s32 $0x5  }
0x1a3: {  	s2 =	simm.s32 $0x1000;
	s3 =	simm.s32 $0xF218;
	[sflag:s0] =	ssyncpa.u1 $0x0  }
0x1a4: {  	[tilespmem:s3], [sflag:$0x5] =	stream.linear.gather [spmem:s2], $0x20, $0x38;
	[tilespmem:$0x1F6F8] =	vst v63  }
0x1a5: {  	s26 =	simm.s32 $0x0;
	s28 =	simm.s32 $0xF238  }
0x1a6: {  	[tilespmem:s28], [sflag:$0x5] =	stream.linear.gather [spmem:s26], $0x1000, $0x38;
	[tilespmem:$0x1F6F8] =	vst v63  }
0x1a7: {  	_ =	swait.ge [sflag:s0], $0x1020  }
0x1a8: {  	[sflag:s0] =	ssyncset.done $0x0  }
0x1a9: {  	s29 =	simm.s32 $0x0;
	[sflag:s0] =	ssyncadd.s32 $0xFFFFEFE0  }
0x1aa: {  	v0 =	vld.msk [tilespmem:s29+$0xF218], $0x1;
	_ =	sdelay $0x1  }
0x1ab: {  	s30 =	simm.s32 $0x1  }
0x1ac: {  	v1 =	vld.msk [tilespmem:s30+$0xF218], $0x1;
	_ =	sdelay $0x1  }
0x1ad: {  	(v2sf) =	vpush v0, $0x0;
	_ =	sdelay $0x2  }
0x1ae: {  	(v2sf) =	vpush v1, $0x0;
	_ =	sdelay $0x2  }
0x1af: {  	s31 =	simm.s32 $0x2  }
0x1b0: {  	v0 =	vld.msk [tilespmem:s31+$0xF218], $0x1;
	_ =	sdelay $0x2  }
0x1b1: {  	s4 =	simm.s32 $0xFFFFFFFF;
	s5 =	simm.s32 $0xFFFFFFFF;
	s0 =	simm.s32 $0xC  }
.LBB3_24:
0x1b2: {  	s2 =	smov.u32 s5;
	s3 =	smov.u32 s4  }
0x1b3: {  	s4 =	sshra.s32 s0, $0x2;
	p1 =	sne.s32 s0, $0x7C;
	s0 =	sadd.s32 $0x4, s0;
	(v2sf) =	vpush v0, $0x0  }
0x1b4: {  	v0 =	vld.msk [tilespmem:s4+$0xF218], $0x1  }
.Ltmp26:
0x1b5: {  	(pc) =	sbr.rel @p1 .LBB3_24-.Ltmp26, $4  }
0x1b6: {  	s5 =	spop (v2sf)  }
0x1b7: {  	p2 =	sne.s32 s3, $0xFFFFFFFF;
	s4 =	smov.u32 s5  }
0x1b8: {  	p3 =	seq.s32 s5, $0xFFFFFFFF;
	s4 =	smov.u32 @p2 s3  }
0x1b9: {  	s5 =	smov.u32 @p3 s2;
	s4 =	smov.u32 @p3 s3  }
0x1ba: {  	(v2sf) =	vpush v0, $0x0;
	_ =	sdelay $0x8  }
0x1bb: {  	s0 =	spop (v2sf)  }
0x1bc: {  	p1 =	sne.s32 s4, $0xFFFFFFFF;
	s2 =	smov.u32 s0  }
0x1bd: {  	s9 =	simm.s32 $0x6;
	p2 =	seq.s32 s0, $0xFFFFFFFF;
	s2 =	smov.u32 @p1 s4  }
0x1be: {  	s6 =	simm.s32 $0x0;
	s2 =	smov.u32 @p2 s4;
	s3 =	spop (v2sf)  }
0x1bf: {  	s0 =	smov.u32 @p2 s5;
	p1 =	sne.s32 s2, $0xFFFFFFFF;
	s4 =	smov.u32 s3  }
.Ltmp27:
0x1c0: {  	p2 =	seq.s32 s3, $0xFFFFFFFF;
	s4 =	smov.u32 @p1 s2;
	(pc) =	sbr.rel .LBB3_26-.Ltmp27, $4  }
0x1c1: {  	s10 =	simm.s32 $0xF188;
	s4 =	smov.u32 @p2 s2;
	s7 =	spop (v2sf)  }
0x1c2: {  	s11 =	simm.s32 $0x0;
	p1 =	sne.s32 s4, $0xFFFFFFFF;
	s8 =	smov.u32 s7  }
0x1c3: {  	s3 =	smov.u32 @p2 s0;
	p2 =	seq.s32 s7, $0xFFFFFFFF;
	s8 =	smov.u32 @p1 s4  }
0x1c4: {  	[sflag:s9] =	ssyncpa.u1 $0x0;
	s7 =	smov.u32 @p2 s3;
	s8 =	smov.u32 @p2 s4  }
.LBB3_32:
0x1c5: {  	p1 =	sgt.u32 s12, $0xC34F0  }
0x1c6: {  	p2 =	seq.s32 @!p1 s12, s8  }
0x1c7: {  	p1 =	por p1, p2  }
0x1c8: {  	p2 =	sne.s32 @!p1 s12, s7  }
0x1c9: {  	p1 =	por p1, !p2  }
0x1ca: {  	s0 =	sshll.u32 @p1 s11, $0x9  }
0x1cb: {  	s0 =	sand.u32 @!p1 $0xFFFF8, s12  }
0x1cc: {  	s2 =	sand.u32 @!p1 $0x7, s12;
	s0 =	sadd.s32 @!p1 s1, s0  }
0x1cd: {  	[tilespmem:s10], [sflag:$0x6] =	stream.linear.gather @!p1 [hbm4b:s0+s2], $0x80, $0x38;
	[tilespmem:$0x1F6F8] =	vst v63  }
0x1ce: {  	_ =	swait.ge @!p1 [sflag:s9], $0x80  }
0x1cf: {  	[sflag:s9] =	ssyncset.done @!p1 $0x0  }
0x1d0: {  	[sflag:s9] =	ssyncadd.s32 @!p1 $0xFFFFFF80  }
0x1d1: {  	v1 =	vld @!p1 [tilespmem:$0xF188];
	_ =	sdelay $0x2  }
0x1d2: {  	s0 =	sshll.u32 @!p1 s11, $0x9  }
0x1d3: {  	s2 =	sshrl.u32 @!p1 s0, $0x2  }
0x1d4: {  	[tilespmem:s2+$0xF238] =	vst.add.f32.msk @!p1 $0xffff, v1  }
0x1d5: {  	v1 =	vld @!p1 [tilespmem:$0xF198];
	_ =	sdelay $0x4  }
0x1d6: {  	[tilespmem:s2+$0xF248] =	vst.add.f32.msk @!p1 $0xffff, v1  }
0x1d7: {  	v1 =	vld @!p1 [tilespmem:$0xF1A8];
	_ =	sdelay $0x4  }
0x1d8: {  	[tilespmem:s2+$0xF258] =	vst.add.f32.msk @!p1 $0xffff, v1  }
0x1d9: {  	v1 =	vld @!p1 [tilespmem:$0xF1B8];
	_ =	sdelay $0x4  }
0x1da: {  	[tilespmem:s2+$0xF268] =	vst.add.f32.msk @!p1 $0xffff, v1  }
0x1db: {  	v1 =	vld @!p1 [tilespmem:$0xF1C8];
	_ =	sdelay $0x4  }
0x1dc: {  	[tilespmem:s2+$0xF278] =	vst.add.f32.msk @!p1 $0xffff, v1  }
0x1dd: {  	v1 =	vld @!p1 [tilespmem:$0xF1D8];
	_ =	sdelay $0x4  }
0x1de: {  	[tilespmem:s2+$0xF288] =	vst.add.f32.msk @!p1 $0xffff, v1  }
0x1df: {  	v1 =	vld @!p1 [tilespmem:$0xF1E8];
	_ =	sdelay $0x4  }
0x1e0: {  	[tilespmem:s2+$0xF298] =	vst.add.f32.msk @!p1 $0xffff, v1  }
0x1e1: {  	v1 =	vld @!p1 [tilespmem:$0xF1F8];
	_ =	sdelay $0x4  }
0x1e2: {  	[tilespmem:s2+$0xF2A8] =	vst.add.f32.msk @!p1 $0xffff, v1  }
0x1e3: {  	s0 =	sshrl.u32 s0, $0x2;
	[tilespmem:s6+$0xF218] =	vst.msk $0x1, v0  }
0x1e4: {  	v0 =	vld [tilespmem:s0+$0xF238];
	_ =	sdelay $0x2  }
0x1e5: {  	s31 =	sshll.u32 s6, $0x9  }
0x1e6: {  	s2 =	sshra.s32 s31, $0x2  }
0x1e7: {  	[tilespmem:s2+$0xF238] =	vst v0  }
0x1e8: {  	v0 =	vld [tilespmem:s0+$0xF248];
	_ =	sdelay $0x4  }
0x1e9: {  	[tilespmem:s2+$0xF248] =	vst v0  }
0x1ea: {  	v0 =	vld [tilespmem:s0+$0xF258];
	_ =	sdelay $0x4  }
0x1eb: {  	[tilespmem:s2+$0xF258] =	vst v0  }
0x1ec: {  	v0 =	vld [tilespmem:s0+$0xF268];
	_ =	sdelay $0x4  }
0x1ed: {  	[tilespmem:s2+$0xF268] =	vst v0  }
0x1ee: {  	v0 =	vld [tilespmem:s0+$0xF278];
	_ =	sdelay $0x4  }
0x1ef: {  	[tilespmem:s2+$0xF278] =	vst v0  }
0x1f0: {  	v0 =	vld [tilespmem:s0+$0xF288];
	_ =	sdelay $0x4  }
0x1f1: {  	[tilespmem:s2+$0xF288] =	vst v0  }
0x1f2: {  	v0 =	vld [tilespmem:s0+$0xF298];
	_ =	sdelay $0x4  }
0x1f3: {  	[tilespmem:s2+$0xF298] =	vst v0  }
0x1f4: {  	v0 =	vld [tilespmem:s0+$0xF2A8];
	_ =	sdelay $0x4  }
0x1f5: {  	s6 =	sadd.s32 $0x1, s6;
	[tilespmem:s2+$0xF2A8] =	vst v0  }
.LBB3_33:
0x1f6: {  	s11 =	sadd.s32 $0x1, s11  }
0x1f7: {  	p1 =	sne.s32 s11, $0x20  }
.Ltmp28:
0x1f8: {  	_ = 	snop;
	(pc) =	sbr.rel @!p1 .LBB3_34-.Ltmp28, $1  }
0x1f9: {  	_ =	sdelay $0x3  }
.LBB3_26:
0x1fa: {  	v0 =	vld.msk [tilespmem:s11+$0xF218], $0x1;
	_ =	sdelay $0x4  }
0x1fb: {  	(v2sf) =	vpush v0, $0x0;
	_ =	sdelay $0xe  }
0x1fc: {  	s12 =	spop (v2sf)  }
0x1fd: {  	p1 =	seq.s32 s12, $0xFFFFFFFF  }
.Ltmp29:
0x1fe: {  	_ = 	snop;
	(pc) =	sbr.rel @p1 .LBB3_33-.Ltmp29, $1  }
0x1ff: {  	_ =	sdelay $0x3  }
0x200: {  	p1 =	slt.s32 s6, $0x1  }
.Ltmp30:
0x201: {  	_ = 	snop;
	(pc) =	sbr.rel @p1 .LBB3_32-.Ltmp30, $1  }
0x202: {  	_ =	sdelay $0x3  }
0x203: {  	s13 =	simm.s32 $0xF218;
	p1 =	por $0x0, $0x0  }
0x204: {  	v1 =	vld.msk @!p1 [tilespmem:s13+$0x0], $0x1;
	_ =	sdelay $0x4  }
0x205: {  	(v2sf) =	vpush @!p1 v1, $0x0;
	_ =	sdelay $0xd  }
0x206: {  	p3 =	sne.s32 s6, $0x1  }
.Ltmp31:
0x207: {  	s0 =	spop @!p1 (v2sf);
	(pc) =	sbr.rel @!p3 .LBB3_30-.Ltmp31, $4  }
0x208: {  	p2 =	seq.s32 @!p1 s12, s0  }
0x209: {  	s14 =	simm.s32 $0x0;
	p2 =	por !p2, p1  }
0x20a: {  	s2 =	simm.s32 $0xFFFFFFFF;
	s14 =	simm.s32 @p2 $0xFFFFFFFF  }
0x20b: {  	s0 =	simm.s32 $0x1;
	s14 =	smov.u32 @p1 s2  }
.LBB3_29:
0x20c: {  	s2 =	smov.u32 s14;
	p1 =	sne.s32 s14, $0xFFFFFFFF  }
0x20d: {  	s13 =	sadd.s32 $0x1, s13;
	s14 =	smov.u32 s0;
	s0 =	sadd.s32 $0x1, s0  }
0x20e: {  	p2 =	sne.s32 s6, s0;
	v1 =	vld.msk @!p1 [tilespmem:s13+$0x0], $0x1;
	_ =	sdelay $0x4  }
0x20f: {  	(v2sf) =	vpush @!p1 v1, $0x0;
	_ =	sdelay $0xe  }
.Ltmp32:
0x210: {  	s3 =	spop @!p1 (v2sf);
	(pc) =	sbr.rel @p2 .LBB3_29-.Ltmp32, $4  }
0x211: {  	p3 =	seq.s32 @!p1 s12, s3  }
0x212: {  	p3 =	por !p3, p1  }
0x213: {  	s14 =	simm.s32 @p3 $0xFFFFFFFF  }
0x214: {  	s14 =	smov.u32 @p1 s2  }
.LBB3_30:
0x215: {  	p1 =	seq.s32 s14, $0xFFFFFFFF  }
.Ltmp33:
0x216: {  	_ = 	snop;
	(pc) =	sbr.rel @p1 .LBB3_32-.Ltmp33, $1  }
0x217: {  	_ =	sdelay $0x3  }
0x218: {  	s0 =	sshll.u32 s11, $0x7  }
0x219: {  	s0 =	sand.u32 $0x3FFFFF80, s0  }
0x21a: {  	v0 =	vld [tilespmem:s0+$0xF238];
	_ =	sdelay $0x2  }
0x21b: {  	s2 =	sshll.u32 s14, $0x9  }
0x21c: {  	s2 =	sshra.s32 s2, $0x2  }
0x21d: {  	[tilespmem:s2+$0xF238] =	vst.add.f32.msk $0xffff, v0  }
0x21e: {  	v0 =	vld [tilespmem:s0+$0xF248];
	_ =	sdelay $0x4  }
0x21f: {  	[tilespmem:s2+$0xF248] =	vst.add.f32.msk $0xffff, v0  }
0x220: {  	v0 =	vld [tilespmem:s0+$0xF258];
	_ =	sdelay $0x4  }
0x221: {  	[tilespmem:s2+$0xF258] =	vst.add.f32.msk $0xffff, v0  }
0x222: {  	v0 =	vld [tilespmem:s0+$0xF268];
	_ =	sdelay $0x4  }
0x223: {  	[tilespmem:s2+$0xF268] =	vst.add.f32.msk $0xffff, v0  }
0x224: {  	v0 =	vld [tilespmem:s0+$0xF278];
	_ =	sdelay $0x4  }
0x225: {  	[tilespmem:s2+$0xF278] =	vst.add.f32.msk $0xffff, v0  }
0x226: {  	v0 =	vld [tilespmem:s0+$0xF288];
	_ =	sdelay $0x4  }
0x227: {  	[tilespmem:s2+$0xF288] =	vst.add.f32.msk $0xffff, v0  }
0x228: {  	v0 =	vld [tilespmem:s0+$0xF298];
	_ =	sdelay $0x4  }
0x229: {  	[tilespmem:s2+$0xF298] =	vst.add.f32.msk $0xffff, v0  }
0x22a: {  	v0 =	vld [tilespmem:s0+$0xF2A8]  }
.Ltmp34:
0x22b: {  	_ = 	snop;
	(pc) =	sbr.rel .LBB3_33-.Ltmp34, $2  }
0x22c: {  	_ =	sdelay $0x2  }
0x22d: {  	[tilespmem:s2+$0xF2A8] =	vst.add.f32.msk $0xffff, v0  }
.LBB3_34:
0x22e: {  	s0 =	simm.s32 $0x6;
	p1 =	seq.s32 s6, $0x0  }
0x22f: {  	[sflag:s0] =	ssyncpa.u1 $0x1;
	v0 =	vimm.s32 @p1 $0xFFFFFFFF  }
0x230: {  	s9 =	sadd.s32 $0xFFFFFFFF, s6;
	[tilespmem:$0x10238] =	vst @p1 v0  }
0x231: {  	v0 =	vld.msk @!p1 [tilespmem:s9+$0xF218], $0x1;
	_ =	sdelay $0x1  }
0x232: {  	v1 =	vld.msk @!p1 [tilespmem:$0xF218], $0x1;
	_ =	sdelay $0x2  }
0x233: {  	p2 =	seq.s32 @!p1 s9, $0x0;
	v0 =	vbroadcast @!p1 v0, $0x0  }
0x234: {  	vm0 =	vmmov @!p1 $0x1;
	p2 =	por !p2, p1  }
0x235: {  	v1 =	vnsel @!p1 vm0, $0xFFFFFFFF, v1;
	vm0 =	vcmask @!p1 $0x308;
	v0 =	vpsel !p2, $0xFFFFFFFF, v0  }
0x236: {  	p2 =	sne.s32 @!p1 s8, s7;
	v0 =	vsel @!p1 vm0, v1, v0  }
0x237: {  	s0 =	simm.s32 @!p1 $0xF238;
	s2 =	simm.s32 @!p1 $0x0;
	p3 =	por !p2, p1;
	[tilespmem:$0x10238] =	vst @!p1 v0  }
0x238: {  	[spmem:s2] =	stream.linear.scatter @!p1 [tilespmem:s0], [sflag:$0x1], $0x80, $0x38;
	[tilespmem:$0x1F6F8] =	vst v63  }
0x239: {  	s0 =	sshll.u32 @!p3 s9, $0x9  }
0x23a: {  	s0 =	sshra.s32 @!p3 s0, $0x2  }
0x23b: {  	s2 =	simm.s32 @!p3 $0x80;
	s0 =	sadd.s32 @!p3 $0xF238, s0  }
0x23c: {  	[spmem:s2] =	stream.linear.scatter @!p3 [tilespmem:s0], [sflag:$0x1], $0x80, $0x38;
	[tilespmem:$0x1F6F8] =	vst v63  }
0x23d: {  	s0 =	simm.s32 @!p3 $0x1  }
0x23e: {  	_ =	swait.ge @!p3 [sflag:s0], $0x100  }
0x23f: {  	p1 =	por p2, p1;
	[sflag:s0] =	ssyncset.done @!p3 $0x0  }
0x240: {  	[sflag:s0] =	ssyncadd.s32 @!p3 $0xFFFFFF00;
	s0 =	simm.s32 @!p1 $0x1  }
0x241: {  	_ =	swait.ge @!p1 [sflag:s0], $0x80  }
0x242: {  	s29 =	simm.s32 $0x10238;
	[sflag:s0] =	ssyncset.done @!p1 $0x0  }
0x243: {  	s30 =	simm.s32 $0x1000;
	s31 =	simm.s32 $0x1;
	[sflag:s0] =	ssyncadd.s32 @!p1 $0xFFFFFF80  }
0x244: {  	[spmem:s30] =	stream.linear.scatter [tilespmem:s29], [sflag:$0x1], $0x10, $0x38;
	[tilespmem:$0x1F6F8] =	vst v63  }
0x245: {  	_ =	swait.ge [sflag:s31], $0x10  }
0x246: {  	[sflag:s31] =	ssyncset.done $0x0  }
0x247: {  	p1 =	seq.s32 s15, $0x0;
	s8 =	rddreg [dreg:$0x1];
	[sflag:s31] =	ssyncadd.s32 $0xFFFFFFF0  }
0x248: {  	s2 =	sshll.u32 @p1 s8, $0xE;
	s7 =	rddreg [dreg:$0x2]  }
0x249: {  	s0 =	sadd.s32 @p1 $0x15C3C, s2;
	s2 =	sshll.u32 @p1 s7, $0x11  }
0x24a: {  	_ =	sfence.stream.spmem;
	s0 =	sor.u32 @p1 s2, s0  }
0x24b: {  	[sflag:s0] =	ssyncadd.remote.s32 @p1 $0x1;
	s0 =	simm.s32 @p1 $0x4  }
0x24c: {  	s3 =	simm.s32 @!p1 $0x3C;
	s2 =	sand.u32 $0xFFFFFFFE, s8;
	_ =	swait.ge @p1 [sflag:s0], $0x22  }
0x24d: {  	s4 =	simm.s32 @!p1 $0x0;
	s2 =	sadd.s32 @!p1 $0x4, s2;
	[sflag:s0] =	ssyncset.done @p1 $0x0  }
0x24e: {  	s5 =	simm.s32 @!p1 $0x100;
	[sflag:s0] =	ssyncadd.s32 @p1 $0xFFFFFFDE;
	s0 =	sshll.u32 @!p1 s2, $0x1A  }
0x24f: {  	s2 =	sshll.u32 @!p1 s2, $0xD;
	s0 =	sor.u32 @!p1 s0, s7;
	_ =	swait.eq @!p1 [sflag:s3], $0x1  }
0x250: {  	s2 =	sor.u32 @!p1 $0x1C04, s2;
	s3 =	simm.s32 @!p1 $0x1C03;
	s0 =	sor.u32 @!p1 $0x80004000, s0  }
0x251: {  	[spmem:s5], [sflag:s2] =	dma.general @!p1 [spmem:s4], [sflag:s3], length:$0x20, [dreg:$0x0], stride_count:$0x0, ici_dest:s0, dma_misc:DstOpCode:WRITE  }
0x252: {  	p2 =	slt.s32 s9, $0x2;
	s4 =	simm.s32 @!p1 $0x200;
	s5 =	simm.s32 @!p1 $0x202  }
0x253: {  	[spmem:s5], [sflag:s2] =	dma.general @!p1 [spmem:s4], [sflag:s3], length:$0x2, [dreg:$0x0], stride_count:$0x0, ici_dest:s0, dma_misc:DstOpCode:WRITE  }
.Ltmp35:
0x254: {  	s0 =	simm.s32 @!p1 $0x3;
	(pc) =	sbr.rel @p2 .LBB3_38-.Ltmp35, $4  }
0x255: {  	s2 =	sshll.u32 @!p1 s8, $0xE;
	_ =	swait.ge @!p1 [sflag:s0], $0x22  }
0x256: {  	s3 =	sshll.u32 @!p1 s7, $0x11;
	s2 =	sadd.s32 @!p1 $0x11C3C, s2;
	[sflag:s0] =	ssyncset.done @!p1 $0x0  }
0x257: {  	[sflag:s0] =	ssyncadd.s32 @!p1 $0xFFFFFFDE;
	s0 =	sor.u32 @!p1 s3, s2  }
0x258: {  	[sflag:s0] =	ssyncadd.remote.s32 @!p1 $0xFFFFFFFF;
	s0 =	simm.s32 $0x0  }
0x259: {  	s0 =	simm.s32 $0xF219  }
0x25a: {  	v0 =	vld.msk [tilespmem:s0+$0x0], $0x1;
	_ =	sdelay $0x4  }
0x25b: {  	(v2sf) =	vpush v0, $0x0;
	_ =	sdelay $0xb  }
0x25c: {  	s31 =	sadd.s32 $0xFFFFFFFE, s6  }
0x25d: {  	s0 =	sadd.s32 $0xFFFFFFFF, s31  }
0x25e: {  	p2 =	sne.s32 s0, $0x0  }
.Ltmp36:
0x25f: {  	s2 =	spop (v2sf);
	(pc) =	sbr.rel @!p2 .LBB3_37-.Ltmp36, $4  }
0x260: {  	s4 =	simm.s32 $0xF2B8;
	s7 =	simm.s32 $0x0;
	p1 =	sgt.u32 s2, $0xC34F0  }
0x261: {  	s5 =	simm.s32 $0x0;
	s6 =	simm.s32 $0xF21A;
	s3 =	sand.u32 @!p1 $0xFFFF8, s2  }
0x262: {  	s2 =	sand.u32 @!p1 $0x7, s2;
	s7 =	simm.s32 @!p1 $0x200;
	s3 =	sadd.s32 @!p1 s1, s3  }
0x263: {  	[hbm4b:s3+s2] =	stream.linear.scatter @!p1 [tilespmem:s4], [sflag:$0x5], $0x80, $0x38;
	[tilespmem:$0x1F6F8] =	vst v63  }
.LBB3_36:
0x264: {  	v0 =	vld.msk [tilespmem:s6+$0x0], $0x1;
	s0 =	sadd.s32 $0xFFFFFFFF, s0;
	s5 =	sadd.s32 s5, s7  }
0x265: {  	p1 =	sne.s32 s0, $0x0;
	_ =	sdelay $0x3  }
0x266: {  	(v2sf) =	vpush v0, $0x0;
	_ =	sdelay $0xe  }
.Ltmp37:
0x267: {  	s2 =	spop (v2sf);
	(pc) =	sbr.rel @p1 .LBB3_36-.Ltmp37, $4  }
0x268: {  	s7 =	simm.s32 $0x0;
	p2 =	sgt.u32 s2, $0xC34F0  }
0x269: {  	s4 =	sadd.s32 $0x80, s4;
	s7 =	simm.s32 @!p2 $0x200;
	s3 =	sand.u32 @!p2 $0xFFFF8, s2  }
0x26a: {  	s6 =	sadd.s32 $0x1, s6;
	s2 =	sand.u32 @!p2 $0x7, s2;
	s3 =	sadd.s32 @!p2 s1, s3  }
0x26b: {  	[hbm4b:s3+s2] =	stream.linear.scatter @!p2 [tilespmem:s4], [sflag:$0x5], $0x80, $0x38;
	[tilespmem:$0x1F6F8] =	vst v63  }
.LBB3_37:
0x26c: {  	s0 =	sadd.s32 s5, s7  }
0x26d: {  	s0 =	sshrl.u32 s0, $0x2  }
.LBB3_38:
0x26e: {  	s2 =	simm.s32 $0x5  }
0x26f: {  	_ =	swait.ge [sflag:s2], s0  }
0x270: {  	s31 =	ssub.s32 $0x0, s0;
	[sflag:s2] =	ssyncset.done $0x0  }
0x271: {  	[sflag:s2] =	ssyncadd.s32 s31  }
0x272: {  	[sflag:s2] =	ssyncpa.u1 $0x1  }
.LBB3_39:
0x273: {  	s0 =	sor.u32 s15, s16  }
0x274: {  	p1 =	sne.s32 s0, $0x0  }
.Ltmp38:
0x275: {  	_ = 	snop;
	(pc) =	sbr.rel @p1 .LBB3_54-.Ltmp38, $3  }
0x276: {  	_ =	sdelay $0x1  }
0x277: {  	[bflag:$0x0] =	sbarrier.arrive $0xFFFF  }
0x278: {  	_ =	sfence  }
0x279: {  	s0 =	simm.s32 $0x7  }
0x27a: {  	s2 =	simm.s32 $0x1000;
	s3 =	simm.s32 $0xF218;
	[sflag:s0] =	ssyncpa.u1 $0x0  }
0x27b: {  	[tilespmem:s3], [sflag:$0x7] =	stream.linear.gather [spmem:s2], $0x20, $0x38;
	[tilespmem:$0x1F6F8] =	vst v63  }
0x27c: {  	s30 =	simm.s32 $0xF238;
	s2 =	simm.s32 $0x0  }
0x27d: {  	[tilespmem:s30], [sflag:$0x7] =	stream.linear.gather [spmem:s2], $0x1000, $0x38;
	[tilespmem:$0x1F6F8] =	vst v63  }
.Ltmp39:
0x27e: {  	_ = 	snop;
	(pc) =	sbr.rel .LBB3_41-.Ltmp39, $4  }
0x27f: {  	_ =	swait.ge [sflag:s0], $0x1020  }
0x280: {  	[sflag:s0] =	ssyncset.done $0x0  }
0x281: {  	s31 =	simm.s32 $0x8;
	[sflag:s0] =	ssyncadd.s32 $0xFFFFEFE0  }
0x282: {  	s3 =	simm.s32 $0x0;
	[sflag:s31] =	ssyncpa.u1 $0x0  }
.LBB3_47:
0x283: {  	p1 =	slt.u32 s4, $0xC34F1  }
0x284: {  	s0 =	sand.u32 @p1 $0xFFFF8, s4  }
0x285: {  	s4 =	sand.u32 @p1 $0x7, s4;
	s5 =	simm.s32 @p1 $0xF188;
	s0 =	sadd.s32 @p1 s1, s0  }
0x286: {  	[tilespmem:s5], [sflag:$0x8] =	stream.linear.gather @p1 [hbm4b:s0+s4], $0x80, $0x38;
	[tilespmem:$0x1F6F8] =	vst v63  }
0x287: {  	s0 =	simm.s32 @p1 $0x8  }
0x288: {  	_ =	swait.ge @p1 [sflag:s0], $0x80  }
0x289: {  	[sflag:s0] =	ssyncset.done @p1 $0x0  }
0x28a: {  	[sflag:s0] =	ssyncadd.s32 @p1 $0xFFFFFF80  }
0x28b: {  	v1 =	vld @p1 [tilespmem:$0xF188];
	_ =	sdelay $0x2  }
0x28c: {  	s0 =	sshll.u32 @p1 s3, $0x9  }
0x28d: {  	s4 =	sshrl.u32 @p1 s0, $0x2  }
0x28e: {  	[tilespmem:s4+$0xF238] =	vst.add.f32.msk @p1 $0xffff, v1  }
0x28f: {  	v1 =	vld @p1 [tilespmem:$0xF198];
	_ =	sdelay $0x4  }
0x290: {  	[tilespmem:s4+$0xF248] =	vst.add.f32.msk @p1 $0xffff, v1  }
0x291: {  	v1 =	vld @p1 [tilespmem:$0xF1A8];
	_ =	sdelay $0x4  }
0x292: {  	[tilespmem:s4+$0xF258] =	vst.add.f32.msk @p1 $0xffff, v1  }
0x293: {  	v1 =	vld @p1 [tilespmem:$0xF1B8];
	_ =	sdelay $0x4  }
0x294: {  	[tilespmem:s4+$0xF268] =	vst.add.f32.msk @p1 $0xffff, v1  }
0x295: {  	v1 =	vld @p1 [tilespmem:$0xF1C8];
	_ =	sdelay $0x4  }
0x296: {  	[tilespmem:s4+$0xF278] =	vst.add.f32.msk @p1 $0xffff, v1  }
0x297: {  	v1 =	vld @p1 [tilespmem:$0xF1D8];
	_ =	sdelay $0x4  }
0x298: {  	[tilespmem:s4+$0xF288] =	vst.add.f32.msk @p1 $0xffff, v1  }
0x299: {  	v1 =	vld @p1 [tilespmem:$0xF1E8];
	_ =	sdelay $0x4  }
0x29a: {  	[tilespmem:s4+$0xF298] =	vst.add.f32.msk @p1 $0xffff, v1  }
0x29b: {  	v1 =	vld @p1 [tilespmem:$0xF1F8];
	_ =	sdelay $0x3  }
0x29c: {  	s5 =	sshll.u32 @!p1 s3, $0x9  }
0x29d: {  	s5 =	smov.u32 @p1 s0;
	[tilespmem:s4+$0xF2A8] =	vst.add.f32.msk @p1 $0xffff, v1  }
0x29e: {  	s0 =	sshrl.u32 s5, $0x2;
	[tilespmem:s2+$0xF218] =	vst.msk $0x1, v0  }
0x29f: {  	v0 =	vld [tilespmem:s0+$0xF238];
	_ =	sdelay $0x2  }
0x2a0: {  	s31 =	sshll.u32 s2, $0x9  }
0x2a1: {  	s4 =	sshra.s32 s31, $0x2  }
0x2a2: {  	[tilespmem:s4+$0xF238] =	vst v0  }
0x2a3: {  	v0 =	vld [tilespmem:s0+$0xF248];
	_ =	sdelay $0x4  }
0x2a4: {  	[tilespmem:s4+$0xF248] =	vst v0  }
0x2a5: {  	v0 =	vld [tilespmem:s0+$0xF258];
	_ =	sdelay $0x4  }
0x2a6: {  	[tilespmem:s4+$0xF258] =	vst v0  }
0x2a7: {  	v0 =	vld [tilespmem:s0+$0xF268];
	_ =	sdelay $0x4  }
0x2a8: {  	[tilespmem:s4+$0xF268] =	vst v0  }
0x2a9: {  	v0 =	vld [tilespmem:s0+$0xF278];
	_ =	sdelay $0x4  }
0x2aa: {  	[tilespmem:s4+$0xF278] =	vst v0  }
0x2ab: {  	v0 =	vld [tilespmem:s0+$0xF288];
	_ =	sdelay $0x4  }
0x2ac: {  	[tilespmem:s4+$0xF288] =	vst v0  }
0x2ad: {  	v0 =	vld [tilespmem:s0+$0xF298];
	_ =	sdelay $0x4  }
0x2ae: {  	[tilespmem:s4+$0xF298] =	vst v0  }
0x2af: {  	v0 =	vld [tilespmem:s0+$0xF2A8];
	_ =	sdelay $0x4  }
0x2b0: {  	s2 =	sadd.s32 $0x1, s2;
	[tilespmem:s4+$0xF2A8] =	vst v0  }
.LBB3_48:
0x2b1: {  	s3 =	sadd.s32 $0x1, s3  }
0x2b2: {  	p1 =	sne.s32 s3, $0x20  }
.Ltmp40:
0x2b3: {  	_ = 	snop;
	(pc) =	sbr.rel @!p1 .LBB3_49-.Ltmp40, $1  }
0x2b4: {  	_ =	sdelay $0x3  }
.LBB3_41:
0x2b5: {  	v0 =	vld.msk [tilespmem:s3+$0xF218], $0x1;
	_ =	sdelay $0x4  }
0x2b6: {  	(v2sf) =	vpush v0, $0x0;
	_ =	sdelay $0xe  }
0x2b7: {  	s4 =	spop (v2sf)  }
0x2b8: {  	p1 =	seq.s32 s4, $0xFFFFFFFF  }
.Ltmp41:
0x2b9: {  	_ = 	snop;
	(pc) =	sbr.rel @p1 .LBB3_48-.Ltmp41, $1  }
0x2ba: {  	_ =	sdelay $0x3  }
0x2bb: {  	p1 =	slt.s32 s2, $0x1  }
.Ltmp42:
0x2bc: {  	_ = 	snop;
	(pc) =	sbr.rel @p1 .LBB3_47-.Ltmp42, $1  }
0x2bd: {  	_ =	sdelay $0x3  }
0x2be: {  	s5 =	simm.s32 $0xF218;
	p1 =	por $0x0, $0x0  }
0x2bf: {  	v1 =	vld.msk @!p1 [tilespmem:s5+$0x0], $0x1;
	_ =	sdelay $0x4  }
0x2c0: {  	(v2sf) =	vpush @!p1 v1, $0x0;
	_ =	sdelay $0xd  }
0x2c1: {  	p3 =	sne.s32 s2, $0x1  }
.Ltmp43:
0x2c2: {  	s0 =	spop @!p1 (v2sf);
	(pc) =	sbr.rel @!p3 .LBB3_45-.Ltmp43, $4  }
0x2c3: {  	p2 =	seq.s32 @!p1 s4, s0  }
0x2c4: {  	s6 =	simm.s32 $0x0;
	p2 =	por !p2, p1  }
0x2c5: {  	s7 =	simm.s32 $0xFFFFFFFF;
	s6 =	simm.s32 @p2 $0xFFFFFFFF  }
0x2c6: {  	s0 =	simm.s32 $0x1;
	s6 =	smov.u32 @p1 s7  }
.LBB3_44:
0x2c7: {  	s7 =	smov.u32 s6;
	p1 =	sne.s32 s6, $0xFFFFFFFF  }
0x2c8: {  	s5 =	sadd.s32 $0x1, s5;
	s6 =	smov.u32 s0;
	s0 =	sadd.s32 $0x1, s0  }
0x2c9: {  	p2 =	sne.s32 s2, s0;
	v1 =	vld.msk @!p1 [tilespmem:s5+$0x0], $0x1;
	_ =	sdelay $0x4  }
0x2ca: {  	(v2sf) =	vpush @!p1 v1, $0x0;
	_ =	sdelay $0xe  }
.Ltmp44:
0x2cb: {  	s8 =	spop @!p1 (v2sf);
	(pc) =	sbr.rel @p2 .LBB3_44-.Ltmp44, $4  }
0x2cc: {  	p3 =	seq.s32 @!p1 s4, s8  }
0x2cd: {  	p3 =	por !p3, p1  }
0x2ce: {  	s6 =	simm.s32 @p3 $0xFFFFFFFF  }
0x2cf: {  	s6 =	smov.u32 @p1 s7  }
.LBB3_45:
0x2d0: {  	p1 =	seq.s32 s6, $0xFFFFFFFF  }
.Ltmp45:
0x2d1: {  	_ = 	snop;
	(pc) =	sbr.rel @p1 .LBB3_47-.Ltmp45, $1  }
0x2d2: {  	_ =	sdelay $0x3  }
0x2d3: {  	s0 =	sshll.u32 s3, $0x7  }
0x2d4: {  	s0 =	sand.u32 $0x3FFFFF80, s0  }
0x2d5: {  	v0 =	vld [tilespmem:s0+$0xF238];
	_ =	sdelay $0x2  }
0x2d6: {  	s4 =	sshll.u32 s6, $0x9  }
0x2d7: {  	s4 =	sshra.s32 s4, $0x2  }
0x2d8: {  	[tilespmem:s4+$0xF238] =	vst.add.f32.msk $0xffff, v0  }
0x2d9: {  	v0 =	vld [tilespmem:s0+$0xF248];
	_ =	sdelay $0x4  }
0x2da: {  	[tilespmem:s4+$0xF248] =	vst.add.f32.msk $0xffff, v0  }
0x2db: {  	v0 =	vld [tilespmem:s0+$0xF258];
	_ =	sdelay $0x4  }
0x2dc: {  	[tilespmem:s4+$0xF258] =	vst.add.f32.msk $0xffff, v0  }
0x2dd: {  	v0 =	vld [tilespmem:s0+$0xF268];
	_ =	sdelay $0x4  }
0x2de: {  	[tilespmem:s4+$0xF268] =	vst.add.f32.msk $0xffff, v0  }
0x2df: {  	v0 =	vld [tilespmem:s0+$0xF278];
	_ =	sdelay $0x4  }
0x2e0: {  	[tilespmem:s4+$0xF278] =	vst.add.f32.msk $0xffff, v0  }
0x2e1: {  	v0 =	vld [tilespmem:s0+$0xF288];
	_ =	sdelay $0x4  }
0x2e2: {  	[tilespmem:s4+$0xF288] =	vst.add.f32.msk $0xffff, v0  }
0x2e3: {  	v0 =	vld [tilespmem:s0+$0xF298];
	_ =	sdelay $0x4  }
0x2e4: {  	[tilespmem:s4+$0xF298] =	vst.add.f32.msk $0xffff, v0  }
0x2e5: {  	v0 =	vld [tilespmem:s0+$0xF2A8]  }
.Ltmp46:
0x2e6: {  	_ = 	snop;
	(pc) =	sbr.rel .LBB3_48-.Ltmp46, $2  }
0x2e7: {  	_ =	sdelay $0x2  }
0x2e8: {  	[tilespmem:s4+$0xF2A8] =	vst.add.f32.msk $0xffff, v0  }
.LBB3_49:
0x2e9: {  	p1 =	slt.s32 s2, $0x1  }
.Ltmp47:
0x2ea: {  	_ = 	snop;
	(pc) =	sbr.rel @p1 .LBB3_53-.Ltmp47, $3  }
0x2eb: {  	_ =	sdelay $0x1  }
0x2ec: {  	s0 =	simm.s32 $0x8  }
0x2ed: {  	s3 =	simm.s32 $0x0;
	[sflag:s0] =	ssyncpa.u1 $0x1  }
0x2ee: {  	s0 =	simm.s32 $0xF218  }
0x2ef: {  	v0 =	vld.msk [tilespmem:s0+$0x0], $0x1;
	_ =	sdelay $0x4  }
0x2f0: {  	(v2sf) =	vpush v0, $0x0;
	_ =	sdelay $0xe  }
0x2f1: {  	s0 =	sadd.s32 $0xFFFFFFFF, s2;
	s5 =	spop (v2sf)  }
0x2f2: {  	p2 =	sne.s32 s0, $0x0;
	p1 =	sgt.u32 s5, $0xC34F0  }
.Ltmp48:
0x2f3: {  	s6 =	sand.u32 @!p1 $0xFFFF8, s5;
	(pc) =	sbr.rel @!p2 .LBB3_52-.Ltmp48, $4  }
0x2f4: {  	s4 =	simm.s32 $0xF238;
	s5 =	sand.u32 @!p1 $0x7, s5;
	s2 =	sadd.s32 @!p1 s1, s6  }
0x2f5: {  	[hbm4b:s2+s5] =	stream.linear.scatter @!p1 [tilespmem:s4], [sflag:$0x7], $0x80, $0x38;
	[tilespmem:$0x1F6F8] =	vst v63  }
0x2f6: {  	s5 =	simm.s32 $0x0  }
0x2f7: {  	s2 =	simm.s32 $0xF219;
	s5 =	simm.s32 @!p1 $0x200  }
.LBB3_51:
0x2f8: {  	v0 =	vld.msk [tilespmem:s2+$0x0], $0x1;
	s0 =	sadd.s32 $0xFFFFFFFF, s0;
	s3 =	sadd.s32 s3, s5  }
0x2f9: {  	p1 =	sne.s32 s0, $0x0;
	_ =	sdelay $0x3  }
0x2fa: {  	(v2sf) =	vpush v0, $0x0;
	_ =	sdelay $0xe  }
.Ltmp49:
0x2fb: {  	s6 =	spop (v2sf);
	(pc) =	sbr.rel @p1 .LBB3_51-.Ltmp49, $4  }
0x2fc: {  	s5 =	simm.s32 $0x0;
	p2 =	sgt.u32 s6, $0xC34F0  }
0x2fd: {  	s4 =	sadd.s32 $0x80, s4;
	s5 =	simm.s32 @!p2 $0x200;
	s7 =	sand.u32 @!p2 $0xFFFF8, s6  }
0x2fe: {  	s2 =	sadd.s32 $0x1, s2;
	s6 =	sand.u32 @!p2 $0x7, s6;
	s7 =	sadd.s32 @!p2 s1, s7  }
0x2ff: {  	[hbm4b:s7+s6] =	stream.linear.scatter @!p2 [tilespmem:s4], [sflag:$0x7], $0x80, $0x38;
	[tilespmem:$0x1F6F8] =	vst v63  }
.LBB3_52:
0x300: {  	s0 =	sadd.s32 s3, s5  }
0x301: {  	s3 =	sshrl.u32 s0, $0x2  }
.LBB3_53:
0x302: {  	s0 =	simm.s32 $0x7  }
0x303: {  	_ =	swait.ge [sflag:s0], s3  }
0x304: {  	s1 =	ssub.s32 $0x0, s3;
	[sflag:s0] =	ssyncset.done $0x0  }
0x305: {  	[sflag:s0] =	ssyncadd.s32 s1  }
0x306: {  	[sflag:s0] =	ssyncpa.u1 $0x1  }
.LBB3_54:
0x307: {  	_ =	sfence;
	s0 =	simm.s32 $0x1  }
0x308: {  	[sflag:s0] =	ssyncpa.u1 $0x1  }
0x309: {  	_ =	strace $0x90000062  }
0x30a: {  	[bflag:$0x2] =	sbarrier.arrive $0xFFFF  }
0x30b: {  	s0 =	rddreg [dreg:$0x3]  }
0x30c: {  	s0 =	sadd.s32 @!p0 $0x100000, s0  }
0x30d: {  	[sflag:s0] =	ssyncadd.tile.s32 @!p0 $0x1;
	_ =	shalt  }
.Lfunc_end3:
_tile_overlayer_lowered:
.L_overlay_start_3:
0x30e: {  	(tag) =	ssettag $0x3  }
0x30f: {  	s0 =	rddreg [dreg:$0x0];
	s2 =	stileid.u32  }
0x310: {  	s1 =	rddreg [dreg:$0x1];
	p0 =	sne.s32 s2, $0x0  }
0x311: {  	s3 =	rddreg [dreg:$0x2];
	[bflag:$0x3] =	sbarrier.arrive $0xFFFF;
	s2 =	simm.s32 @!p0 $0x1C01  }
0x312: {  	[timem:s3], [sflag:s2] =	dma.local @!p0 [hbm:s0], s1  }
0x313: {  	s0 =	simm.s32 @!p0 $0x1  }
0x314: {  	_ =	swait.ge @!p0 [sflag:s0], s1  }
0x315: {  	s1 =	ssub.s32 @!p0 $0x0, s1;
	[sflag:s0] =	ssyncset.done @!p0 $0x0  }
0x316: {  	[sflag:s0] =	ssyncadd.s32 @!p0 s1  }
0x317: {  	[bflag:$0x3] =	sbarrier.arrive $0xFFFF  }
0x318: {  	_ =	shalt  }

// kernel: scatter_offload_async_start
scs
__scs_entry_jumppad:
0x0: {  	(pc) =	sbr.rel $0x88, $3  }
0x1: {  	(tag) =	ssettag $0x0;
	lr =	simm.s32 $0x1  }
0x2: {  	[smem:$0x3F95] =	sst lr;
	_ =	strace $0xD0000000  }
0x3: {  	_ = 	snop  }
0x4: {  	_ = 	snop  }
0x5: {  	_ = 	snop  }
0x6: {  	_ = 	snop  }
0x7: {  	_ = 	snop  }
__scs_overlays_trampoline_lowered:
0x8: {  	[smem:$0x3FA4] =	sst s0  }
0x9: {  	[smem:$0x3FA5] =	sst s1  }
0xa: {  	[smem:$0x3FA6] =	sst s2  }
0xb: {  	[smem:$0x3FA7] =	sst s3  }
0xc: {  	[smem:$0x3FA8] =	sst s4  }
0xd: {  	[smem:$0x3FA9] =	sst s5  }
0xe: {  	[smem:$0x3FAA] =	sst s6  }
0xf: {  	[smem:$0x3FAB] =	sst s7  }
0x10: {  	[smem:$0x3FAC] =	sst s8  }
0x11: {  	[smem:$0x3FAD] =	sst s9;
	s0 =	simm.s32 @!p0 $0x0  }
0x12: {  	s1 =	sld [smem:$0x3F93];
	s0 =	simm.s32 @p0 $0x1  }
0x13: {  	[smem:$0x3FAE] =	sst s0;
	s0 =	simm.s32 @!p1 $0x0  }
0x14: {  	s2 =	sld [smem:$0x3F92];
	s0 =	simm.s32 @p1 $0x1  }
0x15: {  	[smem:$0x3FAF] =	sst s0;
	s0 =	simm.s32 @!p2 $0x0  }
0x16: {  	s3 =	sld [smem:$0x3FDB];
	s0 =	simm.s32 @p2 $0x1  }
0x17: {  	s4 =	simm.s32 $0x1BF5;
	[smem:$0x3FB1] =	sst s0  }
0x18: {  	s0 =	sld [smem:$0x3F94];
	_ =	swait.ge [sflag:s4], $0x0  }
0x19: {  	s7 =	sld [smem:$0x3F95]  }
0x1a: {  	s8 =	sadd.s32 $0xFFFFE003, lr  }
0x1b: {  	s9 =	sadd.s32 $0xFFFFFEF7, lr;
	s5 =	simm.s32 $0xFFFFFFFF;
	p2 =	slt.u32 s8, $0xFFFFF086  }
0x1c: {  	p1 =	slt.u32 s9, $0xF7A;
	s5 =	simm.s32 @!p2 $0x0  }
0x1d: {  	s5 =	simm.s32 @p1 $0x1;
	p0 =	seq.s32 s7, s2  }
0x1e: {  	s7 =	smul.u32 @!p0 $0xF7A, s2;
	p2 =	seq.s32 @!p0 s5, $0x0  }
0x1f: {  	s9 =	smul.u32 $0xF7A, s1;
	s8 =	simm.s32 @!p0 $0x1BF5;
	p2 =	por !p2, p0  }
0x20: {  	[sflag:s8] =	ssyncset.s32 @!p0 $0xFFFFF086;
	s6 =	sadd.s32 @!p0 s3, s7;
	s7 =	simm.s32 @!p0 $0x108  }
0x21: {  	s3 =	sadd.s32 s3, s9;
	s6 =	sadd.s32 @!p0 $0x88, s6;
	s7 =	simm.s32 @p2 $0x1082  }
0x22: {  	[simem:s7], [sflag:s8] =	dma.local @!p0 [hbm:s6], $0xF7A  }
0x23: {  	s9 =	sor.u32 $0xD0000000, s2;
	s6 =	simm.s32 $0x108;
	_ =	swait.ge @!p0 [sflag:s8], $0x0  }
0x24: {  	s3 =	sadd.s32 $0x88, s3;
	s6 =	simm.s32 @!p1 $0x1082;
	[sflag:s4] =	ssyncset.s32 $0xFFFFF086  }
0x25: {  	[simem:s6], [sflag:s4] =	dma.local [hbm:s3], $0xF7A  }
0x26: {  	[smem:$0x3F95] =	sst s1;
	(tag) =	ssettag s2;
	_ =	strace s9  }
0x27: {  	s1 =	sld [smem:$0x3FA5]  }
0x28: {  	s2 =	sld [smem:$0x3FA6]  }
0x29: {  	s4 =	sld [smem:$0x3FA8]  }
0x2a: {  	p0 =	seq.s32 s5, $0x0;
	s5 =	sld [smem:$0x3FA9]  }
0x2b: {  	s6 =	sld [smem:$0x3FAA]  }
0x2c: {  	s7 =	sld [smem:$0x3FAB]  }
0x2d: {  	s3 =	simm.s32 $0x108;
	s8 =	sld [smem:$0x3FAC]  }
0x2e: {  	s3 =	simm.s32 @!p0 $0x1082;
	s9 =	sld [smem:$0x3FAD]  }
0x2f: {  	lr =	sadd.s32 s0, s3;
	s0 =	sld [smem:$0x3FA4]  }
0x30: {  	s3 =	sld [smem:$0x3FA7]  }
0x31: {  	[smem:$0x3FB0] =	sst s10  }
0x32: {  	s10 =	sld [smem:$0x3FAE];
	_ =	sdelay $0x3  }
0x33: {  	p0 =	seq.s32 s10, $0x1;
	s10 =	sld [smem:$0x3FB0];
	_ =	sdelay $0x3  }
0x34: {  	[smem:$0x3FB0] =	sst s10  }
0x35: {  	s10 =	sld [smem:$0x3FAF];
	_ =	sdelay $0x3  }
0x36: {  	p1 =	seq.s32 s10, $0x1;
	s10 =	sld [smem:$0x3FB0];
	_ =	sdelay $0x3  }
0x37: {  	[smem:$0x3FB0] =	sst s10  }
0x38: {  	s10 =	sld [smem:$0x3FB1]  }
0x39: {  	_ = 	snop;
	(pc) =	sbr.ind lr, $3  }
0x3a: {  	_ = 	snop  }
0x3b: {  	_ = 	snop  }
0x3c: {  	p2 =	seq.s32 s10, $0x1;
	s10 =	sld [smem:$0x3FB0]  }
0x3d: {  	_ =	shalt  }
0x3e: {  	_ =	shalt  }
0x3f: {  	_ =	shalt  }
0x40: {  	_ =	shalt  }
0x41: {  	_ =	shalt  }
0x42: {  	_ =	shalt  }
0x43: {  	_ =	shalt  }
0x44: {  	_ =	shalt  }
0x45: {  	_ =	shalt  }
0x46: {  	_ =	shalt  }
0x47: {  	_ =	shalt  }
0x48: {  	_ =	shalt  }
0x49: {  	_ =	shalt  }
0x4a: {  	_ =	shalt  }
0x4b: {  	_ =	shalt  }
0x4c: {  	_ =	shalt  }
0x4d: {  	_ =	shalt  }
0x4e: {  	_ =	shalt  }
0x4f: {  	_ =	shalt  }
0x50: {  	_ =	shalt  }
0x51: {  	_ =	shalt  }
0x52: {  	_ =	shalt  }
0x53: {  	_ =	shalt  }
0x54: {  	_ =	shalt  }
0x55: {  	_ =	shalt  }
0x56: {  	_ =	shalt  }
0x57: {  	_ =	shalt  }
0x58: {  	_ =	shalt  }
0x59: {  	_ =	shalt  }
0x5a: {  	_ =	shalt  }
0x5b: {  	_ =	shalt  }
0x5c: {  	_ =	shalt  }
0x5d: {  	_ =	shalt  }
0x5e: {  	_ =	shalt  }
0x5f: {  	_ =	shalt  }
0x60: {  	_ =	shalt  }
0x61: {  	_ =	shalt  }
0x62: {  	_ =	shalt  }
0x63: {  	_ =	shalt  }
0x64: {  	_ =	shalt  }
0x65: {  	_ =	shalt  }
0x66: {  	_ =	shalt  }
0x67: {  	_ =	shalt  }
0x68: {  	_ =	shalt  }
0x69: {  	_ =	shalt  }
0x6a: {  	_ =	shalt  }
0x6b: {  	_ =	shalt  }
0x6c: {  	_ =	shalt  }
0x6d: {  	_ =	shalt  }
0x6e: {  	_ =	shalt  }
0x6f: {  	_ =	shalt  }
0x70: {  	_ =	shalt  }
0x71: {  	_ =	shalt  }
0x72: {  	_ =	shalt  }
0x73: {  	_ =	shalt  }
0x74: {  	_ =	shalt  }
0x75: {  	_ =	shalt  }
0x76: {  	_ =	shalt  }
0x77: {  	_ =	shalt  }
0x78: {  	_ =	shalt  }
0x79: {  	_ =	shalt  }
0x7a: {  	_ =	shalt  }
0x7b: {  	_ =	shalt  }
0x7c: {  	_ =	shalt  }
0x7d: {  	_ =	shalt  }
0x7e: {  	_ =	shalt  }
0x7f: {  	_ =	shalt  }
0x80: {  	_ =	shalt  }
0x81: {  	_ =	shalt  }
0x82: {  	_ =	shalt  }
0x83: {  	_ =	shalt  }
0x84: {  	_ =	shalt  }
0x85: {  	_ =	shalt  }
0x86: {  	_ =	shalt  }
0x87: {  	_ =	shalt  }
.Lfunc_end0:
.L_simem_size_0:
called_computation_lowered:
.L_overlay_start_0:
0x88: {  	s2 =	sld [smem:$0x3FD9]  }
0x89: {  	s3 =	sld [smem:$0x3FFE];
	_ =	sdelay $0x1  }
0x8a: {  	s1 =	srdreg.scid  }
0x8b: {  	s0 =	sand.u32 $0x1, s1  }
0x8c: {  	s13 =	sshll.u32 s0, $0xA;
	s2 =	sadd.s32 s3, s2  }
0x8d: {  	s2 =	sadd.s32 s2, s13  }
0x8e: {  	[smem:$0x3FBC] =	sst s2  }
0x8f: {  	_ = 	snop  }
0x90: {  	s2 =	sld [smem:$0x3FD0];
	_ =	sdelay $0x2  }
0x91: {  	s14 =	simm.s32 $0xD;
	s4 =	simm.s32 $0x10  }
0x92: {  	[smem:s4], [sflag:s14] =	dma.local [hbm:s2], $0x1  }
0x93: {  	_ =	swait.eq [sflag:s14], $0x1  }
0x94: {  	[sflag:s14] =	ssyncset.done $0x0  }
0x95: {  	[sflag:s14] =	ssyncadd.s32 $0xFFFFFFFF  }
0x96: {  	s15 =	sld [smem:$0x10];
	(tm) =	ssettm $0x1  }
0x97: {  	s16 =	sld [smem:$0x3FFB];
	_ =	sdelay $0x3  }
0x98: {  	_ =	strace s16  }
0x99: {  	s2 =	sld [smem:$0x3FFC];
	_ =	sdelay $0x3  }
0x9a: {  	_ =	strace s2  }
0x9b: {  	s2 =	sld [smem:$0x3FFD];
	_ =	sdelay $0x3  }
0x9c: {  	_ =	strace s2  }
0x9d: {  	_ =	strace $0x8FFFFFFF  }
0x9e: {  	s17 =	sld [smem:$0x3FDB];
	_ =	sdelay $0x1  }
0x9f: {  	s18 =	simm.s32 $_scs_section_size  }
0xa0: {  	s5 =	simm.s32 $_size__tile_overlayer_lowered;
	s6 =	simm.s32 $_tile_overlayer_lowered  }
0xa1: {  	s7 =	simm.s32 $0x1BFF;
	s19 =	sshll.u32 s6, $0x1;
	s4 =	sadd.s32 s18, s17  }
0xa2: {  	s20 =	simm.s32 $0x0;
	s5 =	sshll.u32 s5, $0x1;
	s6 =	sadd.s32 s19, s4  }
0xa3: {  	[timem:s20], [sflag:s7] =	dma.local [hbm:s6], s5  }
0xa4: {  	_ =	swait.ge [sflag:s7], s5  }
0xa5: {  	s5 =	ssub.s32 $0x0, s5;
	[sflag:s7] =	ssyncset.done $0x0  }
0xa6: {  	[sflag:s7] =	ssyncadd.s32 s5;
	_ =	sdelay $0x1  }
0xa7: {  	s21 =	simm.s32 $0x1B8B  }
0xa8: {  	_ =	swait.ge [sflag:s21], $0x1  }
0xa9: {  	[sflag:s21] =	ssyncset.done $0x0  }
0xaa: {  	s22 =	sld [smem:$0x3FFE];
	[sflag:s21] =	ssyncadd.s32 $0xFFFFFFFF  }
0xab: {  	s24 =	simm.s32 $0x1B8E;
	s23 =	sld [smem:$0x0]  }
0xac: {  	s25 =	simm.s32 $execute0_lowered;
	[smem:$0x3FD2] =	sst s24  }
0xad: {  	s7 =	sshll.u32 s25, $0x1;
	_ =	strace $0x80000046;
	[dreg:$0x1] =	wrdreg $0xFFFFFFFF  }
0xae: {  	s8 =	simm.s32 $_size_execute0_lowered;
	s7 =	sadd.s32 s4, s7;
	[dreg:$0x0] =	wrdreg $0x0  }
0xaf: {  	s8 =	sshll.u32 s8, $0x1;
	[dreg:$0x2] =	wrdreg s7  }
0xb0: {  	[dreg:$0x3] =	wrdreg s8  }
0xb1: {  	[dreg:$0x4] =	wrdreg $0xC0  }
0xb2: {  	s26 =	simm.s32 $execute1_lowered;
	_ =	task [dreg:s20], $0x5FFFF  }
0xb3: {  	s7 =	sshll.u32 s26, $0x1;
	[dreg:$0x1] =	wrdreg $0xFFFFFFFF  }
0xb4: {  	s4 =	sadd.s32 s4, s7;
	[dreg:$0x0] =	wrdreg $0x60  }
0xb5: {  	[dreg:$0x2] =	wrdreg s4  }
0xb6: {  	[dreg:$0x3] =	wrdreg s15  }
0xb7: {  	[dreg:$0x4] =	wrdreg s22  }
0xb8: {  	[dreg:$0x5] =	wrdreg $0xB  }
0xb9: {  	_ =	task.clear_ibuf [dreg:s20], $0x6FFFF;
	_ =	strace $0x90000046  }
0xba: {  	s28 =	simm.s32 $0xB;
	_ =	strace $0x80000048  }
0xbb: {  	_ =	swait.ge [sflag:s28], $0x1  }
0xbc: {  	[sflag:s28] =	ssyncadd.s32 $0xFFFFFFFF  }
0xbd: {  	_ =	strace $0x90000048  }
0xbe: {  	s3 =	sld [smem:$0x0]  }
0xbf: {  	s4 =	sand.u32 $0xFFFFFFFE, s1  }
0xc0: {  	p0 =	sne.s32 s1, s4  }
0xc1: {  	s4 =	sshll.u32 @p0 s4, $0xE  }
0xc2: {  	s4 =	sadd.s32 @p0 $0x11BF3, s4;
	s7 =	sshll.u32 @p0 s3, $0x11  }
0xc3: {  	s4 =	sor.u32 @p0 s7, s4  }
0xc4: {  	[sflag:s4] =	ssyncadd.remote.s32 @p0 $0x1;
	_ =	sdelay $0x1  }
0xc5: {  	s4 =	simm.s32 @p0 $0x1BF3  }
0xc6: {  	_ =	swait.eq @p0 [sflag:s4], $0x1  }
0xc7: {  	[sflag:s4] =	ssyncadd.s32 @p0 $0xFFFFFFFF  }
0xc8: {  	s7 =	sshll.u32 @!p0 s1, $0xE  }
0xc9: {  	s7 =	sor.u32 @!p0 $0x4000, s7;
	s4 =	simm.s32 @!p0 $0x1BF3  }
0xca: {  	s3 =	sshll.u32 @!p0 s3, $0x11;
	s7 =	sadd.s32 @!p0 $0x11BF3, s7;
	_ =	swait.eq @!p0 [sflag:s4], $0x1  }
0xcb: {  	s3 =	sor.u32 @!p0 s3, s7;
	[sflag:s4] =	ssyncadd.s32 @!p0 $0xFFFFFFFF  }
0xcc: {  	[sflag:s3] =	ssyncadd.remote.s32 @!p0 $0x1  }
0xcd: {  	_ =	strace $0x80000049;
	[dreg:$0x1] =	wrdreg $0xFFFFFFFF  }
0xce: {  	[dreg:$0x0] =	wrdreg $0x2030  }
0xcf: {  	[dreg:$0x2] =	wrdreg s22  }
0xd0: {  	[dreg:$0x3] =	wrdreg s1  }
0xd1: {  	[dreg:$0x4] =	wrdreg s23  }
0xd2: {  	[dreg:$0x5] =	wrdreg $0xC  }
0xd3: {  	_ =	task.clear_ibuf [dreg:s20], $0x6FFFF;
	_ =	strace $0x90000049  }
0xd4: {  	s29 =	simm.s32 $0xC;
	_ =	strace $0x8000004B  }
0xd5: {  	_ =	swait.ge [sflag:s29], $0x1  }
0xd6: {  	[sflag:s29] =	ssyncadd.s32 $0xFFFFFFFF  }
0xd7: {  	_ =	strace $0x9000004B  }
0xd8: {  	_ =	sfence  }
0xd9: {  	s30 =	sld [smem:$0x0];
	_ =	sdelay $0x2  }
0xda: {  	s31 =	sshll.u32 s1, $0xD;
	s1 =	sshrl.u32 s1, $0x2  }
0xdb: {  	s4 =	sand.u32 $0x4000, s31;
	s1 =	sadd.s32 s1, s30  }
0xdc: {  	s0 =	sor.u32 s4, s0;
	s1 =	sshll.u32 s1, $0x11  }
0xdd: {  	s0 =	sor.u32 s1, s0  }
0xde: {  	s0 =	sadd.s32 $0x8F2B, s0  }
0xdf: {  	[sflag:s0] =	ssyncadd.remote.s32 $0x1  }
0xe0: {  	_ =	sfence.sel $0xFFFF  }
0xe1: {  	[dreg:$0x0] =	wrdreg $0xFFFFFFFF;
	(pc) =	sbr.abs _section_cstart, $3  }
0xe2: {  	[dreg:$0x1] =	wrdreg $0xFFFFFFFF  }
0xe3: {  	_ =	task.clear_ibuf [dreg:s20], $0x2FFFF;
	_ =	strace $0x9FFFFFFF  }
0xe4: {  	(tm) =	ssettm $0x7FFFFFFF  }
0xe5: {  	_ =	shalt  }
tec
execute0_lowered:
.L_overlay_start_1:
0x0: {  	(tag) =	ssettag $0x1  }
0x1: {  	s3 =	rddreg [dreg:$0x0]  }
0x2: {  	s2 =	rddreg [dreg:$0x1]  }
0x3: {  	s5 =	rddreg [dreg:$0x2]  }
0x4: {  	s0 =	rddreg [dreg:$0x3];
	s4 =	stileid.u32  }
0x5: {  	[bflag:$0x3] =	sbarrier.arrive $0xFFFF;
	s1 =	simm.s32 $_size_execute1_lowered;
	s29 =	srdreg.scid  }
0x6: {  	s30 =	simm.s32 $0x2;
	s13 =	simm.s32 $0x0;
	p0 =	sne.s32 s4, $0x0  }
0x7: {  	s1 =	sshll.u32 s1, $0x1;
	s6 =	simm.s32 @!p0 $0x1C3F;
	s7 =	simm.s32 @!p0 $0x4060  }
0x8: {  	[timem:s7], [sflag:s6] =	dma.local @!p0 [hbm:s3], s1  }
0x9: {  	s8 =	simm.s32 $0x20;
	s9 =	simm.s32 $0x80;
	s3 =	sshll.u32 s29, $0x9  }
.Ltmp0:
0xa: {  	s4 =	sshll.u32 s4, $0xA;
	s3 =	sand.u32 $0x200, s3;
	(pc) =	sbr.rel .LBB2_1-.Ltmp0, $4  }
0xb: {  	s11 =	simm.s32 $0x0;
	s12 =	simm.s32 $0x0;
	s3 =	sor.u32 s4, s3  }
0xc: {  	_ =	strace $0x80000047;
	s4 =	simm.s32 $0x1;
	s31 =	ssub.s32 $0xC200, s3  }
0xd: {  	s5 =	sadd.s32 $0xC95E00, s5;
	[sflag:s4] =	ssyncpa.u1 $0x0;
	s6 =	sshrl.u32 s31, $0xE  }
0xe: {  	s10 =	smov.u32 s3;
	[sflag:s30] =	ssyncpa.u1 $0x0;
	s7 =	sadd.s32 $0x2, s6  }
.LBB2_5:
0xf: {  	_ =	sdelay $0x3  }
0x10: {  	[tilespmem:v1+s16+$0x0 ss:$0x1] =	vst.idx.msk $0xffff, v2  }
.LBB2_6:
0x11: {  	s16 =	sand.u32 $0x1FFFFFF, s11  }
0x12: {  	s17 =	smulhi.u32 $0x14F8B59, s16;
	_ =	sdelay $0x1  }
0x13: {  	s17 =	sshrl.u32 s17, $0x8  }
0x14: {  	s17 =	smul.u32 $0xC350, s17;
	_ =	sdelay $0x1  }
0x15: {  	s16 =	ssub.s32 s16, s17  }
0x16: {  	s16 =	sshll.u32 s16, $0x4  }
0x17: {  	s16 =	sadd.s32 s5, s16  }
0x18: {  	[hbm4b:s16+s8] =	stream.strided.scatter [tilespmem:s15], [sflag:$0x2], s14, s9, s8, $0x38;
	[tilespmem:$0x10000] =	vst v63  }
.LBB2_7:
0x19: {  	p1 =	slt.u32 s12, $0x2  }
0x1a: {  	p2 =	sgt.s32 @!p1 s13, $0xC150  }
0x1b: {  	s14 =	smov.u32 s13;
	s15 =	sshra.s32 @!p1 s13, $0x1F;
	p2 =	por !p2, p1  }
0x1c: {  	s13 =	sand.u32 @!p1 s15, s13;
	s14 =	simm.s32 @p2 $0xC150  }
0x1d: {  	s13 =	ssub.s32 @!p1 s14, s13  }
0x1e: {  	s13 =	sadd.s32 @!p1 $0xFFFF3EB0, s13  }
0x1f: {  	s14 =	sshll.u32 @!p1 s13, $0x7  }
0x20: {  	p2 =	sgt.s32 @!p1 s13, $0x1FF;
	s13 =	ssub.s32 @!p1 $0x10000, s14  }
0x21: {  	s15 =	sadd.s32 $0x4000, s10;
	p2 =	por !p2, p1;
	s13 =	sshrl.u32 @!p1 s13, $0x2  }
0x22: {  	s13 =	simm.s32 @!p2 $0x0;
	p2 =	sgt.s32 s15, $0xC34F  }
0x23: {  	s15 =	smov.u32 @p2 s3;
	p2 =	sne.s32 s12, s7  }
.Ltmp1:
0x24: {  	_ = 	snop;
	(pc) =	sbr.rel @!p2 .LBB2_8-.Ltmp1, $4  }
0x25: {  	s14 =	simm.s32 @!p1 $0x2  }
0x26: {  	_ =	swait.ge @!p1 [sflag:s14], s13;
	s16 =	ssub.s32 @!p1 $0x0, s13  }
0x27: {  	s13 =	smov.u32 s11;
	s12 =	sadd.s32 $0x1, s12;
	[sflag:s14] =	ssyncset.done @!p1 $0x0  }
0x28: {  	s11 =	smov.u32 s10;
	s10 =	smov.u32 s15;
	[sflag:s14] =	ssyncadd.s32 @!p1 s16  }
.LBB2_1:
0x29: {  	p1 =	sgt.u32 s12, s6  }
0x2a: {  	s15 =	smov.u32 s10;
	p2 =	sgt.s32 @!p1 s10, $0xC150  }
0x2b: {  	s14 =	sand.u32 @!p1 $0x1FFFFFF, s10;
	s16 =	sshra.s32 @!p1 s10, $0x1F;
	p2 =	por !p2, p1  }
0x2c: {  	s17 =	smulhi.u32 @!p1 $0x14F8B59, s14;
	s16 =	sand.u32 @!p1 s16, s10;
	s15 =	simm.s32 @p2 $0xC150  }
0x2d: {  	s15 =	ssub.s32 @!p1 s15, s16  }
0x2e: {  	s16 =	sshrl.u32 @!p1 s17, $0x8;
	s15 =	sadd.s32 @!p1 $0xFFFF3EB0, s15  }
0x2f: {  	s17 =	sxor.u32 @!p1 $0xFFFFFFFF, s12;
	s16 =	smul.u32 @!p1 $0xC350, s16;
	s18 =	sshll.u32 @!p1 s15, $0x7  }
0x30: {  	s17 =	sshll.u32 @!p1 s17, $0xE;
	p2 =	sgt.s32 @!p1 s15, $0x1FF;
	s15 =	ssub.s32 @!p1 $0x10000, s18  }
0x31: {  	s14 =	ssub.s32 @!p1 s14, s16;
	p2 =	por !p2, p1;
	s16 =	sand.u32 @!p1 $0x4000, s17  }
0x32: {  	s17 =	simm.s32 @!p1 $0x20;
	s15 =	sshrl.u32 @!p1 s15, $0x2;
	s14 =	sshll.u32 @!p1 s14, $0x4  }
0x33: {  	s18 =	simm.s32 @!p1 $0x80;
	s15 =	simm.s32 @!p2 $0x0;
	s14 =	sadd.s32 @!p1 s2, s14  }
0x34: {  	[tilespmem:s16], [sflag:$0x1] =	stream.strided.gather @!p1 [hbm4b:s14+s17], s15, s18, s17, $0x38;
	[tilespmem:$0x10000] =	vst v63  }
0x35: {  	p1 =	seq.s32 s12, $0x0  }
0x36: {  	p2 =	sge.u32 @!p1 s12, s7  }
0x37: {  	p1 =	por p1, p2  }
.Ltmp2:
0x38: {  	_ = 	snop;
	(pc) =	sbr.rel @p1 .LBB2_7-.Ltmp2, $1  }
0x39: {  	_ =	sdelay $0x3  }
0x3a: {  	p1 =	sgt.s32 s11, $0xC150;
	s14 =	smov.u32 s11;
	s15 =	sshra.s32 s11, $0x1F  }
0x3b: {  	s14 =	simm.s32 @!p1 $0xC150;
	s15 =	sand.u32 s15, s11  }
0x3c: {  	s14 =	ssub.s32 s14, s15  }
0x3d: {  	s14 =	sadd.s32 $0xFFFF3EB0, s14  }
0x3e: {  	s31 =	sshll.u32 s14, $0x7  }
0x3f: {  	s15 =	ssub.s32 $0x10000, s31  }
0x40: {  	p1 =	sgt.s32 s14, $0x1FF;
	s14 =	sshrl.u32 s15, $0x2;
	s15 =	sadd.s32 $0x200, s11  }
0x41: {  	s14 =	simm.s32 @p1 $0x0;
	p1 =	slt.s32 s15, $0xC350  }
0x42: {  	s15 =	simm.s32 @!p1 $0xC350  }
0x43: {  	s17 =	ssub.s32 s15, s11  }
0x44: {  	p1 =	slt.s32 s17, $0x1  }
.Ltmp3:
0x45: {  	_ = 	snop;
	(pc) =	sbr.rel @p1 .LBB2_6-.Ltmp3, $4  }
0x46: {  	_ = 	snop  }
0x47: {  	s16 =	sshll.u32 s12, $0xE;
	_ =	swait.ge [sflag:s4], s14  }
0x48: {  	s16 =	sand.u32 $0x4000, s16;
	s18 =	ssub.s32 $0x0, s14;
	[sflag:s4] =	ssyncset.done $0x0  }
0x49: {  	s15 =	sor.u32 $0x8000, s16;
	[sflag:s4] =	ssyncadd.s32 s18  }
0x4a: {  	v0 =	vmov s16;
	_ =	sdelay $0x2  }
0x4b: {  	s31 =	simm.s32 $0x0;
	p1 =	sne.s32 s17, $0x1  }
.Ltmp4:
0x4c: {  	s16 =	sand.u32 $0x3FE0, s31;
	(pc) =	sbr.rel @!p1 .LBB2_5-.Ltmp4, $2  }
0x4d: {  	v1 =	vmov s15;
	v2 =	vld.idx.msk [tilespmem:v0+s16+$0x0 ss:$0x1], $0xffff;
	_ =	sdelay $0x2  }
0x4e: {  	s17 =	sadd.s32 $0xFFFFFFFF, s17;
	s18 =	simm.s32 $0x20  }
.LBB2_4:
0x4f: {  	s19 =	sand.u32 $0x3FE0, s18;
	p1 =	sne.s32 s17, $0x1;
	s17 =	sadd.s32 $0xFFFFFFFF, s17  }
.Ltmp5:
0x50: {  	[tilespmem:v1+s16+$0x0 ss:$0x1] =	vst.idx.msk $0xffff, v2;
	v2 =	vld.idx.msk [tilespmem:v0+s19+$0x0 ss:$0x1], $0xffff;
	s16 =	smov.u32 s19;
	(pc) =	sbr.rel @p1 .LBB2_4-.Ltmp5, $2  }
0x51: {  	_ =	sdelay $0x2  }
0x52: {  	s18 =	sadd.s32 $0x20, s18  }
.Ltmp6:
0x53: {  	_ = 	snop;
	(pc) =	sbr.rel .LBB2_5-.Ltmp6, $1  }
0x54: {  	_ =	sdelay $0x3  }
.LBB2_8:
0x55: {  	_ =	sfence.sel $0x180000  }
0x56: {  	s2 =	simm.s32 $0x1;
	[bflag:$0x0] =	sbarrier.arrive $0xFFFF  }
0x57: {  	s31 =	simm.s32 $0x2;
	[sflag:s2] =	ssyncpa.u1 $0x1  }
0x58: {  	[sflag:s31] =	ssyncpa.u1 $0x1  }
0x59: {  	_ =	strace $0x90000047  }
0x5a: {  	s0 =	sadd.s32 @!p0 $0x100000, s0;
	[bflag:$0x2] =	sbarrier.arrive $0xFFFF  }
0x5b: {  	[sflag:s0] =	ssyncadd.tile.s32 @!p0 $0x1;
	s0 =	simm.s32 @!p0 $0x3F  }
0x5c: {  	_ =	swait.ge @!p0 [sflag:s0], s1  }
0x5d: {  	s1 =	ssub.s32 @!p0 $0x0, s1;
	[sflag:s0] =	ssyncset.done @!p0 $0x0  }
0x5e: {  	[sflag:s0] =	ssyncadd.s32 @!p0 s1  }
0x5f: {  	[bflag:$0x3] =	sbarrier.arrive $0xFFFF  }
0x60: {  	_ =	shalt  }
.Lfunc_end2:
execute1_lowered:
.L_overlay_start_2:
0x61: {  	(tag) =	ssettag $0x2  }
0x62: {  	s11 =	rddreg [dreg:$0x0]  }
0x63: {  	s2 =	rddreg [dreg:$0x1];
	_ =	strace $0x8000004A;
	s12 =	simm.s32 $0x1  }
0x64: {  	v0 =	vimm.s32 $0x0;
	[sflag:s12] =	ssyncpa.u1 $0x0  }
0x65: {  	[tilespmem:$0x28] =	vst v0  }
0x66: {  	[tilespmem:$0x38] =	vst v0  }
0x67: {  	[tilespmem:$0x48] =	vst v0  }
0x68: {  	[tilespmem:$0x58] =	vst v0  }
0x69: {  	[tilespmem:$0x68] =	vst v0  }
0x6a: {  	[tilespmem:$0x78] =	vst v0  }
0x6b: {  	[tilespmem:$0x88] =	vst v0  }
0x6c: {  	[tilespmem:$0x98] =	vst v0  }
0x6d: {  	[tilespmem:$0xA8] =	vst v0  }
0x6e: {  	[tilespmem:$0xB8] =	vst v0  }
0x6f: {  	[tilespmem:$0xC8] =	vst v0  }
0x70: {  	[tilespmem:$0xD8] =	vst v0  }
0x71: {  	[tilespmem:$0xE8] =	vst v0  }
0x72: {  	[tilespmem:$0xF8] =	vst v0  }
0x73: {  	[tilespmem:$0x108] =	vst v0  }
0x74: {  	[tilespmem:$0x118] =	vst v0  }
0x75: {  	[tilespmem:$0x128] =	vst v0  }
0x76: {  	[tilespmem:$0x138] =	vst v0  }
0x77: {  	[tilespmem:$0x148] =	vst v0  }
0x78: {  	[tilespmem:$0x158] =	vst v0  }
0x79: {  	[tilespmem:$0x168] =	vst v0  }
0x7a: {  	[tilespmem:$0x178] =	vst v0  }
0x7b: {  	[tilespmem:$0x188] =	vst v0  }
0x7c: {  	[tilespmem:$0x198] =	vst v0  }
0x7d: {  	[tilespmem:$0x1A8] =	vst v0  }
0x7e: {  	[tilespmem:$0x1B8] =	vst v0  }
0x7f: {  	[tilespmem:$0x1C8] =	vst v0  }
0x80: {  	[tilespmem:$0x1D8] =	vst v0  }
0x81: {  	[tilespmem:$0x1E8] =	vst v0  }
0x82: {  	[tilespmem:$0x1F8] =	vst v0  }
0x83: {  	[tilespmem:$0x208] =	vst v0  }
0x84: {  	[tilespmem:$0x218] =	vst v0  }
0x85: {  	[tilespmem:$0x228] =	vst v0  }
0x86: {  	[tilespmem:$0x238] =	vst v0  }
0x87: {  	[tilespmem:$0x248] =	vst v0  }
0x88: {  	[tilespmem:$0x258] =	vst v0  }
0x89: {  	[tilespmem:$0x268] =	vst v0  }
0x8a: {  	[tilespmem:$0x278] =	vst v0  }
0x8b: {  	[tilespmem:$0x288] =	vst v0  }
0x8c: {  	[tilespmem:$0x298] =	vst v0  }
0x8d: {  	[tilespmem:$0x2A8] =	vst v0  }
0x8e: {  	[tilespmem:$0x2B8] =	vst v0  }
0x8f: {  	[tilespmem:$0x2C8] =	vst v0  }
0x90: {  	[tilespmem:$0x2D8] =	vst v0  }
0x91: {  	[tilespmem:$0x2E8] =	vst v0  }
0x92: {  	[tilespmem:$0x2F8] =	vst v0  }
0x93: {  	[tilespmem:$0x308] =	vst v0  }
0x94: {  	[tilespmem:$0x318] =	vst v0  }
0x95: {  	[tilespmem:$0x328] =	vst v0  }
0x96: {  	[tilespmem:$0x338] =	vst v0  }
0x97: {  	[tilespmem:$0x348] =	vst v0  }
0x98: {  	[tilespmem:$0x358] =	vst v0  }
0x99: {  	[tilespmem:$0x368] =	vst v0  }
0x9a: {  	[tilespmem:$0x378] =	vst v0  }
0x9b: {  	[tilespmem:$0x388] =	vst v0  }
0x9c: {  	[tilespmem:$0x398] =	vst v0  }
0x9d: {  	[tilespmem:$0x3A8] =	vst v0  }
0x9e: {  	[tilespmem:$0x3B8] =	vst v0  }
0x9f: {  	[tilespmem:$0x3C8] =	vst v0  }
0xa0: {  	[tilespmem:$0x3D8] =	vst v0  }
0xa1: {  	[tilespmem:$0x3E8] =	vst v0  }
0xa2: {  	[tilespmem:$0x3F8] =	vst v0  }
0xa3: {  	[tilespmem:$0x408] =	vst v0  }
0xa4: {  	[tilespmem:$0x418] =	vst v0  }
0xa5: {  	[tilespmem:$0x428] =	vst v0  }
0xa6: {  	[tilespmem:$0x438] =	vst v0  }
0xa7: {  	[tilespmem:$0x448] =	vst v0  }
0xa8: {  	[tilespmem:$0x458] =	vst v0  }
0xa9: {  	[tilespmem:$0x468] =	vst v0  }
0xaa: {  	[tilespmem:$0x478] =	vst v0  }
0xab: {  	[tilespmem:$0x488] =	vst v0  }
0xac: {  	[tilespmem:$0x498] =	vst v0  }
0xad: {  	[tilespmem:$0x4A8] =	vst v0  }
0xae: {  	[tilespmem:$0x4B8] =	vst v0  }
0xaf: {  	[tilespmem:$0x4C8] =	vst v0  }
0xb0: {  	[tilespmem:$0x4D8] =	vst v0  }
0xb1: {  	[tilespmem:$0x4E8] =	vst v0  }
0xb2: {  	[tilespmem:$0x4F8] =	vst v0  }
0xb3: {  	[tilespmem:$0x508] =	vst v0  }
0xb4: {  	[tilespmem:$0x518] =	vst v0  }
0xb5: {  	[tilespmem:$0x528] =	vst v0  }
0xb6: {  	[tilespmem:$0x538] =	vst v0  }
0xb7: {  	[tilespmem:$0x548] =	vst v0  }
0xb8: {  	[tilespmem:$0x558] =	vst v0  }
0xb9: {  	[tilespmem:$0x568] =	vst v0  }
0xba: {  	[tilespmem:$0x578] =	vst v0  }
0xbb: {  	[tilespmem:$0x588] =	vst v0  }
0xbc: {  	[tilespmem:$0x598] =	vst v0  }
0xbd: {  	[tilespmem:$0x5A8] =	vst v0  }
0xbe: {  	[tilespmem:$0x5B8] =	vst v0  }
0xbf: {  	[tilespmem:$0x5C8] =	vst v0  }
0xc0: {  	[tilespmem:$0x5D8] =	vst v0  }
0xc1: {  	[tilespmem:$0x5E8] =	vst v0  }
0xc2: {  	[tilespmem:$0x5F8] =	vst v0  }
0xc3: {  	[tilespmem:$0x608] =	vst v0  }
0xc4: {  	[tilespmem:$0x618] =	vst v0  }
0xc5: {  	[tilespmem:$0x628] =	vst v0  }
0xc6: {  	[tilespmem:$0x638] =	vst v0  }
0xc7: {  	[tilespmem:$0x648] =	vst v0  }
0xc8: {  	[tilespmem:$0x658] =	vst v0  }
0xc9: {  	[tilespmem:$0x668] =	vst v0  }
0xca: {  	[tilespmem:$0x678] =	vst v0  }
0xcb: {  	[tilespmem:$0x688] =	vst v0  }
0xcc: {  	[tilespmem:$0x698] =	vst v0  }
0xcd: {  	[tilespmem:$0x6A8] =	vst v0  }
0xce: {  	[tilespmem:$0x6B8] =	vst v0  }
0xcf: {  	[tilespmem:$0x6C8] =	vst v0  }
0xd0: {  	[tilespmem:$0x6D8] =	vst v0  }
0xd1: {  	[tilespmem:$0x6E8] =	vst v0  }
0xd2: {  	[tilespmem:$0x6F8] =	vst v0  }
0xd3: {  	[tilespmem:$0x708] =	vst v0  }
0xd4: {  	[tilespmem:$0x718] =	vst v0  }
0xd5: {  	[tilespmem:$0x728] =	vst v0  }
0xd6: {  	[tilespmem:$0x738] =	vst v0  }
0xd7: {  	[tilespmem:$0x748] =	vst v0  }
0xd8: {  	[tilespmem:$0x758] =	vst v0  }
0xd9: {  	[tilespmem:$0x768] =	vst v0  }
0xda: {  	[tilespmem:$0x778] =	vst v0  }
0xdb: {  	[tilespmem:$0x788] =	vst v0  }
0xdc: {  	[tilespmem:$0x798] =	vst v0  }
0xdd: {  	[tilespmem:$0x7A8] =	vst v0  }
0xde: {  	[tilespmem:$0x7B8] =	vst v0  }
0xdf: {  	[tilespmem:$0x7C8] =	vst v0  }
0xe0: {  	[tilespmem:$0x7D8] =	vst v0  }
0xe1: {  	[tilespmem:$0x7E8] =	vst v0  }
0xe2: {  	[tilespmem:$0x7F8] =	vst v0  }
0xe3: {  	[tilespmem:$0x808] =	vst v0  }
0xe4: {  	[tilespmem:$0x818] =	vst v0  }
0xe5: {  	[tilespmem:$0x828] =	vst v0  }
0xe6: {  	[tilespmem:$0x838] =	vst v0  }
0xe7: {  	[tilespmem:$0x848] =	vst v0  }
0xe8: {  	[tilespmem:$0x858] =	vst v0  }
0xe9: {  	[tilespmem:$0x868] =	vst v0  }
0xea: {  	[tilespmem:$0x878] =	vst v0  }
0xeb: {  	[tilespmem:$0x888] =	vst v0  }
0xec: {  	[tilespmem:$0x898] =	vst v0  }
0xed: {  	[tilespmem:$0x8A8] =	vst v0  }
0xee: {  	[tilespmem:$0x8B8] =	vst v0  }
0xef: {  	[tilespmem:$0x8C8] =	vst v0  }
0xf0: {  	[tilespmem:$0x8D8] =	vst v0  }
0xf1: {  	[tilespmem:$0x8E8] =	vst v0  }
0xf2: {  	[tilespmem:$0x8F8] =	vst v0  }
0xf3: {  	[tilespmem:$0x908] =	vst v0  }
0xf4: {  	[tilespmem:$0x918] =	vst v0  }
0xf5: {  	[tilespmem:$0x928] =	vst v0  }
0xf6: {  	[tilespmem:$0x938] =	vst v0  }
0xf7: {  	[tilespmem:$0x948] =	vst v0  }
0xf8: {  	[tilespmem:$0x958] =	vst v0  }
0xf9: {  	[tilespmem:$0x968] =	vst v0  }
0xfa: {  	[tilespmem:$0x978] =	vst v0  }
0xfb: {  	[tilespmem:$0x988] =	vst v0  }
0xfc: {  	[tilespmem:$0x998] =	vst v0  }
0xfd: {  	[tilespmem:$0x9A8] =	vst v0  }
0xfe: {  	[tilespmem:$0x9B8] =	vst v0  }
0xff: {  	[tilespmem:$0x9C8] =	vst v0  }
0x100: {  	[tilespmem:$0x9D8] =	vst v0  }
0x101: {  	[tilespmem:$0x9E8] =	vst v0  }
0x102: {  	[tilespmem:$0x9F8] =	vst v0  }
0x103: {  	[tilespmem:$0xA08] =	vst v0  }
0x104: {  	[tilespmem:$0xA18] =	vst v0  }
0x105: {  	[tilespmem:$0xA28] =	vst v0  }
0x106: {  	[tilespmem:$0xA38] =	vst v0  }
0x107: {  	[tilespmem:$0xA48] =	vst v0  }
0x108: {  	[tilespmem:$0xA58] =	vst v0  }
0x109: {  	[tilespmem:$0xA68] =	vst v0  }
0x10a: {  	[tilespmem:$0xA78] =	vst v0  }
0x10b: {  	[tilespmem:$0xA88] =	vst v0  }
0x10c: {  	[tilespmem:$0xA98] =	vst v0  }
0x10d: {  	[tilespmem:$0xAA8] =	vst v0  }
0x10e: {  	[tilespmem:$0xAB8] =	vst v0  }
0x10f: {  	[tilespmem:$0xAC8] =	vst v0  }
0x110: {  	[tilespmem:$0xAD8] =	vst v0  }
0x111: {  	[tilespmem:$0xAE8] =	vst v0  }
0x112: {  	[tilespmem:$0xAF8] =	vst v0  }
0x113: {  	[tilespmem:$0xB08] =	vst v0  }
0x114: {  	[tilespmem:$0xB18] =	vst v0  }
0x115: {  	[tilespmem:$0xB28] =	vst v0  }
0x116: {  	[tilespmem:$0xB38] =	vst v0  }
0x117: {  	[tilespmem:$0xB48] =	vst v0  }
0x118: {  	[tilespmem:$0xB58] =	vst v0  }
0x119: {  	[tilespmem:$0xB68] =	vst v0  }
0x11a: {  	[tilespmem:$0xB78] =	vst v0  }
0x11b: {  	[tilespmem:$0xB88] =	vst v0  }
0x11c: {  	[tilespmem:$0xB98] =	vst v0  }
0x11d: {  	[tilespmem:$0xBA8] =	vst v0  }
0x11e: {  	[tilespmem:$0xBB8] =	vst v0  }
0x11f: {  	[tilespmem:$0xBC8] =	vst v0  }
0x120: {  	[tilespmem:$0xBD8] =	vst v0  }
0x121: {  	[tilespmem:$0xBE8] =	vst v0  }
0x122: {  	[tilespmem:$0xBF8] =	vst v0  }
0x123: {  	[tilespmem:$0xC08] =	vst v0  }
0x124: {  	[tilespmem:$0xC18] =	vst v0  }
0x125: {  	[tilespmem:$0xC28] =	vst v0  }
0x126: {  	[tilespmem:$0xC38] =	vst v0  }
0x127: {  	[tilespmem:$0xC48] =	vst v0  }
0x128: {  	[tilespmem:$0xC58] =	vst v0  }
0x129: {  	[tilespmem:$0xC68] =	vst v0  }
0x12a: {  	[tilespmem:$0xC78] =	vst v0  }
0x12b: {  	[tilespmem:$0xC88] =	vst v0  }
0x12c: {  	[tilespmem:$0xC98] =	vst v0  }
0x12d: {  	[tilespmem:$0xCA8] =	vst v0  }
0x12e: {  	[tilespmem:$0xCB8] =	vst v0  }
0x12f: {  	[tilespmem:$0xCC8] =	vst v0  }
0x130: {  	[tilespmem:$0xCD8] =	vst v0  }
0x131: {  	[tilespmem:$0xCE8] =	vst v0  }
0x132: {  	[tilespmem:$0xCF8] =	vst v0  }
0x133: {  	[tilespmem:$0xD08] =	vst v0  }
0x134: {  	[tilespmem:$0xD18] =	vst v0  }
0x135: {  	[tilespmem:$0xD28] =	vst v0  }
0x136: {  	[tilespmem:$0xD38] =	vst v0  }
0x137: {  	[tilespmem:$0xD48] =	vst v0  }
0x138: {  	[tilespmem:$0xD58] =	vst v0  }
0x139: {  	[tilespmem:$0xD68] =	vst v0  }
0x13a: {  	[tilespmem:$0xD78] =	vst v0  }
0x13b: {  	[tilespmem:$0xD88] =	vst v0  }
0x13c: {  	[tilespmem:$0xD98] =	vst v0  }
0x13d: {  	[tilespmem:$0xDA8] =	vst v0  }
0x13e: {  	[tilespmem:$0xDB8] =	vst v0  }
0x13f: {  	[tilespmem:$0xDC8] =	vst v0  }
0x140: {  	[tilespmem:$0xDD8] =	vst v0  }
0x141: {  	[tilespmem:$0xDE8] =	vst v0  }
0x142: {  	[tilespmem:$0xDF8] =	vst v0  }
0x143: {  	[tilespmem:$0xE08] =	vst v0  }
0x144: {  	[tilespmem:$0xE18] =	vst v0  }
0x145: {  	[tilespmem:$0xE28] =	vst v0  }
0x146: {  	[tilespmem:$0xE38] =	vst v0  }
0x147: {  	[tilespmem:$0xE48] =	vst v0  }
0x148: {  	[tilespmem:$0xE58] =	vst v0  }
0x149: {  	[tilespmem:$0xE68] =	vst v0  }
0x14a: {  	[tilespmem:$0xE78] =	vst v0  }
0x14b: {  	[tilespmem:$0xE88] =	vst v0  }
0x14c: {  	[tilespmem:$0xE98] =	vst v0  }
0x14d: {  	[tilespmem:$0xEA8] =	vst v0  }
0x14e: {  	[tilespmem:$0xEB8] =	vst v0  }
0x14f: {  	[tilespmem:$0xEC8] =	vst v0  }
0x150: {  	[tilespmem:$0xED8] =	vst v0  }
0x151: {  	[tilespmem:$0xEE8] =	vst v0  }
0x152: {  	[tilespmem:$0xEF8] =	vst v0  }
0x153: {  	[tilespmem:$0xF08] =	vst v0  }
0x154: {  	[tilespmem:$0xF18] =	vst v0  }
0x155: {  	[tilespmem:$0xF28] =	vst v0  }
0x156: {  	[tilespmem:$0xF38] =	vst v0  }
0x157: {  	[tilespmem:$0xF48] =	vst v0  }
0x158: {  	[tilespmem:$0xF58] =	vst v0  }
0x159: {  	[tilespmem:$0xF68] =	vst v0  }
0x15a: {  	[tilespmem:$0xF78] =	vst v0  }
0x15b: {  	[tilespmem:$0xF88] =	vst v0  }
0x15c: {  	[tilespmem:$0xF98] =	vst v0  }
0x15d: {  	[tilespmem:$0xFA8] =	vst v0  }
0x15e: {  	[tilespmem:$0xFB8] =	vst v0  }
0x15f: {  	[tilespmem:$0xFC8] =	vst v0  }
0x160: {  	[tilespmem:$0xFD8] =	vst v0  }
0x161: {  	[tilespmem:$0xFE8] =	vst v0  }
0x162: {  	[tilespmem:$0xFF8] =	vst v0  }
0x163: {  	[tilespmem:$0x1028] =	vst v0  }
0x164: {  	[tilespmem:$0x10E8] =	vst v0  }
0x165: {  	[tilespmem:$0x1068] =	vst v0  }
0x166: {  	[tilespmem:$0x1B28] =	vst v0  }
0x167: {  	[tilespmem:$0x1B18] =	vst v0  }
0x168: {  	[tilespmem:$0x1B08] =	vst v0  }
0x169: {  	[tilespmem:$0x1AF8] =	vst v0  }
0x16a: {  	[tilespmem:$0x1AE8] =	vst v0  }
0x16b: {  	[tilespmem:$0x1AD8] =	vst v0  }
0x16c: {  	[tilespmem:$0x1AC8] =	vst v0  }
0x16d: {  	[tilespmem:$0x1AB8] =	vst v0  }
0x16e: {  	[tilespmem:$0x1AA8] =	vst v0  }
0x16f: {  	[tilespmem:$0x1A98] =	vst v0  }
0x170: {  	[tilespmem:$0x1A88] =	vst v0  }
0x171: {  	[tilespmem:$0x1A78] =	vst v0  }
0x172: {  	[tilespmem:$0x1A68] =	vst v0  }
0x173: {  	[tilespmem:$0x1A58] =	vst v0  }
0x174: {  	[tilespmem:$0x1A48] =	vst v0  }
0x175: {  	[tilespmem:$0x1A38] =	vst v0  }
0x176: {  	[tilespmem:$0x1A28] =	vst v0  }
0x177: {  	[tilespmem:$0x1A18] =	vst v0  }
0x178: {  	[tilespmem:$0x1A08] =	vst v0  }
0x179: {  	[tilespmem:$0x19F8] =	vst v0  }
0x17a: {  	[tilespmem:$0x19E8] =	vst v0  }
0x17b: {  	[tilespmem:$0x19D8] =	vst v0  }
0x17c: {  	[tilespmem:$0x19C8] =	vst v0  }
0x17d: {  	[tilespmem:$0x19B8] =	vst v0  }
0x17e: {  	[tilespmem:$0x19A8] =	vst v0  }
0x17f: {  	[tilespmem:$0x1998] =	vst v0  }
0x180: {  	[tilespmem:$0x1988] =	vst v0  }
0x181: {  	[tilespmem:$0x1978] =	vst v0  }
0x182: {  	[tilespmem:$0x1968] =	vst v0  }
0x183: {  	[tilespmem:$0x1958] =	vst v0  }
0x184: {  	[tilespmem:$0x1948] =	vst v0  }
0x185: {  	[tilespmem:$0x1938] =	vst v0  }
0x186: {  	[tilespmem:$0x1928] =	vst v0  }
0x187: {  	[tilespmem:$0x1918] =	vst v0  }
0x188: {  	[tilespmem:$0x1908] =	vst v0  }
0x189: {  	[tilespmem:$0x18F8] =	vst v0  }
0x18a: {  	[tilespmem:$0x18E8] =	vst v0  }
0x18b: {  	[tilespmem:$0x18D8] =	vst v0  }
0x18c: {  	[tilespmem:$0x18C8] =	vst v0  }
0x18d: {  	[tilespmem:$0x18B8] =	vst v0  }
0x18e: {  	[tilespmem:$0x18A8] =	vst v0  }
0x18f: {  	[tilespmem:$0x1898] =	vst v0  }
0x190: {  	[tilespmem:$0x1888] =	vst v0  }
0x191: {  	[tilespmem:$0x1878] =	vst v0  }
0x192: {  	[tilespmem:$0x1868] =	vst v0  }
0x193: {  	[tilespmem:$0x1858] =	vst v0  }
0x194: {  	[tilespmem:$0x1848] =	vst v0  }
0x195: {  	[tilespmem:$0x1838] =	vst v0  }
0x196: {  	[tilespmem:$0x1828] =	vst v0  }
0x197: {  	[tilespmem:$0x1818] =	vst v0  }
0x198: {  	[tilespmem:$0x1808] =	vst v0  }
0x199: {  	[tilespmem:$0x17F8] =	vst v0  }
0x19a: {  	[tilespmem:$0x17E8] =	vst v0  }
0x19b: {  	[tilespmem:$0x17D8] =	vst v0  }
0x19c: {  	[tilespmem:$0x17C8] =	vst v0  }
0x19d: {  	[tilespmem:$0x17B8] =	vst v0  }
0x19e: {  	[tilespmem:$0x17A8] =	vst v0  }
0x19f: {  	[tilespmem:$0x1798] =	vst v0  }
0x1a0: {  	[tilespmem:$0x1788] =	vst v0  }
0x1a1: {  	[tilespmem:$0x1778] =	vst v0  }
0x1a2: {  	[tilespmem:$0x1768] =	vst v0  }
0x1a3: {  	[tilespmem:$0x1758] =	vst v0  }
0x1a4: {  	[tilespmem:$0x1748] =	vst v0  }
0x1a5: {  	[tilespmem:$0x1738] =	vst v0  }
0x1a6: {  	[tilespmem:$0x1728] =	vst v0  }
0x1a7: {  	[tilespmem:$0x1718] =	vst v0  }
0x1a8: {  	[tilespmem:$0x1708] =	vst v0  }
0x1a9: {  	[tilespmem:$0x16F8] =	vst v0  }
0x1aa: {  	[tilespmem:$0x16E8] =	vst v0  }
0x1ab: {  	[tilespmem:$0x16D8] =	vst v0  }
0x1ac: {  	[tilespmem:$0x16C8] =	vst v0  }
0x1ad: {  	[tilespmem:$0x16B8] =	vst v0  }
0x1ae: {  	[tilespmem:$0x16A8] =	vst v0  }
0x1af: {  	[tilespmem:$0x1698] =	vst v0  }
0x1b0: {  	[tilespmem:$0x1688] =	vst v0  }
0x1b1: {  	[tilespmem:$0x1678] =	vst v0  }
0x1b2: {  	[tilespmem:$0x1668] =	vst v0  }
0x1b3: {  	[tilespmem:$0x1658] =	vst v0  }
0x1b4: {  	[tilespmem:$0x1648] =	vst v0  }
0x1b5: {  	[tilespmem:$0x1638] =	vst v0  }
0x1b6: {  	[tilespmem:$0x1628] =	vst v0  }
0x1b7: {  	[tilespmem:$0x1618] =	vst v0  }
0x1b8: {  	[tilespmem:$0x1608] =	vst v0  }
0x1b9: {  	[tilespmem:$0x15F8] =	vst v0  }
0x1ba: {  	[tilespmem:$0x15E8] =	vst v0  }
0x1bb: {  	[tilespmem:$0x15D8] =	vst v0  }
0x1bc: {  	[tilespmem:$0x15C8] =	vst v0  }
0x1bd: {  	[tilespmem:$0x15B8] =	vst v0  }
0x1be: {  	[tilespmem:$0x15A8] =	vst v0  }
0x1bf: {  	[tilespmem:$0x1598] =	vst v0  }
0x1c0: {  	[tilespmem:$0x1588] =	vst v0  }
0x1c1: {  	[tilespmem:$0x1578] =	vst v0  }
0x1c2: {  	[tilespmem:$0x1568] =	vst v0  }
0x1c3: {  	[tilespmem:$0x1558] =	vst v0  }
0x1c4: {  	[tilespmem:$0x1548] =	vst v0  }
0x1c5: {  	[tilespmem:$0x1538] =	vst v0  }
0x1c6: {  	[tilespmem:$0x1528] =	vst v0  }
0x1c7: {  	[tilespmem:$0x1518] =	vst v0  }
0x1c8: {  	[tilespmem:$0x1508] =	vst v0  }
0x1c9: {  	[tilespmem:$0x14F8] =	vst v0  }
0x1ca: {  	[tilespmem:$0x14E8] =	vst v0  }
0x1cb: {  	[tilespmem:$0x14D8] =	vst v0  }
0x1cc: {  	[tilespmem:$0x14C8] =	vst v0  }
0x1cd: {  	[tilespmem:$0x14B8] =	vst v0  }
0x1ce: {  	[tilespmem:$0x14A8] =	vst v0  }
0x1cf: {  	[tilespmem:$0x1498] =	vst v0  }
0x1d0: {  	[tilespmem:$0x1488] =	vst v0  }
0x1d1: {  	[tilespmem:$0x1478] =	vst v0  }
0x1d2: {  	[tilespmem:$0x1468] =	vst v0  }
0x1d3: {  	[tilespmem:$0x1458] =	vst v0  }
0x1d4: {  	[tilespmem:$0x1448] =	vst v0  }
0x1d5: {  	[tilespmem:$0x1438] =	vst v0  }
0x1d6: {  	[tilespmem:$0x1428] =	vst v0  }
0x1d7: {  	[tilespmem:$0x1418] =	vst v0  }
0x1d8: {  	[tilespmem:$0x1408] =	vst v0  }
0x1d9: {  	[tilespmem:$0x13F8] =	vst v0  }
0x1da: {  	[tilespmem:$0x13E8] =	vst v0  }
0x1db: {  	[tilespmem:$0x13D8] =	vst v0  }
0x1dc: {  	[tilespmem:$0x13C8] =	vst v0  }
0x1dd: {  	[tilespmem:$0x13B8] =	vst v0  }
0x1de: {  	[tilespmem:$0x13A8] =	vst v0  }
0x1df: {  	[tilespmem:$0x1398] =	vst v0  }
0x1e0: {  	[tilespmem:$0x1388] =	vst v0  }
0x1e1: {  	[tilespmem:$0x1378] =	vst v0  }
0x1e2: {  	[tilespmem:$0x1368] =	vst v0  }
0x1e3: {  	[tilespmem:$0x1358] =	vst v0  }
0x1e4: {  	[tilespmem:$0x1348] =	vst v0  }
0x1e5: {  	[tilespmem:$0x1338] =	vst v0  }
0x1e6: {  	[tilespmem:$0x1328] =	vst v0  }
0x1e7: {  	[tilespmem:$0x1318] =	vst v0  }
0x1e8: {  	[tilespmem:$0x1308] =	vst v0  }
0x1e9: {  	[tilespmem:$0x12F8] =	vst v0  }
0x1ea: {  	[tilespmem:$0x12E8] =	vst v0  }
0x1eb: {  	[tilespmem:$0x12D8] =	vst v0  }
0x1ec: {  	[tilespmem:$0x12C8] =	vst v0  }
0x1ed: {  	[tilespmem:$0x12B8] =	vst v0  }
0x1ee: {  	[tilespmem:$0x12A8] =	vst v0  }
0x1ef: {  	[tilespmem:$0x1298] =	vst v0  }
0x1f0: {  	[tilespmem:$0x1288] =	vst v0  }
0x1f1: {  	[tilespmem:$0x1278] =	vst v0  }
0x1f2: {  	[tilespmem:$0x1268] =	vst v0  }
0x1f3: {  	[tilespmem:$0x1258] =	vst v0  }
0x1f4: {  	[tilespmem:$0x1248] =	vst v0  }
0x1f5: {  	[tilespmem:$0x1238] =	vst v0  }
0x1f6: {  	[tilespmem:$0x1228] =	vst v0  }
0x1f7: {  	[tilespmem:$0x1218] =	vst v0  }
0x1f8: {  	[tilespmem:$0x1208] =	vst v0  }
0x1f9: {  	[tilespmem:$0x11F8] =	vst v0  }
0x1fa: {  	[tilespmem:$0x11E8] =	vst v0  }
0x1fb: {  	[tilespmem:$0x11D8] =	vst v0  }
0x1fc: {  	[tilespmem:$0x11C8] =	vst v0  }
0x1fd: {  	[tilespmem:$0x11B8] =	vst v0  }
0x1fe: {  	[tilespmem:$0x11A8] =	vst v0  }
0x1ff: {  	[tilespmem:$0x1198] =	vst v0  }
0x200: {  	[tilespmem:$0x1188] =	vst v0  }
0x201: {  	[tilespmem:$0x1178] =	vst v0  }
0x202: {  	[tilespmem:$0x1168] =	vst v0  }
0x203: {  	[tilespmem:$0x1158] =	vst v0  }
0x204: {  	[tilespmem:$0x1148] =	vst v0  }
0x205: {  	[tilespmem:$0x1138] =	vst v0  }
0x206: {  	[tilespmem:$0x1128] =	vst v0  }
0x207: {  	[tilespmem:$0x1118] =	vst v0  }
0x208: {  	s4 =	stileid.u32;
	[tilespmem:$0x1108] =	vst v0  }
0x209: {  	s0 =	smul.u32 $0x2B, s4;
	[tilespmem:$0x10F8] =	vst v0  }
0x20a: {  	s1 =	smin.u32 s4, $0x7;
	[tilespmem:$0x10C8] =	vst v0  }
0x20b: {  	[tilespmem:$0x10D8] =	vst v0;
	s0 =	sadd.s32 s1, s0  }
0x20c: {  	p0 =	slt.u32 s4, $0x7;
	[tilespmem:$0x10B8] =	vst v0;
	s1 =	simm.s32 $0x4A40;
	s6 =	smul.u32 $0x1B0, s0  }
0x20d: {  	s1 =	simm.s32 @!p0 $0x4890;
	[tilespmem:$0x1038] =	vst v0  }
0x20e: {  	[tilespmem:$0x10A8] =	vst v0;
	s0 =	sadd.s32 s1, s6  }
0x20f: {  	s3 =	simm.s32 $0x2;
	s8 =	simm.s32 $0x9;
	[tilespmem:$0x1098] =	vst v0;
	s7 =	smin.u32 s0, $0x493E0  }
0x210: {  	s10 =	simm.s32 $0xA;
	s30 =	simm.s32 $0xB;
	[tilespmem:$0x1088] =	vst v0;
	s0 =	ssub.s32 s7, s6  }
0x211: {  	s16 =	simm.s32 $0x0;
	p4 =	por $0x0, $0x0;
	[tilespmem:$0x1078] =	vst v0;
	p0 =	sgt.s32 s0, $0x0  }
0x212: {  	s17 =	simm.s32 $0xC;
	s21 =	simm.s32 $0x0;
	[tilespmem:$0x1058] =	vst v0;
	s0 =	simm.s32 @!p0 $0x0  }
0x213: {  	s18 =	simm.s32 $0x0;
	s2 =	sand.u32 $0x1, s2;
	[tilespmem:$0x1048] =	vst v0;
	s29 =	smulhi.u32 $0x4BDA12F7, s0  }
0x214: {  	s20 =	simm.s32 $0x0;
	s31 =	sshll.u32 s4, $0x5;
	[tilespmem:$0x1018] =	vst v0;
	[dreg:$0x5] =	wrdreg s2  }
0x215: {  	s2 =	smul.u32 $0x927C, s2;
	[tilespmem:$0x1008] =	vst v0;
	[sflag:s3] =	ssyncpa.u1 $0x0;
	s1 =	sshrl.u32 s29, $0x7  }
0x216: {  	v0 =	vimm.s32 $0xFFFFFFFF;
	s3 =	sadd.s32 $0xC95E00, s11;
	[dreg:$0x4] =	wrdreg s31;
	s5 =	smul.u32 $0x1B0, s1  }
.Ltmp7:
0x217: {  	[tilespmem:$0x3648] =	vst v0;
	[sflag:s8] =	ssyncpa.u1 $0x0;
	s2 =	sadd.s32 s2, s11;
	(pc) =	sbr.rel .LBB3_1-.Ltmp7, $4  }
0x218: {  	[sflag:s10] =	ssyncpa.u1 $0x0;
	s11 =	sadd.s32 $0x36E200, s11;
	p0 =	sne.s32 s0, s5  }
0x219: {  	[sflag:s30] =	ssyncpa.u1 $0x0;
	s14 =	sadd.s32 $0x105000, s2;
	s12 =	simm.s32 @!p0 $0x0  }
0x21a: {  	s15 =	sadd.s32 $0x16A00, s2;
	s19 =	smov.u32 s6;
	s12 =	sadd.s32 s12, s1  }
0x21b: {  	v0 =	vlaneseq.u32;
	[dreg:$0x6] =	wrdreg s6;
	p0 =	por $0x1, $0x1;
	s4 =	sadd.s32 $0x1, s12  }
.LBB3_18:
0x21c: {  	s0 =	simm.s32 $0x2  }
0x21d: {  	_ =	swait.ge [sflag:s0], $0x0  }
0x21e: {  	[sflag:s0] =	ssyncset.done $0x0;
	s0 =	simm.s32 $0x0  }
.LBB3_19:
0x21f: {  	_ =	swait.ge [sflag:s17], s0  }
0x220: {  	s31 =	ssub.s32 $0x0, s0;
	v1 =	vmov s23;
	vm0 =	veq.s32 v0, $0x0;
	[sflag:s17] =	ssyncset.done $0x0  }
0x221: {  	vm15 =	veq.s32 v0, $0x2;
	v1 =	vsel vm0, s28, v1;
	[sflag:s17] =	ssyncadd.s32 s31  }
0x222: {  	v1 =	vsel vm15, s21, v1;
	[sflag:s17] =	ssyncpa.u1 $0x1  }
0x223: {  	[tilespmem:$0x3648] =	vst v1  }
.LBB3_20:
0x224: {  	s0 =	sadd.s32 $0x1B0, s19  }
0x225: {  	s1 =	smov.u32 s6;
	p1 =	slt.s32 s0, s7  }
0x226: {  	s1 =	smov.u32 @p1 s0;
	p1 =	sne.s32 s20, s4  }
.Ltmp8:
0x227: {  	_ = 	snop;
	(pc) =	sbr.rel @!p1 .LBB3_21-.Ltmp8, $4  }
0x228: {  	_ = 	snop  }
0x229: {  	s21 =	smov.u32 s18  }
0x22a: {  	s31 =	sadd.s32 $0x1, s20;
	s18 =	smov.u32 s19;
	p0 =	por !p0, !p0  }
0x22b: {  	p4 =	por !p4, !p4;
	s20 =	smov.u32 s31;
	s19 =	smov.u32 s1  }
.LBB3_1:
0x22c: {  	p2 =	sge.u32 s20, s12  }
0x22d: {  	s0 =	smulhi.u32 @!p2 $0xAAAAAAAB, s20  }
0x22e: {  	s1 =	smov.u32 s19;
	p3 =	sgt.s32 @!p2 s19, $0x49230  }
0x22f: {  	s2 =	sshra.s32 @!p2 s19, $0x1F;
	p3 =	por !p3, p2;
	s0 =	sshrl.u32 @!p2 s0, $0x1  }
0x230: {  	s2 =	sand.u32 @!p2 s2, s19;
	s1 =	simm.s32 @p3 $0x49230;
	s0 =	smul.u32 @!p2 $0x3, s0  }
0x231: {  	s1 =	ssub.s32 @!p2 s1, s2  }
0x232: {  	s23 =	sadd.s32 $0xFFFFFFFF, s20;
	s1 =	sadd.s32 @!p2 $0xFFFB6DD0, s1;
	s0 =	ssub.s32 @!p2 s20, s0  }
0x233: {  	s2 =	sshll.u32 @!p2 s1, $0x2;
	p3 =	sgt.s32 @!p2 s1, $0x1AF;
	s0 =	smul.u32 @!p2 $0x6C0, s0  }
0x234: {  	s5 =	sand.u32 @!p2 $0x7, s19;
	s1 =	ssub.s32 @!p2 $0x6C0, s2;
	p3 =	por !p3, p2  }
0x235: {  	s2 =	sshrl.u32 @!p2 s19, $0x3;
	s1 =	sshrl.u32 @!p2 s1, $0x2;
	s0 =	sshrl.u32 @!p2 s0, $0x2  }
0x236: {  	s2 =	sadd.s32 @!p2 s2, s14;
	s1 =	simm.s32 @!p3 $0x0;
	s0 =	sadd.s32 @!p2 $0x3888, s0  }
0x237: {  	[tilespmem:s0], [sflag:$0xA] =	stream.linear.gather @!p2 [hbm4b:s2+s5], s1, $0x38;
	[tilespmem:$0x1F0F8] =	vst v63  }
0x238: {  	p2 =	sge.u32 s23, s12  }
0x239: {  	p3 =	sgt.s32 @!p2 s18, $0x49230  }
0x23a: {  	s0 =	smov.u32 s18;
	s1 =	sshra.s32 @!p2 s18, $0x1F;
	p3 =	por !p3, p2  }
0x23b: {  	s1 =	sand.u32 @!p2 s1, s18;
	s0 =	simm.s32 @p3 $0x49230  }
0x23c: {  	s0 =	ssub.s32 @!p2 s0, s1  }
0x23d: {  	s0 =	sadd.s32 @!p2 $0xFFFB6DD0, s0  }
0x23e: {  	s1 =	sshll.u32 @!p2 s0, $0x2  }
0x23f: {  	p3 =	sgt.s32 @!p2 s0, $0x1AF;
	s0 =	ssub.s32 @!p2 $0x6C0, s1  }
0x240: {  	s22 =	ssub.s32 @!p2 $0x493E0, s18;
	p3 =	por !p3, p2;
	s0 =	sshrl.u32 @!p2 s0, $0x2  }
0x241: {  	s1 =	sand.u32 @!p2 $0x1, s23;
	s0 =	simm.s32 @!p3 $0x0;
	p3 =	slt.s32 @!p2 s22, $0x1  }
0x242: {  	s2 =	simm.s32 @!p2 $0xA;
	s1 =	smul.u32 @!p2 $0x6C0, s1;
	p3 =	por p2, p3  }
.Ltmp9:
0x243: {  	_ =	swait.ge @!p2 [sflag:s2], s0;
	(pc) =	sbr.rel @p3 .LBB3_7-.Ltmp9, $4  }
0x244: {  	s5 =	ssub.s32 @!p2 $0x0, s0;
	[sflag:s2] =	ssyncset.done @!p2 $0x0  }
0x245: {  	s1 =	sshrl.u32 @!p2 s1, $0x2;
	[sflag:s2] =	ssyncadd.s32 @!p2 s5;
	s2 =	sshrl.u32 @!p2 s18, $0x3  }
0x246: {  	s1 =	sadd.s32 @!p2 $0x3D98, s1;
	s5 =	sand.u32 @!p2 $0x7, s18;
	s2 =	sadd.s32 @!p2 s2, s15  }
0x247: {  	[tilespmem:s1], [sflag:$0xB] =	stream.linear.gather @!p2 [hbm4b:s2+s5], s0, $0x38;
	[tilespmem:$0x1F0F8] =	vst v63  }
0x248: {  	s0 =	smulhi.u32 $0xAAAAAAAB, s23;
	_ =	sdelay $0x1  }
0x249: {  	s0 =	sshrl.u32 s0, $0x1  }
0x24a: {  	s0 =	smul.u32 $0x3, s0;
	_ =	sdelay $0x1  }
0x24b: {  	s0 =	ssub.s32 s23, s0  }
0x24c: {  	s1 =	simm.s32 $0x1;
	s0 =	smul.u32 $0x6C0, s0  }
.Ltmp10:
0x24d: {  	s1 =	simm.s32 @!p0 $0x0;
	(pc) =	sbr.rel .LBB3_4-.Ltmp10, $4  }
0x24e: {  	s1 =	smul.u32 $0x36000, s1  }
0x24f: {  	p3 =	slt.s32 @!p2 s22, $0x1B0;
	s0 =	sshrl.u32 s0, $0x2  }
0x250: {  	p2 =	por !p3, p2;
	s1 =	sshrl.u32 s1, $0x2;
	s0 =	sadd.s32 $0x3888, s0  }
0x251: {  	s24 =	simm.s32 $0x0;
	s22 =	simm.s32 @p2 $0x1B0;
	s23 =	sadd.s32 $0x40F8, s1;
	v1 =	vmov s0  }
.LBB3_3:
0x252: {  	p2 =	sge.s32 s24, s22  }
.Ltmp11:
0x253: {  	_ = 	snop;
	(pc) =	sbr.rel @p2 .LBB3_7-.Ltmp11, $2  }
0x254: {  	_ =	sdelay $0x2  }
0x255: {  	s23 =	sadd.s32 $0x800, s23  }
.LBB3_4:
0x256: {  	p2 =	sle.s32 s22, s24  }
.Ltmp12:
0x257: {  	_ = 	snop;
	(pc) =	sbr.rel @p2 .LBB3_3-.Ltmp12, $2  }
0x258: {  	_ =	sdelay $0x2  }
0x259: {  	s0 =	smov.u32 s24;
	s24 =	sadd.s32 $0x10, s24  }
0x25a: {  	s1 =	ssub.s32 s22, s0  }
0x25b: {  	p2 =	slt.s32 s1, $0x10  }
0x25c: {  	s1 =	simm.s32 @!p2 $0x10  }
0x25d: {  	v2 =	vmov s1  }
0x25e: {  	vm0 =	vgt.s32 v2, v0;
	_ =	sdelay $0x5  }
0x25f: {  	v2 =	vld.idx.msk [tilespmem:v1+s0+$0x0 ss:$0x1], vm0;
	_ =	sdelay $0x2  }
0x260: {  	p2 =	slt.s32 s24, s22;
	s1 =	smov.u32 s22  }
0x261: {  	s2 =	smov.u32 s23;
	s25 =	simm.s32 $0x0;
	s1 =	smov.u32 @p2 s24  }
.LBB3_6:
0x262: {  	(v2sf) =	vpush v2, s25;
	_ =	sdelay $0xc  }
0x263: {  	s25 =	sadd.s32 $0x1, s25  }
0x264: {  	s31 =	sadd.s32 s25, s0  }
0x265: {  	p2 =	slt.s32 s31, s1;
	s5 =	spop (v2sf)  }
.Ltmp13:
0x266: {  	s5 =	sshll.u32 s5, $0x4;
	(pc) =	sbr.rel @p2 .LBB3_6-.Ltmp13, $4  }
0x267: {  	s5 =	sand.u32 $0x1FFFFFF0, s5  }
0x268: {  	s5 =	sadd.s32 s11, s5  }
0x269: {  	[tilespmem:s2], [sflag:$0x9] =	stream.linear.gather [hbm4b:s5+s16], $0x8, $0x38;
	[tilespmem:$0x1F0F8] =	vst v63  }
0x26a: {  	s2 =	sadd.s32 $0x80, s2  }
.Ltmp14:
0x26b: {  	_ = 	snop;
	(pc) =	sbr.rel .LBB3_3-.Ltmp14, $1  }
0x26c: {  	_ =	sdelay $0x3  }
.LBB3_7:
0x26d: {  	p2 =	slt.u32 s20, $0x2  }
.Ltmp15:
0x26e: {  	_ = 	snop;
	(pc) =	sbr.rel @p2 .LBB3_20-.Ltmp15, $1  }
0x26f: {  	_ =	sdelay $0x3  }
0x270: {  	p2 =	sgt.s32 s21, $0x49230  }
0x271: {  	s0 =	smov.u32 s21;
	s1 =	sshra.s32 s21, $0x1F;
	s2 =	ssub.s32 $0x493E0, s21  }
0x272: {  	s0 =	simm.s32 @!p2 $0x49230;
	s1 =	sand.u32 s1, s21;
	p2 =	slt.s32 s2, $0x1B0  }
0x273: {  	s0 =	ssub.s32 s0, s1;
	s2 =	simm.s32 @!p2 $0x1B0  }
0x274: {  	s0 =	sadd.s32 $0xFFFB6DD0, s0;
	s24 =	sshll.u32 s2, $0x3  }
0x275: {  	s28 =	simm.s32 $0x9;
	s25 =	sshll.u32 s0, $0x2;
	s1 =	sand.u32 $0x3FFFFFF8, s24  }
0x276: {  	p2 =	sgt.s32 s0, $0x1AF;
	s26 =	ssub.s32 $0x6C0, s25;
	_ =	swait.ge [sflag:s28], s1  }
0x277: {  	s1 =	ssub.s32 $0x0, s1;
	[sflag:s28] =	ssyncset.done $0x0;
	s0 =	sshrl.u32 s26, $0x2  }
0x278: {  	s30 =	simm.s32 $0xB;
	[sflag:s28] =	ssyncadd.s32 s1;
	s0 =	simm.s32 @p2 $0x0  }
0x279: {  	_ =	swait.ge [sflag:s30], s0  }
0x27a: {  	s0 =	ssub.s32 $0x0, s0;
	[sflag:s30] =	ssyncset.done $0x0  }
0x27b: {  	[sflag:s30] =	ssyncadd.s32 s0  }
0x27c: {  	v1 =	vld [tilespmem:$0x3648];
	_ =	sdelay $0x4  }
0x27d: {  	(v2sf) =	vpush v1, $0x0  }
0x27e: {  	(v2sf) =	vpush v1, $0x1  }
0x27f: {  	(v2sf) =	vpush v1, $0x2;
	_ =	sdelay $0x3  }
0x280: {  	s0 =	sadd.s32 $0x1B0, s21  }
0x281: {  	s1 =	ssub.s32 $0x927C0, s21;
	p2 =	slt.s32 s7, s0  }
0x282: {  	s0 =	smov.u32 @p2 s7;
	p2 =	sgt.s32 s1, $0x0  }
0x283: {  	s25 =	ssub.s32 s0, s21;
	s1 =	simm.s32 @!p2 $0x0  }
0x284: {  	p2 =	slt.s32 s1, s25  }
0x285: {  	s25 =	smov.u32 @p2 s1  }
0x286: {  	s24 =	simm.s32 $0x1;
	p2 =	slt.s32 s25, $0x1  }
.Ltmp16:
0x287: {  	s24 =	simm.s32 @!p4 $0x0;
	(pc) =	sbr.rel @p2 .LBB3_12-.Ltmp16, $4  }
0x288: {  	s31 =	smul.u32 $0x6C0, s24  }
0x289: {  	s26 =	spop (v2sf)  }
0x28a: {  	s0 =	sshrl.u32 s31, $0x2;
	s29 =	spop (v2sf)  }
0x28b: {  	s22 =	sadd.s32 $0x3D98, s0;
	s21 =	spop (v2sf)  }
0x28c: {  	s0 =	smin.u32 s25, $0x10  }
0x28d: {  	v1 =	vmov s0  }
0x28e: {  	p3 =	sgt.s32 s25, $0x10;
	vm1 =	vgt.u32 v1, v0  }
.Ltmp17:
0x28f: {  	_ = 	snop;
	(pc) =	sbr.rel @!p3 .LBB3_11-.Ltmp17, $2  }
0x290: {  	_ =	sdelay $0x2  }
0x291: {  	s23 =	simm.s32 $0x10;
	s28 =	sadd.s32 $0xFFFFFFF0, s25;
	s0 =	smov.u32 s22;
	vm0 =	vmmov vm1  }
.LBB3_10:
0x292: {  	s1 =	smin.u32 s28, $0x10;
	s23 =	sadd.s32 $0x10, s23;
	v1 =	vld.msk [tilespmem:s0+$0x0 ss:$0x1], vm1  }
0x293: {  	v2 =	vmov s1;
	p3 =	slt.s32 s23, s25  }
0x294: {  	vm1 =	vgt.u32 v2, v0  }
.Ltmp18:
0x295: {  	(pc) =	sbr.rel @p3 .LBB3_10-.Ltmp18, $3  }
0x296: {  	_ =	sdelay $0x1  }
0x297: {  	v1 =	vshll.u32 v1, $0x4  }
0x298: {  	s28 =	sadd.s32 $0xFFFFFFF0, s28;
	[tilespmem:s0+$0x0] =	vst.msk vm0, v1;
	s0 =	sadd.s32 $0x10, s0;
	vm0 =	vmmov vm1  }
.LBB3_11:
0x299: {  	_ =	sdelay $0x4  }
0x29a: {  	v1 =	vld.msk [tilespmem:s0+$0x0 ss:$0x1], vm1;
	_ =	sdelay $0x4  }
0x29b: {  	v1 =	vshll.u32 v1, $0x4  }
0x29c: {  	[tilespmem:s0+$0x0] =	vst.msk vm0, v1  }
.LBB3_12:
0x29d: {  	s0 =	sand.u32 $0x1, s20  }
0x29e: {  	s0 =	smul.u32 $0x1B0, s0  }
0x29f: {  	p3 =	sne.s32 s29, $0xFFFFFFFF  }
0x2a0: {  	v1 =	vld.msk @!p3 [tilespmem:s0+$0x3D98], $0x1;
	_ =	sdelay $0x4  }
0x2a1: {  	(v2sf) =	vpush @!p3 v1, $0x0;
	_ =	sdelay $0xc  }
.Ltmp19:
0x2a2: {  	_ = 	snop;
	(pc) =	sbr.rel @p2 .LBB3_18-.Ltmp19, $4  }
0x2a3: {  	_ = 	snop  }
0x2a4: {  	s28 =	spop @!p3 (v2sf)  }
0x2a5: {  	s21 =	simm.s32 @!p3 $0x0;
	s23 =	smov.u32 s28  }
0x2a6: {  	[sflag:s17] =	ssyncpa.u1 $0x0;
	s28 =	smov.u32 @p3 s26;
	s23 =	smov.u32 @p3 s29  }
0x2a7: {  	v1 =	vld.msk [tilespmem:s22+$0x0], $0x1;
	_ =	sdelay $0x4  }
0x2a8: {  	(v2sf) =	vpush v1, $0x0;
	_ =	sdelay $0xe  }
0x2a9: {  	s0 =	simm.s32 @!p4 $0x0;
	s26 =	smul.u32 $0x36000, s24;
	s31 =	spop (v2sf)  }
0x2aa: {  	s29 =	ssub.s32 $0x0, s25;
	s0 =	simm.s32 @p4 $0x1;
	p2 =	seq.s32 s28, s31  }
0x2ab: {  	s1 =	smov.u32 s28;
	[smem:$0x7FD] =	sst s0;
	p3 =	sgt.s32 @!p2 s28, $0x0  }
0x2ac: {  	s0 =	sshrl.u32 s26, $0x2;
	s26 =	sadd.s32 $0x1, s29;
	p3 =	por !p3, p2  }
0x2ad: {  	s1 =	simm.s32 @p3 $0x0;
	p3 =	seq.s32 s26, $0x0  }
.Ltmp20:
0x2ae: {  	_ = 	snop;
	(pc) =	sbr.rel @p3 .LBB3_15-.Ltmp20, $4  }
0x2af: {  	s6 =	smov.u32 s4;
	s25 =	simm.s32 $0x0  }
0x2b0: {  	s24 =	sadd.s32 $0x40F8, s0;
	s0 =	simm.s32 @!p2 $0x1;
	s2 =	smin.u32 @!p2 s1, $0xC34FF  }
0x2b1: {  	s30 =	sadd.s32 $0x1, s22;
	s0 =	smov.u32 @p2 s25;
	s5 =	sand.u32 @!p2 $0xFFFF8, s2  }
0x2b2: {  	s1 =	simm.s32 @!p2 $0x1B38;
	s2 =	sand.u32 @!p2 $0x7, s2;
	s5 =	sadd.s32 @!p2 s3, s5  }
.LBB3_14:
0x2b3: {  	s4 =	smov.u32 s0  }
0x2b4: {  	[tilespmem:s1], [sflag:$0x2] =	stream.linear.gather @!p2 [hbm4b:s5+s2], $0x8, $0x38;
	[tilespmem:$0x1F0F8] =	vst v63  }
0x2b5: {  	s26 =	sadd.s32 $0x1, s26;
	s2 =	smov.u32 s31;
	v1 =	vld.msk [tilespmem:s30+$0x0], $0x1  }
0x2b6: {  	p3 =	seq.s32 s26, $0x0;
	_ =	sdelay $0x3  }
0x2b7: {  	(v2sf) =	vpush v1, $0x0;
	_ =	sdelay $0xe  }
0x2b8: {  	s31 =	spop (v2sf)  }
0x2b9: {  	p2 =	seq.s32 s2, s31  }
0x2ba: {  	p4 =	sgt.s32 @!p2 s2, $0x0;
	s1 =	sshll.u32 @!p2 s0, $0x6;
	s0 =	sadd.s32 @!p2 $0x1, s0  }
.Ltmp21:
0x2bb: {  	p4 =	por !p4, p2;
	s1 =	sshra.s32 @!p2 s1, $0x2;
	(pc) =	sbr.rel @!p3 .LBB3_14-.Ltmp21, $4  }
0x2bc: {  	s0 =	smov.u32 @p2 s4;
	s2 =	simm.s32 @p4 $0x0;
	s1 =	sadd.s32 @!p2 $0x1B38, s1  }
0x2bd: {  	s2 =	smin.u32 @!p2 s2, $0xC34FF  }
0x2be: {  	s4 =	sand.u32 @!p2 $0xFFFF8, s2;
	s2 =	sand.u32 @!p2 $0x7, s2  }
0x2bf: {  	s30 =	sadd.s32 $0x1, s30;
	s5 =	sadd.s32 @!p2 s3, s4  }
.LBB3_15:
0x2c0: {  	[tilespmem:s1], [sflag:$0x2] =	stream.linear.gather @!p2 [hbm4b:s5+s2], $0x8, $0x38;
	[tilespmem:$0x1F0F8] =	vst v63  }
0x2c1: {  	s0 =	sshll.u32 s0, $0x3  }
0x2c2: {  	s31 =	simm.s32 $0x2;
	s0 =	sand.u32 $0x3FFFFFF8, s0  }
0x2c3: {  	_ =	swait.ge [sflag:s31], s0  }
0x2c4: {  	s0 =	ssub.s32 $0x0, s0;
	[sflag:s31] =	ssyncset.done $0x0  }
0x2c5: {  	[sflag:s31] =	ssyncadd.s32 s0  }
0x2c6: {  	v1 =	vld.msk [tilespmem:s22+$0x0], $0x1;
	_ =	sdelay $0x4  }
0x2c7: {  	(v2sf) =	vpush v1, $0x0;
	_ =	sdelay $0xe  }
0x2c8: {  	s26 =	spop (v2sf)  }
0x2c9: {  	p2 =	sne.s32 s28, s26  }
0x2ca: {  	p4 =	sne.s32 @p2 s28, s23  }
0x2cb: {  	p3 =	por !p4, !p2  }
0x2cc: {  	s0 =	simm.s32 @!p3 $0x0  }
0x2cd: {  	v1 =	vld.msk @!p3 [tilespmem:s0+$0x1B38], $0xff  }
0x2ce: {  	p5 =	sgt.u32 @!p3 s28, $0xC34FF  }
0x2cf: {  	s1 =	sshll.u32 @!p3 s21, $0x6;
	p6 =	por @p2 p5, !p4  }
0x2d0: {  	s1 =	sshra.s32 @!p3 s1, $0x2;
	p1 =	por p6, !p2;
	p6 =	por p4, !p2  }
0x2d1: {  	s2 =	sadd.s32 @!p3 $0x28, s1;
	s4 =	sand.u32 @!p1 $0xFFFF8, s28;
	s5 =	sshll.u32 @!p6 s21, $0x6  }
0x2d2: {  	s28 =	sand.u32 @!p1 $0x7, s28;
	[tilespmem:s1+$0x28] =	vst.add.f32.msk @!p3 $0xff, v1;
	s1 =	sadd.s32 @!p1 s3, s4;
	s4 =	sshra.s32 @!p6 s5, $0x2  }
0x2d3: {  	[hbm4b:s1+s28] =	stream.linear.scatter @!p1 [tilespmem:s2], [sflag:$0xC], $0x8, $0x38;
	[tilespmem:$0x1F0F8] =	vst v63  }
0x2d4: {  	s0 =	rddreg [dreg:$0x4];
	s1 =	sadd.s32 @!p6 $0x28, s4;
	s2 =	simm.s32 @!p6 $0x1  }
0x2d5: {  	[spmem:s0] =	stream.linear.scatter @!p6 [tilespmem:s1], [sflag:$0x1], $0x8, $0x38;
	[tilespmem:$0x1F0F8] =	vst v63  }
0x2d6: {  	s0 =	sadd.s32 @p2 $0x1, s21;
	_ =	swait.ge @!p6 [sflag:s2], $0x8  }
0x2d7: {  	s1 =	sshrl.u32 @p2 s0, $0x4;
	[sflag:s2] =	ssyncset.done @!p6 $0x0  }
0x2d8: {  	s1 =	smulhi.u32 @p2 $0x97B425F, s1;
	[sflag:s2] =	ssyncadd.s32 @!p6 $0xFFFFFFF8  }
0x2d9: {  	s28 =	sadd.s32 $0x1, s29;
	v1 =	vld.msk @p2 [tilespmem:s24+$0x0], $0xff  }
0x2da: {  	p1 =	por @p2 !p5, !p4;
	p4 =	seq.s32 s28, $0x0;
	s1 =	smul.u32 @p2 $0x1B0, s1  }
.Ltmp22:
0x2db: {  	p1 =	por !p1, !p2;
	s2 =	simm.s32 @!p3 $0x0;
	(pc) =	sbr.rel @p4 .LBB3_17-.Ltmp22, $4  }
0x2dc: {  	s4 =	sshll.u32 @!p2 s21, $0x6;
	s2 =	simm.s32 @!p1 $0x20;
	s0 =	ssub.s32 @p2 s0, s1  }
0x2dd: {  	s29 =	simm.s32 $0x0;
	s2 =	sadd.s32 @!p3 $0x0, s2;
	s5 =	sshll.u32 @p2 s0, $0x4  }
0x2de: {  	s30 =	sshra.s32 @!p2 s4, $0x2;
	s1 =	simm.s32 @p2 $0x1;
	s2 =	smov.u32 @p3 s25;
	[tilespmem:s5+$0x28] =	vst.msk @p2 $0xff, v1  }
0x2df: {  	s21 =	smov.u32 @p2 s0;
	s29 =	smov.u32 @p2 s2;
	s25 =	smov.u32 @p2 s1;
	v1 =	vld.msk @!p2 [tilespmem:s24+$0x0], $0xff  }
.LBB3_16:
0x2e0: {  	_ =	sdelay $0x3  }
0x2e1: {  	s22 =	sadd.s32 $0x1, s22;
	[tilespmem:s30+$0x28] =	vst.add.f32.msk @!p2 $0xff, v1  }
0x2e2: {  	v1 =	vld.msk [tilespmem:s22+$0x0], $0x1;
	_ =	sdelay $0x4  }
0x2e3: {  	(v2sf) =	vpush v1, $0x0;
	_ =	sdelay $0xe  }
0x2e4: {  	s0 =	smov.u32 s26;
	s26 =	spop (v2sf)  }
0x2e5: {  	p2 =	sne.s32 s0, s26  }
0x2e6: {  	p5 =	sne.s32 @p2 s0, s23  }
0x2e7: {  	s4 =	sshll.u32 @!p2 s21, $0x6;
	p4 =	por !p5, !p2  }
0x2e8: {  	s30 =	sshra.s32 @!p2 s4, $0x2;
	s4 =	sshll.u32 @!p4 s25, $0x6  }
0x2e9: {  	s4 =	sshra.s32 @!p4 s4, $0x2  }
0x2ea: {  	p1 =	sgt.u32 @!p4 s0, $0xC34FF;
	v1 =	vld.msk @!p4 [tilespmem:s4+$0x1B38], $0xff  }
0x2eb: {  	s31 =	sshll.u32 @!p4 s21, $0x6;
	p6 =	por @p2 p1, !p5;
	p1 =	por @p2 !p1, !p5  }
0x2ec: {  	s8 =	simm.s32 @!p4 $0x0;
	s31 =	sshra.s32 @!p4 s31, $0x2;
	p1 =	por !p1, !p2  }
0x2ed: {  	p5 =	por p5, !p2;
	s8 =	simm.s32 @!p1 $0x20;
	p1 =	por p6, !p2  }
0x2ee: {  	s4 =	sadd.s32 @!p4 $0x28, s31;
	s13 =	sshll.u32 @!p5 s21, $0x6;
	s10 =	sand.u32 @!p1 $0xFFFF8, s0  }
0x2ef: {  	s13 =	sshra.s32 @!p5 s13, $0x2;
	s0 =	sand.u32 @!p1 $0x7, s0;
	s10 =	sadd.s32 @!p1 s3, s10;
	[tilespmem:s31+$0x28] =	vst.add.f32.msk @!p4 $0xff, v1  }
0x2f0: {  	[hbm4b:s10+s0] =	stream.linear.scatter @!p1 [tilespmem:s4], [sflag:$0xC], $0x8, $0x38;
	[tilespmem:$0x1F0F8] =	vst v63  }
0x2f1: {  	s1 =	rddreg [dreg:$0x4];
	s0 =	sadd.s32 @!p5 $0x28, s13;
	s4 =	simm.s32 @!p5 $0x1  }
0x2f2: {  	[spmem:s1] =	stream.linear.scatter @!p5 [tilespmem:s0], [sflag:$0x1], $0x8, $0x38;
	[tilespmem:$0x1F0F8] =	vst v63  }
0x2f3: {  	s2 =	sadd.s32 @p2 $0x1, s21;
	_ =	swait.ge @!p5 [sflag:s4], $0x8  }
0x2f4: {  	s5 =	sshrl.u32 @p2 s2, $0x4;
	[sflag:s4] =	ssyncset.done @!p5 $0x0  }
0x2f5: {  	s24 =	sadd.s32 $0x80, s24;
	s5 =	smulhi.u32 @p2 $0x97B425F, s5;
	[sflag:s4] =	ssyncadd.s32 @!p5 $0xFFFFFFF8  }
0x2f6: {  	s28 =	sadd.s32 $0x1, s28;
	v1 =	vld.msk @p2 [tilespmem:s24+$0x0], $0xff  }
0x2f7: {  	p3 =	seq.s32 s28, $0x0;
	s5 =	smul.u32 @p2 $0x1B0, s5  }
.Ltmp23:
0x2f8: {  	_ = 	snop;
	(pc) =	sbr.rel @!p3 .LBB3_16-.Ltmp23, $4  }
0x2f9: {  	s2 =	ssub.s32 @p2 s2, s5  }
0x2fa: {  	s8 =	sadd.s32 @!p4 s8, s29;
	s5 =	sshll.u32 @p2 s2, $0x4  }
0x2fb: {  	s9 =	sadd.s32 @p2 $0x1, s25;
	s8 =	smov.u32 @p4 s29;
	[tilespmem:s5+$0x28] =	vst.msk @p2 $0xff, v1  }
0x2fc: {  	s25 =	smov.u32 @p2 s9;
	s21 =	smov.u32 @p2 s2;
	s29 =	smov.u32 @p2 s8;
	v1 =	vld.msk @!p2 [tilespmem:s24+$0x0], $0xff  }
.LBB3_17:
.Ltmp24:
0x2fd: {  	_ = 	snop;
	(pc) =	sbr.rel .LBB3_19-.Ltmp24, $3  }
0x2fe: {  	s1 =	sld [smem:$0x7FD];
	_ =	sdelay $0x1  }
0x2ff: {  	s0 =	sshrl.u32 s29, $0x2;
	s28 =	smov.u32 s26  }
0x300: {  	s4 =	smov.u32 s6;
	s6 =	rddreg [dreg:$0x6];
	p4 =	seq.s32 s1, $0x1;
	[tilespmem:s30+$0x28] =	vst.add.f32.msk @!p2 $0xff, v1  }
.LBB3_21:
0x301: {  	_ =	sfence.sel $0x180000  }
0x302: {  	s0 =	simm.s32 $0x9;
	[bflag:$0x0] =	sbarrier.arrive $0xFFFF  }
0x303: {  	s24 =	simm.s32 $0xA;
	[sflag:s0] =	ssyncpa.u1 $0x1  }
0x304: {  	s25 =	simm.s32 $0xB;
	[sflag:s24] =	ssyncpa.u1 $0x1  }
0x305: {  	s26 =	simm.s32 $0x2;
	[sflag:s25] =	ssyncpa.u1 $0x1  }
0x306: {  	[sflag:s26] =	ssyncpa.u1 $0x1  }
0x307: {  	v0 =	vld [tilespmem:$0x3648];
	_ =	sdelay $0x4  }
0x308: {  	(v2sf) =	vpush v0, $0x0  }
0x309: {  	(v2sf) =	vpush v0, $0x1;
	_ =	sdelay $0x1  }
0x30a: {  	(v2sf) =	vpush v0, $0x2;
	_ =	sdelay $0xb  }
0x30b: {  	s0 =	spop (v2sf)  }
0x30c: {  	s1 =	spop (v2sf)  }
0x30d: {  	s2 =	smov.u32 s0;
	p0 =	sne.s32 s0, s1  }
0x30e: {  	s4 =	spop (v2sf);
	s2 =	simm.s32 @!p0 $0xFFFFFFFF  }
0x30f: {  	v2 =	vimm.s32 $0x1;
	v3 =	vlaneseq.u32;
	p0 =	seq.s32 s4, $0xFFFFFFFF;
	v1 =	vmov s2  }
0x310: {  	s16 =	stileid.u32;
	v0 =	vperm.xlane v0, v2;
	p1 =	sne.s32 @!p0 s0, s1;
	v1 =	vperm.xlane v1, v3  }
0x311: {  	vm0 =	vcmask $0x3F04;
	s6 =	simm.s32 $0x3648;
	s0 =	simm.s32 @!p0 $0x1;
	p1 =	por !p1, p0  }
0x312: {  	s2 =	sshll.u32 s16, $0x1;
	s1 =	sshll.u32 @!p0 s4, $0x6;
	s0 =	simm.s32 @p1 $0x0;
	v0 =	vsel vm0, v1, v0  }
0x313: {  	s5 =	sor.u32 $0x200, s2;
	s1 =	sshra.s32 @!p0 s1, $0x2;
	s0 =	sor.u32 @!p0 s0, s2;
	[tilespmem:$0x3648] =	vst v0  }
0x314: {  	[spmem:s5] =	stream.linear.scatter [tilespmem:s6], [sflag:$0x1], $0x2, $0x38;
	[tilespmem:$0x1F0F8] =	vst v63  }
0x315: {  	s1 =	sadd.s32 @!p0 $0x28, s1;
	s0 =	sshll.u32 @!p0 s0, $0x4  }
0x316: {  	[spmem:s0] =	stream.linear.scatter @!p0 [tilespmem:s1], [sflag:$0x1], $0x10, $0x38;
	[tilespmem:$0x1F0F8] =	vst v63  }
0x317: {  	s0 =	simm.s32 @!p0 $0x12  }
0x318: {  	s28 =	simm.s32 $0x1;
	s0 =	simm.s32 @p0 $0x2  }
0x319: {  	_ =	swait.ge [sflag:s28], s0  }
0x31a: {  	s0 =	ssub.s32 $0x0, s0;
	[sflag:s28] =	ssyncset.done $0x0  }
0x31b: {  	p0 =	sne.s32 s16, $0x0;
	[sflag:s28] =	ssyncadd.s32 s0  }
.Ltmp25:
0x31c: {  	_ =	sfence.stream.spmem;
	(pc) =	sbr.rel @p0 .LBB3_38-.Ltmp25, $4  }
0x31d: {  	s29 =	simm.s32 $0x3;
	[bflag:$0x0] =	sbarrier.arrive $0xFFFF  }
0x31e: {  	s30 =	simm.s32 $0x4;
	[sflag:s29] =	ssyncpa.u1 $0x1  }
0x31f: {  	s31 =	simm.s32 $0x3C;
	[sflag:s30] =	ssyncpa.u1 $0x1  }
0x320: {  	s17 =	rddreg [dreg:$0x5];
	[sflag:s31] =	ssyncpa.u1 $0x1  }
0x321: {  	_ =	sfence.stream.spmem;
	s0 =	simm.s32 $0x5  }
0x322: {  	s1 =	simm.s32 $0x200;
	s2 =	simm.s32 $0x3658;
	[sflag:s0] =	ssyncpa.u1 $0x0  }
0x323: {  	[tilespmem:s2], [sflag:$0x5] =	stream.linear.gather [spmem:s1], $0x20, $0x38;
	[tilespmem:$0x1F0F8] =	vst v63  }
0x324: {  	s26 =	simm.s32 $0x0;
	s28 =	simm.s32 $0x3678  }
0x325: {  	[tilespmem:s28], [sflag:$0x5] =	stream.linear.gather [spmem:s26], $0x200, $0x38;
	[tilespmem:$0x1F0F8] =	vst v63  }
0x326: {  	_ =	swait.ge [sflag:s0], $0x220  }
0x327: {  	[sflag:s0] =	ssyncset.done $0x0  }
0x328: {  	s29 =	simm.s32 $0x0;
	[sflag:s0] =	ssyncadd.s32 $0xFFFFFDE0  }
0x329: {  	v0 =	vld.msk [tilespmem:s29+$0x3658], $0x1;
	_ =	sdelay $0x1  }
0x32a: {  	s30 =	simm.s32 $0x1  }
0x32b: {  	v1 =	vld.msk [tilespmem:s30+$0x3658], $0x1;
	_ =	sdelay $0x1  }
0x32c: {  	(v2sf) =	vpush v0, $0x0;
	_ =	sdelay $0x2  }
0x32d: {  	(v2sf) =	vpush v1, $0x0;
	_ =	sdelay $0x2  }
0x32e: {  	s31 =	simm.s32 $0x2  }
0x32f: {  	v0 =	vld.msk [tilespmem:s31+$0x3658], $0x1;
	_ =	sdelay $0x2  }
0x330: {  	s6 =	simm.s32 $0xFFFFFFFF;
	s1 =	simm.s32 $0xFFFFFFFF;
	s0 =	simm.s32 $0xC  }
.LBB3_23:
0x331: {  	s2 =	smov.u32 s6;
	s4 =	smov.u32 s1  }
0x332: {  	s1 =	sshra.s32 s0, $0x2;
	p1 =	sne.s32 s0, $0x7C;
	s0 =	sadd.s32 $0x4, s0;
	(v2sf) =	vpush v0, $0x0  }
0x333: {  	v0 =	vld.msk [tilespmem:s1+$0x3658], $0x1  }
.Ltmp26:
0x334: {  	(pc) =	sbr.rel @p1 .LBB3_23-.Ltmp26, $4  }
0x335: {  	s6 =	spop (v2sf)  }
0x336: {  	p2 =	sne.s32 s4, $0xFFFFFFFF;
	s1 =	smov.u32 s6  }
0x337: {  	p3 =	seq.s32 s6, $0xFFFFFFFF;
	s1 =	smov.u32 @p2 s4  }
0x338: {  	s6 =	smov.u32 @p3 s2;
	s1 =	smov.u32 @p3 s4  }
0x339: {  	(v2sf) =	vpush v0, $0x0;
	_ =	sdelay $0x8  }
0x33a: {  	s0 =	spop (v2sf)  }
0x33b: {  	p1 =	sne.s32 s1, $0xFFFFFFFF;
	s2 =	smov.u32 s0  }
0x33c: {  	s9 =	simm.s32 $0x6;
	p2 =	seq.s32 s0, $0xFFFFFFFF;
	s2 =	smov.u32 @p1 s1  }
0x33d: {  	s10 =	simm.s32 $0x3638;
	s2 =	smov.u32 @p2 s1;
	s1 =	spop (v2sf)  }
0x33e: {  	s0 =	smov.u32 @p2 s6;
	p1 =	sne.s32 s2, $0xFFFFFFFF;
	s4 =	smov.u32 s1  }
.Ltmp27:
0x33f: {  	p2 =	seq.s32 s1, $0xFFFFFFFF;
	s4 =	smov.u32 @p1 s2;
	(pc) =	sbr.rel .LBB3_25-.Ltmp27, $4  }
0x340: {  	s11 =	simm.s32 $0x0;
	s4 =	smov.u32 @p2 s2;
	s7 =	spop (v2sf)  }
0x341: {  	[sflag:s9] =	ssyncpa.u1 $0x0;
	p1 =	sne.s32 s4, $0xFFFFFFFF;
	s8 =	smov.u32 s7  }
0x342: {  	s1 =	smov.u32 @p2 s0;
	p2 =	seq.s32 s7, $0xFFFFFFFF;
	s8 =	smov.u32 @p1 s4  }
0x343: {  	s6 =	simm.s32 $0x0;
	s7 =	smov.u32 @p2 s1;
	s8 =	smov.u32 @p2 s4  }
.LBB3_30:
0x344: {  	p1 =	sgt.u32 s12, $0xC34FF  }
0x345: {  	p2 =	seq.s32 @!p1 s12, s8  }
0x346: {  	p1 =	por p1, p2  }
0x347: {  	p2 =	sne.s32 @!p1 s12, s7  }
0x348: {  	p1 =	por p1, !p2  }
0x349: {  	s0 =	sshll.u32 @p1 s11, $0x6  }
0x34a: {  	s0 =	sand.u32 @!p1 $0xFFFF8, s12  }
0x34b: {  	s1 =	sand.u32 @!p1 $0x7, s12;
	s0 =	sadd.s32 @!p1 s3, s0  }
0x34c: {  	[tilespmem:s10], [sflag:$0x6] =	stream.linear.gather @!p1 [hbm4b:s0+s1], $0x8, $0x38;
	[tilespmem:$0x1F0F8] =	vst v63  }
0x34d: {  	_ =	swait.ge @!p1 [sflag:s9], $0x8  }
0x34e: {  	[sflag:s9] =	ssyncset.done @!p1 $0x0  }
0x34f: {  	[sflag:s9] =	ssyncadd.s32 @!p1 $0xFFFFFFF8  }
0x350: {  	v1 =	vld @!p1 [tilespmem:$0x3638];
	_ =	sdelay $0x2  }
0x351: {  	s0 =	sshll.u32 @!p1 s11, $0x6  }
0x352: {  	s1 =	sshrl.u32 @!p1 s0, $0x2  }
0x353: {  	[tilespmem:s1+$0x3678] =	vst.add.f32.msk @!p1 $0xffff, v1  }
0x354: {  	s0 =	sshrl.u32 s0, $0x2;
	[tilespmem:s6+$0x3658] =	vst.msk $0x1, v0  }
0x355: {  	v0 =	vld [tilespmem:s0+$0x3678];
	_ =	sdelay $0x2  }
0x356: {  	s31 =	sshll.u32 s6, $0x6  }
0x357: {  	s0 =	sshra.s32 s31, $0x2  }
0x358: {  	s6 =	sadd.s32 $0x1, s6;
	[tilespmem:s0+$0x3678] =	vst v0  }
.LBB3_32:
0x359: {  	s11 =	sadd.s32 $0x1, s11  }
0x35a: {  	p1 =	sne.s32 s11, $0x20  }
.Ltmp28:
0x35b: {  	_ = 	snop;
	(pc) =	sbr.rel @!p1 .LBB3_33-.Ltmp28, $1  }
0x35c: {  	_ =	sdelay $0x3  }
.LBB3_25:
0x35d: {  	v0 =	vld.msk [tilespmem:s11+$0x3658], $0x1;
	_ =	sdelay $0x4  }
0x35e: {  	(v2sf) =	vpush v0, $0x0;
	_ =	sdelay $0xe  }
0x35f: {  	s12 =	spop (v2sf)  }
0x360: {  	p1 =	seq.s32 s12, $0xFFFFFFFF  }
.Ltmp29:
0x361: {  	_ = 	snop;
	(pc) =	sbr.rel @p1 .LBB3_32-.Ltmp29, $1  }
0x362: {  	_ =	sdelay $0x3  }
0x363: {  	p1 =	slt.s32 s6, $0x1  }
.Ltmp30:
0x364: {  	_ = 	snop;
	(pc) =	sbr.rel @p1 .LBB3_30-.Ltmp30, $1  }
0x365: {  	_ =	sdelay $0x3  }
0x366: {  	s13 =	simm.s32 $0x3658;
	p1 =	por $0x0, $0x0  }
0x367: {  	v1 =	vld.msk @!p1 [tilespmem:s13+$0x0], $0x1;
	_ =	sdelay $0x4  }
0x368: {  	(v2sf) =	vpush @!p1 v1, $0x0;
	_ =	sdelay $0xd  }
0x369: {  	p3 =	sne.s32 s6, $0x1  }
.Ltmp31:
0x36a: {  	s0 =	spop @!p1 (v2sf);
	(pc) =	sbr.rel @!p3 .LBB3_29-.Ltmp31, $4  }
0x36b: {  	p2 =	seq.s32 @!p1 s12, s0  }
0x36c: {  	s14 =	simm.s32 $0x0;
	p2 =	por !p2, p1  }
0x36d: {  	s0 =	simm.s32 $0xFFFFFFFF;
	s14 =	simm.s32 @p2 $0xFFFFFFFF  }
0x36e: {  	s15 =	simm.s32 $0x1;
	s14 =	smov.u32 @p1 s0  }
.LBB3_28:
0x36f: {  	s0 =	smov.u32 s14;
	p1 =	sne.s32 s14, $0xFFFFFFFF  }
0x370: {  	s13 =	sadd.s32 $0x1, s13;
	s14 =	smov.u32 s15;
	s15 =	sadd.s32 $0x1, s15  }
0x371: {  	p2 =	sne.s32 s6, s15;
	v1 =	vld.msk @!p1 [tilespmem:s13+$0x0], $0x1;
	_ =	sdelay $0x4  }
0x372: {  	(v2sf) =	vpush @!p1 v1, $0x0;
	_ =	sdelay $0xe  }
.Ltmp32:
0x373: {  	s1 =	spop @!p1 (v2sf);
	(pc) =	sbr.rel @p2 .LBB3_28-.Ltmp32, $4  }
0x374: {  	p3 =	seq.s32 @!p1 s12, s1  }
0x375: {  	p3 =	por !p3, p1  }
0x376: {  	s14 =	simm.s32 @p3 $0xFFFFFFFF  }
0x377: {  	s14 =	smov.u32 @p1 s0  }
.LBB3_29:
0x378: {  	p1 =	sne.s32 s14, $0xFFFFFFFF  }
.Ltmp33:
0x379: {  	_ = 	snop;
	(pc) =	sbr.rel @!p1 .LBB3_30-.Ltmp33, $1  }
0x37a: {  	_ =	sdelay $0x3  }
0x37b: {  	s0 =	sshll.u32 s11, $0x4  }
0x37c: {  	s0 =	sand.u32 $0x3FFFFFF0, s0  }
0x37d: {  	v0 =	vld [tilespmem:s0+$0x3678]  }
.Ltmp34:
0x37e: {  	_ = 	snop;
	(pc) =	sbr.rel .LBB3_32-.Ltmp34, $4  }
0x37f: {  	_ = 	snop  }
0x380: {  	s31 =	sshll.u32 s14, $0x6  }
0x381: {  	s0 =	sshra.s32 s31, $0x2  }
0x382: {  	[tilespmem:s0+$0x3678] =	vst.add.f32.msk $0xffff, v0  }
.LBB3_33:
0x383: {  	s0 =	simm.s32 $0x6;
	p1 =	seq.s32 s6, $0x0  }
0x384: {  	[sflag:s0] =	ssyncpa.u1 $0x1;
	v0 =	vimm.s32 @p1 $0xFFFFFFFF  }
0x385: {  	s9 =	sadd.s32 $0xFFFFFFFF, s6;
	[tilespmem:$0x3878] =	vst @p1 v0  }
0x386: {  	v0 =	vld.msk @!p1 [tilespmem:s9+$0x3658], $0x1;
	_ =	sdelay $0x1  }
0x387: {  	v1 =	vld.msk @!p1 [tilespmem:$0x3658], $0x1;
	_ =	sdelay $0x2  }
0x388: {  	p2 =	seq.s32 @!p1 s9, $0x0;
	v0 =	vbroadcast @!p1 v0, $0x0  }
0x389: {  	vm0 =	vmmov @!p1 $0x1;
	p2 =	por !p2, p1  }
0x38a: {  	v1 =	vnsel @!p1 vm0, $0xFFFFFFFF, v1;
	vm0 =	vcmask @!p1 $0x308;
	v0 =	vpsel !p2, $0xFFFFFFFF, v0  }
0x38b: {  	p2 =	sne.s32 @!p1 s8, s7;
	v0 =	vsel @!p1 vm0, v1, v0  }
0x38c: {  	s0 =	simm.s32 @!p1 $0x3678;
	s1 =	simm.s32 @!p1 $0x0;
	p3 =	por !p2, p1;
	[tilespmem:$0x3878] =	vst @!p1 v0  }
0x38d: {  	[spmem:s1] =	stream.linear.scatter @!p1 [tilespmem:s0], [sflag:$0x1], $0x10, $0x38;
	[tilespmem:$0x1F0F8] =	vst v63  }
0x38e: {  	s0 =	sshll.u32 @!p3 s9, $0x6  }
0x38f: {  	s0 =	sshra.s32 @!p3 s0, $0x2  }
0x390: {  	s1 =	simm.s32 @!p3 $0x10;
	s0 =	sadd.s32 @!p3 $0x3678, s0  }
0x391: {  	[spmem:s1] =	stream.linear.scatter @!p3 [tilespmem:s0], [sflag:$0x1], $0x10, $0x38;
	[tilespmem:$0x1F0F8] =	vst v63  }
0x392: {  	s0 =	simm.s32 @!p3 $0x1  }
0x393: {  	_ =	swait.ge @!p3 [sflag:s0], $0x20  }
0x394: {  	p1 =	por p2, p1;
	[sflag:s0] =	ssyncset.done @!p3 $0x0  }
0x395: {  	[sflag:s0] =	ssyncadd.s32 @!p3 $0xFFFFFFE0;
	s0 =	simm.s32 @!p1 $0x1  }
0x396: {  	_ =	swait.ge @!p1 [sflag:s0], $0x10  }
0x397: {  	s29 =	simm.s32 $0x3878;
	[sflag:s0] =	ssyncset.done @!p1 $0x0  }
0x398: {  	s30 =	simm.s32 $0x200;
	s31 =	simm.s32 $0x1;
	[sflag:s0] =	ssyncadd.s32 @!p1 $0xFFFFFFF0  }
0x399: {  	[spmem:s30] =	stream.linear.scatter [tilespmem:s29], [sflag:$0x1], $0x10, $0x38;
	[tilespmem:$0x1F0F8] =	vst v63  }
0x39a: {  	_ =	swait.ge [sflag:s31], $0x10  }
0x39b: {  	[sflag:s31] =	ssyncset.done $0x0  }
0x39c: {  	p1 =	seq.s32 s17, $0x0;
	s8 =	rddreg [dreg:$0x1];
	[sflag:s31] =	ssyncadd.s32 $0xFFFFFFF0  }
0x39d: {  	s1 =	sshll.u32 @p1 s8, $0xE;
	s7 =	rddreg [dreg:$0x2]  }
0x39e: {  	s0 =	sadd.s32 @p1 $0x15C3C, s1;
	s1 =	sshll.u32 @p1 s7, $0x11  }
0x39f: {  	_ =	sfence.stream.spmem;
	s0 =	sor.u32 @p1 s1, s0  }
0x3a0: {  	[sflag:s0] =	ssyncadd.remote.s32 @p1 $0x1;
	s0 =	simm.s32 @p1 $0x4  }
0x3a1: {  	s2 =	simm.s32 @!p1 $0x3C;
	s1 =	sand.u32 $0xFFFFFFFE, s8;
	_ =	swait.ge @p1 [sflag:s0], $0x6  }
0x3a2: {  	s4 =	simm.s32 @!p1 $0x0;
	s1 =	sadd.s32 @!p1 $0x4, s1;
	[sflag:s0] =	ssyncset.done @p1 $0x0  }
0x3a3: {  	s5 =	simm.s32 @!p1 $0x20;
	[sflag:s0] =	ssyncadd.s32 @p1 $0xFFFFFFFA;
	s0 =	sshll.u32 @!p1 s1, $0x1A  }
0x3a4: {  	s1 =	sshll.u32 @!p1 s1, $0xD;
	s0 =	sor.u32 @!p1 s0, s7;
	_ =	swait.eq @!p1 [sflag:s2], $0x1  }
0x3a5: {  	s1 =	sor.u32 @!p1 $0x1C04, s1;
	s2 =	simm.s32 @!p1 $0x1C03;
	s0 =	sor.u32 @!p1 $0x80004000, s0  }
0x3a6: {  	[spmem:s5], [sflag:s1] =	dma.general @!p1 [spmem:s4], [sflag:s2], length:$0x4, [dreg:$0x0], stride_count:$0x0, ici_dest:s0, dma_misc:DstOpCode:WRITE  }
0x3a7: {  	p2 =	slt.s32 s9, $0x2;
	s4 =	simm.s32 @!p1 $0x40;
	s5 =	simm.s32 @!p1 $0x42  }
0x3a8: {  	[spmem:s5], [sflag:s1] =	dma.general @!p1 [spmem:s4], [sflag:s2], length:$0x2, [dreg:$0x0], stride_count:$0x0, ici_dest:s0, dma_misc:DstOpCode:WRITE  }
.Ltmp35:
0x3a9: {  	s0 =	simm.s32 @!p1 $0x3;
	(pc) =	sbr.rel @p2 .LBB3_37-.Ltmp35, $4  }
0x3aa: {  	s1 =	sshll.u32 @!p1 s8, $0xE;
	_ =	swait.ge @!p1 [sflag:s0], $0x6  }
0x3ab: {  	s2 =	sshll.u32 @!p1 s7, $0x11;
	s1 =	sadd.s32 @!p1 $0x11C3C, s1;
	[sflag:s0] =	ssyncset.done @!p1 $0x0  }
0x3ac: {  	[sflag:s0] =	ssyncadd.s32 @!p1 $0xFFFFFFFA;
	s0 =	sor.u32 @!p1 s2, s1  }
0x3ad: {  	[sflag:s0] =	ssyncadd.remote.s32 @!p1 $0xFFFFFFFF;
	s0 =	simm.s32 $0x0  }
0x3ae: {  	s0 =	simm.s32 $0x3659  }
0x3af: {  	v0 =	vld.msk [tilespmem:s0+$0x0], $0x1;
	_ =	sdelay $0x4  }
0x3b0: {  	(v2sf) =	vpush v0, $0x0;
	_ =	sdelay $0xd  }
0x3b1: {  	s2 =	sadd.s32 $0xFFFFFFFE, s6  }
0x3b2: {  	s2 =	sadd.s32 $0xFFFFFFFF, s2;
	s0 =	spop (v2sf)  }
0x3b3: {  	p2 =	sne.s32 s2, $0x0;
	p1 =	sgt.u32 s0, $0xC34FF  }
.Ltmp36:
0x3b4: {  	s4 =	sand.u32 @!p1 $0xFFFF8, s0;
	(pc) =	sbr.rel @!p2 .LBB3_36-.Ltmp36, $4  }
0x3b5: {  	s1 =	simm.s32 $0x3688;
	s0 =	sand.u32 @!p1 $0x7, s0;
	s4 =	sadd.s32 @!p1 s3, s4  }
0x3b6: {  	[hbm4b:s4+s0] =	stream.linear.scatter @!p1 [tilespmem:s1], [sflag:$0x5], $0x8, $0x38;
	[tilespmem:$0x1F0F8] =	vst v63  }
0x3b7: {  	s0 =	simm.s32 $0x0  }
0x3b8: {  	s6 =	simm.s32 $0x0;
	s7 =	simm.s32 $0x365A;
	s0 =	simm.s32 @!p1 $0x20  }
.LBB3_35:
0x3b9: {  	v0 =	vld.msk [tilespmem:s7+$0x0], $0x1;
	s2 =	sadd.s32 $0xFFFFFFFF, s2;
	s6 =	sadd.s32 s6, s0  }
0x3ba: {  	p1 =	sne.s32 s2, $0x0;
	_ =	sdelay $0x3  }
0x3bb: {  	(v2sf) =	vpush v0, $0x0;
	_ =	sdelay $0xe  }
.Ltmp37:
0x3bc: {  	s4 =	spop (v2sf);
	(pc) =	sbr.rel @p1 .LBB3_35-.Ltmp37, $4  }
0x3bd: {  	s0 =	simm.s32 $0x0;
	p2 =	sgt.u32 s4, $0xC34FF  }
0x3be: {  	s1 =	sadd.s32 $0x10, s1;
	s0 =	simm.s32 @!p2 $0x20;
	s5 =	sand.u32 @!p2 $0xFFFF8, s4  }
0x3bf: {  	s7 =	sadd.s32 $0x1, s7;
	s4 =	sand.u32 @!p2 $0x7, s4;
	s5 =	sadd.s32 @!p2 s3, s5  }
0x3c0: {  	[hbm4b:s5+s4] =	stream.linear.scatter @!p2 [tilespmem:s1], [sflag:$0x5], $0x8, $0x38;
	[tilespmem:$0x1F0F8] =	vst v63  }
.LBB3_36:
0x3c1: {  	s0 =	sadd.s32 s6, s0  }
0x3c2: {  	s0 =	sshrl.u32 s0, $0x2  }
.LBB3_37:
0x3c3: {  	s1 =	simm.s32 $0x5  }
0x3c4: {  	_ =	swait.ge [sflag:s1], s0  }
0x3c5: {  	s31 =	ssub.s32 $0x0, s0;
	[sflag:s1] =	ssyncset.done $0x0  }
0x3c6: {  	[sflag:s1] =	ssyncadd.s32 s31  }
0x3c7: {  	[sflag:s1] =	ssyncpa.u1 $0x1  }
.LBB3_38:
0x3c8: {  	s0 =	sor.u32 s17, s16  }
0x3c9: {  	p1 =	sne.s32 s0, $0x0  }
.Ltmp38:
0x3ca: {  	_ = 	snop;
	(pc) =	sbr.rel @p1 .LBB3_53-.Ltmp38, $3  }
0x3cb: {  	_ =	sdelay $0x1  }
0x3cc: {  	[bflag:$0x0] =	sbarrier.arrive $0xFFFF  }
0x3cd: {  	_ =	sfence  }
0x3ce: {  	s0 =	simm.s32 $0x7  }
0x3cf: {  	s1 =	simm.s32 $0x200;
	s2 =	simm.s32 $0x3658;
	[sflag:s0] =	ssyncpa.u1 $0x0  }
0x3d0: {  	[tilespmem:s2], [sflag:$0x7] =	stream.linear.gather [spmem:s1], $0x20, $0x38;
	[tilespmem:$0x1F0F8] =	vst v63  }
0x3d1: {  	s30 =	simm.s32 $0x3678;
	s1 =	simm.s32 $0x0  }
0x3d2: {  	[tilespmem:s30], [sflag:$0x7] =	stream.linear.gather [spmem:s1], $0x200, $0x38;
	[tilespmem:$0x1F0F8] =	vst v63  }
.Ltmp39:
0x3d3: {  	_ = 	snop;
	(pc) =	sbr.rel .LBB3_40-.Ltmp39, $4  }
0x3d4: {  	_ =	swait.ge [sflag:s0], $0x220  }
0x3d5: {  	[sflag:s0] =	ssyncset.done $0x0  }
0x3d6: {  	s31 =	simm.s32 $0x8;
	[sflag:s0] =	ssyncadd.s32 $0xFFFFFDE0  }
0x3d7: {  	s2 =	simm.s32 $0x0;
	[sflag:s31] =	ssyncpa.u1 $0x0  }
.LBB3_45:
0x3d8: {  	p1 =	slt.u32 s4, $0xC3500  }
0x3d9: {  	s0 =	sand.u32 @p1 $0xFFFF8, s4  }
0x3da: {  	s4 =	sand.u32 @p1 $0x7, s4;
	s5 =	simm.s32 @p1 $0x3638;
	s0 =	sadd.s32 @p1 s3, s0  }
0x3db: {  	[tilespmem:s5], [sflag:$0x8] =	stream.linear.gather @p1 [hbm4b:s0+s4], $0x8, $0x38;
	[tilespmem:$0x1F0F8] =	vst v63  }
0x3dc: {  	s0 =	simm.s32 @p1 $0x8  }
0x3dd: {  	_ =	swait.ge @p1 [sflag:s0], $0x8  }
0x3de: {  	[sflag:s0] =	ssyncset.done @p1 $0x0  }
0x3df: {  	[sflag:s0] =	ssyncadd.s32 @p1 $0xFFFFFFF8  }
0x3e0: {  	v1 =	vld @p1 [tilespmem:$0x3638];
	_ =	sdelay $0x2  }
0x3e1: {  	s0 =	sshll.u32 @p1 s2, $0x6  }
0x3e2: {  	s5 =	sshll.u32 @!p1 s2, $0x6;
	s4 =	sshrl.u32 @p1 s0, $0x2  }
0x3e3: {  	s5 =	smov.u32 @p1 s0;
	[tilespmem:s4+$0x3678] =	vst.add.f32.msk @p1 $0xffff, v1  }
0x3e4: {  	s0 =	sshrl.u32 s5, $0x2;
	[tilespmem:s1+$0x3658] =	vst.msk $0x1, v0  }
0x3e5: {  	v0 =	vld [tilespmem:s0+$0x3678];
	_ =	sdelay $0x2  }
0x3e6: {  	s31 =	sshll.u32 s1, $0x6  }
0x3e7: {  	s0 =	sshra.s32 s31, $0x2  }
0x3e8: {  	s1 =	sadd.s32 $0x1, s1;
	[tilespmem:s0+$0x3678] =	vst v0  }
.LBB3_47:
0x3e9: {  	s2 =	sadd.s32 $0x1, s2  }
0x3ea: {  	p1 =	sne.s32 s2, $0x20  }
.Ltmp40:
0x3eb: {  	_ = 	snop;
	(pc) =	sbr.rel @!p1 .LBB3_48-.Ltmp40, $1  }
0x3ec: {  	_ =	sdelay $0x3  }
.LBB3_40:
0x3ed: {  	v0 =	vld.msk [tilespmem:s2+$0x3658], $0x1;
	_ =	sdelay $0x4  }
0x3ee: {  	(v2sf) =	vpush v0, $0x0;
	_ =	sdelay $0xe  }
0x3ef: {  	s4 =	spop (v2sf)  }
0x3f0: {  	p1 =	seq.s32 s4, $0xFFFFFFFF  }
.Ltmp41:
0x3f1: {  	_ = 	snop;
	(pc) =	sbr.rel @p1 .LBB3_47-.Ltmp41, $1  }
0x3f2: {  	_ =	sdelay $0x3  }
0x3f3: {  	p1 =	slt.s32 s1, $0x1  }
.Ltmp42:
0x3f4: {  	_ = 	snop;
	(pc) =	sbr.rel @p1 .LBB3_45-.Ltmp42, $1  }
0x3f5: {  	_ =	sdelay $0x3  }
0x3f6: {  	s5 =	simm.s32 $0x3658;
	p1 =	por $0x0, $0x0  }
0x3f7: {  	v1 =	vld.msk @!p1 [tilespmem:s5+$0x0], $0x1;
	_ =	sdelay $0x4  }
0x3f8: {  	(v2sf) =	vpush @!p1 v1, $0x0;
	_ =	sdelay $0xd  }
0x3f9: {  	p3 =	sne.s32 s1, $0x1  }
.Ltmp43:
0x3fa: {  	s0 =	spop @!p1 (v2sf);
	(pc) =	sbr.rel @!p3 .LBB3_44-.Ltmp43, $4  }
0x3fb: {  	p2 =	seq.s32 @!p1 s4, s0  }
0x3fc: {  	s6 =	simm.s32 $0x0;
	p2 =	por !p2, p1  }
0x3fd: {  	s0 =	simm.s32 $0xFFFFFFFF;
	s6 =	simm.s32 @p2 $0xFFFFFFFF  }
0x3fe: {  	s7 =	simm.s32 $0x1;
	s6 =	smov.u32 @p1 s0  }
.LBB3_43:
0x3ff: {  	s0 =	smov.u32 s6;
	p1 =	sne.s32 s6, $0xFFFFFFFF  }
0x400: {  	s5 =	sadd.s32 $0x1, s5;
	s6 =	smov.u32 s7;
	s7 =	sadd.s32 $0x1, s7  }
0x401: {  	p2 =	sne.s32 s1, s7;
	v1 =	vld.msk @!p1 [tilespmem:s5+$0x0], $0x1;
	_ =	sdelay $0x4  }
0x402: {  	(v2sf) =	vpush @!p1 v1, $0x0;
	_ =	sdelay $0xe  }
.Ltmp44:
0x403: {  	s8 =	spop @!p1 (v2sf);
	(pc) =	sbr.rel @p2 .LBB3_43-.Ltmp44, $4  }
0x404: {  	p3 =	seq.s32 @!p1 s4, s8  }
0x405: {  	p3 =	por !p3, p1  }
0x406: {  	s6 =	simm.s32 @p3 $0xFFFFFFFF  }
0x407: {  	s6 =	smov.u32 @p1 s0  }
.LBB3_44:
0x408: {  	p1 =	sne.s32 s6, $0xFFFFFFFF  }
.Ltmp45:
0x409: {  	_ = 	snop;
	(pc) =	sbr.rel @!p1 .LBB3_45-.Ltmp45, $1  }
0x40a: {  	_ =	sdelay $0x3  }
0x40b: {  	s0 =	sshll.u32 s2, $0x4  }
0x40c: {  	s0 =	sand.u32 $0x3FFFFFF0, s0  }
0x40d: {  	v0 =	vld [tilespmem:s0+$0x3678]  }
.Ltmp46:
0x40e: {  	_ = 	snop;
	(pc) =	sbr.rel .LBB3_47-.Ltmp46, $4  }
0x40f: {  	_ = 	snop  }
0x410: {  	s31 =	sshll.u32 s6, $0x6  }
0x411: {  	s0 =	sshra.s32 s31, $0x2  }
0x412: {  	[tilespmem:s0+$0x3678] =	vst.add.f32.msk $0xffff, v0  }
.LBB3_48:
0x413: {  	p1 =	slt.s32 s1, $0x1  }
.Ltmp47:
0x414: {  	_ = 	snop;
	(pc) =	sbr.rel @p1 .LBB3_52-.Ltmp47, $3  }
0x415: {  	_ =	sdelay $0x1  }
0x416: {  	s0 =	simm.s32 $0x8  }
0x417: {  	s2 =	simm.s32 $0x0;
	[sflag:s0] =	ssyncpa.u1 $0x1  }
0x418: {  	s0 =	simm.s32 $0x3658  }
0x419: {  	v0 =	vld.msk [tilespmem:s0+$0x0], $0x1;
	_ =	sdelay $0x4  }
0x41a: {  	(v2sf) =	vpush v0, $0x0;
	_ =	sdelay $0xe  }
0x41b: {  	s1 =	sadd.s32 $0xFFFFFFFF, s1;
	s0 =	spop (v2sf)  }
0x41c: {  	p2 =	sne.s32 s1, $0x0;
	p1 =	sgt.u32 s0, $0xC34FF  }
.Ltmp48:
0x41d: {  	s5 =	sand.u32 @!p1 $0xFFFF8, s0;
	(pc) =	sbr.rel @!p2 .LBB3_51-.Ltmp48, $4  }
0x41e: {  	s4 =	simm.s32 $0x3678;
	s0 =	sand.u32 @!p1 $0x7, s0;
	s5 =	sadd.s32 @!p1 s3, s5  }
0x41f: {  	[hbm4b:s5+s0] =	stream.linear.scatter @!p1 [tilespmem:s4], [sflag:$0x7], $0x8, $0x38;
	[tilespmem:$0x1F0F8] =	vst v63  }
0x420: {  	s0 =	simm.s32 $0x0  }
0x421: {  	s5 =	simm.s32 $0x3659;
	s0 =	simm.s32 @!p1 $0x20  }
.LBB3_50:
0x422: {  	v0 =	vld.msk [tilespmem:s5+$0x0], $0x1;
	s1 =	sadd.s32 $0xFFFFFFFF, s1;
	s2 =	sadd.s32 s2, s0  }
0x423: {  	p1 =	sne.s32 s1, $0x0;
	_ =	sdelay $0x3  }
0x424: {  	(v2sf) =	vpush v0, $0x0;
	_ =	sdelay $0xe  }
.Ltmp49:
0x425: {  	s6 =	spop (v2sf);
	(pc) =	sbr.rel @p1 .LBB3_50-.Ltmp49, $4  }
0x426: {  	s0 =	simm.s32 $0x0;
	p2 =	sgt.u32 s6, $0xC34FF  }
0x427: {  	s4 =	sadd.s32 $0x10, s4;
	s0 =	simm.s32 @!p2 $0x20;
	s7 =	sand.u32 @!p2 $0xFFFF8, s6  }
0x428: {  	s5 =	sadd.s32 $0x1, s5;
	s6 =	sand.u32 @!p2 $0x7, s6;
	s7 =	sadd.s32 @!p2 s3, s7  }
0x429: {  	[hbm4b:s7+s6] =	stream.linear.scatter @!p2 [tilespmem:s4], [sflag:$0x7], $0x8, $0x38;
	[tilespmem:$0x1F0F8] =	vst v63  }
.LBB3_51:
0x42a: {  	s0 =	sadd.s32 s2, s0  }
0x42b: {  	s2 =	sshrl.u32 s0, $0x2  }
.LBB3_52:
0x42c: {  	s0 =	simm.s32 $0x7  }
0x42d: {  	_ =	swait.ge [sflag:s0], s2  }
0x42e: {  	s1 =	ssub.s32 $0x0, s2;
	[sflag:s0] =	ssyncset.done $0x0  }
0x42f: {  	[sflag:s0] =	ssyncadd.s32 s1  }
0x430: {  	[sflag:s0] =	ssyncpa.u1 $0x1  }
.LBB3_53:
0x431: {  	_ =	sfence;
	s0 =	simm.s32 $0x1  }
0x432: {  	[sflag:s0] =	ssyncpa.u1 $0x1  }
0x433: {  	_ =	strace $0x9000004A  }
0x434: {  	[bflag:$0x2] =	sbarrier.arrive $0xFFFF  }
0x435: {  	s0 =	rddreg [dreg:$0x3]  }
0x436: {  	s0 =	sadd.s32 @!p0 $0x100000, s0  }
0x437: {  	[sflag:s0] =	ssyncadd.tile.s32 @!p0 $0x1;
	_ =	shalt  }
.Lfunc_end3:
_tile_overlayer_lowered:
.L_overlay_start_3:
0x438: {  	(tag) =	ssettag $0x3  }
0x439: {  	s0 =	rddreg [dreg:$0x0];
	s2 =	stileid.u32  }
0x43a: {  	s1 =	rddreg [dreg:$0x1];
	p0 =	sne.s32 s2, $0x0  }
0x43b: {  	s3 =	rddreg [dreg:$0x2];
	[bflag:$0x3] =	sbarrier.arrive $0xFFFF;
	s2 =	simm.s32 @!p0 $0x1C01  }
0x43c: {  	[timem:s3], [sflag:s2] =	dma.local @!p0 [hbm:s0], s1  }
0x43d: {  	s0 =	simm.s32 @!p0 $0x1  }
0x43e: {  	_ =	swait.ge @!p0 [sflag:s0], s1  }
0x43f: {  	s1 =	ssub.s32 @!p0 $0x0, s1;
	[sflag:s0] =	ssyncset.done @!p0 $0x0  }
0x440: {  	[sflag:s0] =	ssyncadd.s32 @!p0 s1  }
0x441: {  	[bflag:$0x3] =	sbarrier.arrive $0xFFFF  }
0x442: {  	_ =	shalt  }

// kernel: sparse-core-data-format-call.1.cloned.1.call-start
scs
called_computation.5_lowered:
.L_overlay_start_0:
0x0: {  	s2 =	sld [smem:$0x3FD9]  }
0x1: {  	s3 =	sld [smem:$0x3FFE];
	_ =	sdelay $0x1  }
0x2: {  	s1 =	srdreg.scid  }
0x3: {  	s0 =	sand.u32 $0x1, s1  }
0x4: {  	s18 =	sshll.u32 s0, $0xA;
	s2 =	sadd.s32 s3, s2  }
0x5: {  	s2 =	sadd.s32 s2, s18  }
0x6: {  	[smem:$0x3FBC] =	sst s2  }
0x7: {  	_ = 	snop  }
0x8: {  	(tm) =	ssettm $0x1  }
0x9: {  	s19 =	sld [smem:$0x3FFB];
	_ =	sdelay $0x3  }
0xa: {  	_ =	strace s19  }
0xb: {  	s2 =	sld [smem:$0x3FFC];
	_ =	sdelay $0x3  }
0xc: {  	_ =	strace s2  }
0xd: {  	s2 =	sld [smem:$0x3FFD];
	_ =	sdelay $0x3  }
0xe: {  	_ =	strace s2  }
0xf: {  	_ =	strace $0x8FFFFFFF  }
0x10: {  	s20 =	sld [smem:$0x3FDB];
	_ =	sdelay $0x1  }
0x11: {  	s21 =	simm.s32 $_scs_section_size  }
0x12: {  	s4 =	simm.s32 $_size__tile_overlayer_lowered;
	s5 =	simm.s32 $_tile_overlayer_lowered  }
0x13: {  	s6 =	simm.s32 $0x1BFF;
	s22 =	sshll.u32 s5, $0x1;
	s3 =	sadd.s32 s21, s20  }
0x14: {  	s23 =	simm.s32 $0x0;
	s4 =	sshll.u32 s4, $0x1;
	s5 =	sadd.s32 s22, s3  }
0x15: {  	[timem:s23], [sflag:s6] =	dma.local [hbm:s5], s4  }
0x16: {  	_ =	swait.ge [sflag:s6], s4  }
0x17: {  	s4 =	ssub.s32 $0x0, s4;
	[sflag:s6] =	ssyncset.done $0x0  }
0x18: {  	[sflag:s6] =	ssyncadd.s32 s4;
	_ =	sdelay $0x1  }
0x19: {  	s24 =	simm.s32 $0x1B8B  }
0x1a: {  	_ =	swait.ge [sflag:s24], $0x1  }
0x1b: {  	[sflag:s24] =	ssyncset.done $0x0  }
0x1c: {  	[sflag:s24] =	ssyncadd.s32 $0xFFFFFFFF  }
0x1d: {  	s4 =	sld [smem:$0x0]  }
0x1e: {  	s5 =	sand.u32 $0xFFFFFFFE, s1  }
0x1f: {  	p0 =	sne.s32 s1, s5  }
0x20: {  	s5 =	sshll.u32 @p0 s5, $0xE  }
0x21: {  	s5 =	sadd.s32 @p0 $0x11B8D, s5;
	s6 =	sshll.u32 @p0 s4, $0x11  }
0x22: {  	s5 =	sor.u32 @p0 s6, s5  }
0x23: {  	[sflag:s5] =	ssyncadd.remote.s32 @p0 $0x1;
	_ =	sdelay $0x1  }
0x24: {  	s5 =	simm.s32 @p0 $0x1B8D  }
0x25: {  	_ =	swait.eq @p0 [sflag:s5], $0x1  }
0x26: {  	[sflag:s5] =	ssyncadd.s32 @p0 $0xFFFFFFFF  }
0x27: {  	s6 =	sshll.u32 @!p0 s1, $0xE  }
0x28: {  	s6 =	sor.u32 @!p0 $0x4000, s6;
	s5 =	simm.s32 @!p0 $0x1B8D  }
0x29: {  	s4 =	sshll.u32 @!p0 s4, $0x11;
	s6 =	sadd.s32 @!p0 $0x11B8D, s6;
	_ =	swait.eq @!p0 [sflag:s5], $0x1  }
0x2a: {  	s4 =	sor.u32 @!p0 s4, s6;
	[sflag:s5] =	ssyncadd.s32 @!p0 $0xFFFFFFFF  }
0x2b: {  	s26 =	simm.s32 $0x1B8E;
	s25 =	sld [smem:$0x3FFE];
	[sflag:s4] =	ssyncadd.remote.s32 @!p0 $0x1  }
0x2c: {  	s27 =	simm.s32 $execute0_lowered;
	[smem:$0x3FD2] =	sst s26  }
0x2d: {  	s5 =	sshll.u32 s27, $0x1;
	_ =	strace $0x80000055;
	[dreg:$0x1] =	wrdreg $0xFFFFFFFF  }
0x2e: {  	s28 =	simm.s32 $_size_execute0_lowered;
	s3 =	sadd.s32 s3, s5;
	[dreg:$0x0] =	wrdreg $0x0  }
0x2f: {  	s5 =	sshll.u32 s28, $0x1;
	[dreg:$0x2] =	wrdreg s3  }
0x30: {  	[dreg:$0x3] =	wrdreg s5  }
0x31: {  	[dreg:$0x4] =	wrdreg $0xC0  }
0x32: {  	_ =	task [dreg:s23], $0x5FFFF  }
0x33: {  	[dreg:$0x1] =	wrdreg $0xFFFFFFFF  }
0x34: {  	[dreg:$0x0] =	wrdreg $0x60  }
0x35: {  	[dreg:$0x2] =	wrdreg s25  }
0x36: {  	[dreg:$0x3] =	wrdreg $0xC  }
0x37: {  	_ =	task.clear_ibuf [dreg:s23], $0x4FFFF;
	_ =	strace $0x90000055  }
0x38: {  	s29 =	simm.s32 $0xC;
	_ =	strace $0x80000057  }
0x39: {  	_ =	swait.ge [sflag:s29], $0x1  }
0x3a: {  	[sflag:s29] =	ssyncadd.s32 $0xFFFFFFFF  }
0x3b: {  	_ =	strace $0x90000057  }
0x3c: {  	_ =	sfence  }
0x3d: {  	s30 =	sld [smem:$0x0];
	_ =	sdelay $0x2  }
0x3e: {  	s31 =	sshll.u32 s1, $0xD;
	s1 =	sshrl.u32 s1, $0x2  }
0x3f: {  	s4 =	sand.u32 $0x4000, s31;
	s1 =	sadd.s32 s1, s30  }
0x40: {  	s0 =	sor.u32 s4, s0;
	s1 =	sshll.u32 s1, $0x11  }
0x41: {  	s0 =	sor.u32 s1, s0  }
0x42: {  	s0 =	sadd.s32 $0x8F2B, s0  }
0x43: {  	[sflag:s0] =	ssyncadd.remote.s32 $0x1  }
0x44: {  	_ =	sfence.sel $0xFFFF  }
0x45: {  	[dreg:$0x0] =	wrdreg $0xFFFFFFFF;
	(pc) =	sbr.abs _section_cstart, $3  }
0x46: {  	[dreg:$0x1] =	wrdreg $0xFFFFFFFF  }
0x47: {  	_ =	task.clear_ibuf [dreg:s23], $0x2FFFF;
	_ =	strace $0x9FFFFFFF  }
0x48: {  	(tm) =	ssettm $0x7FFFFFFF  }
0x49: {  	_ =	shalt  }
tec
execute0_lowered:
.L_overlay_start_1:
0x0: {  	(tag) =	ssettag $0x1  }
0x1: {  	s0 =	srdreg.scid  }
0x2: {  	s4 =	rddreg [dreg:$0x0];
	s1 =	stileid.u32  }
0x3: {  	s5 =	simm.s32 $0x1;
	s7 =	simm.s32 $0x2;
	s14 =	simm.s32 $0x0  }
0x4: {  	p0 =	por $0x0, $0x0;
	s13 =	simm.s32 $0x0;
	s0 =	sshll.u32 s0, $0x4  }
0x5: {  	s8 =	simm.s32 $0x0;
	s9 =	simm.s32 $0x0;
	s2 =	sand.u32 $0x10, s0  }
.Ltmp0:
0x6: {  	s11 =	simm.s32 $0x0;
	s3 =	sor.u32 s1, s2;
	(pc) =	sbr.rel .LBB1_1-.Ltmp0, $4  }
0x7: {  	s0 =	rddreg [dreg:$0x1];
	_ =	strace $0x80000056;
	s3 =	sshll.u32 s3, $0x7  }
0x8: {  	s12 =	simm.s32 $0x0;
	s2 =	sadd.s32 $0xC76E00, s4;
	s6 =	ssub.s32 $0x92780, s3  }
0x9: {  	s4 =	sadd.s32 $0x1FA9000, s4;
	[sflag:s5] =	ssyncpa.u1 $0x0;
	s6 =	sshrl.u32 s6, $0xC  }
0xa: {  	[sflag:s7] =	ssyncpa.u1 $0x0;
	s10 =	smov.u32 s3;
	s7 =	sadd.s32 $0x2, s6  }
.LBB1_5:
0xb: {  	p1 =	slt.u32 s12, $0x2  }
0xc: {  	p2 =	sgt.s32 @!p1 s14, $0x92740  }
0xd: {  	s15 =	smov.u32 s14;
	s16 =	sshra.s32 @!p1 s14, $0x1F;
	p2 =	por !p2, p1  }
0xe: {  	s14 =	sand.u32 @!p1 s16, s14;
	s15 =	simm.s32 @p2 $0x92740  }
0xf: {  	s14 =	ssub.s32 @!p1 s15, s14;
	s15 =	ssub.s32 @!p1 $0x0, s13  }
0x10: {  	s17 =	smov.u32 s11;
	s16 =	sadd.s32 @!p1 $0xFFF6D8C0, s14;
	s13 =	smin.u32 @!p1 s13, s15  }
0x11: {  	s14 =	ssub.s32 @!p1 $0x927C0, s14;
	p2 =	sgt.s32 @!p1 s16, $0x7F;
	p3 =	sgt.s32 @!p1 s13, $0x7F  }
0x12: {  	s13 =	ssub.s32 @!p1 $0x80, s13;
	p2 =	por !p2, p1;
	p3 =	por !p3, p1  }
0x13: {  	s15 =	sadd.s32 $0x1000, s10;
	s14 =	simm.s32 @!p2 $0x0;
	s13 =	simm.s32 @!p3 $0x0  }
0x14: {  	p2 =	sgt.s32 s15, $0x927BF;
	s13 =	smul.u32 @!p1 s13, s14;
	s14 =	sadd.s32 $0x80, s11  }
0x15: {  	s17 =	smov.u32 @p2 s14  }
0x16: {  	s15 =	smov.u32 @p2 s3;
	p2 =	sgt.s32 s17, $0x7F  }
0x17: {  	s17 =	simm.s32 @p2 $0x0;
	p2 =	sne.s32 s12, s7  }
.Ltmp1:
0x18: {  	p0 =	por !p0, !p0;
	s16 =	simm.s32 @!p1 $0x2;
	(pc) =	sbr.rel @!p2 .LBB1_6-.Ltmp1, $4  }
0x19: {  	s14 =	smov.u32 s8;
	s8 =	smov.u32 s10;
	s13 =	sand.u32 @!p1 $0x3FFFFFFF, s13  }
0x1a: {  	s10 =	smov.u32 s15;
	_ =	swait.ge @!p1 [sflag:s16], s13;
	s18 =	ssub.s32 @!p1 $0x0, s13  }
0x1b: {  	s13 =	smov.u32 s9;
	s12 =	sadd.s32 $0x1, s12;
	[sflag:s16] =	ssyncset.done @!p1 $0x0  }
0x1c: {  	s9 =	smov.u32 s11;
	s11 =	smov.u32 s17;
	[sflag:s16] =	ssyncadd.s32 @!p1 s18  }
.LBB1_1:
0x1d: {  	p1 =	sgt.u32 s12, s6  }
0x1e: {  	s15 =	sshrl.u32 @!p1 s11, $0x3  }
0x1f: {  	s16 =	sshll.u32 @!p1 s10, $0x3;
	s17 =	sshll.u32 @!p1 s11, $0x7;
	s15 =	smul.u32 @!p1 $0x494000, s15  }
0x20: {  	s18 =	sand.u32 @!p1 $0x7F, s10;
	s16 =	sand.u32 @!p1 $0xFFFFFC00, s16;
	s17 =	sand.u32 @!p1 $0x380, s17  }
0x21: {  	s15 =	sadd.s32 @!p1 s15, s16;
	s16 =	sor.u32 @!p1 s18, s17  }
0x22: {  	s16 =	sor.u32 @!p1 s15, s16  }
0x23: {  	s17 =	smulhi.u32 @!p1 $0xDFAC1F75, s16;
	_ =	sdelay $0x1  }
0x24: {  	s15 =	smulhi.u32 @!p1 $0xDFAC1F75, s15;
	s17 =	sshrl.u32 @!p1 s17, $0x13  }
0x25: {  	s17 =	smul.u32 @!p1 $0x92800, s17  }
0x26: {  	s18 =	sxor.u32 @!p1 $0xFFFFFFFF, s12;
	s15 =	sshrl.u32 @!p1 s15, $0x13  }
0x27: {  	s18 =	sshll.u32 @!p1 s18, $0xE;
	s15 =	sand.u32 @!p1 $0x7F, s15;
	s16 =	ssub.s32 @!p1 s16, s17  }
0x28: {  	s15 =	smul.u32 @!p1 $0x12500, s15;
	s17 =	sshrl.u32 @!p1 s16, $0x3;
	s16 =	sand.u32 @!p1 $0x7, s16  }
0x29: {  	s18 =	sand.u32 @!p1 $0x4000, s18;
	s17 =	sadd.s32 @!p1 s2, s17;
	s16 =	sshll.u32 @!p1 s16, $0x12  }
0x2a: {  	s15 =	sadd.s32 @!p1 s15, s17;
	s16 =	sor.u32 @!p1 $0x400, s16;
	s17 =	simm.s32 @!p1 $0x494000  }
0x2b: {  	[tilespmem:s18], [sflag:$0x1] =	stream.strided.gather @!p1 [hbm4b:s15+s16], $0x4000, s17, s16, $0x38;
	[tilespmem:$0x10100] =	vst v63  }
0x2c: {  	p1 =	seq.s32 s12, $0x0  }
0x2d: {  	p2 =	sge.u32 @!p1 s12, s7  }
0x2e: {  	p1 =	por p1, p2  }
.Ltmp2:
0x2f: {  	_ = 	snop;
	(pc) =	sbr.rel @p1 .LBB1_5-.Ltmp2, $1  }
0x30: {  	_ =	sdelay $0x3  }
0x31: {  	s15 =	simm.s32 $0x1  }
0x32: {  	_ =	swait.ge [sflag:s5], $0x4000;
	s15 =	simm.s32 @!p0 $0x0  }
0x33: {  	[sflag:s5] =	ssyncset.done $0x0;
	s16 =	sshll.u32 s15, $0xE  }
0x34: {  	[sflag:s5] =	ssyncadd.s32 $0xFFFFC000;
	s16 =	sor.u32 $0x40, s16  }
0x35: {  	s15 =	smul.u32 $0x10200, s15;
	v0 =	vld [tilespmem:s16+$0x30]  }
0x36: {  	v1 =	vld [tilespmem:s16+$0xFFFFFFD0]  }
0x37: {  	s15 =	sshrl.u32 s15, $0x2;
	v5 =	vld [tilespmem:s16+$0xFFFFFFE0]  }
0x38: {  	v6 =	vld [tilespmem:s16+$0xFFFFFFF0];
	s18 =	sor.u32 $0x8000, s15  }
0x39: {  	s31 =	sand.u32 $0x1, s12;
	v4 =	vld [tilespmem:s16+$0x0];
	s17 =	sadd.s32 $0x0, s18  }
0x3a: {  	v3 =	vld [tilespmem:s16+$0x10];
	s15 =	smul.u32 $0x10200, s31;
	[tilespmem:s17+$0x3870 ss:$0x81] =	vst.msk $0xffff, v0  }
0x3b: {  	v2 =	vld [tilespmem:s16+$0x20];
	[tilespmem:s17+$0x810 ss:$0x81] =	vst.msk $0xffff, v1  }
0x3c: {  	s15 =	sshrl.u32 s15, $0x2;
	v0 =	vld [tilespmem:s16+$0xFFFFFFC0];
	[tilespmem:s17+$0x1020 ss:$0x81] =	vst.msk $0xffff, v5;
	s16 =	sadd.s32 $0x80, s16  }
0x3d: {  	s19 =	simm.s32 $0x4;
	s20 =	simm.s32 $0x8;
	s15 =	sor.u32 $0x8000, s15;
	[tilespmem:s17+$0x1830 ss:$0x81] =	vst.msk $0xffff, v6;
	v1 =	vld [tilespmem:s16+$0x30]  }
.LBB1_3:
0x3e: {  	p1 =	sne.s32 s20, $0x1FC;
	v5 =	vld [tilespmem:s16+$0xFFFFFFD0];
	[tilespmem:s17+$0x2040 ss:$0x81] =	vst.msk $0xffff, v4  }
0x3f: {  	v6 =	vld [tilespmem:s16+$0xFFFFFFE0];
	[tilespmem:s17+$0x2850 ss:$0x81] =	vst.msk $0xffff, v3  }
0x40: {  	s21 =	sshra.s32 s19, $0x2;
	s19 =	smov.u32 s20;
	v7 =	vld [tilespmem:s16+$0xFFFFFFF0];
	[tilespmem:s17+$0x3060 ss:$0x81] =	vst.msk $0xffff, v2  }
.Ltmp3:
0x41: {  	v4 =	vld [tilespmem:s16+$0x0];
	[tilespmem:s17+$0x0 ss:$0x81] =	vst.msk $0xffff, v0;
	s17 =	sadd.s32 s21, s18;
	(pc) =	sbr.rel @p1 .LBB1_3-.Ltmp3, $4  }
0x42: {  	v3 =	vld [tilespmem:s16+$0x10];
	[tilespmem:s17+$0x3870 ss:$0x81] =	vst.msk $0xffff, v1  }
0x43: {  	[tilespmem:s17+$0x810 ss:$0x81] =	vst.msk $0xffff, v5;
	v2 =	vld [tilespmem:s16+$0x20]  }
0x44: {  	v0 =	vld [tilespmem:s16+$0xFFFFFFC0];
	[tilespmem:s17+$0x1020 ss:$0x81] =	vst.msk $0xffff, v6;
	s16 =	sadd.s32 $0x80, s16  }
0x45: {  	s20 =	sadd.s32 $0x4, s20;
	v1 =	vld [tilespmem:s16+$0x30];
	[tilespmem:s17+$0x1830 ss:$0x81] =	vst.msk $0xffff, v7  }
0x46: {  	s20 =	sshll.u32 s8, $0x7;
	s21 =	sshll.u32 s9, $0x3;
	s19 =	sshra.s32 s19, $0x2  }
0x47: {  	v5 =	vld [tilespmem:s16+$0xFFFFFFD0];
	[tilespmem:s17+$0x2040 ss:$0x81] =	vst.msk $0xffff, v4;
	p1 =	sgt.s32 s8, $0x92740;
	s22 =	sand.u32 $0xFFFFFC00, s20;
	s21 =	sand.u32 $0xFFFFFC00, s21  }
0x48: {  	v58 =	vld [tilespmem:s16+$0xFFFFFFE0];
	s24 =	sshra.s32 s8, $0x1F;
	s20 =	sand.u32 $0x380, s20;
	[tilespmem:s17+$0x2850 ss:$0x81] =	vst.msk $0xffff, v3;
	s21 =	sadd.s32 s21, s22  }
0x49: {  	v59 =	vld [tilespmem:s16+$0xFFFFFFF0];
	s26 =	ssub.s32 $0x0, s9;
	s18 =	sadd.s32 s19, s18;
	[tilespmem:s17+$0x3060 ss:$0x81] =	vst.msk $0xffff, v2;
	s23 =	sor.u32 s20, s21  }
0x4a: {  	v60 =	vld [tilespmem:s16+$0x0];
	s28 =	smin.u32 s9, s26;
	s20 =	smov.u32 s8;
	[tilespmem:s17+$0x0 ss:$0x81] =	vst.msk $0xffff, v0;
	s19 =	sshrl.u32 s23, $0x7  }
0x4b: {  	v61 =	vld [tilespmem:s16+$0x10];
	s21 =	sand.u32 s24, s8;
	s20 =	simm.s32 @!p1 $0x92740;
	[tilespmem:s18+$0x3870 ss:$0x81] =	vst.msk $0xffff, v1;
	s25 =	smulhi.u32 $0x37EC8ED, s19  }
0x4c: {  	v62 =	vld [tilespmem:s16+$0x20];
	s29 =	sshrl.u32 s9, $0x3;
	p2 =	sgt.s32 s28, $0x7F;
	s20 =	ssub.s32 s20, s21;
	[tilespmem:s18+$0x810 ss:$0x81] =	vst.msk $0xffff, v5  }
0x4d: {  	v63 =	vld [tilespmem:s16+$0xFFFFFFC0];
	[tilespmem:s18+$0x1020 ss:$0x81] =	vst.msk $0xffff, v58;
	s21 =	sadd.s32 $0xFFF6D8C0, s20;
	s20 =	ssub.s32 $0x927C0, s20;
	s17 =	sshrl.u32 s25, $0xD  }
0x4e: {  	[tilespmem:s18+$0x1830 ss:$0x81] =	vst.msk $0xffff, v59;
	p1 =	sgt.s32 s21, $0x7F;
	s27 =	smul.u32 $0x927C0, s17;
	s17 =	ssub.s32 $0x80, s28  }
.Ltmp4:
0x4f: {  	[tilespmem:s18+$0x2040 ss:$0x81] =	vst.msk $0xffff, v60;
	s20 =	simm.s32 @p1 $0x0;
	s17 =	simm.s32 @p2 $0x0;
	(pc) =	sbr.rel .LBB1_5-.Ltmp4, $4  }
0x50: {  	s30 =	sand.u32 $0xF, s29;
	[tilespmem:s18+$0x2850 ss:$0x81] =	vst.msk $0xffff, v61;
	s16 =	ssub.s32 s19, s27;
	s17 =	smul.u32 s17, s20  }
0x51: {  	[tilespmem:s18+$0x3060 ss:$0x81] =	vst.msk $0xffff, v62;
	s19 =	sadd.s32 s4, s30;
	s16 =	sshll.u32 s16, $0x4  }
0x52: {  	s31 =	sand.u32 $0x7, s9;
	[tilespmem:s18+$0x0 ss:$0x81] =	vst.msk $0xffff, v63;
	s17 =	sand.u32 $0x3FFFFFFF, s17;
	s16 =	sadd.s32 s16, s19  }
0x53: {  	[hbm4b:s16+s31] =	stream.linear.scatter [tilespmem:s15], [sflag:$0x2], s17, $0x20;
	[tilespmem:$0x10100] =	vst v63  }
.LBB1_6:
0x54: {  	_ =	sfence.sel $0x180000  }
0x55: {  	s2 =	simm.s32 $0x1;
	[bflag:$0x0] =	sbarrier.arrive $0xFFFF  }
0x56: {  	s31 =	simm.s32 $0x2;
	[sflag:s2] =	ssyncpa.u1 $0x1  }
0x57: {  	[sflag:s31] =	ssyncpa.u1 $0x1  }
0x58: {  	p0 =	sne.s32 s1, $0x0;
	_ =	strace $0x90000056  }
0x59: {  	s0 =	sadd.s32 @!p0 $0x100000, s0;
	[bflag:$0x2] =	sbarrier.arrive $0xFFFF  }
0x5a: {  	[sflag:s0] =	ssyncadd.tile.s32 @!p0 $0x1;
	_ =	shalt  }
.Lfunc_end1:
_tile_overlayer_lowered:
.L_overlay_start_2:
0x5b: {  	(tag) =	ssettag $0x2  }
0x5c: {  	s0 =	rddreg [dreg:$0x0];
	s2 =	stileid.u32  }
0x5d: {  	s1 =	rddreg [dreg:$0x1];
	p0 =	sne.s32 s2, $0x0  }
0x5e: {  	s3 =	rddreg [dreg:$0x2];
	[bflag:$0x3] =	sbarrier.arrive $0xFFFF;
	s2 =	simm.s32 @!p0 $0x1C01  }
0x5f: {  	[timem:s3], [sflag:s2] =	dma.local @!p0 [hbm:s0], s1  }
0x60: {  	s0 =	simm.s32 @!p0 $0x1  }
0x61: {  	_ =	swait.ge @!p0 [sflag:s0], s1  }
0x62: {  	s1 =	ssub.s32 @!p0 $0x0, s1;
	[sflag:s0] =	ssyncset.done @!p0 $0x0  }
0x63: {  	[sflag:s0] =	ssyncadd.s32 @!p0 s1  }
0x64: {  	[bflag:$0x3] =	sbarrier.arrive $0xFFFF  }
0x65: {  	_ =	shalt  }

// kernel: sparse-core-data-format-call.cloned.1.call-start
scs
called_computation.4_lowered:
.L_overlay_start_0:
0x0: {  	s2 =	sld [smem:$0x3FD9]  }
0x1: {  	s3 =	sld [smem:$0x3FFE];
	_ =	sdelay $0x1  }
0x2: {  	s1 =	srdreg.scid  }
0x3: {  	s0 =	sand.u32 $0x1, s1  }
0x4: {  	s18 =	sshll.u32 s0, $0xA;
	s2 =	sadd.s32 s3, s2  }
0x5: {  	s2 =	sadd.s32 s2, s18  }
0x6: {  	[smem:$0x3FBC] =	sst s2  }
0x7: {  	_ = 	snop  }
0x8: {  	(tm) =	ssettm $0x1  }
0x9: {  	s19 =	sld [smem:$0x3FFB];
	_ =	sdelay $0x3  }
0xa: {  	_ =	strace s19  }
0xb: {  	s2 =	sld [smem:$0x3FFC];
	_ =	sdelay $0x3  }
0xc: {  	_ =	strace s2  }
0xd: {  	s2 =	sld [smem:$0x3FFD];
	_ =	sdelay $0x3  }
0xe: {  	_ =	strace s2  }
0xf: {  	_ =	strace $0x8FFFFFFF  }
0x10: {  	s20 =	sld [smem:$0x3FDB];
	_ =	sdelay $0x1  }
0x11: {  	s21 =	simm.s32 $_scs_section_size  }
0x12: {  	s4 =	simm.s32 $_size__tile_overlayer_lowered;
	s5 =	simm.s32 $_tile_overlayer_lowered  }
0x13: {  	s6 =	simm.s32 $0x1BFF;
	s22 =	sshll.u32 s5, $0x1;
	s3 =	sadd.s32 s21, s20  }
0x14: {  	s23 =	simm.s32 $0x0;
	s4 =	sshll.u32 s4, $0x1;
	s5 =	sadd.s32 s22, s3  }
0x15: {  	[timem:s23], [sflag:s6] =	dma.local [hbm:s5], s4  }
0x16: {  	_ =	swait.ge [sflag:s6], s4  }
0x17: {  	s4 =	ssub.s32 $0x0, s4;
	[sflag:s6] =	ssyncset.done $0x0  }
0x18: {  	[sflag:s6] =	ssyncadd.s32 s4;
	_ =	sdelay $0x1  }
0x19: {  	s24 =	simm.s32 $0x1B8B  }
0x1a: {  	_ =	swait.ge [sflag:s24], $0x1  }
0x1b: {  	[sflag:s24] =	ssyncset.done $0x0  }
0x1c: {  	[sflag:s24] =	ssyncadd.s32 $0xFFFFFFFF  }
0x1d: {  	s4 =	sld [smem:$0x0]  }
0x1e: {  	s5 =	sand.u32 $0xFFFFFFFE, s1  }
0x1f: {  	p0 =	sne.s32 s1, s5  }
0x20: {  	s5 =	sshll.u32 @p0 s5, $0xE  }
0x21: {  	s5 =	sadd.s32 @p0 $0x11B8D, s5;
	s6 =	sshll.u32 @p0 s4, $0x11  }
0x22: {  	s5 =	sor.u32 @p0 s6, s5  }
0x23: {  	[sflag:s5] =	ssyncadd.remote.s32 @p0 $0x1;
	_ =	sdelay $0x1  }
0x24: {  	s5 =	simm.s32 @p0 $0x1B8D  }
0x25: {  	_ =	swait.eq @p0 [sflag:s5], $0x1  }
0x26: {  	[sflag:s5] =	ssyncadd.s32 @p0 $0xFFFFFFFF  }
0x27: {  	s6 =	sshll.u32 @!p0 s1, $0xE  }
0x28: {  	s6 =	sor.u32 @!p0 $0x4000, s6;
	s5 =	simm.s32 @!p0 $0x1B8D  }
0x29: {  	s4 =	sshll.u32 @!p0 s4, $0x11;
	s6 =	sadd.s32 @!p0 $0x11B8D, s6;
	_ =	swait.eq @!p0 [sflag:s5], $0x1  }
0x2a: {  	s4 =	sor.u32 @!p0 s4, s6;
	[sflag:s5] =	ssyncadd.s32 @!p0 $0xFFFFFFFF  }
0x2b: {  	s26 =	simm.s32 $0x1B8E;
	s25 =	sld [smem:$0x3FFE];
	[sflag:s4] =	ssyncadd.remote.s32 @!p0 $0x1  }
0x2c: {  	s27 =	simm.s32 $execute0_lowered;
	[smem:$0x3FD2] =	sst s26  }
0x2d: {  	s5 =	sshll.u32 s27, $0x1;
	_ =	strace $0x80000052;
	[dreg:$0x1] =	wrdreg $0xFFFFFFFF  }
0x2e: {  	s28 =	simm.s32 $_size_execute0_lowered;
	s3 =	sadd.s32 s3, s5;
	[dreg:$0x0] =	wrdreg $0x0  }
0x2f: {  	s5 =	sshll.u32 s28, $0x1;
	[dreg:$0x2] =	wrdreg s3  }
0x30: {  	[dreg:$0x3] =	wrdreg s5  }
0x31: {  	[dreg:$0x4] =	wrdreg $0xC0  }
0x32: {  	_ =	task [dreg:s23], $0x5FFFF  }
0x33: {  	[dreg:$0x1] =	wrdreg $0xFFFFFFFF  }
0x34: {  	[dreg:$0x0] =	wrdreg $0x60  }
0x35: {  	[dreg:$0x2] =	wrdreg s25  }
0x36: {  	[dreg:$0x3] =	wrdreg $0xB  }
0x37: {  	_ =	task.clear_ibuf [dreg:s23], $0x4FFFF;
	_ =	strace $0x90000052  }
0x38: {  	s29 =	simm.s32 $0xB;
	_ =	strace $0x80000054  }
0x39: {  	_ =	swait.ge [sflag:s29], $0x1  }
0x3a: {  	[sflag:s29] =	ssyncadd.s32 $0xFFFFFFFF  }
0x3b: {  	_ =	strace $0x90000054  }
0x3c: {  	_ =	sfence  }
0x3d: {  	s30 =	sld [smem:$0x0];
	_ =	sdelay $0x2  }
0x3e: {  	s31 =	sshll.u32 s1, $0xD;
	s1 =	sshrl.u32 s1, $0x2  }
0x3f: {  	s4 =	sand.u32 $0x4000, s31;
	s1 =	sadd.s32 s1, s30  }
0x40: {  	s0 =	sor.u32 s4, s0;
	s1 =	sshll.u32 s1, $0x11  }
0x41: {  	s0 =	sor.u32 s1, s0  }
0x42: {  	s0 =	sadd.s32 $0x8F2B, s0  }
0x43: {  	[sflag:s0] =	ssyncadd.remote.s32 $0x1  }
0x44: {  	_ =	sfence.sel $0xFFFF  }
0x45: {  	[dreg:$0x0] =	wrdreg $0xFFFFFFFF;
	(pc) =	sbr.abs _section_cstart, $3  }
0x46: {  	[dreg:$0x1] =	wrdreg $0xFFFFFFFF  }
0x47: {  	_ =	task.clear_ibuf [dreg:s23], $0x2FFFF;
	_ =	strace $0x9FFFFFFF  }
0x48: {  	(tm) =	ssettm $0x7FFFFFFF  }
0x49: {  	_ =	shalt  }
tec
execute0_lowered:
.L_overlay_start_1:
0x0: {  	(tag) =	ssettag $0x1  }
0x1: {  	s0 =	srdreg.scid  }
0x2: {  	s4 =	rddreg [dreg:$0x0];
	s1 =	stileid.u32  }
0x3: {  	s5 =	simm.s32 $0x1;
	s7 =	simm.s32 $0x2;
	s14 =	simm.s32 $0x0  }
0x4: {  	p0 =	por $0x0, $0x0;
	s13 =	simm.s32 $0x0;
	s0 =	sshll.u32 s0, $0x4  }
0x5: {  	s8 =	simm.s32 $0x0;
	s9 =	simm.s32 $0x0;
	s2 =	sand.u32 $0x10, s0  }
.Ltmp0:
0x6: {  	s11 =	simm.s32 $0x0;
	s3 =	sor.u32 s1, s2;
	(pc) =	sbr.rel .LBB1_1-.Ltmp0, $4  }
0x7: {  	s12 =	simm.s32 $0x0;
	s0 =	rddreg [dreg:$0x1];
	s3 =	sshll.u32 s3, $0x7  }
0x8: {  	_ =	strace $0x80000053;
	s2 =	sadd.s32 $0x1681000, s4;
	s6 =	ssub.s32 $0x92780, s3  }
0x9: {  	s4 =	sadd.s32 $0x34F200, s4;
	[sflag:s5] =	ssyncpa.u1 $0x0;
	s6 =	sshrl.u32 s6, $0xC  }
0xa: {  	[sflag:s7] =	ssyncpa.u1 $0x0;
	s10 =	smov.u32 s3;
	s7 =	sadd.s32 $0x2, s6  }
.LBB1_5:
0xb: {  	p1 =	slt.u32 s12, $0x2  }
0xc: {  	p2 =	sgt.s32 @!p1 s14, $0x92740  }
0xd: {  	s15 =	smov.u32 s14;
	s16 =	sshra.s32 @!p1 s14, $0x1F;
	p2 =	por !p2, p1  }
0xe: {  	s14 =	sand.u32 @!p1 s16, s14;
	s15 =	simm.s32 @p2 $0x92740  }
0xf: {  	s14 =	ssub.s32 @!p1 s15, s14;
	s15 =	ssub.s32 @!p1 $0x0, s13  }
0x10: {  	s17 =	smov.u32 s11;
	s16 =	sadd.s32 @!p1 $0xFFF6D8C0, s14;
	s13 =	smin.u32 @!p1 s13, s15  }
0x11: {  	s14 =	ssub.s32 @!p1 $0x927C0, s14;
	p2 =	sgt.s32 @!p1 s16, $0x7F;
	p3 =	sgt.s32 @!p1 s13, $0x7F  }
0x12: {  	s13 =	ssub.s32 @!p1 $0x80, s13;
	p2 =	por !p2, p1;
	p3 =	por !p3, p1  }
0x13: {  	s15 =	sadd.s32 $0x1000, s10;
	s14 =	simm.s32 @!p2 $0x0;
	s13 =	simm.s32 @!p3 $0x0  }
0x14: {  	p2 =	sgt.s32 s15, $0x927BF;
	s13 =	smul.u32 @!p1 s13, s14;
	s14 =	sadd.s32 $0x80, s11  }
0x15: {  	s17 =	smov.u32 @p2 s14  }
0x16: {  	s15 =	smov.u32 @p2 s3;
	p2 =	sgt.s32 s17, $0x7F  }
0x17: {  	s17 =	simm.s32 @p2 $0x0;
	p2 =	sne.s32 s12, s7  }
.Ltmp1:
0x18: {  	p0 =	por !p0, !p0;
	s16 =	simm.s32 @!p1 $0x2;
	(pc) =	sbr.rel @!p2 .LBB1_6-.Ltmp1, $4  }
0x19: {  	s14 =	smov.u32 s8;
	s8 =	smov.u32 s10;
	s13 =	sand.u32 @!p1 $0x3FFFFFFF, s13  }
0x1a: {  	s10 =	smov.u32 s15;
	_ =	swait.ge @!p1 [sflag:s16], s13;
	s18 =	ssub.s32 @!p1 $0x0, s13  }
0x1b: {  	s13 =	smov.u32 s9;
	s12 =	sadd.s32 $0x1, s12;
	[sflag:s16] =	ssyncset.done @!p1 $0x0  }
0x1c: {  	s9 =	smov.u32 s11;
	s11 =	smov.u32 s17;
	[sflag:s16] =	ssyncadd.s32 @!p1 s18  }
.LBB1_1:
0x1d: {  	p1 =	sgt.u32 s12, s6  }
0x1e: {  	s15 =	sshrl.u32 @!p1 s11, $0x3  }
0x1f: {  	s16 =	sshll.u32 @!p1 s10, $0x3;
	s17 =	sshll.u32 @!p1 s11, $0x7;
	s15 =	smul.u32 @!p1 $0x494000, s15  }
0x20: {  	s18 =	sand.u32 @!p1 $0x7F, s10;
	s16 =	sand.u32 @!p1 $0xFFFFFC00, s16;
	s17 =	sand.u32 @!p1 $0x380, s17  }
0x21: {  	s15 =	sadd.s32 @!p1 s15, s16;
	s16 =	sor.u32 @!p1 s18, s17  }
0x22: {  	s16 =	sor.u32 @!p1 s15, s16  }
0x23: {  	s17 =	smulhi.u32 @!p1 $0xDFAC1F75, s16;
	_ =	sdelay $0x1  }
0x24: {  	s15 =	smulhi.u32 @!p1 $0xDFAC1F75, s15;
	s17 =	sshrl.u32 @!p1 s17, $0x13  }
0x25: {  	s17 =	smul.u32 @!p1 $0x92800, s17  }
0x26: {  	s18 =	sxor.u32 @!p1 $0xFFFFFFFF, s12;
	s15 =	sshrl.u32 @!p1 s15, $0x13  }
0x27: {  	s18 =	sshll.u32 @!p1 s18, $0xE;
	s15 =	sand.u32 @!p1 $0x7F, s15;
	s16 =	ssub.s32 @!p1 s16, s17  }
0x28: {  	s15 =	smul.u32 @!p1 $0x12500, s15;
	s17 =	sshrl.u32 @!p1 s16, $0x3;
	s16 =	sand.u32 @!p1 $0x7, s16  }
0x29: {  	s18 =	sand.u32 @!p1 $0x4000, s18;
	s17 =	sadd.s32 @!p1 s2, s17;
	s16 =	sshll.u32 @!p1 s16, $0x12  }
0x2a: {  	s15 =	sadd.s32 @!p1 s15, s17;
	s16 =	sor.u32 @!p1 $0x400, s16;
	s17 =	simm.s32 @!p1 $0x494000  }
0x2b: {  	[tilespmem:s18], [sflag:$0x1] =	stream.strided.gather @!p1 [hbm4b:s15+s16], $0x4000, s17, s16, $0x38;
	[tilespmem:$0x10100] =	vst v63  }
0x2c: {  	p1 =	seq.s32 s12, $0x0  }
0x2d: {  	p2 =	sge.u32 @!p1 s12, s7  }
0x2e: {  	p1 =	por p1, p2  }
.Ltmp2:
0x2f: {  	_ = 	snop;
	(pc) =	sbr.rel @p1 .LBB1_5-.Ltmp2, $1  }
0x30: {  	_ =	sdelay $0x3  }
0x31: {  	s15 =	simm.s32 $0x1  }
0x32: {  	_ =	swait.ge [sflag:s5], $0x4000;
	s15 =	simm.s32 @!p0 $0x0  }
0x33: {  	[sflag:s5] =	ssyncset.done $0x0;
	s16 =	sshll.u32 s15, $0xE  }
0x34: {  	[sflag:s5] =	ssyncadd.s32 $0xFFFFC000;
	s16 =	sor.u32 $0x40, s16  }
0x35: {  	s15 =	smul.u32 $0x10200, s15;
	v0 =	vld [tilespmem:s16+$0x30]  }
0x36: {  	v1 =	vld [tilespmem:s16+$0xFFFFFFD0]  }
0x37: {  	s15 =	sshrl.u32 s15, $0x2;
	v5 =	vld [tilespmem:s16+$0xFFFFFFE0]  }
0x38: {  	v6 =	vld [tilespmem:s16+$0xFFFFFFF0];
	s18 =	sor.u32 $0x8000, s15  }
0x39: {  	s31 =	sand.u32 $0x1, s12;
	v4 =	vld [tilespmem:s16+$0x0];
	s17 =	sadd.s32 $0x0, s18  }
0x3a: {  	v3 =	vld [tilespmem:s16+$0x10];
	s15 =	smul.u32 $0x10200, s31;
	[tilespmem:s17+$0x3870 ss:$0x81] =	vst.msk $0xffff, v0  }
0x3b: {  	v2 =	vld [tilespmem:s16+$0x20];
	[tilespmem:s17+$0x810 ss:$0x81] =	vst.msk $0xffff, v1  }
0x3c: {  	s15 =	sshrl.u32 s15, $0x2;
	v0 =	vld [tilespmem:s16+$0xFFFFFFC0];
	[tilespmem:s17+$0x1020 ss:$0x81] =	vst.msk $0xffff, v5;
	s16 =	sadd.s32 $0x80, s16  }
0x3d: {  	s19 =	simm.s32 $0x4;
	s20 =	simm.s32 $0x8;
	s15 =	sor.u32 $0x8000, s15;
	[tilespmem:s17+$0x1830 ss:$0x81] =	vst.msk $0xffff, v6;
	v1 =	vld [tilespmem:s16+$0x30]  }
.LBB1_3:
0x3e: {  	p1 =	sne.s32 s20, $0x1FC;
	v5 =	vld [tilespmem:s16+$0xFFFFFFD0];
	[tilespmem:s17+$0x2040 ss:$0x81] =	vst.msk $0xffff, v4  }
0x3f: {  	v6 =	vld [tilespmem:s16+$0xFFFFFFE0];
	[tilespmem:s17+$0x2850 ss:$0x81] =	vst.msk $0xffff, v3  }
0x40: {  	s21 =	sshra.s32 s19, $0x2;
	s19 =	smov.u32 s20;
	v7 =	vld [tilespmem:s16+$0xFFFFFFF0];
	[tilespmem:s17+$0x3060 ss:$0x81] =	vst.msk $0xffff, v2  }
.Ltmp3:
0x41: {  	v4 =	vld [tilespmem:s16+$0x0];
	[tilespmem:s17+$0x0 ss:$0x81] =	vst.msk $0xffff, v0;
	s17 =	sadd.s32 s21, s18;
	(pc) =	sbr.rel @p1 .LBB1_3-.Ltmp3, $4  }
0x42: {  	v3 =	vld [tilespmem:s16+$0x10];
	[tilespmem:s17+$0x3870 ss:$0x81] =	vst.msk $0xffff, v1  }
0x43: {  	[tilespmem:s17+$0x810 ss:$0x81] =	vst.msk $0xffff, v5;
	v2 =	vld [tilespmem:s16+$0x20]  }
0x44: {  	v0 =	vld [tilespmem:s16+$0xFFFFFFC0];
	[tilespmem:s17+$0x1020 ss:$0x81] =	vst.msk $0xffff, v6;
	s16 =	sadd.s32 $0x80, s16  }
0x45: {  	s20 =	sadd.s32 $0x4, s20;
	v1 =	vld [tilespmem:s16+$0x30];
	[tilespmem:s17+$0x1830 ss:$0x81] =	vst.msk $0xffff, v7  }
0x46: {  	s20 =	sshll.u32 s8, $0x7;
	s21 =	sshll.u32 s9, $0x3;
	s19 =	sshra.s32 s19, $0x2  }
0x47: {  	v5 =	vld [tilespmem:s16+$0xFFFFFFD0];
	[tilespmem:s17+$0x2040 ss:$0x81] =	vst.msk $0xffff, v4;
	p1 =	sgt.s32 s8, $0x92740;
	s22 =	sand.u32 $0xFFFFFC00, s20;
	s21 =	sand.u32 $0xFFFFFC00, s21  }
0x48: {  	v58 =	vld [tilespmem:s16+$0xFFFFFFE0];
	s24 =	sshra.s32 s8, $0x1F;
	s20 =	sand.u32 $0x380, s20;
	[tilespmem:s17+$0x2850 ss:$0x81] =	vst.msk $0xffff, v3;
	s21 =	sadd.s32 s21, s22  }
0x49: {  	v59 =	vld [tilespmem:s16+$0xFFFFFFF0];
	s26 =	ssub.s32 $0x0, s9;
	s18 =	sadd.s32 s19, s18;
	[tilespmem:s17+$0x3060 ss:$0x81] =	vst.msk $0xffff, v2;
	s23 =	sor.u32 s20, s21  }
0x4a: {  	v60 =	vld [tilespmem:s16+$0x0];
	s28 =	smin.u32 s9, s26;
	s20 =	smov.u32 s8;
	[tilespmem:s17+$0x0 ss:$0x81] =	vst.msk $0xffff, v0;
	s19 =	sshrl.u32 s23, $0x7  }
0x4b: {  	v61 =	vld [tilespmem:s16+$0x10];
	s21 =	sand.u32 s24, s8;
	s20 =	simm.s32 @!p1 $0x92740;
	[tilespmem:s18+$0x3870 ss:$0x81] =	vst.msk $0xffff, v1;
	s25 =	smulhi.u32 $0x37EC8ED, s19  }
0x4c: {  	v62 =	vld [tilespmem:s16+$0x20];
	s29 =	sshrl.u32 s9, $0x3;
	p2 =	sgt.s32 s28, $0x7F;
	s20 =	ssub.s32 s20, s21;
	[tilespmem:s18+$0x810 ss:$0x81] =	vst.msk $0xffff, v5  }
0x4d: {  	v63 =	vld [tilespmem:s16+$0xFFFFFFC0];
	[tilespmem:s18+$0x1020 ss:$0x81] =	vst.msk $0xffff, v58;
	s21 =	sadd.s32 $0xFFF6D8C0, s20;
	s20 =	ssub.s32 $0x927C0, s20;
	s17 =	sshrl.u32 s25, $0xD  }
0x4e: {  	[tilespmem:s18+$0x1830 ss:$0x81] =	vst.msk $0xffff, v59;
	p1 =	sgt.s32 s21, $0x7F;
	s27 =	smul.u32 $0x927C0, s17;
	s17 =	ssub.s32 $0x80, s28  }
.Ltmp4:
0x4f: {  	[tilespmem:s18+$0x2040 ss:$0x81] =	vst.msk $0xffff, v60;
	s20 =	simm.s32 @p1 $0x0;
	s17 =	simm.s32 @p2 $0x0;
	(pc) =	sbr.rel .LBB1_5-.Ltmp4, $4  }
0x50: {  	s30 =	sand.u32 $0xF, s29;
	[tilespmem:s18+$0x2850 ss:$0x81] =	vst.msk $0xffff, v61;
	s16 =	ssub.s32 s19, s27;
	s17 =	smul.u32 s17, s20  }
0x51: {  	[tilespmem:s18+$0x3060 ss:$0x81] =	vst.msk $0xffff, v62;
	s19 =	sadd.s32 s4, s30;
	s16 =	sshll.u32 s16, $0x4  }
0x52: {  	s31 =	sand.u32 $0x7, s9;
	[tilespmem:s18+$0x0 ss:$0x81] =	vst.msk $0xffff, v63;
	s17 =	sand.u32 $0x3FFFFFFF, s17;
	s16 =	sadd.s32 s16, s19  }
0x53: {  	[hbm4b:s16+s31] =	stream.linear.scatter [tilespmem:s15], [sflag:$0x2], s17, $0x20;
	[tilespmem:$0x10100] =	vst v63  }
.LBB1_6:
0x54: {  	_ =	sfence.sel $0x180000  }
0x55: {  	s2 =	simm.s32 $0x1;
	[bflag:$0x0] =	sbarrier.arrive $0xFFFF  }
0x56: {  	s31 =	simm.s32 $0x2;
	[sflag:s2] =	ssyncpa.u1 $0x1  }
0x57: {  	[sflag:s31] =	ssyncpa.u1 $0x1  }
0x58: {  	p0 =	sne.s32 s1, $0x0;
	_ =	strace $0x90000053  }
0x59: {  	s0 =	sadd.s32 @!p0 $0x100000, s0;
	[bflag:$0x2] =	sbarrier.arrive $0xFFFF  }
0x5a: {  	[sflag:s0] =	ssyncadd.tile.s32 @!p0 $0x1;
	_ =	shalt  }
.Lfunc_end1:
_tile_overlayer_lowered:
.L_overlay_start_2:
0x5b: {  	(tag) =	ssettag $0x2  }
0x5c: {  	s0 =	rddreg [dreg:$0x0];
	s2 =	stileid.u32  }
0x5d: {  	s1 =	rddreg [dreg:$0x1];
	p0 =	sne.s32 s2, $0x0  }
0x5e: {  	s3 =	rddreg [dreg:$0x2];
	[bflag:$0x3] =	sbarrier.arrive $0xFFFF;
	s2 =	simm.s32 @!p0 $0x1C01  }
0x5f: {  	[timem:s3], [sflag:s2] =	dma.local @!p0 [hbm:s0], s1  }
0x60: {  	s0 =	simm.s32 @!p0 $0x1  }
0x61: {  	_ =	swait.ge @!p0 [sflag:s0], s1  }
0x62: {  	s1 =	ssub.s32 @!p0 $0x0, s1;
	[sflag:s0] =	ssyncset.done @!p0 $0x0  }
0x63: {  	[sflag:s0] =	ssyncadd.s32 @!p0 s1  }
0x64: {  	[bflag:$0x3] =	sbarrier.arrive $0xFFFF  }
0x65: {  	_ =	shalt  }

</sc_bundles>
